<compile_context>
chip_gen: v7x
topology: tpu7x:2x2x1
jax: 0.10.2.dev20260603
libtpu: 0.0.44.dev20260713+nightly
codegen_flags: <defaults>
</compile_context>

<pallas_src>
import functools

import jax
import jax.numpy as jnp
from jax import lax
from jax.experimental import pallas as pl
from jax.experimental.pallas import tpu as pltpu
from jax.experimental.pallas import tpu_sc as plsc

N = 10000
E = 160000
D_IN = 128
D_OUT = 128
BIG = 256
H = 16
K = 6

F32 = jnp.float32


_BN_PRE = 1000


def _pre_enc_body(x_ref, w0t_ref, b0_ref, a_ref, b_ref):
    xb = x_ref[...]
    wa = w0t_ref[:D_IN, :] - w0t_ref[D_IN:, :]
    a_ref[...] = jnp.dot(xb, wa, preferred_element_type=F32) + b0_ref[...]
    b_ref[...] = jnp.dot(xb, w0t_ref[D_IN:, :], preferred_element_type=F32)


def _pre_enc(x, w0t, b0r):
    return pl.pallas_call(
        _pre_enc_body,
        grid=(N // _BN_PRE,),
        in_specs=[
            pl.BlockSpec((_BN_PRE, D_IN), lambda i: (i, 0)),
            pl.BlockSpec((2 * D_IN, BIG), lambda i: (0, 0)),
            pl.BlockSpec((1, BIG), lambda i: (0, 0)),
        ],
        out_specs=[
            pl.BlockSpec((_BN_PRE, BIG), lambda i: (i, 0)),
            pl.BlockSpec((_BN_PRE, BIG), lambda i: (i, 0)),
        ],
        out_shape=[
            jax.ShapeDtypeStruct((N, BIG), F32),
            jax.ShapeDtypeStruct((N, BIG), F32),
        ],
    )(x, w0t, b0r)


_BE_MM = 640


def _mm_relu_body(t_ref, wt_ref, b_ref, u_ref):
    acc = jnp.dot(t_ref[...], wt_ref[...], preferred_element_type=F32)
    u_ref[...] = jnp.maximum(acc + b_ref[...], 0.0)


def _mm_relu(t, wt, br):
    return pl.pallas_call(
        _mm_relu_body,
        grid=(E // _BE_MM,),
        in_specs=[
            pl.BlockSpec((_BE_MM, BIG), lambda i: (i, 0)),
            pl.BlockSpec((BIG, BIG), lambda i: (0, 0)),
            pl.BlockSpec((1, BIG), lambda i: (0, 0)),
        ],
        out_specs=pl.BlockSpec((_BE_MM, BIG), lambda i: (i, 0)),
        out_shape=jax.ShapeDtypeStruct((E, BIG), F32),
    )(t, wt, br)


_BN_POST = 400


def _post_enc_body(seg_ref, cnt_ref, cnt2_ref, eps_ref, adwt_ref, adb_ref, d1wt_ref, d1b_ref,
                   d2wt_ref, d2b_ref, abwt_ref, abb_ref, muwt_ref, mub_ref,
                   vwt_ref, vb_ref, d0t_ref, d0b_ref,
                   mu_ref, lv_ref, z0_ref, z_ref, ld_ref, a2_ref, b2_ref):
    cnt = cnt_ref[:, 0:1] + cnt2_ref[:, 0:1]
    inv = 1.0 / jnp.maximum(cnt, 1.0)
    h = seg_ref[...] * inv

    mu = jnp.dot(h, muwt_ref[...], preferred_element_type=F32) + mub_ref[...]
    lv = jnp.dot(h, vwt_ref[...], preferred_element_type=F32) + vb_ref[...]
    std = jnp.exp(0.5 * lv)
    z0 = mu + eps_ref[...] * std

    colc = lax.broadcasted_iota(jnp.int32, (H, BIG), 1)
    rowc = lax.broadcasted_iota(jnp.int32, (H, BIG), 0)
    Ri = (colc // H == rowc).astype(F32)
    Rj = (colc % H == rowc).astype(F32)
    coltc = lax.broadcasted_iota(jnp.int32, (BIG, H), 0)
    rowtc = lax.broadcasted_iota(jnp.int32, (BIG, H), 1)
    RiT = (coltc // H == rowtc).astype(F32)
    RjT = (coltc % H == rowtc).astype(F32)
    m1 = lax.broadcasted_iota(jnp.int32, (1, BIG), 1)
    Migtj = ((m1 // H) > (m1 % H)).astype(F32)
    Mjgti = ((m1 % H) > (m1 // H)).astype(F32)
    r16 = lax.broadcasted_iota(jnp.int32, (H, H), 0)
    c16 = lax.broadcasted_iota(jnp.int32, (H, H), 1)
    Pf = (r16 + c16 == H - 1).astype(F32)

    z = z0
    ld = jnp.zeros((_BN_POST, 1), F32)
    for k in range(K):
        F = jnp.dot(h, adwt_ref[k], preferred_element_type=F32) + adb_ref[k]
        d1 = jnp.tanh(jnp.dot(h, d1wt_ref[k], preferred_element_type=F32)
                      + d1b_ref[k])
        d2 = jnp.tanh(jnp.dot(h, d2wt_ref[k], preferred_element_type=F32)
                      + d2b_ref[k])
        bk = jnp.dot(h, abwt_ref[k], preferred_element_type=F32) + abb_ref[k]
        zp = jnp.dot(z, Pf, preferred_element_type=F32) if (k % 2 == 1) else z
        zrep = jnp.dot(zp, Ri, preferred_element_type=F32)
        r2qzb = (jnp.dot(F * Migtj * zrep, RjT, preferred_element_type=F32)
                 + zp * d2 + bk)
        th = jnp.tanh(r2qzb)
        trep = jnp.dot(th, Rj, preferred_element_type=F32)
        zmid = (jnp.dot(F * Mjgti * trep, RiT, preferred_element_type=F32)
                + th * d1)
        if k % 2 == 1:
            zmid = jnp.dot(zmid, Pf, preferred_element_type=F32)
        z = zmid + z
        dj = (1.0 - th * th) * d1 * d2 + 1.0
        ld = ld + jnp.sum(jnp.log(jnp.abs(dj)), axis=1, keepdims=True)

    d0t = d0t_ref[...]
    va = d0t[:H, :] - d0t[H:, :]
    a2 = jnp.dot(z, va, preferred_element_type=F32) + d0b_ref[...]
    b2 = jnp.dot(z, d0t[H:, :], preferred_element_type=F32)

    mu_ref[...] = mu
    lv_ref[...] = lv
    z0_ref[...] = z0
    z_ref[...] = z
    ld_ref[...] = ld * jnp.ones((1, 128), F32)
    a2_ref[...] = a2
    b2_ref[...] = b2


def _post_enc(seg, cnt, cnt2, eps, adwt, adb, d1wt, d1b, d2wt, d2b, abwt, abb,
              muwt, mub, vwt, vb, d0t, d0b):
    g = N // _BN_POST
    row = lambda w: pl.BlockSpec((_BN_POST, w), lambda i: (i, 0))
    full2 = lambda a, b: pl.BlockSpec((a, b), lambda i: (0, 0))
    full3 = lambda a, b, c: pl.BlockSpec((a, b, c), lambda i: (0, 0, 0))
    return pl.pallas_call(
        _post_enc_body,
        grid=(g,),
        in_specs=[
            row(BIG), row(128), row(128), row(H),
            full3(K, BIG, BIG), full3(K, 1, BIG),
            full3(K, BIG, H), full3(K, 1, H),
            full3(K, BIG, H), full3(K, 1, H),
            full3(K, BIG, H), full3(K, 1, H),
            full2(BIG, H), full2(1, H),
            full2(BIG, H), full2(1, H),
            full2(2 * H, BIG), full2(1, BIG),
        ],
        out_specs=[
            row(H), row(H), row(H), row(H), row(128), row(BIG), row(BIG),
        ],
        out_shape=[
            jax.ShapeDtypeStruct((N, H), F32),
            jax.ShapeDtypeStruct((N, H), F32),
            jax.ShapeDtypeStruct((N, H), F32),
            jax.ShapeDtypeStruct((N, H), F32),
            jax.ShapeDtypeStruct((N, 128), F32),
            jax.ShapeDtypeStruct((N, BIG), F32),
            jax.ShapeDtypeStruct((N, BIG), F32),
        ],
    )(seg, cnt, cnt2, eps, adwt, adb, d1wt, d1b, d2wt, d2b, abwt, abb,
      muwt, mub, vwt, vb, d0t, d0b)


def _dec_out_body(seg_ref, cnt_ref, cnt2_ref, wt_ref, b_ref, o_ref):
    cnt = cnt_ref[:, 0:1] + cnt2_ref[:, 0:1]
    inv = 1.0 / jnp.maximum(cnt, 1.0)
    gate = (cnt > 0.0).astype(F32)
    o_ref[...] = (jnp.dot(seg_ref[...] * inv, wt_ref[...],
                          preferred_element_type=F32)
                  + b_ref[...] * gate)


def _dec_out(seg, cnt, cnt2, wt, br):
    return pl.pallas_call(
        _dec_out_body,
        grid=(N // _BN_PRE,),
        in_specs=[
            pl.BlockSpec((_BN_PRE, BIG), lambda i: (i, 0)),
            pl.BlockSpec((_BN_PRE, 128), lambda i: (i, 0)),
            pl.BlockSpec((_BN_PRE, 128), lambda i: (i, 0)),
            pl.BlockSpec((BIG, D_OUT), lambda i: (0, 0)),
            pl.BlockSpec((1, D_OUT), lambda i: (0, 0)),
        ],
        out_specs=pl.BlockSpec((_BN_PRE, D_OUT), lambda i: (i, 0)),
        out_shape=jax.ShapeDtypeStruct((N, D_OUT), F32),
    )(seg, cnt, cnt2, wt, br)



_NWORK = 32
_EPW = E // _NWORK
_GCH = 128
_GFULL = _EPW // _GCH
_GTAIL = _EPW - _GFULL * _GCH


def _mesh():
    return plsc.VectorSubcoreMesh(core_axis_name="c", subcore_axis_name="s")


def _gather_body(a_hbm, b_hbm, dst_hbm, src_hbm, t_hbm, dvec, svec,
                 bufa, bufb):
    wid = lax.axis_index("s") * 2 + lax.axis_index("c")
    base = wid * _EPW
    pltpu.sync_copy(dst_hbm.at[pl.ds(base, _EPW)], dvec)
    pltpu.sync_copy(src_hbm.at[pl.ds(base, _EPW)], svec)

    def do_chunk(off, nrows):
        pltpu.sync_copy(a_hbm.at[dvec.at[pl.ds(off, nrows)]],
                        bufa.at[pl.ds(0, nrows)])
        pltpu.sync_copy(b_hbm.at[svec.at[pl.ds(off, nrows)]],
                        bufb.at[pl.ds(0, nrows)])

        def row_body(r, carry):
            for l in range(BIG // 16):
                sl = pl.ds(l * 16, 16)
                va = bufa[r, sl]
                vb = bufb[r, sl]
                bufa[r, sl] = jnp.maximum(va + vb, 0.0)
            return carry

        lax.fori_loop(0, nrows, row_body, 0)
        pltpu.sync_copy(bufa.at[pl.ds(0, nrows)],
                        t_hbm.at[pl.ds(base + off, nrows)])

    def chunk_body(it, carry):
        do_chunk(it * _GCH, _GCH)
        return carry

    lax.fori_loop(0, _GFULL, chunk_body, 0)
    do_chunk(_GFULL * _GCH, _GTAIL)


def _gather_add_relu(a, b, dst, src):
    fn = functools.partial(
        pl.kernel,
        mesh=_mesh(),
        out_type=jax.ShapeDtypeStruct((E, BIG), F32),
        scratch_types=[
            pltpu.VMEM((_EPW,), jnp.int32),
            pltpu.VMEM((_EPW,), jnp.int32),
            pltpu.VMEM((_GCH, BIG), F32),
            pltpu.VMEM((_GCH, BIG), F32),
        ],
    )(_gather_body)
    return fn(a, b, dst, src)


_SROW = 80
_DROWS = E // _SROW
_ICH = 128
_NS0 = 624
_CW = 128


def _scatter_body(u_hbm, dst2_hbm, seg_hbm, acc, idxb, ubuf, zbuf):
    cid = lax.axis_index("c")
    sid = lax.axis_index("s")
    c0 = cid * _CW

    def zrow(r, carry):
        for l in range(_CW // 16):
            zbuf[r, pl.ds(l * 16, 16)] = jnp.zeros((16,), F32)
        return carry

    lax.fori_loop(0, 8, zrow, 0)

    nbase = sid * _NS0
    nrows_acc = jnp.where(sid == 15, N - 15 * _NS0, _NS0)

    def zcp(q, carry):
        pltpu.sync_copy(zbuf, acc.at[pl.ds(nbase + q * 8, 8)])
        return carry

    lax.fori_loop(0, nrows_acc // 8, zcp, 0)
    plsc.subcore_barrier()

    row0 = sid * _ICH
    nrows = jnp.where(sid == 15, _DROWS - 15 * _ICH, _ICH)

    @pl.when(sid < 15)
    def _():
        pltpu.sync_copy(dst2_hbm.at[pl.ds(row0, _ICH)], idxb)

    @pl.when(sid == 15)
    def _():
        tl = _DROWS - 15 * _ICH
        pltpu.sync_copy(dst2_hbm.at[pl.ds(15 * _ICH, tl)],
                        idxb.at[pl.ds(0, tl)])

    def acc_body(j, carry):
        erow = (row0 + j) * _SROW
        pltpu.sync_copy(u_hbm.at[pl.ds(erow, _SROW), pl.ds(c0, _CW)], ubuf)
        pltpu.sync_copy(ubuf, acc.at[idxb.at[j]], add=True)
        return carry

    lax.fori_loop(0, nrows, acc_body, 0)
    plsc.subcore_barrier()

    def wcp(q, carry):
        pltpu.sync_copy(acc.at[pl.ds(nbase + q * 8, 8)],
                        seg_hbm.at[pl.ds(nbase + q * 8, 8), pl.ds(c0, _CW)])
        return carry

    lax.fori_loop(0, nrows_acc // 8, wcp, 0)


def _scatter(u, dst2d):
    fn = functools.partial(
        pl.kernel,
        mesh=_mesh(),
        out_type=jax.ShapeDtypeStruct((N, BIG), F32),
        scratch_types=[
            pltpu.VMEM_SHARED((N, _CW), F32),
            pltpu.VMEM((_ICH, _SROW), jnp.int32),
            pltpu.VMEM((_SROW, _CW), F32),
            pltpu.VMEM((8, _CW), F32),
        ],
    )(_scatter_body)
    return fn(u, dst2d)


_CNT_ROWS0 = 64


def _cnt_body(dst2_hbm, out_hbm, acc_cnt, idxb, onesb, zbuf16):
    cid = lax.axis_index("c")
    sid = lax.axis_index("s")
    wid = sid * 2 + cid

    def zrow(r, carry):
        for l in range(_CW // 16):
            zbuf16[r, pl.ds(l * 16, 16)] = jnp.zeros((16,), F32)
        return carry

    lax.fori_loop(0, 8, zrow, 0)

    def onesrow(r, carry):
        for l in range(_CW // 16):
            onesb[r, pl.ds(l * 16, 16)] = jnp.ones((16,), F32)
        return carry

    lax.fori_loop(0, _SROW, onesrow, 0)

    zbase = sid * 632
    zn = jnp.where(sid == 15, N - 15 * 632, 632)

    def zcp(q, carry):
        pltpu.sync_copy(zbuf16, acc_cnt.at[pl.ds(zbase + q * 8, 8)])
        return carry

    lax.fori_loop(0, zn // 8, zcp, 0)
    plsc.subcore_barrier()

    wbase = wid * _CNT_ROWS0
    wn = jnp.where(wid == 31, _DROWS - 31 * _CNT_ROWS0, _CNT_ROWS0)

    @pl.when(wid < 31)
    def _():
        pltpu.sync_copy(dst2_hbm.at[pl.ds(wbase, _CNT_ROWS0)], idxb)

    @pl.when(wid == 31)
    def _():
        tl = _DROWS - 31 * _CNT_ROWS0
        pltpu.sync_copy(dst2_hbm.at[pl.ds(31 * _CNT_ROWS0, tl)],
                        idxb.at[pl.ds(0, tl)])

    def acc_body(j, carry):
        pltpu.sync_copy(onesb, acc_cnt.at[idxb.at[j]], add=True)
        return carry

    lax.fori_loop(0, wn, acc_body, 0)
    plsc.subcore_barrier()

    def wcp(q, carry):
        pltpu.sync_copy(acc_cnt.at[pl.ds(zbase + q * 8, 8)],
                        out_hbm.at[cid, pl.ds(zbase + q * 8, 8)])
        return carry

    lax.fori_loop(0, zn // 8, wcp, 0)


def _cnt_sc(dst2d):
    fn = functools.partial(
        pl.kernel,
        mesh=_mesh(),
        out_type=jax.ShapeDtypeStruct((2, N, _CW), F32),
        scratch_types=[
            pltpu.VMEM_SHARED((N, _CW), F32),
            pltpu.VMEM((_CNT_ROWS0, _SROW), jnp.int32),
            pltpu.VMEM((_SROW, _CW), F32),
            pltpu.VMEM((8, _CW), F32),
        ],
    )(_cnt_body)
    return fn(dst2d)




def kernel(x, edge_index, enc_w0, enc_b0, enc_w1, enc_b1,
           dec_w0, dec_b0, dec_w1, dec_b1, dec_w2, dec_b2,
           mu_w, mu_b, var_w, var_b, ad_w, ad_b,
           d1_w, d1_b, d2_w, d2_b, ab_w, ab_b):
    src = edge_index[0]
    dst = edge_index[1]
    dst2d = dst.reshape(_DROWS, _SROW)

    w0t = enc_w0.T
    b0r = enc_b0.reshape(1, BIG)
    w1t = enc_w1.T
    b1r = enc_b1.reshape(1, BIG)
    adwt = ad_w.reshape(H, H, K, BIG).transpose(2, 3, 0, 1).reshape(K, BIG, H * H)
    adbt = ad_b.reshape(H, H, K).transpose(2, 0, 1).reshape(K, 1, H * H)
    d1wt = d1_w.reshape(H, K, BIG).transpose(1, 2, 0)
    d1br = d1_b.reshape(H, K).T.reshape(K, 1, H)
    d2wt = d2_w.reshape(H, K, BIG).transpose(1, 2, 0)
    d2br = d2_b.reshape(H, K).T.reshape(K, 1, H)
    abwt = ab_w.reshape(H, K, BIG).transpose(1, 2, 0)
    abbr = ab_b.reshape(H, K).T.reshape(K, 1, H)
    muwt = mu_w.T
    mubr = mu_b.reshape(1, H)
    vwt = var_w.T
    vbr = var_b.reshape(1, H)
    d0t = dec_w0.T
    d0br = dec_b0.reshape(1, BIG)
    dw1t = dec_w1.T
    db1r = dec_b1.reshape(1, BIG)
    dw2t = dec_w2.T
    db2r = dec_b2.reshape(1, D_OUT)

    eps = jax.random.normal(jax.random.key(42), (N, H), dtype=F32)

    a1, b1v = _pre_enc(x, w0t, b0r)
    t1 = _gather_add_relu(a1, b1v, dst, src)
    u1 = _mm_relu(t1, w1t, b1r)
    cntp = _cnt_sc(dst2d)
    cnt0 = cntp[0]
    cnt1 = cntp[1]
    seg1 = _scatter(u1, dst2d)
    mu, lv, z0, z, ld128, a2, b2v = _post_enc(
        seg1, cnt0, cnt1, eps, adwt, adbt, d1wt, d1br, d2wt, d2br, abwt, abbr,
        muwt, mubr, vwt, vbr, d0t, d0br)
    t2 = _gather_add_relu(a2, b2v, dst, src)
    u2 = _mm_relu(t2, dw1t, db1r)
    seg2 = _scatter(u2, dst2d)
    x_dec = _dec_out(seg2, cnt0, cnt1, dw2t, db2r)

    return x_dec, mu, lv, ld128[:, 0], z0, z

# --- scband reference (transcript-rebuilt; emitter-appended) ---
"""Pipeline reference for scband-triangular-sylvester-vae-2731599200746 (READ-ONLY COPY).

The authoritative reference and input builder live on the scoring server;
editing this copy changes nothing except your own understanding.
"""

import jax, jax.numpy as jnp
import numpy as np

N = 10000
E = 160000
D_IN = 128
D_OUT = 128
BIG = 256
H = 16
K = 6

def _lin(x, w, b):
    return x @ w.T + b

def _mlp(x, layers, final_relu):
    h = x
    n = len(layers)
    for i, (w, b) in enumerate(layers):
        h = _lin(h, w, b)
        if i < n - 1 or final_relu:
            h = jax.nn.relu(h)
    return h

def _edge_conv(x, edge_index, layers, final_relu):
    src = edge_index[0]
    dst = edge_index[1]
    x_i = x[dst]
    x_j = x[src]
    m = jnp.concatenate([x_i, x_j - x_i], axis=-1)
    h = _mlp(m, layers, final_relu)
    s = jax.ops.segment_sum(h, dst, num_segments=N)
    cnt = jax.ops.segment_sum(jnp.ones((dst.shape[0],), dtype=h.dtype), dst, num_segments=N)
    return s / jnp.clip(cnt, 1.0)[:, None]

def _flow_step(zk, r1k, r2k, bk, permute):
    z_u = zk[:, None, :]
    z_per = z_u[:, :, permute] if permute is not None else z_u
    r2qzb = jnp.matmul(z_per, jnp.swapaxes(r2k, 1, 2)) + bk
    z = jnp.matmul(jnp.tanh(r2qzb), jnp.swapaxes(r1k, 1, 2))
    if permute is not None:
        z = z[:, :, permute]
    z = (z + z_u)[:, 0, :]
    diag_r1 = jnp.diagonal(r1k, axis1=1, axis2=2)
    diag_r2 = jnp.diagonal(r2k, axis1=1, axis2=2)
    der_h = (1.0 - jnp.tanh(r2qzb) ** 2)[:, 0, :]
    diag_j = der_h * diag_r1 * diag_r2 + 1.0
    log_det = jnp.sum(jnp.log(jnp.abs(diag_j)), axis=-1)
    return z, log_det

def _vae_forward(x, edge_index, p):
    enc = [(p['enc_w0'], p['enc_b0']), (p['enc_w1'], p['enc_b1'])]
    dec = [(p['dec_w0'], p['dec_b0']), (p['dec_w1'], p['dec_b1']), (p['dec_w2'], p['dec_b2'])]
    h = _edge_conv(x, edge_index, enc, True)
    mu = _lin(h, p['mu_w'], p['mu_b'])
    log_var = _lin(h, p['var_w'], p['var_b'])
    full_d = _lin(h, p['ad_w'], p['ad_b']).reshape(N, H, H, K)
    diag1 = jnp.tanh(_lin(h, p['d1_w'], p['d1_b'])).reshape(N, H, K)
    diag2 = jnp.tanh(_lin(h, p['d2_w'], p['d2_b'])).reshape(N, H, K)
    triu = jnp.triu(jnp.ones((H, H), dtype=x.dtype), k=1)[None, :, :, None]
    eye = jnp.eye(H, dtype=x.dtype)[None, :, :, None]
    r1 = full_d * triu + diag1[:, :, None, :] * eye
    r2 = jnp.swapaxes(full_d, 1, 2) * triu + diag2[:, :, None, :] * eye
    b = _lin(h, p['ab_w'], p['ab_b']).reshape(N, 1, H, K)
    std = jnp.exp(0.5 * log_var)
    eps = jax.random.normal(jax.random.key(42), std.shape, dtype=std.dtype)
    z0 = mu + eps * std
    flip = np.arange(H - 1, -1, -1)
    z = z0
    log_det_j = jnp.zeros((N,), dtype=x.dtype)
    for k in range(K):
        perm = flip if k % 2 == 1 else None
        z, ldj = _flow_step(z, r1[..., k], r2[..., k], b[..., k], perm)
        log_det_j = log_det_j + ldj
    x_dec = _edge_conv(z, edge_index, dec, False)
    return x_dec, mu, log_var, log_det_j, z0, z

def setup_inputs(seed: int = 0):
    key = jax.random.key(seed)
    ks = jax.random.split(key, 32)
    def w(i, shape):
        return jax.random.normal(ks[i], shape, dtype=jnp.float32) * 0.05
    inp = {}
    inp['x'] = jax.random.normal(ks[0], (N, D_IN), dtype=jnp.float32)
    inp['edge_index'] = jax.random.randint(ks[1], (2, E), 0, N, dtype=jnp.int32)
    inp['enc_w0'] = w(2, (BIG, 2 * D_IN)); inp['enc_b0'] = w(3, (BIG,))
    inp['enc_w1'] = w(4, (BIG, BIG)); inp['enc_b1'] = w(5, (BIG,))
    inp['dec_w0'] = w(6, (BIG, 2 * H)); inp['dec_b0'] = w(7, (BIG,))
    inp['dec_w1'] = w(8, (BIG, BIG)); inp['dec_b1'] = w(9, (BIG,))
    inp['dec_w2'] = w(10, (D_OUT, BIG)); inp['dec_b2'] = w(11, (D_OUT,))
    inp['mu_w'] = w(12, (H, BIG)); inp['mu_b'] = w(13, (H,))
    inp['var_w'] = w(14, (H, BIG)); inp['var_b'] = w(15, (H,))
    inp['ad_w'] = w(16, (K * H * H, BIG)); inp['ad_b'] = w(17, (K * H * H,))
    inp['d1_w'] = w(18, (K * H, BIG)); inp['d1_b'] = w(19, (K * H,))
    inp['d2_w'] = w(20, (K * H, BIG)); inp['d2_b'] = w(21, (K * H,))
    inp['ab_w'] = w(22, (K * H, BIG)); inp['ab_b'] = w(23, (K * H,))
    return inp

def reference(x, edge_index, enc_w0, enc_b0, enc_w1, enc_b1,
              dec_w0, dec_b0, dec_w1, dec_b1, dec_w2, dec_b2,
              mu_w, mu_b, var_w, var_b, ad_w, ad_b,
              d1_w, d1_b, d2_w, d2_b, ab_w, ab_b):
    p = {
        'enc_w0': enc_w0, 'enc_b0': enc_b0, 'enc_w1': enc_w1, 'enc_b1': enc_b1,
        'dec_w0': dec_w0, 'dec_b0': dec_b0, 'dec_w1': dec_w1, 'dec_b1': dec_b1,
        'dec_w2': dec_w2, 'dec_b2': dec_b2,
        'mu_w': mu_w, 'mu_b': mu_b, 'var_w': var_w, 'var_b': var_b,
        'ad_w': ad_w, 'ad_b': ad_b,
        'd1_w': d1_w, 'd1_b': d1_b, 'd2_w': d2_w, 'd2_b': d2_b,
        'ab_w': ab_w, 'ab_b': ab_b,
    }
    return _vae_forward(x, edge_index, p)

if __name__ == "__main__":
    import jax
    _d = setup_inputs()
    print(jax.jit(kernel)(*tuple(_d.values())))

</pallas_src>

<mosaic_0001>
#map = affine_map<(d0, d1) -> (0, 0)>
module attributes {stable_mosaic.version = 14 : i64} {
  func.func @_scatter_body(%arg0: i32, %arg1: i32, %arg2: memref<160000x256xf32, #tpu.memory_space<hbm>>, %arg3: memref<2000x80xi32, #tpu.memory_space<hbm>>, %arg4: memref<10000x256xf32, #tpu.memory_space<hbm>>, %arg5: memref<10000x128xf32, #tpu.memory_space<vmem_shared>>, %arg6: memref<128x80xi32, #tpu.memory_space<vmem>>, %arg7: memref<80x128xf32, #tpu.memory_space<vmem>>, %arg8: memref<8x128xf32, #tpu.memory_space<vmem>>) attributes {dimension_semantics = [#tpu.dimension_semantics<core_parallel>, #tpu.dimension_semantics<subcore_parallel>], iteration_bounds = array<i64: 2, 16>, scalar_prefetch = 0 : i64, scratch_operands = 4 : i64, tpu.core_type = #tpu.core_type<sc_vector_subcore>, window_params = [{transform_indices = #map}, {transform_indices = #map}, {transform_indices = #map}]} {
    %mul3A = arith.constant 128 : i32
    %mul3A_0 = arith.muli %arg0, %mul3A : i32
    %scan3A = arith.constant 0 : i32
    %scan3A_1 = arith.constant 0 : i32
    %scan3A_2 = arith.constant 8 : i32
    %scan3A_3 = arith.addi %scan3A_1, %scan3A_2 : i32
    %scan3A_4 = arith.constant 1 : i32
    scf.for %scan3A_96 = %scan3A_1 to %scan3A_3 step %scan3A_4  : i32 {
      %broadcast_in_dim3A = arith.constant 0.000000e+00 : f32
      %broadcast_in_dim3A_97 = vector.broadcast %broadcast_in_dim3A : f32 to vector<16xf32>
      %swap3A = arith.index_cast %scan3A_96 : i32 to index
      %swap3A_98 = arith.constant 0 : index
      %swap3A_99 = tpu.vector_load %arg8[%swap3A, %swap3A_98] {strides = array<i32>} : memref<8x128xf32, #tpu.memory_space<vmem>>, vector<1x16xf32>,
      %swap3A_100 = vector.shape_cast %swap3A_99 : vector<1x16xf32> to vector<16xf32>
      %swap3A_101 = vector.shape_cast %broadcast_in_dim3A_97 : vector<16xf32> to vector<1x16xf32>
      tpu.vector_store %arg8[%swap3A, %swap3A_98], %swap3A_101 {strides = array<i32>} : memref<8x128xf32, #tpu.memory_space<vmem>>, vector<1x16xf32>,
      %broadcast_in_dim3A_102 = arith.constant 0.000000e+00 : f32
      %broadcast_in_dim3A_103 = vector.broadcast %broadcast_in_dim3A_102 : f32 to vector<16xf32>
      %swap3A_104 = arith.index_cast %scan3A_96 : i32 to index
      %swap3A_105 = arith.constant 16 : index
      %swap3A_106 = tpu.vector_load %arg8[%swap3A_104, %swap3A_105] {strides = array<i32>} : memref<8x128xf32, #tpu.memory_space<vmem>>, vector<1x16xf32>,
      %swap3A_107 = vector.shape_cast %swap3A_106 : vector<1x16xf32> to vector<16xf32>
      %swap3A_108 = vector.shape_cast %broadcast_in_dim3A_103 : vector<16xf32> to vector<1x16xf32>
      tpu.vector_store %arg8[%swap3A_104, %swap3A_105], %swap3A_108 {strides = array<i32>} : memref<8x128xf32, #tpu.memory_space<vmem>>, vector<1x16xf32>,
      %broadcast_in_dim3A_109 = arith.constant 0.000000e+00 : f32
      %broadcast_in_dim3A_110 = vector.broadcast %broadcast_in_dim3A_109 : f32 to vector<16xf32>
      %swap3A_111 = arith.index_cast %scan3A_96 : i32 to index
      %swap3A_112 = arith.constant 32 : index
      %swap3A_113 = tpu.vector_load %arg8[%swap3A_111, %swap3A_112] {strides = array<i32>} : memref<8x128xf32, #tpu.memory_space<vmem>>, vector<1x16xf32>,
      %swap3A_114 = vector.shape_cast %swap3A_113 : vector<1x16xf32> to vector<16xf32>
      %swap3A_115 = vector.shape_cast %broadcast_in_dim3A_110 : vector<16xf32> to vector<1x16xf32>
      tpu.vector_store %arg8[%swap3A_111, %swap3A_112], %swap3A_115 {strides = array<i32>} : memref<8x128xf32, #tpu.memory_space<vmem>>, vector<1x16xf32>,
      %broadcast_in_dim3A_116 = arith.constant 0.000000e+00 : f32
      %broadcast_in_dim3A_117 = vector.broadcast %broadcast_in_dim3A_116 : f32 to vector<16xf32>
      %swap3A_118 = arith.index_cast %scan3A_96 : i32 to index
      %swap3A_119 = arith.constant 48 : index
      %swap3A_120 = tpu.vector_load %arg8[%swap3A_118, %swap3A_119] {strides = array<i32>} : memref<8x128xf32, #tpu.memory_space<vmem>>, vector<1x16xf32>,
      %swap3A_121 = vector.shape_cast %swap3A_120 : vector<1x16xf32> to vector<16xf32>
      %swap3A_122 = vector.shape_cast %broadcast_in_dim3A_117 : vector<16xf32> to vector<1x16xf32>
      tpu.vector_store %arg8[%swap3A_118, %swap3A_119], %swap3A_122 {strides = array<i32>} : memref<8x128xf32, #tpu.memory_space<vmem>>, vector<1x16xf32>,
      %broadcast_in_dim3A_123 = arith.constant 0.000000e+00 : f32
      %broadcast_in_dim3A_124 = vector.broadcast %broadcast_in_dim3A_123 : f32 to vector<16xf32>
      %swap3A_125 = arith.index_cast %scan3A_96 : i32 to index
      %swap3A_126 = arith.constant 64 : index
      %swap3A_127 = tpu.vector_load %arg8[%swap3A_125, %swap3A_126] {strides = array<i32>} : memref<8x128xf32, #tpu.memory_space<vmem>>, vector<1x16xf32>,
      %swap3A_128 = vector.shape_cast %swap3A_127 : vector<1x16xf32> to vector<16xf32>
      %swap3A_129 = vector.shape_cast %broadcast_in_dim3A_124 : vector<16xf32> to vector<1x16xf32>
      tpu.vector_store %arg8[%swap3A_125, %swap3A_126], %swap3A_129 {strides = array<i32>} : memref<8x128xf32, #tpu.memory_space<vmem>>, vector<1x16xf32>,
      %broadcast_in_dim3A_130 = arith.constant 0.000000e+00 : f32
      %broadcast_in_dim3A_131 = vector.broadcast %broadcast_in_dim3A_130 : f32 to vector<16xf32>
      %swap3A_132 = arith.index_cast %scan3A_96 : i32 to index
      %swap3A_133 = arith.constant 80 : index
      %swap3A_134 = tpu.vector_load %arg8[%swap3A_132, %swap3A_133] {strides = array<i32>} : memref<8x128xf32, #tpu.memory_space<vmem>>, vector<1x16xf32>,
      %swap3A_135 = vector.shape_cast %swap3A_134 : vector<1x16xf32> to vector<16xf32>
      %swap3A_136 = vector.shape_cast %broadcast_in_dim3A_131 : vector<16xf32> to vector<1x16xf32>
      tpu.vector_store %arg8[%swap3A_132, %swap3A_133], %swap3A_136 {strides = array<i32>} : memref<8x128xf32, #tpu.memory_space<vmem>>, vector<1x16xf32>,
      %broadcast_in_dim3A_137 = arith.constant 0.000000e+00 : f32
      %broadcast_in_dim3A_138 = vector.broadcast %broadcast_in_dim3A_137 : f32 to vector<16xf32>
      %swap3A_139 = arith.index_cast %scan3A_96 : i32 to index
      %swap3A_140 = arith.constant 96 : index
      %swap3A_141 = tpu.vector_load %arg8[%swap3A_139, %swap3A_140] {strides = array<i32>} : memref<8x128xf32, #tpu.memory_space<vmem>>, vector<1x16xf32>,
      %swap3A_142 = vector.shape_cast %swap3A_141 : vector<1x16xf32> to vector<16xf32>
      %swap3A_143 = vector.shape_cast %broadcast_in_dim3A_138 : vector<16xf32> to vector<1x16xf32>
      tpu.vector_store %arg8[%swap3A_139, %swap3A_140], %swap3A_143 {strides = array<i32>} : memref<8x128xf32, #tpu.memory_space<vmem>>, vector<1x16xf32>,
      %broadcast_in_dim3A_144 = arith.constant 0.000000e+00 : f32
      %broadcast_in_dim3A_145 = vector.broadcast %broadcast_in_dim3A_144 : f32 to vector<16xf32>
      %swap3A_146 = arith.index_cast %scan3A_96 : i32 to index
      %swap3A_147 = arith.constant 112 : index
      %swap3A_148 = tpu.vector_load %arg8[%swap3A_146, %swap3A_147] {strides = array<i32>} : memref<8x128xf32, #tpu.memory_space<vmem>>, vector<1x16xf32>,
      %swap3A_149 = vector.shape_cast %swap3A_148 : vector<1x16xf32> to vector<16xf32>
      %swap3A_150 = vector.shape_cast %broadcast_in_dim3A_145 : vector<16xf32> to vector<1x16xf32>
      tpu.vector_store %arg8[%swap3A_146, %swap3A_147], %swap3A_150 {strides = array<i32>} : memref<8x128xf32, #tpu.memory_space<vmem>>, vector<1x16xf32>,
    }
    %scan3A_5 = arith.constant 8 : i32
    %mul3A_6 = arith.constant 624 : i32
    %mul3A_7 = arith.muli %arg1, %mul3A_6 : i32
    %eq3A = arith.constant 15 : i32
    %eq3A_8 = arith.cmpi eq, %arg1, %eq3A : i32
    %jit3A = arith.constant 640 : i32
    %jit3A_9 = arith.constant 624 : i32
    %select_n3A = arith.select %eq3A_8, %jit3A, %jit3A_9 : i32
    %jit3A_10 = arith.constant 8 : i32
    %div3A = arith.divsi %select_n3A, %jit3A_10 : i32
    %sign3A = arith.constant 0 : i32
    %sign3A_11 = arith.cmpi sgt, %select_n3A, %sign3A : i32
    %sign3A_12 = arith.extui %sign3A_11 : i1 to i32
    %sign3A_13 = arith.constant 0 : i32
    %sign3A_14 = arith.cmpi slt, %select_n3A, %sign3A_13 : i32
    %sign3A_15 = arith.extui %sign3A_14 : i1 to i32
    %sign3A_16 = arith.subi %sign3A_12, %sign3A_15 : i32
    %sign3A_17 = arith.constant 0 : i32
    %sign3A_18 = arith.cmpi sgt, %jit3A_10, %sign3A_17 : i32
    %sign3A_19 = arith.extui %sign3A_18 : i1 to i32
    %sign3A_20 = arith.constant 0 : i32
    %sign3A_21 = arith.cmpi slt, %jit3A_10, %sign3A_20 : i32
    %sign3A_22 = arith.extui %sign3A_21 : i1 to i32
    %sign3A_23 = arith.subi %sign3A_19, %sign3A_22 : i32
    %ne3A = arith.cmpi ne, %sign3A_16, %sign3A_23 : i32
    %rem3A = arith.remsi %select_n3A, %jit3A_10 : i32
    %ne3A_24 = arith.constant 0 : i32
    %ne3A_25 = arith.cmpi ne, %rem3A, %ne3A_24 : i32
    %and3A = arith.andi %ne3A, %ne3A_25 : i1
    %sub3A = arith.constant 1 : i32
    %sub3A_26 = arith.subi %div3A, %sub3A : i32
    %select_n3A_27 = arith.select %and3A, %sub3A_26, %div3A : i32
    %while3A = arith.constant 0 : i32
    %while3A_28 = arith.constant 0 : i32
    %while3A_29 = arith.subi %select_n3A_27, %while3A_28 : i32
    %while3A_30 = arith.addi %while3A_28, %while3A_29 : i32
    %while3A_31 = arith.constant 1 : i32
    %while3A_32 = arith.divsi %while3A_29, %while3A_31 : i32
    %while3A_33 = arith.muli %while3A_32, %while3A_31 : i32
    %while3A_34 = arith.addi %while3A_28, %while3A_33 : i32
    %while3A_35 = arith.constant 1 : i32
    scf.for %while3A_96 = %while3A_28 to %while3A_34 step %while3A_35  : i32 {
      %mul3A_97 = arith.constant 8 : i32
      %mul3A_98 = arith.muli %while3A_96, %mul3A_97 : i32
      %add3A = arith.addi %mul3A_7, %mul3A_98 : i32
      "tpu.region"() ({
        %run_scoped3A = tpu.sem_alloc : memref<!tpu.dma_semaphore, #tpu.memory_space<semaphore_mem>>
        %dma_start3A = arith.constant 0 : i32
        %dma_start3A_99 = tpu.memref_slice %arg5[%add3A, %dma_start3A] : memref<10000x128xf32, #tpu.memory_space<vmem_shared>> -> memref<8x128xf32, #tpu.memory_space<vmem_shared>>
        %dma_start3A_100 = arith.constant 0 : i32
        %dma_start3A_101 = tpu.memref_slice %arg5[%add3A, %dma_start3A_100] : memref<10000x128xf32, #tpu.memory_space<vmem_shared>> -> memref<8x128xf32, #tpu.memory_space<vmem_shared>>
        tpu.enqueue_dma source(%arg8 : memref<8x128xf32, #tpu.memory_space<vmem>>) target(%dma_start3A_101 : memref<8x128xf32, #tpu.memory_space<vmem_shared>>) target_semaphore(%run_scoped3A : memref<!tpu.dma_semaphore, #tpu.memory_space<semaphore_mem>>)
        %dma_wait3A = arith.constant 0 : i32
        %dma_wait3A_102 = tpu.memref_slice %arg5[%add3A, %dma_wait3A] : memref<10000x128xf32, #tpu.memory_space<vmem_shared>> -> memref<8x128xf32, #tpu.memory_space<vmem_shared>>
        %dma_wait3A_103 = arith.constant 0 : i32
        %dma_wait3A_104 = tpu.memref_slice %arg5[%add3A, %dma_wait3A_103] : memref<10000x128xf32, #tpu.memory_space<vmem_shared>> -> memref<8x128xf32, #tpu.memory_space<vmem_shared>>
        tpu.wait_dma2 semaphore(%run_scoped3A : memref<!tpu.dma_semaphore, #tpu.memory_space<semaphore_mem>>) src(%arg8 : memref<8x128xf32, #tpu.memory_space<vmem>>) dst(%dma_wait3A_104 : memref<8x128xf32, #tpu.memory_space<vmem_shared>>)
        tpu.yield
      }) : () -> ()
    }
    %while3A_36 = arith.constant 1 : i32
    scf.for %while3A_96 = %while3A_34 to %while3A_30 step %while3A_36  : i32 {
      %mul3A_97 = arith.constant 8 : i32
      %mul3A_98 = arith.muli %while3A_96, %mul3A_97 : i32
      %add3A = arith.addi %mul3A_7, %mul3A_98 : i32
      "tpu.region"() ({
        %run_scoped3A = tpu.sem_alloc : memref<!tpu.dma_semaphore, #tpu.memory_space<semaphore_mem>>
        %dma_start3A = arith.constant 0 : i32
        %dma_start3A_99 = tpu.memref_slice %arg5[%add3A, %dma_start3A] : memref<10000x128xf32, #tpu.memory_space<vmem_shared>> -> memref<8x128xf32, #tpu.memory_space<vmem_shared>>
        %dma_start3A_100 = arith.constant 0 : i32
        %dma_start3A_101 = tpu.memref_slice %arg5[%add3A, %dma_start3A_100] : memref<10000x128xf32, #tpu.memory_space<vmem_shared>> -> memref<8x128xf32, #tpu.memory_space<vmem_shared>>
        tpu.enqueue_dma source(%arg8 : memref<8x128xf32, #tpu.memory_space<vmem>>) target(%dma_start3A_101 : memref<8x128xf32, #tpu.memory_space<vmem_shared>>) target_semaphore(%run_scoped3A : memref<!tpu.dma_semaphore, #tpu.memory_space<semaphore_mem>>)
        %dma_wait3A = arith.constant 0 : i32
        %dma_wait3A_102 = tpu.memref_slice %arg5[%add3A, %dma_wait3A] : memref<10000x128xf32, #tpu.memory_space<vmem_shared>> -> memref<8x128xf32, #tpu.memory_space<vmem_shared>>
        %dma_wait3A_103 = arith.constant 0 : i32
        %dma_wait3A_104 = tpu.memref_slice %arg5[%add3A, %dma_wait3A_103] : memref<10000x128xf32, #tpu.memory_space<vmem_shared>> -> memref<8x128xf32, #tpu.memory_space<vmem_shared>>
        tpu.wait_dma2 semaphore(%run_scoped3A : memref<!tpu.dma_semaphore, #tpu.memory_space<semaphore_mem>>) src(%arg8 : memref<8x128xf32, #tpu.memory_space<vmem>>) dst(%dma_wait3A_104 : memref<8x128xf32, #tpu.memory_space<vmem_shared>>)
        tpu.yield
      }) : () -> ()
    }
    %barrier3A = arith.constant 0 : index
    tpu.barrier barrier_id(%barrier3A)
    %mul3A_37 = arith.constant 128 : i32
    %mul3A_38 = arith.muli %arg1, %mul3A_37 : i32
    %eq3A_39 = arith.constant 15 : i32
    %eq3A_40 = arith.cmpi eq, %arg1, %eq3A_39 : i32
    %jit3A_41 = arith.constant 80 : i32
    %jit3A_42 = arith.constant 128 : i32
    %select_n3A_43 = arith.select %eq3A_40, %jit3A_41, %jit3A_42 : i32
    %lt3A = arith.constant 15 : i32
    %lt3A_44 = arith.cmpi slt, %arg1, %lt3A : i32
    %convert_element_type3A = arith.extui %lt3A_44 : i1 to i32
    %cond3A = arith.constant 0 : i32
    %cond3A_45 = arith.cmpi ne, %convert_element_type3A, %cond3A : i32
    scf.if %cond3A_45 {
      "tpu.region"() ({
        %run_scoped3A = tpu.sem_alloc : memref<!tpu.dma_semaphore, #tpu.memory_space<semaphore_mem>>
        %dma_start3A = arith.constant 0 : i32
        %dma_start3A_96 = tpu.memref_slice %arg3[%mul3A_38, %dma_start3A] : memref<2000x80xi32, #tpu.memory_space<hbm>> -> memref<128x80xi32, #tpu.memory_space<hbm>>
        %dma_start3A_97 = arith.constant 0 : i32
        %dma_start3A_98 = tpu.memref_slice %arg3[%mul3A_38, %dma_start3A_97] : memref<2000x80xi32, #tpu.memory_space<hbm>> -> memref<128x80xi32, #tpu.memory_space<hbm>>
        tpu.enqueue_dma source(%dma_start3A_98 : memref<128x80xi32, #tpu.memory_space<hbm>>) target(%arg6 : memref<128x80xi32, #tpu.memory_space<vmem>>) target_semaphore(%run_scoped3A : memref<!tpu.dma_semaphore, #tpu.memory_space<semaphore_mem>>)
        %dma_wait3A = arith.constant 0 : i32
        %dma_wait3A_99 = tpu.memref_slice %arg3[%mul3A_38, %dma_wait3A] : memref<2000x80xi32, #tpu.memory_space<hbm>> -> memref<128x80xi32, #tpu.memory_space<hbm>>
        %dma_wait3A_100 = arith.constant 0 : i32
        %dma_wait3A_101 = tpu.memref_slice %arg3[%mul3A_38, %dma_wait3A_100] : memref<2000x80xi32, #tpu.memory_space<hbm>> -> memref<128x80xi32, #tpu.memory_space<hbm>>
        tpu.wait_dma2 semaphore(%run_scoped3A : memref<!tpu.dma_semaphore, #tpu.memory_space<semaphore_mem>>) src(%dma_wait3A_101 : memref<128x80xi32, #tpu.memory_space<hbm>>) dst(%arg6 : memref<128x80xi32, #tpu.memory_space<vmem>>)
        tpu.yield
      }) : () -> ()
    } else {
    }
    %eq3A_46 = arith.constant 15 : i32
    %eq3A_47 = arith.cmpi eq, %arg1, %eq3A_46 : i32
    %convert_element_type3A_48 = arith.extui %eq3A_47 : i1 to i32
    %cond3A_49 = arith.constant 0 : i32
    %cond3A_50 = arith.cmpi ne, %convert_element_type3A_48, %cond3A_49 : i32
    scf.if %cond3A_50 {
      "tpu.region"() ({
        %run_scoped3A = tpu.sem_alloc : memref<!tpu.dma_semaphore, #tpu.memory_space<semaphore_mem>>
        %dma_start3A = arith.constant 0 : i32
        %dma_start3A_96 = arith.constant 0 : i32
        %dma_start3A_97 = tpu.memref_slice %arg6[%dma_start3A, %dma_start3A_96] : memref<128x80xi32, #tpu.memory_space<vmem>> -> memref<80x80xi32, #tpu.memory_space<vmem>>
        %dma_start3A_98 = arith.constant 1920 : i32
        %dma_start3A_99 = arith.constant 0 : i32
        %dma_start3A_100 = tpu.memref_slice %arg3[%dma_start3A_98, %dma_start3A_99] : memref<2000x80xi32, #tpu.memory_space<hbm>> -> memref<80x80xi32, #tpu.memory_space<hbm>>
        %dma_start3A_101 = arith.constant 0 : i32
        %dma_start3A_102 = arith.constant 0 : i32
        %dma_start3A_103 = tpu.memref_slice %arg6[%dma_start3A_101, %dma_start3A_102] : memref<128x80xi32, #tpu.memory_space<vmem>> -> memref<80x80xi32, #tpu.memory_space<vmem>>
        %dma_start3A_104 = arith.constant 1920 : i32
        %dma_start3A_105 = arith.constant 0 : i32
        %dma_start3A_106 = tpu.memref_slice %arg3[%dma_start3A_104, %dma_start3A_105] : memref<2000x80xi32, #tpu.memory_space<hbm>> -> memref<80x80xi32, #tpu.memory_space<hbm>>
        tpu.enqueue_dma source(%dma_start3A_106 : memref<80x80xi32, #tpu.memory_space<hbm>>) target(%dma_start3A_103 : memref<80x80xi32, #tpu.memory_space<vmem>>) target_semaphore(%run_scoped3A : memref<!tpu.dma_semaphore, #tpu.memory_space<semaphore_mem>>)
        %dma_wait3A = arith.constant 0 : i32
        %dma_wait3A_107 = arith.constant 0 : i32
        %dma_wait3A_108 = tpu.memref_slice %arg6[%dma_wait3A, %dma_wait3A_107] : memref<128x80xi32, #tpu.memory_space<vmem>> -> memref<80x80xi32, #tpu.memory_space<vmem>>
        %dma_wait3A_109 = arith.constant 1920 : i32
        %dma_wait3A_110 = arith.constant 0 : i32
        %dma_wait3A_111 = tpu.memref_slice %arg3[%dma_wait3A_109, %dma_wait3A_110] : memref<2000x80xi32, #tpu.memory_space<hbm>> -> memref<80x80xi32, #tpu.memory_space<hbm>>
        %dma_wait3A_112 = arith.constant 0 : i32
        %dma_wait3A_113 = arith.constant 0 : i32
        %dma_wait3A_114 = tpu.memref_slice %arg6[%dma_wait3A_112, %dma_wait3A_113] : memref<128x80xi32, #tpu.memory_space<vmem>> -> memref<80x80xi32, #tpu.memory_space<vmem>>
        %dma_wait3A_115 = arith.constant 1920 : i32
        %dma_wait3A_116 = arith.constant 0 : i32
        %dma_wait3A_117 = tpu.memref_slice %arg3[%dma_wait3A_115, %dma_wait3A_116] : memref<2000x80xi32, #tpu.memory_space<hbm>> -> memref<80x80xi32, #tpu.memory_space<hbm>>
        tpu.wait_dma2 semaphore(%run_scoped3A : memref<!tpu.dma_semaphore, #tpu.memory_space<semaphore_mem>>) src(%dma_wait3A_117 : memref<80x80xi32, #tpu.memory_space<hbm>>) dst(%dma_wait3A_114 : memref<80x80xi32, #tpu.memory_space<vmem>>)
        tpu.yield
      }) : () -> ()
    } else {
    }
    %while3A_51 = arith.constant 0 : i32
    %while3A_52 = arith.constant 0 : i32
    %while3A_53 = arith.subi %select_n3A_43, %while3A_52 : i32
    %while3A_54 = arith.addi %while3A_52, %while3A_53 : i32
    %while3A_55 = arith.constant 1 : i32
    %while3A_56 = arith.divsi %while3A_53, %while3A_55 : i32
    %while3A_57 = arith.muli %while3A_56, %while3A_55 : i32
    %while3A_58 = arith.addi %while3A_52, %while3A_57 : i32
    %while3A_59 = arith.constant 1 : i32
    scf.for %while3A_96 = %while3A_52 to %while3A_58 step %while3A_59  : i32 {
      %add3A = arith.addi %mul3A_38, %while3A_96 : i32
      %mul3A_97 = arith.constant 80 : i32
      %mul3A_98 = arith.muli %add3A, %mul3A_97 : i32
      "tpu.region"() ({
        %run_scoped3A = tpu.sem_alloc : memref<!tpu.dma_semaphore, #tpu.memory_space<semaphore_mem>>
        %dma_start3A = tpu.memref_slice %arg2[%mul3A_98, %mul3A_0] : memref<160000x256xf32, #tpu.memory_space<hbm>> -> memref<80x128xf32, #tpu.memory_space<hbm>>
        %dma_start3A_99 = tpu.memref_slice %arg2[%mul3A_98, %mul3A_0] : memref<160000x256xf32, #tpu.memory_space<hbm>> -> memref<80x128xf32, #tpu.memory_space<hbm>>
        tpu.enqueue_dma source(%dma_start3A_99 : memref<80x128xf32, #tpu.memory_space<hbm>>) target(%arg7 : memref<80x128xf32, #tpu.memory_space<vmem>>) target_semaphore(%run_scoped3A : memref<!tpu.dma_semaphore, #tpu.memory_space<semaphore_mem>>)
        %dma_wait3A = tpu.memref_slice %arg2[%mul3A_98, %mul3A_0] : memref<160000x256xf32, #tpu.memory_space<hbm>> -> memref<80x128xf32, #tpu.memory_space<hbm>>
        %dma_wait3A_100 = tpu.memref_slice %arg2[%mul3A_98, %mul3A_0] : memref<160000x256xf32, #tpu.memory_space<hbm>> -> memref<80x128xf32, #tpu.memory_space<hbm>>
        tpu.wait_dma2 semaphore(%run_scoped3A : memref<!tpu.dma_semaphore, #tpu.memory_space<semaphore_mem>>) src(%dma_wait3A_100 : memref<80x128xf32, #tpu.memory_space<hbm>>) dst(%arg7 : memref<80x128xf32, #tpu.memory_space<vmem>>)
        tpu.yield
      }) : () -> ()
      "tpu.region"() ({
        %run_scoped3A = tpu.sem_alloc : memref<!tpu.dma_semaphore, #tpu.memory_space<semaphore_mem>>
        %dma_start3A = arith.constant 0 : i32
        %dma_start3A_99 = tpu.memref_slice %arg6[%while3A_96, %dma_start3A] : memref<128x80xi32, #tpu.memory_space<vmem>> -> memref<1x80xi32, #tpu.memory_space<vmem>>
        %dma_start3A_100 = tpu.memref_squeeze %dma_start3A_99 : memref<1x80xi32, #tpu.memory_space<vmem>> -> memref<80xi32, #tpu.memory_space<vmem>>
        %dma_start3A_101 = arith.constant 0 : i32
        %dma_start3A_102 = arith.constant 0 : i32
        %dma_start3A_103 = tpu.memref_slice %arg5[%dma_start3A_101, %dma_start3A_102] : memref<10000x128xf32, #tpu.memory_space<vmem_shared>> -> memref<10000x128xf32, #tpu.memory_space<vmem_shared>>
        tpu.enqueue_indirect_dma source(%arg7 : memref<80x128xf32, #tpu.memory_space<vmem>>) target(%dma_start3A_103 : memref<10000x128xf32, #tpu.memory_space<vmem_shared>>) offsets(%dma_start3A_100 : memref<80xi32, #tpu.memory_space<vmem>>) semaphore(%run_scoped3A : memref<!tpu.dma_semaphore, #tpu.memory_space<semaphore_mem>>) {add = true}
        %dma_wait3A = arith.constant 0 : i32
        %dma_wait3A_104 = tpu.memref_slice %arg6[%while3A_96, %dma_wait3A] : memref<128x80xi32, #tpu.memory_space<vmem>> -> memref<1x80xi32, #tpu.memory_space<vmem>>
        %dma_wait3A_105 = tpu.memref_squeeze %dma_wait3A_104 : memref<1x80xi32, #tpu.memory_space<vmem>> -> memref<80xi32, #tpu.memory_space<vmem>>
        %dma_wait3A_106 = arith.constant 0 : i32
        %dma_wait3A_107 = arith.constant 0 : i32
        %dma_wait3A_108 = tpu.memref_slice %arg5[%dma_wait3A_106, %dma_wait3A_107] : memref<10000x128xf32, #tpu.memory_space<vmem_shared>> -> memref<10000x128xf32, #tpu.memory_space<vmem_shared>>
        tpu.wait_indirect_dma semaphore(%run_scoped3A : memref<!tpu.dma_semaphore, #tpu.memory_space<semaphore_mem>>) src(%arg7 : memref<80x128xf32, #tpu.memory_space<vmem>>) dst(%dma_wait3A_108 : memref<10000x128xf32, #tpu.memory_space<vmem_shared>>)
        tpu.yield
      }) : () -> ()
    }
    %while3A_60 = arith.constant 1 : i32
    scf.for %while3A_96 = %while3A_58 to %while3A_54 step %while3A_60  : i32 {
      %add3A = arith.addi %mul3A_38, %while3A_96 : i32
      %mul3A_97 = arith.constant 80 : i32
      %mul3A_98 = arith.muli %add3A, %mul3A_97 : i32
      "tpu.region"() ({
        %run_scoped3A = tpu.sem_alloc : memref<!tpu.dma_semaphore, #tpu.memory_space<semaphore_mem>>
        %dma_start3A = tpu.memref_slice %arg2[%mul3A_98, %mul3A_0] : memref<160000x256xf32, #tpu.memory_space<hbm>> -> memref<80x128xf32, #tpu.memory_space<hbm>>
        %dma_start3A_99 = tpu.memref_slice %arg2[%mul3A_98, %mul3A_0] : memref<160000x256xf32, #tpu.memory_space<hbm>> -> memref<80x128xf32, #tpu.memory_space<hbm>>
        tpu.enqueue_dma source(%dma_start3A_99 : memref<80x128xf32, #tpu.memory_space<hbm>>) target(%arg7 : memref<80x128xf32, #tpu.memory_space<vmem>>) target_semaphore(%run_scoped3A : memref<!tpu.dma_semaphore, #tpu.memory_space<semaphore_mem>>)
        %dma_wait3A = tpu.memref_slice %arg2[%mul3A_98, %mul3A_0] : memref<160000x256xf32, #tpu.memory_space<hbm>> -> memref<80x128xf32, #tpu.memory_space<hbm>>
        %dma_wait3A_100 = tpu.memref_slice %arg2[%mul3A_98, %mul3A_0] : memref<160000x256xf32, #tpu.memory_space<hbm>> -> memref<80x128xf32, #tpu.memory_space<hbm>>
        tpu.wait_dma2 semaphore(%run_scoped3A : memref<!tpu.dma_semaphore, #tpu.memory_space<semaphore_mem>>) src(%dma_wait3A_100 : memref<80x128xf32, #tpu.memory_space<hbm>>) dst(%arg7 : memref<80x128xf32, #tpu.memory_space<vmem>>)
        tpu.yield
      }) : () -> ()
      "tpu.region"() ({
        %run_scoped3A = tpu.sem_alloc : memref<!tpu.dma_semaphore, #tpu.memory_space<semaphore_mem>>
        %dma_start3A = arith.constant 0 : i32
        %dma_start3A_99 = tpu.memref_slice %arg6[%while3A_96, %dma_start3A] : memref<128x80xi32, #tpu.memory_space<vmem>> -> memref<1x80xi32, #tpu.memory_space<vmem>>
        %dma_start3A_100 = tpu.memref_squeeze %dma_start3A_99 : memref<1x80xi32, #tpu.memory_space<vmem>> -> memref<80xi32, #tpu.memory_space<vmem>>
        %dma_start3A_101 = arith.constant 0 : i32
        %dma_start3A_102 = arith.constant 0 : i32
        %dma_start3A_103 = tpu.memref_slice %arg5[%dma_start3A_101, %dma_start3A_102] : memref<10000x128xf32, #tpu.memory_space<vmem_shared>> -> memref<10000x128xf32, #tpu.memory_space<vmem_shared>>
        tpu.enqueue_indirect_dma source(%arg7 : memref<80x128xf32, #tpu.memory_space<vmem>>) target(%dma_start3A_103 : memref<10000x128xf32, #tpu.memory_space<vmem_shared>>) offsets(%dma_start3A_100 : memref<80xi32, #tpu.memory_space<vmem>>) semaphore(%run_scoped3A : memref<!tpu.dma_semaphore, #tpu.memory_space<semaphore_mem>>) {add = true}
        %dma_wait3A = arith.constant 0 : i32
        %dma_wait3A_104 = tpu.memref_slice %arg6[%while3A_96, %dma_wait3A] : memref<128x80xi32, #tpu.memory_space<vmem>> -> memref<1x80xi32, #tpu.memory_space<vmem>>
        %dma_wait3A_105 = tpu.memref_squeeze %dma_wait3A_104 : memref<1x80xi32, #tpu.memory_space<vmem>> -> memref<80xi32, #tpu.memory_space<vmem>>
        %dma_wait3A_106 = arith.constant 0 : i32
        %dma_wait3A_107 = arith.constant 0 : i32
        %dma_wait3A_108 = tpu.memref_slice %arg5[%dma_wait3A_106, %dma_wait3A_107] : memref<10000x128xf32, #tpu.memory_space<vmem_shared>> -> memref<10000x128xf32, #tpu.memory_space<vmem_shared>>
        tpu.wait_indirect_dma semaphore(%run_scoped3A : memref<!tpu.dma_semaphore, #tpu.memory_space<semaphore_mem>>) src(%arg7 : memref<80x128xf32, #tpu.memory_space<vmem>>) dst(%dma_wait3A_108 : memref<10000x128xf32, #tpu.memory_space<vmem_shared>>)
        tpu.yield
      }) : () -> ()
    }
    %barrier3A_61 = arith.constant 0 : index
    tpu.barrier barrier_id(%barrier3A_61)
    %jit3A_62 = arith.constant 8 : i32
    %div3A_63 = arith.divsi %select_n3A, %jit3A_62 : i32
    %sign3A_64 = arith.constant 0 : i32
    %sign3A_65 = arith.cmpi sgt, %select_n3A, %sign3A_64 : i32
    %sign3A_66 = arith.extui %sign3A_65 : i1 to i32
    %sign3A_67 = arith.constant 0 : i32
    %sign3A_68 = arith.cmpi slt, %select_n3A, %sign3A_67 : i32
    %sign3A_69 = arith.extui %sign3A_68 : i1 to i32
    %sign3A_70 = arith.subi %sign3A_66, %sign3A_69 : i32
    %sign3A_71 = arith.constant 0 : i32
    %sign3A_72 = arith.cmpi sgt, %jit3A_62, %sign3A_71 : i32
    %sign3A_73 = arith.extui %sign3A_72 : i1 to i32
    %sign3A_74 = arith.constant 0 : i32
    %sign3A_75 = arith.cmpi slt, %jit3A_62, %sign3A_74 : i32
    %sign3A_76 = arith.extui %sign3A_75 : i1 to i32
    %sign3A_77 = arith.subi %sign3A_73, %sign3A_76 : i32
    %ne3A_78 = arith.cmpi ne, %sign3A_70, %sign3A_77 : i32
    %rem3A_79 = arith.remsi %select_n3A, %jit3A_62 : i32
    %ne3A_80 = arith.constant 0 : i32
    %ne3A_81 = arith.cmpi ne, %rem3A_79, %ne3A_80 : i32
    %and3A_82 = arith.andi %ne3A_78, %ne3A_81 : i1
    %sub3A_83 = arith.constant 1 : i32
    %sub3A_84 = arith.subi %div3A_63, %sub3A_83 : i32
    %select_n3A_85 = arith.select %and3A_82, %sub3A_84, %div3A_63 : i32
    %while3A_86 = arith.constant 0 : i32
    %while3A_87 = arith.constant 0 : i32
    %while3A_88 = arith.subi %select_n3A_85, %while3A_87 : i32
    %while3A_89 = arith.addi %while3A_87, %while3A_88 : i32
    %while3A_90 = arith.constant 1 : i32
    %while3A_91 = arith.divsi %while3A_88, %while3A_90 : i32
    %while3A_92 = arith.muli %while3A_91, %while3A_90 : i32
    %while3A_93 = arith.addi %while3A_87, %while3A_92 : i32
    %while3A_94 = arith.constant 1 : i32
    scf.for %while3A_96 = %while3A_87 to %while3A_93 step %while3A_94  : i32 {
      %mul3A_97 = arith.constant 8 : i32
      %mul3A_98 = arith.muli %while3A_96, %mul3A_97 : i32
      %add3A = arith.addi %mul3A_7, %mul3A_98 : i32
      %mul3A_99 = arith.constant 8 : i32
      %mul3A_100 = arith.muli %while3A_96, %mul3A_99 : i32
      %add3A_101 = arith.addi %mul3A_7, %mul3A_100 : i32
      "tpu.region"() ({
        %run_scoped3A = tpu.sem_alloc : memref<!tpu.dma_semaphore, #tpu.memory_space<semaphore_mem>>
        %dma_start3A = tpu.memref_slice %arg4[%add3A_101, %mul3A_0] : memref<10000x256xf32, #tpu.memory_space<hbm>> -> memref<8x128xf32, #tpu.memory_space<hbm>>
        %dma_start3A_102 = arith.constant 0 : i32
        %dma_start3A_103 = tpu.memref_slice %arg5[%add3A, %dma_start3A_102] : memref<10000x128xf32, #tpu.memory_space<vmem_shared>> -> memref<8x128xf32, #tpu.memory_space<vmem_shared>>
        tpu.enqueue_dma source(%dma_start3A_103 : memref<8x128xf32, #tpu.memory_space<vmem_shared>>) target(%dma_start3A : memref<8x128xf32, #tpu.memory_space<hbm>>) target_semaphore(%run_scoped3A : memref<!tpu.dma_semaphore, #tpu.memory_space<semaphore_mem>>)
        %dma_wait3A = tpu.memref_slice %arg4[%add3A_101, %mul3A_0] : memref<10000x256xf32, #tpu.memory_space<hbm>> -> memref<8x128xf32, #tpu.memory_space<hbm>>
        %dma_wait3A_104 = arith.constant 0 : i32
        %dma_wait3A_105 = tpu.memref_slice %arg5[%add3A, %dma_wait3A_104] : memref<10000x128xf32, #tpu.memory_space<vmem_shared>> -> memref<8x128xf32, #tpu.memory_space<vmem_shared>>
        tpu.wait_dma2 semaphore(%run_scoped3A : memref<!tpu.dma_semaphore, #tpu.memory_space<semaphore_mem>>) src(%dma_wait3A_105 : memref<8x128xf32, #tpu.memory_space<vmem_shared>>) dst(%dma_wait3A : memref<8x128xf32, #tpu.memory_space<hbm>>)
        tpu.yield
      }) : () -> ()
    }
    %while3A_95 = arith.constant 1 : i32
    scf.for %while3A_96 = %while3A_93 to %while3A_89 step %while3A_95  : i32 {
      %mul3A_97 = arith.constant 8 : i32
      %mul3A_98 = arith.muli %while3A_96, %mul3A_97 : i32
      %add3A = arith.addi %mul3A_7, %mul3A_98 : i32
      %mul3A_99 = arith.constant 8 : i32
      %mul3A_100 = arith.muli %while3A_96, %mul3A_99 : i32
      %add3A_101 = arith.addi %mul3A_7, %mul3A_100 : i32
      "tpu.region"() ({
        %run_scoped3A = tpu.sem_alloc : memref<!tpu.dma_semaphore, #tpu.memory_space<semaphore_mem>>
        %dma_start3A = tpu.memref_slice %arg4[%add3A_101, %mul3A_0] : memref<10000x256xf32, #tpu.memory_space<hbm>> -> memref<8x128xf32, #tpu.memory_space<hbm>>
        %dma_start3A_102 = arith.constant 0 : i32
        %dma_start3A_103 = tpu.memref_slice %arg5[%add3A, %dma_start3A_102] : memref<10000x128xf32, #tpu.memory_space<vmem_shared>> -> memref<8x128xf32, #tpu.memory_space<vmem_shared>>
        tpu.enqueue_dma source(%dma_start3A_103 : memref<8x128xf32, #tpu.memory_space<vmem_shared>>) target(%dma_start3A : memref<8x128xf32, #tpu.memory_space<hbm>>) target_semaphore(%run_scoped3A : memref<!tpu.dma_semaphore, #tpu.memory_space<semaphore_mem>>)
        %dma_wait3A = tpu.memref_slice %arg4[%add3A_101, %mul3A_0] : memref<10000x256xf32, #tpu.memory_space<hbm>> -> memref<8x128xf32, #tpu.memory_space<hbm>>
        %dma_wait3A_104 = arith.constant 0 : i32
        %dma_wait3A_105 = tpu.memref_slice %arg5[%add3A, %dma_wait3A_104] : memref<10000x128xf32, #tpu.memory_space<vmem_shared>> -> memref<8x128xf32, #tpu.memory_space<vmem_shared>>
        tpu.wait_dma2 semaphore(%run_scoped3A : memref<!tpu.dma_semaphore, #tpu.memory_space<semaphore_mem>>) src(%dma_wait3A_105 : memref<8x128xf32, #tpu.memory_space<vmem_shared>>) dst(%dma_wait3A : memref<8x128xf32, #tpu.memory_space<hbm>>)
        tpu.yield
      }) : () -> ()
    }
    return
  }
}

#map = affine_map<(d0, d1) -> (0, 0)>
#map1 = affine_map<(d0, d1) -> (0)>
module attributes {stable_mosaic.version = 14 : i64} {
  func.func @_gather_body(%arg0: i32, %arg1: i32, %arg2: memref<10000x256xf32, #tpu.memory_space<hbm>>, %arg3: memref<10000x256xf32, #tpu.memory_space<hbm>>, %arg4: memref<160000xi32, #tpu.memory_space<hbm>>, %arg5: memref<160000xi32, #tpu.memory_space<hbm>>, %arg6: memref<160000x256xf32, #tpu.memory_space<hbm>>, %arg7: memref<5000xi32, #tpu.memory_space<vmem>>, %arg8: memref<5000xi32, #tpu.memory_space<vmem>>, %arg9: memref<128x256xf32, #tpu.memory_space<vmem>>, %arg10: memref<128x256xf32, #tpu.memory_space<vmem>>) attributes {dimension_semantics = [#tpu.dimension_semantics<core_parallel>, #tpu.dimension_semantics<subcore_parallel>], iteration_bounds = array<i64: 2, 16>, scalar_prefetch = 0 : i64, scratch_operands = 4 : i64, tpu.core_type = #tpu.core_type<sc_vector_subcore>, window_params = [{transform_indices = #map}, {transform_indices = #map}, {transform_indices = #map1}, {transform_indices = #map1}, {transform_indices = #map}]} {
    %mul3A = arith.constant 2 : i32
    %mul3A_0 = arith.muli %arg1, %mul3A : i32
    %add3A = arith.addi %mul3A_0, %arg0 : i32
    %mul3A_1 = arith.constant 5000 : i32
    %mul3A_2 = arith.muli %add3A, %mul3A_1 : i32
    "tpu.region"() ({
      %run_scoped3A = tpu.sem_alloc : memref<!tpu.dma_semaphore, #tpu.memory_space<semaphore_mem>>
      %dma_start3A = tpu.memref_slice %arg4[%mul3A_2] : memref<160000xi32, #tpu.memory_space<hbm>> -> memref<5000xi32, #tpu.memory_space<hbm>>
      %dma_start3A_16 = tpu.memref_slice %arg4[%mul3A_2] : memref<160000xi32, #tpu.memory_space<hbm>> -> memref<5000xi32, #tpu.memory_space<hbm>>
      tpu.enqueue_dma source(%dma_start3A_16 : memref<5000xi32, #tpu.memory_space<hbm>>) target(%arg7 : memref<5000xi32, #tpu.memory_space<vmem>>) target_semaphore(%run_scoped3A : memref<!tpu.dma_semaphore, #tpu.memory_space<semaphore_mem>>)
      %dma_wait3A = tpu.memref_slice %arg4[%mul3A_2] : memref<160000xi32, #tpu.memory_space<hbm>> -> memref<5000xi32, #tpu.memory_space<hbm>>
      %dma_wait3A_17 = tpu.memref_slice %arg4[%mul3A_2] : memref<160000xi32, #tpu.memory_space<hbm>> -> memref<5000xi32, #tpu.memory_space<hbm>>
      tpu.wait_dma2 semaphore(%run_scoped3A : memref<!tpu.dma_semaphore, #tpu.memory_space<semaphore_mem>>) src(%dma_wait3A_17 : memref<5000xi32, #tpu.memory_space<hbm>>) dst(%arg7 : memref<5000xi32, #tpu.memory_space<vmem>>)
      tpu.yield
    }) : () -> ()
    "tpu.region"() ({
      %run_scoped3A = tpu.sem_alloc : memref<!tpu.dma_semaphore, #tpu.memory_space<semaphore_mem>>
      %dma_start3A = tpu.memref_slice %arg5[%mul3A_2] : memref<160000xi32, #tpu.memory_space<hbm>> -> memref<5000xi32, #tpu.memory_space<hbm>>
      %dma_start3A_16 = tpu.memref_slice %arg5[%mul3A_2] : memref<160000xi32, #tpu.memory_space<hbm>> -> memref<5000xi32, #tpu.memory_space<hbm>>
      tpu.enqueue_dma source(%dma_start3A_16 : memref<5000xi32, #tpu.memory_space<hbm>>) target(%arg8 : memref<5000xi32, #tpu.memory_space<vmem>>) target_semaphore(%run_scoped3A : memref<!tpu.dma_semaphore, #tpu.memory_space<semaphore_mem>>)
      %dma_wait3A = tpu.memref_slice %arg5[%mul3A_2] : memref<160000xi32, #tpu.memory_space<hbm>> -> memref<5000xi32, #tpu.memory_space<hbm>>
      %dma_wait3A_17 = tpu.memref_slice %arg5[%mul3A_2] : memref<160000xi32, #tpu.memory_space<hbm>> -> memref<5000xi32, #tpu.memory_space<hbm>>
      tpu.wait_dma2 semaphore(%run_scoped3A : memref<!tpu.dma_semaphore, #tpu.memory_space<semaphore_mem>>) src(%dma_wait3A_17 : memref<5000xi32, #tpu.memory_space<hbm>>) dst(%arg8 : memref<5000xi32, #tpu.memory_space<vmem>>)
      tpu.yield
    }) : () -> ()
    %scan3A = arith.constant 0 : i32
    %scan3A_3 = arith.constant 0 : i32
    %scan3A_4 = arith.constant 39 : i32
    %scan3A_5 = arith.addi %scan3A_3, %scan3A_4 : i32
    %scan3A_6 = arith.constant 1 : i32
    scf.for %scan3A_16 = %scan3A_3 to %scan3A_5 step %scan3A_6  : i32 {
      %mul3A_17 = arith.constant 128 : i32
      %mul3A_18 = arith.muli %scan3A_16, %mul3A_17 : i32
      "tpu.region"() ({
        %run_scoped3A = tpu.sem_alloc : memref<!tpu.dma_semaphore, #tpu.memory_space<semaphore_mem>>
        %dma_start3A = arith.constant 0 : i32
        %dma_start3A_26 = arith.constant 0 : i32
        %dma_start3A_27 = tpu.memref_slice %arg9[%dma_start3A, %dma_start3A_26] : memref<128x256xf32, #tpu.memory_space<vmem>> -> memref<128x256xf32, #tpu.memory_space<vmem>>
        %dma_start3A_28 = tpu.memref_slice %arg7[%mul3A_18] : memref<5000xi32, #tpu.memory_space<vmem>> -> memref<128xi32, #tpu.memory_space<vmem>>
        %dma_start3A_29 = arith.constant 0 : i32
        %dma_start3A_30 = arith.constant 0 : i32
        %dma_start3A_31 = tpu.memref_slice %arg2[%dma_start3A_29, %dma_start3A_30] : memref<10000x256xf32, #tpu.memory_space<hbm>> -> memref<10000x256xf32, #tpu.memory_space<hbm>>
        tpu.enqueue_indirect_dma source(%dma_start3A_31 : memref<10000x256xf32, #tpu.memory_space<hbm>>) target(%dma_start3A_27 : memref<128x256xf32, #tpu.memory_space<vmem>>) offsets(%dma_start3A_28 : memref<128xi32, #tpu.memory_space<vmem>>) semaphore(%run_scoped3A : memref<!tpu.dma_semaphore, #tpu.memory_space<semaphore_mem>>)
        %dma_wait3A = arith.constant 0 : i32
        %dma_wait3A_32 = arith.constant 0 : i32
        %dma_wait3A_33 = tpu.memref_slice %arg9[%dma_wait3A, %dma_wait3A_32] : memref<128x256xf32, #tpu.memory_space<vmem>> -> memref<128x256xf32, #tpu.memory_space<vmem>>
        %dma_wait3A_34 = tpu.memref_slice %arg7[%mul3A_18] : memref<5000xi32, #tpu.memory_space<vmem>> -> memref<128xi32, #tpu.memory_space<vmem>>
        %dma_wait3A_35 = arith.constant 0 : i32
        %dma_wait3A_36 = arith.constant 0 : i32
        %dma_wait3A_37 = tpu.memref_slice %arg2[%dma_wait3A_35, %dma_wait3A_36] : memref<10000x256xf32, #tpu.memory_space<hbm>> -> memref<10000x256xf32, #tpu.memory_space<hbm>>
        tpu.wait_indirect_dma semaphore(%run_scoped3A : memref<!tpu.dma_semaphore, #tpu.memory_space<semaphore_mem>>) src(%dma_wait3A_37 : memref<10000x256xf32, #tpu.memory_space<hbm>>) dst(%dma_wait3A_33 : memref<128x256xf32, #tpu.memory_space<vmem>>)
        tpu.yield
      }) : () -> ()
      "tpu.region"() ({
        %run_scoped3A = tpu.sem_alloc : memref<!tpu.dma_semaphore, #tpu.memory_space<semaphore_mem>>
        %dma_start3A = arith.constant 0 : i32
        %dma_start3A_26 = arith.constant 0 : i32
        %dma_start3A_27 = tpu.memref_slice %arg10[%dma_start3A, %dma_start3A_26] : memref<128x256xf32, #tpu.memory_space<vmem>> -> memref<128x256xf32, #tpu.memory_space<vmem>>
        %dma_start3A_28 = tpu.memref_slice %arg8[%mul3A_18] : memref<5000xi32, #tpu.memory_space<vmem>> -> memref<128xi32, #tpu.memory_space<vmem>>
        %dma_start3A_29 = arith.constant 0 : i32
        %dma_start3A_30 = arith.constant 0 : i32
        %dma_start3A_31 = tpu.memref_slice %arg3[%dma_start3A_29, %dma_start3A_30] : memref<10000x256xf32, #tpu.memory_space<hbm>> -> memref<10000x256xf32, #tpu.memory_space<hbm>>
        tpu.enqueue_indirect_dma source(%dma_start3A_31 : memref<10000x256xf32, #tpu.memory_space<hbm>>) target(%dma_start3A_27 : memref<128x256xf32, #tpu.memory_space<vmem>>) offsets(%dma_start3A_28 : memref<128xi32, #tpu.memory_space<vmem>>) semaphore(%run_scoped3A : memref<!tpu.dma_semaphore, #tpu.memory_space<semaphore_mem>>)
        %dma_wait3A = arith.constant 0 : i32
        %dma_wait3A_32 = arith.constant 0 : i32
        %dma_wait3A_33 = tpu.memref_slice %arg10[%dma_wait3A, %dma_wait3A_32] : memref<128x256xf32, #tpu.memory_space<vmem>> -> memref<128x256xf32, #tpu.memory_space<vmem>>
        %dma_wait3A_34 = tpu.memref_slice %arg8[%mul3A_18] : memref<5000xi32, #tpu.memory_space<vmem>> -> memref<128xi32, #tpu.memory_space<vmem>>
        %dma_wait3A_35 = arith.constant 0 : i32
        %dma_wait3A_36 = arith.constant 0 : i32
        %dma_wait3A_37 = tpu.memref_slice %arg3[%dma_wait3A_35, %dma_wait3A_36] : memref<10000x256xf32, #tpu.memory_space<hbm>> -> memref<10000x256xf32, #tpu.memory_space<hbm>>
        tpu.wait_indirect_dma semaphore(%run_scoped3A : memref<!tpu.dma_semaphore, #tpu.memory_space<semaphore_mem>>) src(%dma_wait3A_37 : memref<10000x256xf32, #tpu.memory_space<hbm>>) dst(%dma_wait3A_33 : memref<128x256xf32, #tpu.memory_space<vmem>>)
        tpu.yield
      }) : () -> ()
      %scan3A_19 = arith.constant 0 : i32
      %scan3A_20 = arith.constant 0 : i32
      %scan3A_21 = arith.constant 128 : i32
      %scan3A_22 = arith.addi %scan3A_20, %scan3A_21 : i32
      %scan3A_23 = arith.constant 1 : i32
      scf.for %scan3A_26 = %scan3A_20 to %scan3A_22 step %scan3A_23  : i32 {
        %get3A = arith.index_cast %scan3A_26 : i32 to index
        %get3A_27 = arith.constant 0 : index
        %get3A_28 = tpu.vector_load %arg9[%get3A, %get3A_27] {strides = array<i32>} : memref<128x256xf32, #tpu.memory_space<vmem>>, vector<1x16xf32>,
        %get3A_29 = vector.shape_cast %get3A_28 : vector<1x16xf32> to vector<16xf32>
        %get3A_30 = arith.index_cast %scan3A_26 : i32 to index
        %get3A_31 = arith.constant 0 : index
        %get3A_32 = tpu.vector_load %arg10[%get3A_30, %get3A_31] {strides = array<i32>} : memref<128x256xf32, #tpu.memory_space<vmem>>, vector<1x16xf32>,
        %get3A_33 = vector.shape_cast %get3A_32 : vector<1x16xf32> to vector<16xf32>
        %add3A_34 = arith.addf %get3A_29, %get3A_33 : vector<16xf32>
        %max3A = arith.constant 0.000000e+00 : f32
        %max3A_35 = vector.broadcast %max3A : f32 to vector<16xf32>
        %max3A_36 = arith.maximumf %add3A_34, %max3A_35 : vector<16xf32>
        %swap3A = arith.index_cast %scan3A_26 : i32 to index
        %swap3A_37 = arith.constant 0 : index
        %swap3A_38 = tpu.vector_load %arg9[%swap3A, %swap3A_37] {strides = array<i32>} : memref<128x256xf32, #tpu.memory_space<vmem>>, vector<1x16xf32>,
        %swap3A_39 = vector.shape_cast %swap3A_38 : vector<1x16xf32> to vector<16xf32>
        %swap3A_40 = vector.shape_cast %max3A_36 : vector<16xf32> to vector<1x16xf32>
        tpu.vector_store %arg9[%swap3A, %swap3A_37], %swap3A_40 {strides = array<i32>} : memref<128x256xf32, #tpu.memory_space<vmem>>, vector<1x16xf32>,
        %get3A_41 = arith.index_cast %scan3A_26 : i32 to index
        %get3A_42 = arith.constant 16 : index
        %get3A_43 = tpu.vector_load %arg9[%get3A_41, %get3A_42] {strides = array<i32>} : memref<128x256xf32, #tpu.memory_space<vmem>>, vector<1x16xf32>,
        %get3A_44 = vector.shape_cast %get3A_43 : vector<1x16xf32> to vector<16xf32>
        %get3A_45 = arith.index_cast %scan3A_26 : i32 to index
        %get3A_46 = arith.constant 16 : index
        %get3A_47 = tpu.vector_load %arg10[%get3A_45, %get3A_46] {strides = array<i32>} : memref<128x256xf32, #tpu.memory_space<vmem>>, vector<1x16xf32>,
        %get3A_48 = vector.shape_cast %get3A_47 : vector<1x16xf32> to vector<16xf32>
        %add3A_49 = arith.addf %get3A_44, %get3A_48 : vector<16xf32>
        %max3A_50 = arith.constant 0.000000e+00 : f32
        %max3A_51 = vector.broadcast %max3A_50 : f32 to vector<16xf32>
        %max3A_52 = arith.maximumf %add3A_49, %max3A_51 : vector<16xf32>
        %swap3A_53 = arith.index_cast %scan3A_26 : i32 to index
        %swap3A_54 = arith.constant 16 : index
        %swap3A_55 = tpu.vector_load %arg9[%swap3A_53, %swap3A_54] {strides = array<i32>} : memref<128x256xf32, #tpu.memory_space<vmem>>, vector<1x16xf32>,
        %swap3A_56 = vector.shape_cast %swap3A_55 : vector<1x16xf32> to vector<16xf32>
        %swap3A_57 = vector.shape_cast %max3A_52 : vector<16xf32> to vector<1x16xf32>
        tpu.vector_store %arg9[%swap3A_53, %swap3A_54], %swap3A_57 {strides = array<i32>} : memref<128x256xf32, #tpu.memory_space<vmem>>, vector<1x16xf32>,
        %get3A_58 = arith.index_cast %scan3A_26 : i32 to index
        %get3A_59 = arith.constant 32 : index
        %get3A_60 = tpu.vector_load %arg9[%get3A_58, %get3A_59] {strides = array<i32>} : memref<128x256xf32, #tpu.memory_space<vmem>>, vector<1x16xf32>,
        %get3A_61 = vector.shape_cast %get3A_60 : vector<1x16xf32> to vector<16xf32>
        %get3A_62 = arith.index_cast %scan3A_26 : i32 to index
        %get3A_63 = arith.constant 32 : index
        %get3A_64 = tpu.vector_load %arg10[%get3A_62, %get3A_63] {strides = array<i32>} : memref<128x256xf32, #tpu.memory_space<vmem>>, vector<1x16xf32>,
        %get3A_65 = vector.shape_cast %get3A_64 : vector<1x16xf32> to vector<16xf32>
        %add3A_66 = arith.addf %get3A_61, %get3A_65 : vector<16xf32>
        %max3A_67 = arith.constant 0.000000e+00 : f32
        %max3A_68 = vector.broadcast %max3A_67 : f32 to vector<16xf32>
        %max3A_69 = arith.maximumf %add3A_66, %max3A_68 : vector<16xf32>
        %swap3A_70 = arith.index_cast %scan3A_26 : i32 to index
        %swap3A_71 = arith.constant 32 : index
        %swap3A_72 = tpu.vector_load %arg9[%swap3A_70, %swap3A_71] {strides = array<i32>} : memref<128x256xf32, #tpu.memory_space<vmem>>, vector<1x16xf32>,
        %swap3A_73 = vector.shape_cast %swap3A_72 : vector<1x16xf32> to vector<16xf32>
        %swap3A_74 = vector.shape_cast %max3A_69 : vector<16xf32> to vector<1x16xf32>
        tpu.vector_store %arg9[%swap3A_70, %swap3A_71], %swap3A_74 {strides = array<i32>} : memref<128x256xf32, #tpu.memory_space<vmem>>, vector<1x16xf32>,
        %get3A_75 = arith.index_cast %scan3A_26 : i32 to index
        %get3A_76 = arith.constant 48 : index
        %get3A_77 = tpu.vector_load %arg9[%get3A_75, %get3A_76] {strides = array<i32>} : memref<128x256xf32, #tpu.memory_space<vmem>>, vector<1x16xf32>,
        %get3A_78 = vector.shape_cast %get3A_77 : vector<1x16xf32> to vector<16xf32>
        %get3A_79 = arith.index_cast %scan3A_26 : i32 to index
        %get3A_80 = arith.constant 48 : index
        %get3A_81 = tpu.vector_load %arg10[%get3A_79, %get3A_80] {strides = array<i32>} : memref<128x256xf32, #tpu.memory_space<vmem>>, vector<1x16xf32>,
        %get3A_82 = vector.shape_cast %get3A_81 : vector<1x16xf32> to vector<16xf32>
        %add3A_83 = arith.addf %get3A_78, %get3A_82 : vector<16xf32>
        %max3A_84 = arith.constant 0.000000e+00 : f32
        %max3A_85 = vector.broadcast %max3A_84 : f32 to vector<16xf32>
        %max3A_86 = arith.maximumf %add3A_83, %max3A_85 : vector<16xf32>
        %swap3A_87 = arith.index_cast %scan3A_26 : i32 to index
        %swap3A_88 = arith.constant 48 : index
        %swap3A_89 = tpu.vector_load %arg9[%swap3A_87, %swap3A_88] {strides = array<i32>} : memref<128x256xf32, #tpu.memory_space<vmem>>, vector<1x16xf32>,
        %swap3A_90 = vector.shape_cast %swap3A_89 : vector<1x16xf32> to vector<16xf32>
        %swap3A_91 = vector.shape_cast %max3A_86 : vector<16xf32> to vector<1x16xf32>
        tpu.vector_store %arg9[%swap3A_87, %swap3A_88], %swap3A_91 {strides = array<i32>} : memref<128x256xf32, #tpu.memory_space<vmem>>, vector<1x16xf32>,
        %get3A_92 = arith.index_cast %scan3A_26 : i32 to index
        %get3A_93 = arith.constant 64 : index
        %get3A_94 = tpu.vector_load %arg9[%get3A_92, %get3A_93] {strides = array<i32>} : memref<128x256xf32, #tpu.memory_space<vmem>>, vector<1x16xf32>,
        %get3A_95 = vector.shape_cast %get3A_94 : vector<1x16xf32> to vector<16xf32>
        %get3A_96 = arith.index_cast %scan3A_26 : i32 to index
        %get3A_97 = arith.constant 64 : index
        %get3A_98 = tpu.vector_load %arg10[%get3A_96, %get3A_97] {strides = array<i32>} : memref<128x256xf32, #tpu.memory_space<vmem>>, vector<1x16xf32>,
        %get3A_99 = vector.shape_cast %get3A_98 : vector<1x16xf32> to vector<16xf32>
        %add3A_100 = arith.addf %get3A_95, %get3A_99 : vector<16xf32>
        %max3A_101 = arith.constant 0.000000e+00 : f32
        %max3A_102 = vector.broadcast %max3A_101 : f32 to vector<16xf32>
        %max3A_103 = arith.maximumf %add3A_100, %max3A_102 : vector<16xf32>
        %swap3A_104 = arith.index_cast %scan3A_26 : i32 to index
        %swap3A_105 = arith.constant 64 : index
        %swap3A_106 = tpu.vector_load %arg9[%swap3A_104, %swap3A_105] {strides = array<i32>} : memref<128x256xf32, #tpu.memory_space<vmem>>, vector<1x16xf32>,
        %swap3A_107 = vector.shape_cast %swap3A_106 : vector<1x16xf32> to vector<16xf32>
        %swap3A_108 = vector.shape_cast %max3A_103 : vector<16xf32> to vector<1x16xf32>
        tpu.vector_store %arg9[%swap3A_104, %swap3A_105], %swap3A_108 {strides = array<i32>} : memref<128x256xf32, #tpu.memory_space<vmem>>, vector<1x16xf32>,
        %get3A_109 = arith.index_cast %scan3A_26 : i32 to index
        %get3A_110 = arith.constant 80 : index
        %get3A_111 = tpu.vector_load %arg9[%get3A_109, %get3A_110] {strides = array<i32>} : memref<128x256xf32, #tpu.memory_space<vmem>>, vector<1x16xf32>,
        %get3A_112 = vector.shape_cast %get3A_111 : vector<1x16xf32> to vector<16xf32>
        %get3A_113 = arith.index_cast %scan3A_26 : i32 to index
        %get3A_114 = arith.constant 80 : index
        %get3A_115 = tpu.vector_load %arg10[%get3A_113, %get3A_114] {strides = array<i32>} : memref<128x256xf32, #tpu.memory_space<vmem>>, vector<1x16xf32>,
        %get3A_116 = vector.shape_cast %get3A_115 : vector<1x16xf32> to vector<16xf32>
        %add3A_117 = arith.addf %get3A_112, %get3A_116 : vector<16xf32>
        %max3A_118 = arith.constant 0.000000e+00 : f32
        %max3A_119 = vector.broadcast %max3A_118 : f32 to vector<16xf32>
        %max3A_120 = arith.maximumf %add3A_117, %max3A_119 : vector<16xf32>
        %swap3A_121 = arith.index_cast %scan3A_26 : i32 to index
        %swap3A_122 = arith.constant 80 : index
        %swap3A_123 = tpu.vector_load %arg9[%swap3A_121, %swap3A_122] {strides = array<i32>} : memref<128x256xf32, #tpu.memory_space<vmem>>, vector<1x16xf32>,
        %swap3A_124 = vector.shape_cast %swap3A_123 : vector<1x16xf32> to vector<16xf32>
        %swap3A_125 = vector.shape_cast %max3A_120 : vector<16xf32> to vector<1x16xf32>
        tpu.vector_store %arg9[%swap3A_121, %swap3A_122], %swap3A_125 {strides = array<i32>} : memref<128x256xf32, #tpu.memory_space<vmem>>, vector<1x16xf32>,
        %get3A_126 = arith.index_cast %scan3A_26 : i32 to index
        %get3A_127 = arith.constant 96 : index
        %get3A_128 = tpu.vector_load %arg9[%get3A_126, %get3A_127] {strides = array<i32>} : memref<128x256xf32, #tpu.memory_space<vmem>>, vector<1x16xf32>,
        %get3A_129 = vector.shape_cast %get3A_128 : vector<1x16xf32> to vector<16xf32>
        %get3A_130 = arith.index_cast %scan3A_26 : i32 to index
        %get3A_131 = arith.constant 96 : index
        %get3A_132 = tpu.vector_load %arg10[%get3A_130, %get3A_131] {strides = array<i32>} : memref<128x256xf32, #tpu.memory_space<vmem>>, vector<1x16xf32>,
        %get3A_133 = vector.shape_cast %get3A_132 : vector<1x16xf32> to vector<16xf32>
        %add3A_134 = arith.addf %get3A_129, %get3A_133 : vector<16xf32>
        %max3A_135 = arith.constant 0.000000e+00 : f32
        %max3A_136 = vector.broadcast %max3A_135 : f32 to vector<16xf32>
        %max3A_137 = arith.maximumf %add3A_134, %max3A_136 : vector<16xf32>
        %swap3A_138 = arith.index_cast %scan3A_26 : i32 to index
        %swap3A_139 = arith.constant 96 : index
        %swap3A_140 = tpu.vector_load %arg9[%swap3A_138, %swap3A_139] {strides = array<i32>} : memref<128x256xf32, #tpu.memory_space<vmem>>, vector<1x16xf32>,
        %swap3A_141 = vector.shape_cast %swap3A_140 : vector<1x16xf32> to vector<16xf32>
        %swap3A_142 = vector.shape_cast %max3A_137 : vector<16xf32> to vector<1x16xf32>
        tpu.vector_store %arg9[%swap3A_138, %swap3A_139], %swap3A_142 {strides = array<i32>} : memref<128x256xf32, #tpu.memory_space<vmem>>, vector<1x16xf32>,
        %get3A_143 = arith.index_cast %scan3A_26 : i32 to index
        %get3A_144 = arith.constant 112 : index
        %get3A_145 = tpu.vector_load %arg9[%get3A_143, %get3A_144] {strides = array<i32>} : memref<128x256xf32, #tpu.memory_space<vmem>>, vector<1x16xf32>,
        %get3A_146 = vector.shape_cast %get3A_145 : vector<1x16xf32> to vector<16xf32>
        %get3A_147 = arith.index_cast %scan3A_26 : i32 to index
        %get3A_148 = arith.constant 112 : index
        %get3A_149 = tpu.vector_load %arg10[%get3A_147, %get3A_148] {strides = array<i32>} : memref<128x256xf32, #tpu.memory_space<vmem>>, vector<1x16xf32>,
        %get3A_150 = vector.shape_cast %get3A_149 : vector<1x16xf32> to vector<16xf32>
        %add3A_151 = arith.addf %get3A_146, %get3A_150 : vector<16xf32>
        %max3A_152 = arith.constant 0.000000e+00 : f32
        %max3A_153 = vector.broadcast %max3A_152 : f32 to vector<16xf32>
        %max3A_154 = arith.maximumf %add3A_151, %max3A_153 : vector<16xf32>
        %swap3A_155 = arith.index_cast %scan3A_26 : i32 to index
        %swap3A_156 = arith.constant 112 : index
        %swap3A_157 = tpu.vector_load %arg9[%swap3A_155, %swap3A_156] {strides = array<i32>} : memref<128x256xf32, #tpu.memory_space<vmem>>, vector<1x16xf32>,
        %swap3A_158 = vector.shape_cast %swap3A_157 : vector<1x16xf32> to vector<16xf32>
        %swap3A_159 = vector.shape_cast %max3A_154 : vector<16xf32> to vector<1x16xf32>
        tpu.vector_store %arg9[%swap3A_155, %swap3A_156], %swap3A_159 {strides = array<i32>} : memref<128x256xf32, #tpu.memory_space<vmem>>, vector<1x16xf32>,
        %get3A_160 = arith.index_cast %scan3A_26 : i32 to index
        %get3A_161 = arith.constant 128 : index
        %get3A_162 = tpu.vector_load %arg9[%get3A_160, %get3A_161] {strides = array<i32>} : memref<128x256xf32, #tpu.memory_space<vmem>>, vector<1x16xf32>,
        %get3A_163 = vector.shape_cast %get3A_162 : vector<1x16xf32> to vector<16xf32>
        %get3A_164 = arith.index_cast %scan3A_26 : i32 to index
        %get3A_165 = arith.constant 128 : index
        %get3A_166 = tpu.vector_load %arg10[%get3A_164, %get3A_165] {strides = array<i32>} : memref<128x256xf32, #tpu.memory_space<vmem>>, vector<1x16xf32>,
        %get3A_167 = vector.shape_cast %get3A_166 : vector<1x16xf32> to vector<16xf32>
        %add3A_168 = arith.addf %get3A_163, %get3A_167 : vector<16xf32>
        %max3A_169 = arith.constant 0.000000e+00 : f32
        %max3A_170 = vector.broadcast %max3A_169 : f32 to vector<16xf32>
        %max3A_171 = arith.maximumf %add3A_168, %max3A_170 : vector<16xf32>
        %swap3A_172 = arith.index_cast %scan3A_26 : i32 to index
        %swap3A_173 = arith.constant 128 : index
        %swap3A_174 = tpu.vector_load %arg9[%swap3A_172, %swap3A_173] {strides = array<i32>} : memref<128x256xf32, #tpu.memory_space<vmem>>, vector<1x16xf32>,
        %swap3A_175 = vector.shape_cast %swap3A_174 : vector<1x16xf32> to vector<16xf32>
        %swap3A_176 = vector.shape_cast %max3A_171 : vector<16xf32> to vector<1x16xf32>
        tpu.vector_store %arg9[%swap3A_172, %swap3A_173], %swap3A_176 {strides = array<i32>} : memref<128x256xf32, #tpu.memory_space<vmem>>, vector<1x16xf32>,
        %get3A_177 = arith.index_cast %scan3A_26 : i32 to index
        %get3A_178 = arith.constant 144 : index
        %get3A_179 = tpu.vector_load %arg9[%get3A_177, %get3A_178] {strides = array<i32>} : memref<128x256xf32, #tpu.memory_space<vmem>>, vector<1x16xf32>,
        %get3A_180 = vector.shape_cast %get3A_179 : vector<1x16xf32> to vector<16xf32>
        %get3A_181 = arith.index_cast %scan3A_26 : i32 to index
        %get3A_182 = arith.constant 144 : index
        %get3A_183 = tpu.vector_load %arg10[%get3A_181, %get3A_182] {strides = array<i32>} : memref<128x256xf32, #tpu.memory_space<vmem>>, vector<1x16xf32>,
        %get3A_184 = vector.shape_cast %get3A_183 : vector<1x16xf32> to vector<16xf32>
        %add3A_185 = arith.addf %get3A_180, %get3A_184 : vector<16xf32>
        %max3A_186 = arith.constant 0.000000e+00 : f32
        %max3A_187 = vector.broadcast %max3A_186 : f32 to vector<16xf32>
        %max3A_188 = arith.maximumf %add3A_185, %max3A_187 : vector<16xf32>
        %swap3A_189 = arith.index_cast %scan3A_26 : i32 to index
        %swap3A_190 = arith.constant 144 : index
        %swap3A_191 = tpu.vector_load %arg9[%swap3A_189, %swap3A_190] {strides = array<i32>} : memref<128x256xf32, #tpu.memory_space<vmem>>, vector<1x16xf32>,
        %swap3A_192 = vector.shape_cast %swap3A_191 : vector<1x16xf32> to vector<16xf32>
        %swap3A_193 = vector.shape_cast %max3A_188 : vector<16xf32> to vector<1x16xf32>
        tpu.vector_store %arg9[%swap3A_189, %swap3A_190], %swap3A_193 {strides = array<i32>} : memref<128x256xf32, #tpu.memory_space<vmem>>, vector<1x16xf32>,
        %get3A_194 = arith.index_cast %scan3A_26 : i32 to index
        %get3A_195 = arith.constant 160 : index
        %get3A_196 = tpu.vector_load %arg9[%get3A_194, %get3A_195] {strides = array<i32>} : memref<128x256xf32, #tpu.memory_space<vmem>>, vector<1x16xf32>,
        %get3A_197 = vector.shape_cast %get3A_196 : vector<1x16xf32> to vector<16xf32>
        %get3A_198 = arith.index_cast %scan3A_26 : i32 to index
        %get3A_199 = arith.constant 160 : index
        %get3A_200 = tpu.vector_load %arg10[%get3A_198, %get3A_199] {strides = array<i32>} : memref<128x256xf32, #tpu.memory_space<vmem>>, vector<1x16xf32>,
        %get3A_201 = vector.shape_cast %get3A_200 : vector<1x16xf32> to vector<16xf32>
        %add3A_202 = arith.addf %get3A_197, %get3A_201 : vector<16xf32>
        %max3A_203 = arith.constant 0.000000e+00 : f32
        %max3A_204 = vector.broadcast %max3A_203 : f32 to vector<16xf32>
        %max3A_205 = arith.maximumf %add3A_202, %max3A_204 : vector<16xf32>
        %swap3A_206 = arith.index_cast %scan3A_26 : i32 to index
        %swap3A_207 = arith.constant 160 : index
        %swap3A_208 = tpu.vector_load %arg9[%swap3A_206, %swap3A_207] {strides = array<i32>} : memref<128x256xf32, #tpu.memory_space<vmem>>, vector<1x16xf32>,
        %swap3A_209 = vector.shape_cast %swap3A_208 : vector<1x16xf32> to vector<16xf32>
        %swap3A_210 = vector.shape_cast %max3A_205 : vector<16xf32> to vector<1x16xf32>
        tpu.vector_store %arg9[%swap3A_206, %swap3A_207], %swap3A_210 {strides = array<i32>} : memref<128x256xf32, #tpu.memory_space<vmem>>, vector<1x16xf32>,
        %get3A_211 = arith.index_cast %scan3A_26 : i32 to index
        %get3A_212 = arith.constant 176 : index
        %get3A_213 = tpu.vector_load %arg9[%get3A_211, %get3A_212] {strides = array<i32>} : memref<128x256xf32, #tpu.memory_space<vmem>>, vector<1x16xf32>,
        %get3A_214 = vector.shape_cast %get3A_213 : vector<1x16xf32> to vector<16xf32>
        %get3A_215 = arith.index_cast %scan3A_26 : i32 to index
        %get3A_216 = arith.constant 176 : index
        %get3A_217 = tpu.vector_load %arg10[%get3A_215, %get3A_216] {strides = array<i32>} : memref<128x256xf32, #tpu.memory_space<vmem>>, vector<1x16xf32>,
        %get3A_218 = vector.shape_cast %get3A_217 : vector<1x16xf32> to vector<16xf32>
        %add3A_219 = arith.addf %get3A_214, %get3A_218 : vector<16xf32>
        %max3A_220 = arith.constant 0.000000e+00 : f32
        %max3A_221 = vector.broadcast %max3A_220 : f32 to vector<16xf32>
        %max3A_222 = arith.maximumf %add3A_219, %max3A_221 : vector<16xf32>
        %swap3A_223 = arith.index_cast %scan3A_26 : i32 to index
        %swap3A_224 = arith.constant 176 : index
        %swap3A_225 = tpu.vector_load %arg9[%swap3A_223, %swap3A_224] {strides = array<i32>} : memref<128x256xf32, #tpu.memory_space<vmem>>, vector<1x16xf32>,
        %swap3A_226 = vector.shape_cast %swap3A_225 : vector<1x16xf32> to vector<16xf32>
        %swap3A_227 = vector.shape_cast %max3A_222 : vector<16xf32> to vector<1x16xf32>
        tpu.vector_store %arg9[%swap3A_223, %swap3A_224], %swap3A_227 {strides = array<i32>} : memref<128x256xf32, #tpu.memory_space<vmem>>, vector<1x16xf32>,
        %get3A_228 = arith.index_cast %scan3A_26 : i32 to index
        %get3A_229 = arith.constant 192 : index
        %get3A_230 = tpu.vector_load %arg9[%get3A_228, %get3A_229] {strides = array<i32>} : memref<128x256xf32, #tpu.memory_space<vmem>>, vector<1x16xf32>,
        %get3A_231 = vector.shape_cast %get3A_230 : vector<1x16xf32> to vector<16xf32>
        %get3A_232 = arith.index_cast %scan3A_26 : i32 to index
        %get3A_233 = arith.constant 192 : index
        %get3A_234 = tpu.vector_load %arg10[%get3A_232, %get3A_233] {strides = array<i32>} : memref<128x256xf32, #tpu.memory_space<vmem>>, vector<1x16xf32>,
        %get3A_235 = vector.shape_cast %get3A_234 : vector<1x16xf32> to vector<16xf32>
        %add3A_236 = arith.addf %get3A_231, %get3A_235 : vector<16xf32>
        %max3A_237 = arith.constant 0.000000e+00 : f32
        %max3A_238 = vector.broadcast %max3A_237 : f32 to vector<16xf32>
        %max3A_239 = arith.maximumf %add3A_236, %max3A_238 : vector<16xf32>
        %swap3A_240 = arith.index_cast %scan3A_26 : i32 to index
        %swap3A_241 = arith.constant 192 : index
        %swap3A_242 = tpu.vector_load %arg9[%swap3A_240, %swap3A_241] {strides = array<i32>} : memref<128x256xf32, #tpu.memory_space<vmem>>, vector<1x16xf32>,
        %swap3A_243 = vector.shape_cast %swap3A_242 : vector<1x16xf32> to vector<16xf32>
        %swap3A_244 = vector.shape_cast %max3A_239 : vector<16xf32> to vector<1x16xf32>
        tpu.vector_store %arg9[%swap3A_240, %swap3A_241], %swap3A_244 {strides = array<i32>} : memref<128x256xf32, #tpu.memory_space<vmem>>, vector<1x16xf32>,
        %get3A_245 = arith.index_cast %scan3A_26 : i32 to index
        %get3A_246 = arith.constant 208 : index
        %get3A_247 = tpu.vector_load %arg9[%get3A_245, %get3A_246] {strides = array<i32>} : memref<128x256xf32, #tpu.memory_space<vmem>>, vector<1x16xf32>,
        %get3A_248 = vector.shape_cast %get3A_247 : vector<1x16xf32> to vector<16xf32>
        %get3A_249 = arith.index_cast %scan3A_26 : i32 to index
        %get3A_250 = arith.constant 208 : index
        %get3A_251 = tpu.vector_load %arg10[%get3A_249, %get3A_250] {strides = array<i32>} : memref<128x256xf32, #tpu.memory_space<vmem>>, vector<1x16xf32>,
        %get3A_252 = vector.shape_cast %get3A_251 : vector<1x16xf32> to vector<16xf32>
        %add3A_253 = arith.addf %get3A_248, %get3A_252 : vector<16xf32>
        %max3A_254 = arith.constant 0.000000e+00 : f32
        %max3A_255 = vector.broadcast %max3A_254 : f32 to vector<16xf32>
        %max3A_256 = arith.maximumf %add3A_253, %max3A_255 : vector<16xf32>
        %swap3A_257 = arith.index_cast %scan3A_26 : i32 to index
        %swap3A_258 = arith.constant 208 : index
        %swap3A_259 = tpu.vector_load %arg9[%swap3A_257, %swap3A_258] {strides = array<i32>} : memref<128x256xf32, #tpu.memory_space<vmem>>, vector<1x16xf32>,
        %swap3A_260 = vector.shape_cast %swap3A_259 : vector<1x16xf32> to vector<16xf32>
        %swap3A_261 = vector.shape_cast %max3A_256 : vector<16xf32> to vector<1x16xf32>
        tpu.vector_store %arg9[%swap3A_257, %swap3A_258], %swap3A_261 {strides = array<i32>} : memref<128x256xf32, #tpu.memory_space<vmem>>, vector<1x16xf32>,
        %get3A_262 = arith.index_cast %scan3A_26 : i32 to index
        %get3A_263 = arith.constant 224 : index
        %get3A_264 = tpu.vector_load %arg9[%get3A_262, %get3A_263] {strides = array<i32>} : memref<128x256xf32, #tpu.memory_space<vmem>>, vector<1x16xf32>,
        %get3A_265 = vector.shape_cast %get3A_264 : vector<1x16xf32> to vector<16xf32>
        %get3A_266 = arith.index_cast %scan3A_26 : i32 to index
        %get3A_267 = arith.constant 224 : index
        %get3A_268 = tpu.vector_load %arg10[%get3A_266, %get3A_267] {strides = array<i32>} : memref<128x256xf32, #tpu.memory_space<vmem>>, vector<1x16xf32>,
        %get3A_269 = vector.shape_cast %get3A_268 : vector<1x16xf32> to vector<16xf32>
        %add3A_270 = arith.addf %get3A_265, %get3A_269 : vector<16xf32>
        %max3A_271 = arith.constant 0.000000e+00 : f32
        %max3A_272 = vector.broadcast %max3A_271 : f32 to vector<16xf32>
        %max3A_273 = arith.maximumf %add3A_270, %max3A_272 : vector<16xf32>
        %swap3A_274 = arith.index_cast %scan3A_26 : i32 to index
        %swap3A_275 = arith.constant 224 : index
        %swap3A_276 = tpu.vector_load %arg9[%swap3A_274, %swap3A_275] {strides = array<i32>} : memref<128x256xf32, #tpu.memory_space<vmem>>, vector<1x16xf32>,
        %swap3A_277 = vector.shape_cast %swap3A_276 : vector<1x16xf32> to vector<16xf32>
        %swap3A_278 = vector.shape_cast %max3A_273 : vector<16xf32> to vector<1x16xf32>
        tpu.vector_store %arg9[%swap3A_274, %swap3A_275], %swap3A_278 {strides = array<i32>} : memref<128x256xf32, #tpu.memory_space<vmem>>, vector<1x16xf32>,
        %get3A_279 = arith.index_cast %scan3A_26 : i32 to index
        %get3A_280 = arith.constant 240 : index
        %get3A_281 = tpu.vector_load %arg9[%get3A_279, %get3A_280] {strides = array<i32>} : memref<128x256xf32, #tpu.memory_space<vmem>>, vector<1x16xf32>,
        %get3A_282 = vector.shape_cast %get3A_281 : vector<1x16xf32> to vector<16xf32>
        %get3A_283 = arith.index_cast %scan3A_26 : i32 to index
        %get3A_284 = arith.constant 240 : index
        %get3A_285 = tpu.vector_load %arg10[%get3A_283, %get3A_284] {strides = array<i32>} : memref<128x256xf32, #tpu.memory_space<vmem>>, vector<1x16xf32>,
        %get3A_286 = vector.shape_cast %get3A_285 : vector<1x16xf32> to vector<16xf32>
        %add3A_287 = arith.addf %get3A_282, %get3A_286 : vector<16xf32>
        %max3A_288 = arith.constant 0.000000e+00 : f32
        %max3A_289 = vector.broadcast %max3A_288 : f32 to vector<16xf32>
        %max3A_290 = arith.maximumf %add3A_287, %max3A_289 : vector<16xf32>
        %swap3A_291 = arith.index_cast %scan3A_26 : i32 to index
        %swap3A_292 = arith.constant 240 : index
        %swap3A_293 = tpu.vector_load %arg9[%swap3A_291, %swap3A_292] {strides = array<i32>} : memref<128x256xf32, #tpu.memory_space<vmem>>, vector<1x16xf32>,
        %swap3A_294 = vector.shape_cast %swap3A_293 : vector<1x16xf32> to vector<16xf32>
        %swap3A_295 = vector.shape_cast %max3A_290 : vector<16xf32> to vector<1x16xf32>
        tpu.vector_store %arg9[%swap3A_291, %swap3A_292], %swap3A_295 {strides = array<i32>} : memref<128x256xf32, #tpu.memory_space<vmem>>, vector<1x16xf32>,
      }
      %scan3A_24 = arith.constant 128 : i32
      %add3A_25 = arith.addi %mul3A_2, %mul3A_18 : i32
      "tpu.region"() ({
        %run_scoped3A = tpu.sem_alloc : memref<!tpu.dma_semaphore, #tpu.memory_space<semaphore_mem>>
        %dma_start3A = arith.constant 0 : i32
        %dma_start3A_26 = arith.constant 0 : i32
        %dma_start3A_27 = tpu.memref_slice %arg9[%dma_start3A, %dma_start3A_26] : memref<128x256xf32, #tpu.memory_space<vmem>> -> memref<128x256xf32, #tpu.memory_space<vmem>>
        %dma_start3A_28 = arith.constant 0 : i32
        %dma_start3A_29 = tpu.memref_slice %arg6[%add3A_25, %dma_start3A_28] : memref<160000x256xf32, #tpu.memory_space<hbm>> -> memref<128x256xf32, #tpu.memory_space<hbm>>
        %dma_start3A_30 = arith.constant 0 : i32
        %dma_start3A_31 = tpu.memref_slice %arg6[%add3A_25, %dma_start3A_30] : memref<160000x256xf32, #tpu.memory_space<hbm>> -> memref<128x256xf32, #tpu.memory_space<hbm>>
        %dma_start3A_32 = arith.constant 0 : i32
        %dma_start3A_33 = arith.constant 0 : i32
        %dma_start3A_34 = tpu.memref_slice %arg9[%dma_start3A_32, %dma_start3A_33] : memref<128x256xf32, #tpu.memory_space<vmem>> -> memref<128x256xf32, #tpu.memory_space<vmem>>
        tpu.enqueue_dma source(%dma_start3A_34 : memref<128x256xf32, #tpu.memory_space<vmem>>) target(%dma_start3A_31 : memref<128x256xf32, #tpu.memory_space<hbm>>) target_semaphore(%run_scoped3A : memref<!tpu.dma_semaphore, #tpu.memory_space<semaphore_mem>>)
        %dma_wait3A = arith.constant 0 : i32
        %dma_wait3A_35 = arith.constant 0 : i32
        %dma_wait3A_36 = tpu.memref_slice %arg9[%dma_wait3A, %dma_wait3A_35] : memref<128x256xf32, #tpu.memory_space<vmem>> -> memref<128x256xf32, #tpu.memory_space<vmem>>
        %dma_wait3A_37 = arith.constant 0 : i32
        %dma_wait3A_38 = tpu.memref_slice %arg6[%add3A_25, %dma_wait3A_37] : memref<160000x256xf32, #tpu.memory_space<hbm>> -> memref<128x256xf32, #tpu.memory_space<hbm>>
        %dma_wait3A_39 = arith.constant 0 : i32
        %dma_wait3A_40 = tpu.memref_slice %arg6[%add3A_25, %dma_wait3A_39] : memref<160000x256xf32, #tpu.memory_space<hbm>> -> memref<128x256xf32, #tpu.memory_space<hbm>>
        %dma_wait3A_41 = arith.constant 0 : i32
        %dma_wait3A_42 = arith.constant 0 : i32
        %dma_wait3A_43 = tpu.memref_slice %arg9[%dma_wait3A_41, %dma_wait3A_42] : memref<128x256xf32, #tpu.memory_space<vmem>> -> memref<128x256xf32, #tpu.memory_space<vmem>>
        tpu.wait_dma2 semaphore(%run_scoped3A : memref<!tpu.dma_semaphore, #tpu.memory_space<semaphore_mem>>) src(%dma_wait3A_43 : memref<128x256xf32, #tpu.memory_space<vmem>>) dst(%dma_wait3A_40 : memref<128x256xf32, #tpu.memory_space<hbm>>)
        tpu.yield
      }) : () -> ()
    }
    %scan3A_7 = arith.constant 39 : i32
    "tpu.region"() ({
      %run_scoped3A = tpu.sem_alloc : memref<!tpu.dma_semaphore, #tpu.memory_space<semaphore_mem>>
      %dma_start3A = arith.constant 0 : i32
      %dma_start3A_16 = arith.constant 0 : i32
      %dma_start3A_17 = tpu.memref_slice %arg9[%dma_start3A, %dma_start3A_16] : memref<128x256xf32, #tpu.memory_space<vmem>> -> memref<8x256xf32, #tpu.memory_space<vmem>>
      %dma_start3A_18 = arith.constant 4992 : i32
      %dma_start3A_19 = tpu.memref_slice %arg7[%dma_start3A_18] : memref<5000xi32, #tpu.memory_space<vmem>> -> memref<8xi32, #tpu.memory_space<vmem>>
      %dma_start3A_20 = arith.constant 0 : i32
      %dma_start3A_21 = arith.constant 0 : i32
      %dma_start3A_22 = tpu.memref_slice %arg2[%dma_start3A_20, %dma_start3A_21] : memref<10000x256xf32, #tpu.memory_space<hbm>> -> memref<10000x256xf32, #tpu.memory_space<hbm>>
      tpu.enqueue_indirect_dma source(%dma_start3A_22 : memref<10000x256xf32, #tpu.memory_space<hbm>>) target(%dma_start3A_17 : memref<8x256xf32, #tpu.memory_space<vmem>>) offsets(%dma_start3A_19 : memref<8xi32, #tpu.memory_space<vmem>>) semaphore(%run_scoped3A : memref<!tpu.dma_semaphore, #tpu.memory_space<semaphore_mem>>)
      %dma_wait3A = arith.constant 0 : i32
      %dma_wait3A_23 = arith.constant 0 : i32
      %dma_wait3A_24 = tpu.memref_slice %arg9[%dma_wait3A, %dma_wait3A_23] : memref<128x256xf32, #tpu.memory_space<vmem>> -> memref<8x256xf32, #tpu.memory_space<vmem>>
      %dma_wait3A_25 = arith.constant 4992 : i32
      %dma_wait3A_26 = tpu.memref_slice %arg7[%dma_wait3A_25] : memref<5000xi32, #tpu.memory_space<vmem>> -> memref<8xi32, #tpu.memory_space<vmem>>
      %dma_wait3A_27 = arith.constant 0 : i32
      %dma_wait3A_28 = arith.constant 0 : i32
      %dma_wait3A_29 = tpu.memref_slice %arg2[%dma_wait3A_27, %dma_wait3A_28] : memref<10000x256xf32, #tpu.memory_space<hbm>> -> memref<10000x256xf32, #tpu.memory_space<hbm>>
      tpu.wait_indirect_dma semaphore(%run_scoped3A : memref<!tpu.dma_semaphore, #tpu.memory_space<semaphore_mem>>) src(%dma_wait3A_29 : memref<10000x256xf32, #tpu.memory_space<hbm>>) dst(%dma_wait3A_24 : memref<8x256xf32, #tpu.memory_space<vmem>>)
      tpu.yield
    }) : () -> ()
    "tpu.region"() ({
      %run_scoped3A = tpu.sem_alloc : memref<!tpu.dma_semaphore, #tpu.memory_space<semaphore_mem>>
      %dma_start3A = arith.constant 0 : i32
      %dma_start3A_16 = arith.constant 0 : i32
      %dma_start3A_17 = tpu.memref_slice %arg10[%dma_start3A, %dma_start3A_16] : memref<128x256xf32, #tpu.memory_space<vmem>> -> memref<8x256xf32, #tpu.memory_space<vmem>>
      %dma_start3A_18 = arith.constant 4992 : i32
      %dma_start3A_19 = tpu.memref_slice %arg8[%dma_start3A_18] : memref<5000xi32, #tpu.memory_space<vmem>> -> memref<8xi32, #tpu.memory_space<vmem>>
      %dma_start3A_20 = arith.constant 0 : i32
      %dma_start3A_21 = arith.constant 0 : i32
      %dma_start3A_22 = tpu.memref_slice %arg3[%dma_start3A_20, %dma_start3A_21] : memref<10000x256xf32, #tpu.memory_space<hbm>> -> memref<10000x256xf32, #tpu.memory_space<hbm>>
      tpu.enqueue_indirect_dma source(%dma_start3A_22 : memref<10000x256xf32, #tpu.memory_space<hbm>>) target(%dma_start3A_17 : memref<8x256xf32, #tpu.memory_space<vmem>>) offsets(%dma_start3A_19 : memref<8xi32, #tpu.memory_space<vmem>>) semaphore(%run_scoped3A : memref<!tpu.dma_semaphore, #tpu.memory_space<semaphore_mem>>)
      %dma_wait3A = arith.constant 0 : i32
      %dma_wait3A_23 = arith.constant 0 : i32
      %dma_wait3A_24 = tpu.memref_slice %arg10[%dma_wait3A, %dma_wait3A_23] : memref<128x256xf32, #tpu.memory_space<vmem>> -> memref<8x256xf32, #tpu.memory_space<vmem>>
      %dma_wait3A_25 = arith.constant 4992 : i32
      %dma_wait3A_26 = tpu.memref_slice %arg8[%dma_wait3A_25] : memref<5000xi32, #tpu.memory_space<vmem>> -> memref<8xi32, #tpu.memory_space<vmem>>
      %dma_wait3A_27 = arith.constant 0 : i32
      %dma_wait3A_28 = arith.constant 0 : i32
      %dma_wait3A_29 = tpu.memref_slice %arg3[%dma_wait3A_27, %dma_wait3A_28] : memref<10000x256xf32, #tpu.memory_space<hbm>> -> memref<10000x256xf32, #tpu.memory_space<hbm>>
      tpu.wait_indirect_dma semaphore(%run_scoped3A : memref<!tpu.dma_semaphore, #tpu.memory_space<semaphore_mem>>) src(%dma_wait3A_29 : memref<10000x256xf32, #tpu.memory_space<hbm>>) dst(%dma_wait3A_24 : memref<8x256xf32, #tpu.memory_space<vmem>>)
      tpu.yield
    }) : () -> ()
    %scan3A_8 = arith.constant 0 : i32
    %scan3A_9 = arith.constant 0 : i32
    %scan3A_10 = arith.constant 8 : i32
    %scan3A_11 = arith.addi %scan3A_9, %scan3A_10 : i32
    %scan3A_12 = arith.constant 1 : i32
    scf.for %scan3A_16 = %scan3A_9 to %scan3A_11 step %scan3A_12  : i32 {
      %get3A = arith.index_cast %scan3A_16 : i32 to index
      %get3A_17 = arith.constant 0 : index
      %get3A_18 = tpu.vector_load %arg9[%get3A, %get3A_17] {strides = array<i32>} : memref<128x256xf32, #tpu.memory_space<vmem>>, vector<1x16xf32>,
      %get3A_19 = vector.shape_cast %get3A_18 : vector<1x16xf32> to vector<16xf32>
      %get3A_20 = arith.index_cast %scan3A_16 : i32 to index
      %get3A_21 = arith.constant 0 : index
      %get3A_22 = tpu.vector_load %arg10[%get3A_20, %get3A_21] {strides = array<i32>} : memref<128x256xf32, #tpu.memory_space<vmem>>, vector<1x16xf32>,
      %get3A_23 = vector.shape_cast %get3A_22 : vector<1x16xf32> to vector<16xf32>
      %add3A_24 = arith.addf %get3A_19, %get3A_23 : vector<16xf32>
      %max3A = arith.constant 0.000000e+00 : f32
      %max3A_25 = vector.broadcast %max3A : f32 to vector<16xf32>
      %max3A_26 = arith.maximumf %add3A_24, %max3A_25 : vector<16xf32>
      %swap3A = arith.index_cast %scan3A_16 : i32 to index
      %swap3A_27 = arith.constant 0 : index
      %swap3A_28 = tpu.vector_load %arg9[%swap3A, %swap3A_27] {strides = array<i32>} : memref<128x256xf32, #tpu.memory_space<vmem>>, vector<1x16xf32>,
      %swap3A_29 = vector.shape_cast %swap3A_28 : vector<1x16xf32> to vector<16xf32>
      %swap3A_30 = vector.shape_cast %max3A_26 : vector<16xf32> to vector<1x16xf32>
      tpu.vector_store %arg9[%swap3A, %swap3A_27], %swap3A_30 {strides = array<i32>} : memref<128x256xf32, #tpu.memory_space<vmem>>, vector<1x16xf32>,
      %get3A_31 = arith.index_cast %scan3A_16 : i32 to index
      %get3A_32 = arith.constant 16 : index
      %get3A_33 = tpu.vector_load %arg9[%get3A_31, %get3A_32] {strides = array<i32>} : memref<128x256xf32, #tpu.memory_space<vmem>>, vector<1x16xf32>,
      %get3A_34 = vector.shape_cast %get3A_33 : vector<1x16xf32> to vector<16xf32>
      %get3A_35 = arith.index_cast %scan3A_16 : i32 to index
      %get3A_36 = arith.constant 16 : index
      %get3A_37 = tpu.vector_load %arg10[%get3A_35, %get3A_36] {strides = array<i32>} : memref<128x256xf32, #tpu.memory_space<vmem>>, vector<1x16xf32>,
      %get3A_38 = vector.shape_cast %get3A_37 : vector<1x16xf32> to vector<16xf32>
      %add3A_39 = arith.addf %get3A_34, %get3A_38 : vector<16xf32>
      %max3A_40 = arith.constant 0.000000e+00 : f32
      %max3A_41 = vector.broadcast %max3A_40 : f32 to vector<16xf32>
      %max3A_42 = arith.maximumf %add3A_39, %max3A_41 : vector<16xf32>
      %swap3A_43 = arith.index_cast %scan3A_16 : i32 to index
      %swap3A_44 = arith.constant 16 : index
      %swap3A_45 = tpu.vector_load %arg9[%swap3A_43, %swap3A_44] {strides = array<i32>} : memref<128x256xf32, #tpu.memory_space<vmem>>, vector<1x16xf32>,
      %swap3A_46 = vector.shape_cast %swap3A_45 : vector<1x16xf32> to vector<16xf32>
      %swap3A_47 = vector.shape_cast %max3A_42 : vector<16xf32> to vector<1x16xf32>
      tpu.vector_store %arg9[%swap3A_43, %swap3A_44], %swap3A_47 {strides = array<i32>} : memref<128x256xf32, #tpu.memory_space<vmem>>, vector<1x16xf32>,
      %get3A_48 = arith.index_cast %scan3A_16 : i32 to index
      %get3A_49 = arith.constant 32 : index
      %get3A_50 = tpu.vector_load %arg9[%get3A_48, %get3A_49] {strides = array<i32>} : memref<128x256xf32, #tpu.memory_space<vmem>>, vector<1x16xf32>,
      %get3A_51 = vector.shape_cast %get3A_50 : vector<1x16xf32> to vector<16xf32>
      %get3A_52 = arith.index_cast %scan3A_16 : i32 to index
      %get3A_53 = arith.constant 32 : index
      %get3A_54 = tpu.vector_load %arg10[%get3A_52, %get3A_53] {strides = array<i32>} : memref<128x256xf32, #tpu.memory_space<vmem>>, vector<1x16xf32>,
      %get3A_55 = vector.shape_cast %get3A_54 : vector<1x16xf32> to vector<16xf32>
      %add3A_56 = arith.addf %get3A_51, %get3A_55 : vector<16xf32>
      %max3A_57 = arith.constant 0.000000e+00 : f32
      %max3A_58 = vector.broadcast %max3A_57 : f32 to vector<16xf32>
      %max3A_59 = arith.maximumf %add3A_56, %max3A_58 : vector<16xf32>
      %swap3A_60 = arith.index_cast %scan3A_16 : i32 to index
      %swap3A_61 = arith.constant 32 : index
      %swap3A_62 = tpu.vector_load %arg9[%swap3A_60, %swap3A_61] {strides = array<i32>} : memref<128x256xf32, #tpu.memory_space<vmem>>, vector<1x16xf32>,
      %swap3A_63 = vector.shape_cast %swap3A_62 : vector<1x16xf32> to vector<16xf32>
      %swap3A_64 = vector.shape_cast %max3A_59 : vector<16xf32> to vector<1x16xf32>
      tpu.vector_store %arg9[%swap3A_60, %swap3A_61], %swap3A_64 {strides = array<i32>} : memref<128x256xf32, #tpu.memory_space<vmem>>, vector<1x16xf32>,
      %get3A_65 = arith.index_cast %scan3A_16 : i32 to index
      %get3A_66 = arith.constant 48 : index
      %get3A_67 = tpu.vector_load %arg9[%get3A_65, %get3A_66] {strides = array<i32>} : memref<128x256xf32, #tpu.memory_space<vmem>>, vector<1x16xf32>,
      %get3A_68 = vector.shape_cast %get3A_67 : vector<1x16xf32> to vector<16xf32>
      %get3A_69 = arith.index_cast %scan3A_16 : i32 to index
      %get3A_70 = arith.constant 48 : index
      %get3A_71 = tpu.vector_load %arg10[%get3A_69, %get3A_70] {strides = array<i32>} : memref<128x256xf32, #tpu.memory_space<vmem>>, vector<1x16xf32>,
      %get3A_72 = vector.shape_cast %get3A_71 : vector<1x16xf32> to vector<16xf32>
      %add3A_73 = arith.addf %get3A_68, %get3A_72 : vector<16xf32>
      %max3A_74 = arith.constant 0.000000e+00 : f32
      %max3A_75 = vector.broadcast %max3A_74 : f32 to vector<16xf32>
      %max3A_76 = arith.maximumf %add3A_73, %max3A_75 : vector<16xf32>
      %swap3A_77 = arith.index_cast %scan3A_16 : i32 to index
      %swap3A_78 = arith.constant 48 : index
      %swap3A_79 = tpu.vector_load %arg9[%swap3A_77, %swap3A_78] {strides = array<i32>} : memref<128x256xf32, #tpu.memory_space<vmem>>, vector<1x16xf32>,
      %swap3A_80 = vector.shape_cast %swap3A_79 : vector<1x16xf32> to vector<16xf32>
      %swap3A_81 = vector.shape_cast %max3A_76 : vector<16xf32> to vector<1x16xf32>
      tpu.vector_store %arg9[%swap3A_77, %swap3A_78], %swap3A_81 {strides = array<i32>} : memref<128x256xf32, #tpu.memory_space<vmem>>, vector<1x16xf32>,
      %get3A_82 = arith.index_cast %scan3A_16 : i32 to index
      %get3A_83 = arith.constant 64 : index
      %get3A_84 = tpu.vector_load %arg9[%get3A_82, %get3A_83] {strides = array<i32>} : memref<128x256xf32, #tpu.memory_space<vmem>>, vector<1x16xf32>,
      %get3A_85 = vector.shape_cast %get3A_84 : vector<1x16xf32> to vector<16xf32>
      %get3A_86 = arith.index_cast %scan3A_16 : i32 to index
      %get3A_87 = arith.constant 64 : index
      %get3A_88 = tpu.vector_load %arg10[%get3A_86, %get3A_87] {strides = array<i32>} : memref<128x256xf32, #tpu.memory_space<vmem>>, vector<1x16xf32>,
      %get3A_89 = vector.shape_cast %get3A_88 : vector<1x16xf32> to vector<16xf32>
      %add3A_90 = arith.addf %get3A_85, %get3A_89 : vector<16xf32>
      %max3A_91 = arith.constant 0.000000e+00 : f32
      %max3A_92 = vector.broadcast %max3A_91 : f32 to vector<16xf32>
      %max3A_93 = arith.maximumf %add3A_90, %max3A_92 : vector<16xf32>
      %swap3A_94 = arith.index_cast %scan3A_16 : i32 to index
      %swap3A_95 = arith.constant 64 : index
      %swap3A_96 = tpu.vector_load %arg9[%swap3A_94, %swap3A_95] {strides = array<i32>} : memref<128x256xf32, #tpu.memory_space<vmem>>, vector<1x16xf32>,
      %swap3A_97 = vector.shape_cast %swap3A_96 : vector<1x16xf32> to vector<16xf32>
      %swap3A_98 = vector.shape_cast %max3A_93 : vector<16xf32> to vector<1x16xf32>
      tpu.vector_store %arg9[%swap3A_94, %swap3A_95], %swap3A_98 {strides = array<i32>} : memref<128x256xf32, #tpu.memory_space<vmem>>, vector<1x16xf32>,
      %get3A_99 = arith.index_cast %scan3A_16 : i32 to index
      %get3A_100 = arith.constant 80 : index
      %get3A_101 = tpu.vector_load %arg9[%get3A_99, %get3A_100] {strides = array<i32>} : memref<128x256xf32, #tpu.memory_space<vmem>>, vector<1x16xf32>,
      %get3A_102 = vector.shape_cast %get3A_101 : vector<1x16xf32> to vector<16xf32>
      %get3A_103 = arith.index_cast %scan3A_16 : i32 to index
      %get3A_104 = arith.constant 80 : index
      %get3A_105 = tpu.vector_load %arg10[%get3A_103, %get3A_104] {strides = array<i32>} : memref<128x256xf32, #tpu.memory_space<vmem>>, vector<1x16xf32>,
      %get3A_106 = vector.shape_cast %get3A_105 : vector<1x16xf32> to vector<16xf32>
      %add3A_107 = arith.addf %get3A_102, %get3A_106 : vector<16xf32>
      %max3A_108 = arith.constant 0.000000e+00 : f32
      %max3A_109 = vector.broadcast %max3A_108 : f32 to vector<16xf32>
      %max3A_110 = arith.maximumf %add3A_107, %max3A_109 : vector<16xf32>
      %swap3A_111 = arith.index_cast %scan3A_16 : i32 to index
      %swap3A_112 = arith.constant 80 : index
      %swap3A_113 = tpu.vector_load %arg9[%swap3A_111, %swap3A_112] {strides = array<i32>} : memref<128x256xf32, #tpu.memory_space<vmem>>, vector<1x16xf32>,
      %swap3A_114 = vector.shape_cast %swap3A_113 : vector<1x16xf32> to vector<16xf32>
      %swap3A_115 = vector.shape_cast %max3A_110 : vector<16xf32> to vector<1x16xf32>
      tpu.vector_store %arg9[%swap3A_111, %swap3A_112], %swap3A_115 {strides = array<i32>} : memref<128x256xf32, #tpu.memory_space<vmem>>, vector<1x16xf32>,
      %get3A_116 = arith.index_cast %scan3A_16 : i32 to index
      %get3A_117 = arith.constant 96 : index
      %get3A_118 = tpu.vector_load %arg9[%get3A_116, %get3A_117] {strides = array<i32>} : memref<128x256xf32, #tpu.memory_space<vmem>>, vector<1x16xf32>,
      %get3A_119 = vector.shape_cast %get3A_118 : vector<1x16xf32> to vector<16xf32>
      %get3A_120 = arith.index_cast %scan3A_16 : i32 to index
      %get3A_121 = arith.constant 96 : index
      %get3A_122 = tpu.vector_load %arg10[%get3A_120, %get3A_121] {strides = array<i32>} : memref<128x256xf32, #tpu.memory_space<vmem>>, vector<1x16xf32>,
      %get3A_123 = vector.shape_cast %get3A_122 : vector<1x16xf32> to vector<16xf32>
      %add3A_124 = arith.addf %get3A_119, %get3A_123 : vector<16xf32>
      %max3A_125 = arith.constant 0.000000e+00 : f32
      %max3A_126 = vector.broadcast %max3A_125 : f32 to vector<16xf32>
      %max3A_127 = arith.maximumf %add3A_124, %max3A_126 : vector<16xf32>
      %swap3A_128 = arith.index_cast %scan3A_16 : i32 to index
      %swap3A_129 = arith.constant 96 : index
      %swap3A_130 = tpu.vector_load %arg9[%swap3A_128, %swap3A_129] {strides = array<i32>} : memref<128x256xf32, #tpu.memory_space<vmem>>, vector<1x16xf32>,
      %swap3A_131 = vector.shape_cast %swap3A_130 : vector<1x16xf32> to vector<16xf32>
      %swap3A_132 = vector.shape_cast %max3A_127 : vector<16xf32> to vector<1x16xf32>
      tpu.vector_store %arg9[%swap3A_128, %swap3A_129], %swap3A_132 {strides = array<i32>} : memref<128x256xf32, #tpu.memory_space<vmem>>, vector<1x16xf32>,
      %get3A_133 = arith.index_cast %scan3A_16 : i32 to index
      %get3A_134 = arith.constant 112 : index
      %get3A_135 = tpu.vector_load %arg9[%get3A_133, %get3A_134] {strides = array<i32>} : memref<128x256xf32, #tpu.memory_space<vmem>>, vector<1x16xf32>,
      %get3A_136 = vector.shape_cast %get3A_135 : vector<1x16xf32> to vector<16xf32>
      %get3A_137 = arith.index_cast %scan3A_16 : i32 to index
      %get3A_138 = arith.constant 112 : index
      %get3A_139 = tpu.vector_load %arg10[%get3A_137, %get3A_138] {strides = array<i32>} : memref<128x256xf32, #tpu.memory_space<vmem>>, vector<1x16xf32>,
      %get3A_140 = vector.shape_cast %get3A_139 : vector<1x16xf32> to vector<16xf32>
      %add3A_141 = arith.addf %get3A_136, %get3A_140 : vector<16xf32>
      %max3A_142 = arith.constant 0.000000e+00 : f32
      %max3A_143 = vector.broadcast %max3A_142 : f32 to vector<16xf32>
      %max3A_144 = arith.maximumf %add3A_141, %max3A_143 : vector<16xf32>
      %swap3A_145 = arith.index_cast %scan3A_16 : i32 to index
      %swap3A_146 = arith.constant 112 : index
      %swap3A_147 = tpu.vector_load %arg9[%swap3A_145, %swap3A_146] {strides = array<i32>} : memref<128x256xf32, #tpu.memory_space<vmem>>, vector<1x16xf32>,
      %swap3A_148 = vector.shape_cast %swap3A_147 : vector<1x16xf32> to vector<16xf32>
      %swap3A_149 = vector.shape_cast %max3A_144 : vector<16xf32> to vector<1x16xf32>
      tpu.vector_store %arg9[%swap3A_145, %swap3A_146], %swap3A_149 {strides = array<i32>} : memref<128x256xf32, #tpu.memory_space<vmem>>, vector<1x16xf32>,
      %get3A_150 = arith.index_cast %scan3A_16 : i32 to index
      %get3A_151 = arith.constant 128 : index
      %get3A_152 = tpu.vector_load %arg9[%get3A_150, %get3A_151] {strides = array<i32>} : memref<128x256xf32, #tpu.memory_space<vmem>>, vector<1x16xf32>,
      %get3A_153 = vector.shape_cast %get3A_152 : vector<1x16xf32> to vector<16xf32>
      %get3A_154 = arith.index_cast %scan3A_16 : i32 to index
      %get3A_155 = arith.constant 128 : index
      %get3A_156 = tpu.vector_load %arg10[%get3A_154, %get3A_155] {strides = array<i32>} : memref<128x256xf32, #tpu.memory_space<vmem>>, vector<1x16xf32>,
      %get3A_157 = vector.shape_cast %get3A_156 : vector<1x16xf32> to vector<16xf32>
      %add3A_158 = arith.addf %get3A_153, %get3A_157 : vector<16xf32>
      %max3A_159 = arith.constant 0.000000e+00 : f32
      %max3A_160 = vector.broadcast %max3A_159 : f32 to vector<16xf32>
      %max3A_161 = arith.maximumf %add3A_158, %max3A_160 : vector<16xf32>
      %swap3A_162 = arith.index_cast %scan3A_16 : i32 to index
      %swap3A_163 = arith.constant 128 : index
      %swap3A_164 = tpu.vector_load %arg9[%swap3A_162, %swap3A_163] {strides = array<i32>} : memref<128x256xf32, #tpu.memory_space<vmem>>, vector<1x16xf32>,
      %swap3A_165 = vector.shape_cast %swap3A_164 : vector<1x16xf32> to vector<16xf32>
      %swap3A_166 = vector.shape_cast %max3A_161 : vector<16xf32> to vector<1x16xf32>
      tpu.vector_store %arg9[%swap3A_162, %swap3A_163], %swap3A_166 {strides = array<i32>} : memref<128x256xf32, #tpu.memory_space<vmem>>, vector<1x16xf32>,
      %get3A_167 = arith.index_cast %scan3A_16 : i32 to index
      %get3A_168 = arith.constant 144 : index
      %get3A_169 = tpu.vector_load %arg9[%get3A_167, %get3A_168] {strides = array<i32>} : memref<128x256xf32, #tpu.memory_space<vmem>>, vector<1x16xf32>,
      %get3A_170 = vector.shape_cast %get3A_169 : vector<1x16xf32> to vector<16xf32>
      %get3A_171 = arith.index_cast %scan3A_16 : i32 to index
      %get3A_172 = arith.constant 144 : index
      %get3A_173 = tpu.vector_load %arg10[%get3A_171, %get3A_172] {strides = array<i32>} : memref<128x256xf32, #tpu.memory_space<vmem>>, vector<1x16xf32>,
      %get3A_174 = vector.shape_cast %get3A_173 : vector<1x16xf32> to vector<16xf32>
      %add3A_175 = arith.addf %get3A_170, %get3A_174 : vector<16xf32>
      %max3A_176 = arith.constant 0.000000e+00 : f32
      %max3A_177 = vector.broadcast %max3A_176 : f32 to vector<16xf32>
      %max3A_178 = arith.maximumf %add3A_175, %max3A_177 : vector<16xf32>
      %swap3A_179 = arith.index_cast %scan3A_16 : i32 to index
      %swap3A_180 = arith.constant 144 : index
      %swap3A_181 = tpu.vector_load %arg9[%swap3A_179, %swap3A_180] {strides = array<i32>} : memref<128x256xf32, #tpu.memory_space<vmem>>, vector<1x16xf32>,
      %swap3A_182 = vector.shape_cast %swap3A_181 : vector<1x16xf32> to vector<16xf32>
      %swap3A_183 = vector.shape_cast %max3A_178 : vector<16xf32> to vector<1x16xf32>
      tpu.vector_store %arg9[%swap3A_179, %swap3A_180], %swap3A_183 {strides = array<i32>} : memref<128x256xf32, #tpu.memory_space<vmem>>, vector<1x16xf32>,
      %get3A_184 = arith.index_cast %scan3A_16 : i32 to index
      %get3A_185 = arith.constant 160 : index
      %get3A_186 = tpu.vector_load %arg9[%get3A_184, %get3A_185] {strides = array<i32>} : memref<128x256xf32, #tpu.memory_space<vmem>>, vector<1x16xf32>,
      %get3A_187 = vector.shape_cast %get3A_186 : vector<1x16xf32> to vector<16xf32>
      %get3A_188 = arith.index_cast %scan3A_16 : i32 to index
      %get3A_189 = arith.constant 160 : index
      %get3A_190 = tpu.vector_load %arg10[%get3A_188, %get3A_189] {strides = array<i32>} : memref<128x256xf32, #tpu.memory_space<vmem>>, vector<1x16xf32>,
      %get3A_191 = vector.shape_cast %get3A_190 : vector<1x16xf32> to vector<16xf32>
      %add3A_192 = arith.addf %get3A_187, %get3A_191 : vector<16xf32>
      %max3A_193 = arith.constant 0.000000e+00 : f32
      %max3A_194 = vector.broadcast %max3A_193 : f32 to vector<16xf32>
      %max3A_195 = arith.maximumf %add3A_192, %max3A_194 : vector<16xf32>
      %swap3A_196 = arith.index_cast %scan3A_16 : i32 to index
      %swap3A_197 = arith.constant 160 : index
      %swap3A_198 = tpu.vector_load %arg9[%swap3A_196, %swap3A_197] {strides = array<i32>} : memref<128x256xf32, #tpu.memory_space<vmem>>, vector<1x16xf32>,
      %swap3A_199 = vector.shape_cast %swap3A_198 : vector<1x16xf32> to vector<16xf32>
      %swap3A_200 = vector.shape_cast %max3A_195 : vector<16xf32> to vector<1x16xf32>
      tpu.vector_store %arg9[%swap3A_196, %swap3A_197], %swap3A_200 {strides = array<i32>} : memref<128x256xf32, #tpu.memory_space<vmem>>, vector<1x16xf32>,
      %get3A_201 = arith.index_cast %scan3A_16 : i32 to index
      %get3A_202 = arith.constant 176 : index
      %get3A_203 = tpu.vector_load %arg9[%get3A_201, %get3A_202] {strides = array<i32>} : memref<128x256xf32, #tpu.memory_space<vmem>>, vector<1x16xf32>,
      %get3A_204 = vector.shape_cast %get3A_203 : vector<1x16xf32> to vector<16xf32>
      %get3A_205 = arith.index_cast %scan3A_16 : i32 to index
      %get3A_206 = arith.constant 176 : index
      %get3A_207 = tpu.vector_load %arg10[%get3A_205, %get3A_206] {strides = array<i32>} : memref<128x256xf32, #tpu.memory_space<vmem>>, vector<1x16xf32>,
      %get3A_208 = vector.shape_cast %get3A_207 : vector<1x16xf32> to vector<16xf32>
      %add3A_209 = arith.addf %get3A_204, %get3A_208 : vector<16xf32>
      %max3A_210 = arith.constant 0.000000e+00 : f32
      %max3A_211 = vector.broadcast %max3A_210 : f32 to vector<16xf32>
      %max3A_212 = arith.maximumf %add3A_209, %max3A_211 : vector<16xf32>
      %swap3A_213 = arith.index_cast %scan3A_16 : i32 to index
      %swap3A_214 = arith.constant 176 : index
      %swap3A_215 = tpu.vector_load %arg9[%swap3A_213, %swap3A_214] {strides = array<i32>} : memref<128x256xf32, #tpu.memory_space<vmem>>, vector<1x16xf32>,
      %swap3A_216 = vector.shape_cast %swap3A_215 : vector<1x16xf32> to vector<16xf32>
      %swap3A_217 = vector.shape_cast %max3A_212 : vector<16xf32> to vector<1x16xf32>
      tpu.vector_store %arg9[%swap3A_213, %swap3A_214], %swap3A_217 {strides = array<i32>} : memref<128x256xf32, #tpu.memory_space<vmem>>, vector<1x16xf32>,
      %get3A_218 = arith.index_cast %scan3A_16 : i32 to index
      %get3A_219 = arith.constant 192 : index
      %get3A_220 = tpu.vector_load %arg9[%get3A_218, %get3A_219] {strides = array<i32>} : memref<128x256xf32, #tpu.memory_space<vmem>>, vector<1x16xf32>,
      %get3A_221 = vector.shape_cast %get3A_220 : vector<1x16xf32> to vector<16xf32>
      %get3A_222 = arith.index_cast %scan3A_16 : i32 to index
      %get3A_223 = arith.constant 192 : index
      %get3A_224 = tpu.vector_load %arg10[%get3A_222, %get3A_223] {strides = array<i32>} : memref<128x256xf32, #tpu.memory_space<vmem>>, vector<1x16xf32>,
      %get3A_225 = vector.shape_cast %get3A_224 : vector<1x16xf32> to vector<16xf32>
      %add3A_226 = arith.addf %get3A_221, %get3A_225 : vector<16xf32>
      %max3A_227 = arith.constant 0.000000e+00 : f32
      %max3A_228 = vector.broadcast %max3A_227 : f32 to vector<16xf32>
      %max3A_229 = arith.maximumf %add3A_226, %max3A_228 : vector<16xf32>
      %swap3A_230 = arith.index_cast %scan3A_16 : i32 to index
      %swap3A_231 = arith.constant 192 : index
      %swap3A_232 = tpu.vector_load %arg9[%swap3A_230, %swap3A_231] {strides = array<i32>} : memref<128x256xf32, #tpu.memory_space<vmem>>, vector<1x16xf32>,
      %swap3A_233 = vector.shape_cast %swap3A_232 : vector<1x16xf32> to vector<16xf32>
      %swap3A_234 = vector.shape_cast %max3A_229 : vector<16xf32> to vector<1x16xf32>
      tpu.vector_store %arg9[%swap3A_230, %swap3A_231], %swap3A_234 {strides = array<i32>} : memref<128x256xf32, #tpu.memory_space<vmem>>, vector<1x16xf32>,
      %get3A_235 = arith.index_cast %scan3A_16 : i32 to index
      %get3A_236 = arith.constant 208 : index
      %get3A_237 = tpu.vector_load %arg9[%get3A_235, %get3A_236] {strides = array<i32>} : memref<128x256xf32, #tpu.memory_space<vmem>>, vector<1x16xf32>,
      %get3A_238 = vector.shape_cast %get3A_237 : vector<1x16xf32> to vector<16xf32>
      %get3A_239 = arith.index_cast %scan3A_16 : i32 to index
      %get3A_240 = arith.constant 208 : index
      %get3A_241 = tpu.vector_load %arg10[%get3A_239, %get3A_240] {strides = array<i32>} : memref<128x256xf32, #tpu.memory_space<vmem>>, vector<1x16xf32>,
      %get3A_242 = vector.shape_cast %get3A_241 : vector<1x16xf32> to vector<16xf32>
      %add3A_243 = arith.addf %get3A_238, %get3A_242 : vector<16xf32>
      %max3A_244 = arith.constant 0.000000e+00 : f32
      %max3A_245 = vector.broadcast %max3A_244 : f32 to vector<16xf32>
      %max3A_246 = arith.maximumf %add3A_243, %max3A_245 : vector<16xf32>
      %swap3A_247 = arith.index_cast %scan3A_16 : i32 to index
      %swap3A_248 = arith.constant 208 : index
      %swap3A_249 = tpu.vector_load %arg9[%swap3A_247, %swap3A_248] {strides = array<i32>} : memref<128x256xf32, #tpu.memory_space<vmem>>, vector<1x16xf32>,
      %swap3A_250 = vector.shape_cast %swap3A_249 : vector<1x16xf32> to vector<16xf32>
      %swap3A_251 = vector.shape_cast %max3A_246 : vector<16xf32> to vector<1x16xf32>
      tpu.vector_store %arg9[%swap3A_247, %swap3A_248], %swap3A_251 {strides = array<i32>} : memref<128x256xf32, #tpu.memory_space<vmem>>, vector<1x16xf32>,
      %get3A_252 = arith.index_cast %scan3A_16 : i32 to index
      %get3A_253 = arith.constant 224 : index
      %get3A_254 = tpu.vector_load %arg9[%get3A_252, %get3A_253] {strides = array<i32>} : memref<128x256xf32, #tpu.memory_space<vmem>>, vector<1x16xf32>,
      %get3A_255 = vector.shape_cast %get3A_254 : vector<1x16xf32> to vector<16xf32>
      %get3A_256 = arith.index_cast %scan3A_16 : i32 to index
      %get3A_257 = arith.constant 224 : index
      %get3A_258 = tpu.vector_load %arg10[%get3A_256, %get3A_257] {strides = array<i32>} : memref<128x256xf32, #tpu.memory_space<vmem>>, vector<1x16xf32>,
      %get3A_259 = vector.shape_cast %get3A_258 : vector<1x16xf32> to vector<16xf32>
      %add3A_260 = arith.addf %get3A_255, %get3A_259 : vector<16xf32>
      %max3A_261 = arith.constant 0.000000e+00 : f32
      %max3A_262 = vector.broadcast %max3A_261 : f32 to vector<16xf32>
      %max3A_263 = arith.maximumf %add3A_260, %max3A_262 : vector<16xf32>
      %swap3A_264 = arith.index_cast %scan3A_16 : i32 to index
      %swap3A_265 = arith.constant 224 : index
      %swap3A_266 = tpu.vector_load %arg9[%swap3A_264, %swap3A_265] {strides = array<i32>} : memref<128x256xf32, #tpu.memory_space<vmem>>, vector<1x16xf32>,
      %swap3A_267 = vector.shape_cast %swap3A_266 : vector<1x16xf32> to vector<16xf32>
      %swap3A_268 = vector.shape_cast %max3A_263 : vector<16xf32> to vector<1x16xf32>
      tpu.vector_store %arg9[%swap3A_264, %swap3A_265], %swap3A_268 {strides = array<i32>} : memref<128x256xf32, #tpu.memory_space<vmem>>, vector<1x16xf32>,
      %get3A_269 = arith.index_cast %scan3A_16 : i32 to index
      %get3A_270 = arith.constant 240 : index
      %get3A_271 = tpu.vector_load %arg9[%get3A_269, %get3A_270] {strides = array<i32>} : memref<128x256xf32, #tpu.memory_space<vmem>>, vector<1x16xf32>,
      %get3A_272 = vector.shape_cast %get3A_271 : vector<1x16xf32> to vector<16xf32>
      %get3A_273 = arith.index_cast %scan3A_16 : i32 to index
      %get3A_274 = arith.constant 240 : index
      %get3A_275 = tpu.vector_load %arg10[%get3A_273, %get3A_274] {strides = array<i32>} : memref<128x256xf32, #tpu.memory_space<vmem>>, vector<1x16xf32>,
      %get3A_276 = vector.shape_cast %get3A_275 : vector<1x16xf32> to vector<16xf32>
      %add3A_277 = arith.addf %get3A_272, %get3A_276 : vector<16xf32>
      %max3A_278 = arith.constant 0.000000e+00 : f32
      %max3A_279 = vector.broadcast %max3A_278 : f32 to vector<16xf32>
      %max3A_280 = arith.maximumf %add3A_277, %max3A_279 : vector<16xf32>
      %swap3A_281 = arith.index_cast %scan3A_16 : i32 to index
      %swap3A_282 = arith.constant 240 : index
      %swap3A_283 = tpu.vector_load %arg9[%swap3A_281, %swap3A_282] {strides = array<i32>} : memref<128x256xf32, #tpu.memory_space<vmem>>, vector<1x16xf32>,
      %swap3A_284 = vector.shape_cast %swap3A_283 : vector<1x16xf32> to vector<16xf32>
      %swap3A_285 = vector.shape_cast %max3A_280 : vector<16xf32> to vector<1x16xf32>
      tpu.vector_store %arg9[%swap3A_281, %swap3A_282], %swap3A_285 {strides = array<i32>} : memref<128x256xf32, #tpu.memory_space<vmem>>, vector<1x16xf32>,
    }
    %scan3A_13 = arith.constant 8 : i32
    %add3A_14 = arith.constant 4992 : i32
    %add3A_15 = arith.addi %mul3A_2, %add3A_14 : i32
    "tpu.region"() ({
      %run_scoped3A = tpu.sem_alloc : memref<!tpu.dma_semaphore, #tpu.memory_space<semaphore_mem>>
      %dma_start3A = arith.constant 0 : i32
      %dma_start3A_16 = arith.constant 0 : i32
      %dma_start3A_17 = tpu.memref_slice %arg9[%dma_start3A, %dma_start3A_16] : memref<128x256xf32, #tpu.memory_space<vmem>> -> memref<8x256xf32, #tpu.memory_space<vmem>>
      %dma_start3A_18 = arith.constant 0 : i32
      %dma_start3A_19 = tpu.memref_slice %arg6[%add3A_15, %dma_start3A_18] : memref<160000x256xf32, #tpu.memory_space<hbm>> -> memref<8x256xf32, #tpu.memory_space<hbm>>
      %dma_start3A_20 = arith.constant 0 : i32
      %dma_start3A_21 = tpu.memref_slice %arg6[%add3A_15, %dma_start3A_20] : memref<160000x256xf32, #tpu.memory_space<hbm>> -> memref<8x256xf32, #tpu.memory_space<hbm>>
      %dma_start3A_22 = arith.constant 0 : i32
      %dma_start3A_23 = arith.constant 0 : i32
      %dma_start3A_24 = tpu.memref_slice %arg9[%dma_start3A_22, %dma_start3A_23] : memref<128x256xf32, #tpu.memory_space<vmem>> -> memref<8x256xf32, #tpu.memory_space<vmem>>
      tpu.enqueue_dma source(%dma_start3A_24 : memref<8x256xf32, #tpu.memory_space<vmem>>) target(%dma_start3A_21 : memref<8x256xf32, #tpu.memory_space<hbm>>) target_semaphore(%run_scoped3A : memref<!tpu.dma_semaphore, #tpu.memory_space<semaphore_mem>>)
      %dma_wait3A = arith.constant 0 : i32
      %dma_wait3A_25 = arith.constant 0 : i32
      %dma_wait3A_26 = tpu.memref_slice %arg9[%dma_wait3A, %dma_wait3A_25] : memref<128x256xf32, #tpu.memory_space<vmem>> -> memref<8x256xf32, #tpu.memory_space<vmem>>
      %dma_wait3A_27 = arith.constant 0 : i32
      %dma_wait3A_28 = tpu.memref_slice %arg6[%add3A_15, %dma_wait3A_27] : memref<160000x256xf32, #tpu.memory_space<hbm>> -> memref<8x256xf32, #tpu.memory_space<hbm>>
      %dma_wait3A_29 = arith.constant 0 : i32
      %dma_wait3A_30 = tpu.memref_slice %arg6[%add3A_15, %dma_wait3A_29] : memref<160000x256xf32, #tpu.memory_space<hbm>> -> memref<8x256xf32, #tpu.memory_space<hbm>>
      %dma_wait3A_31 = arith.constant 0 : i32
      %dma_wait3A_32 = arith.constant 0 : i32
      %dma_wait3A_33 = tpu.memref_slice %arg9[%dma_wait3A_31, %dma_wait3A_32] : memref<128x256xf32, #tpu.memory_space<vmem>> -> memref<8x256xf32, #tpu.memory_space<vmem>>
      tpu.wait_dma2 semaphore(%run_scoped3A : memref<!tpu.dma_semaphore, #tpu.memory_space<semaphore_mem>>) src(%dma_wait3A_33 : memref<8x256xf32, #tpu.memory_space<vmem>>) dst(%dma_wait3A_30 : memref<8x256xf32, #tpu.memory_space<hbm>>)
      tpu.yield
    }) : () -> ()
    return
  }
}

#map = affine_map<(d0, d1) -> (0, 0)>
#map1 = affine_map<(d0, d1) -> (0)>
module attributes {stable_mosaic.version = 14 : i64} {
  func.func @_gather_body(%arg0: i32, %arg1: i32, %arg2: memref<10000x256xf32, #tpu.memory_space<hbm>>, %arg3: memref<10000x256xf32, #tpu.memory_space<hbm>>, %arg4: memref<160000xi32, #tpu.memory_space<hbm>>, %arg5: memref<160000xi32, #tpu.memory_space<hbm>>, %arg6: memref<160000x256xf32, #tpu.memory_space<hbm>>, %arg7: memref<5000xi32, #tpu.memory_space<vmem>>, %arg8: memref<5000xi32, #tpu.memory_space<vmem>>, %arg9: memref<128x256xf32, #tpu.memory_space<vmem>>, %arg10: memref<128x256xf32, #tpu.memory_space<vmem>>) attributes {dimension_semantics = [#tpu.dimension_semantics<core_parallel>, #tpu.dimension_semantics<subcore_parallel>], iteration_bounds = array<i64: 2, 16>, scalar_prefetch = 0 : i64, scratch_operands = 4 : i64, tpu.core_type = #tpu.core_type<sc_vector_subcore>, window_params = [{transform_indices = #map}, {transform_indices = #map}, {transform_indices = #map1}, {transform_indices = #map1}, {transform_indices = #map}]} {
    %mul3A = arith.constant 2 : i32
    %mul3A_0 = arith.muli %arg1, %mul3A : i32
    %add3A = arith.addi %mul3A_0, %arg0 : i32
    %mul3A_1 = arith.constant 5000 : i32
    %mul3A_2 = arith.muli %add3A, %mul3A_1 : i32
    "tpu.region"() ({
      %run_scoped3A = tpu.sem_alloc : memref<!tpu.dma_semaphore, #tpu.memory_space<semaphore_mem>>
      %dma_start3A = tpu.memref_slice %arg4[%mul3A_2] : memref<160000xi32, #tpu.memory_space<hbm>> -> memref<5000xi32, #tpu.memory_space<hbm>>
      %dma_start3A_16 = tpu.memref_slice %arg4[%mul3A_2] : memref<160000xi32, #tpu.memory_space<hbm>> -> memref<5000xi32, #tpu.memory_space<hbm>>
      tpu.enqueue_dma source(%dma_start3A_16 : memref<5000xi32, #tpu.memory_space<hbm>>) target(%arg7 : memref<5000xi32, #tpu.memory_space<vmem>>) target_semaphore(%run_scoped3A : memref<!tpu.dma_semaphore, #tpu.memory_space<semaphore_mem>>)
      %dma_wait3A = tpu.memref_slice %arg4[%mul3A_2] : memref<160000xi32, #tpu.memory_space<hbm>> -> memref<5000xi32, #tpu.memory_space<hbm>>
      %dma_wait3A_17 = tpu.memref_slice %arg4[%mul3A_2] : memref<160000xi32, #tpu.memory_space<hbm>> -> memref<5000xi32, #tpu.memory_space<hbm>>
      tpu.wait_dma2 semaphore(%run_scoped3A : memref<!tpu.dma_semaphore, #tpu.memory_space<semaphore_mem>>) src(%dma_wait3A_17 : memref<5000xi32, #tpu.memory_space<hbm>>) dst(%arg7 : memref<5000xi32, #tpu.memory_space<vmem>>)
      tpu.yield
    }) : () -> ()
    "tpu.region"() ({
      %run_scoped3A = tpu.sem_alloc : memref<!tpu.dma_semaphore, #tpu.memory_space<semaphore_mem>>
      %dma_start3A = tpu.memref_slice %arg5[%mul3A_2] : memref<160000xi32, #tpu.memory_space<hbm>> -> memref<5000xi32, #tpu.memory_space<hbm>>
      %dma_start3A_16 = tpu.memref_slice %arg5[%mul3A_2] : memref<160000xi32, #tpu.memory_space<hbm>> -> memref<5000xi32, #tpu.memory_space<hbm>>
      tpu.enqueue_dma source(%dma_start3A_16 : memref<5000xi32, #tpu.memory_space<hbm>>) target(%arg8 : memref<5000xi32, #tpu.memory_space<vmem>>) target_semaphore(%run_scoped3A : memref<!tpu.dma_semaphore, #tpu.memory_space<semaphore_mem>>)
      %dma_wait3A = tpu.memref_slice %arg5[%mul3A_2] : memref<160000xi32, #tpu.memory_space<hbm>> -> memref<5000xi32, #tpu.memory_space<hbm>>
      %dma_wait3A_17 = tpu.memref_slice %arg5[%mul3A_2] : memref<160000xi32, #tpu.memory_space<hbm>> -> memref<5000xi32, #tpu.memory_space<hbm>>
      tpu.wait_dma2 semaphore(%run_scoped3A : memref<!tpu.dma_semaphore, #tpu.memory_space<semaphore_mem>>) src(%dma_wait3A_17 : memref<5000xi32, #tpu.memory_space<hbm>>) dst(%arg8 : memref<5000xi32, #tpu.memory_space<vmem>>)
      tpu.yield
    }) : () -> ()
    %scan3A = arith.constant 0 : i32
    %scan3A_3 = arith.constant 0 : i32
    %scan3A_4 = arith.constant 39 : i32
    %scan3A_5 = arith.addi %scan3A_3, %scan3A_4 : i32
    %scan3A_6 = arith.constant 1 : i32
    scf.for %scan3A_16 = %scan3A_3 to %scan3A_5 step %scan3A_6  : i32 {
      %mul3A_17 = arith.constant 128 : i32
      %mul3A_18 = arith.muli %scan3A_16, %mul3A_17 : i32
      "tpu.region"() ({
        %run_scoped3A = tpu.sem_alloc : memref<!tpu.dma_semaphore, #tpu.memory_space<semaphore_mem>>
        %dma_start3A = arith.constant 0 : i32
        %dma_start3A_26 = arith.constant 0 : i32
        %dma_start3A_27 = tpu.memref_slice %arg9[%dma_start3A, %dma_start3A_26] : memref<128x256xf32, #tpu.memory_space<vmem>> -> memref<128x256xf32, #tpu.memory_space<vmem>>
        %dma_start3A_28 = tpu.memref_slice %arg7[%mul3A_18] : memref<5000xi32, #tpu.memory_space<vmem>> -> memref<128xi32, #tpu.memory_space<vmem>>
        %dma_start3A_29 = arith.constant 0 : i32
        %dma_start3A_30 = arith.constant 0 : i32
        %dma_start3A_31 = tpu.memref_slice %arg2[%dma_start3A_29, %dma_start3A_30] : memref<10000x256xf32, #tpu.memory_space<hbm>> -> memref<10000x256xf32, #tpu.memory_space<hbm>>
        tpu.enqueue_indirect_dma source(%dma_start3A_31 : memref<10000x256xf32, #tpu.memory_space<hbm>>) target(%dma_start3A_27 : memref<128x256xf32, #tpu.memory_space<vmem>>) offsets(%dma_start3A_28 : memref<128xi32, #tpu.memory_space<vmem>>) semaphore(%run_scoped3A : memref<!tpu.dma_semaphore, #tpu.memory_space<semaphore_mem>>)
        %dma_wait3A = arith.constant 0 : i32
        %dma_wait3A_32 = arith.constant 0 : i32
        %dma_wait3A_33 = tpu.memref_slice %arg9[%dma_wait3A, %dma_wait3A_32] : memref<128x256xf32, #tpu.memory_space<vmem>> -> memref<128x256xf32, #tpu.memory_space<vmem>>
        %dma_wait3A_34 = tpu.memref_slice %arg7[%mul3A_18] : memref<5000xi32, #tpu.memory_space<vmem>> -> memref<128xi32, #tpu.memory_space<vmem>>
        %dma_wait3A_35 = arith.constant 0 : i32
        %dma_wait3A_36 = arith.constant 0 : i32
        %dma_wait3A_37 = tpu.memref_slice %arg2[%dma_wait3A_35, %dma_wait3A_36] : memref<10000x256xf32, #tpu.memory_space<hbm>> -> memref<10000x256xf32, #tpu.memory_space<hbm>>
        tpu.wait_indirect_dma semaphore(%run_scoped3A : memref<!tpu.dma_semaphore, #tpu.memory_space<semaphore_mem>>) src(%dma_wait3A_37 : memref<10000x256xf32, #tpu.memory_space<hbm>>) dst(%dma_wait3A_33 : memref<128x256xf32, #tpu.memory_space<vmem>>)
        tpu.yield
      }) : () -> ()
      "tpu.region"() ({
        %run_scoped3A = tpu.sem_alloc : memref<!tpu.dma_semaphore, #tpu.memory_space<semaphore_mem>>
        %dma_start3A = arith.constant 0 : i32
        %dma_start3A_26 = arith.constant 0 : i32
        %dma_start3A_27 = tpu.memref_slice %arg10[%dma_start3A, %dma_start3A_26] : memref<128x256xf32, #tpu.memory_space<vmem>> -> memref<128x256xf32, #tpu.memory_space<vmem>>
        %dma_start3A_28 = tpu.memref_slice %arg8[%mul3A_18] : memref<5000xi32, #tpu.memory_space<vmem>> -> memref<128xi32, #tpu.memory_space<vmem>>
        %dma_start3A_29 = arith.constant 0 : i32
        %dma_start3A_30 = arith.constant 0 : i32
        %dma_start3A_31 = tpu.memref_slice %arg3[%dma_start3A_29, %dma_start3A_30] : memref<10000x256xf32, #tpu.memory_space<hbm>> -> memref<10000x256xf32, #tpu.memory_space<hbm>>
        tpu.enqueue_indirect_dma source(%dma_start3A_31 : memref<10000x256xf32, #tpu.memory_space<hbm>>) target(%dma_start3A_27 : memref<128x256xf32, #tpu.memory_space<vmem>>) offsets(%dma_start3A_28 : memref<128xi32, #tpu.memory_space<vmem>>) semaphore(%run_scoped3A : memref<!tpu.dma_semaphore, #tpu.memory_space<semaphore_mem>>)
        %dma_wait3A = arith.constant 0 : i32
        %dma_wait3A_32 = arith.constant 0 : i32
        %dma_wait3A_33 = tpu.memref_slice %arg10[%dma_wait3A, %dma_wait3A_32] : memref<128x256xf32, #tpu.memory_space<vmem>> -> memref<128x256xf32, #tpu.memory_space<vmem>>
        %dma_wait3A_34 = tpu.memref_slice %arg8[%mul3A_18] : memref<5000xi32, #tpu.memory_space<vmem>> -> memref<128xi32, #tpu.memory_space<vmem>>
        %dma_wait3A_35 = arith.constant 0 : i32
        %dma_wait3A_36 = arith.constant 0 : i32
        %dma_wait3A_37 = tpu.memref_slice %arg3[%dma_wait3A_35, %dma_wait3A_36] : memref<10000x256xf32, #tpu.memory_space<hbm>> -> memref<10000x256xf32, #tpu.memory_space<hbm>>
        tpu.wait_indirect_dma semaphore(%run_scoped3A : memref<!tpu.dma_semaphore, #tpu.memory_space<semaphore_mem>>) src(%dma_wait3A_37 : memref<10000x256xf32, #tpu.memory_space<hbm>>) dst(%dma_wait3A_33 : memref<128x256xf32, #tpu.memory_space<vmem>>)
        tpu.yield
      }) : () -> ()
      %scan3A_19 = arith.constant 0 : i32
      %scan3A_20 = arith.constant 0 : i32
      %scan3A_21 = arith.constant 128 : i32
      %scan3A_22 = arith.addi %scan3A_20, %scan3A_21 : i32
      %scan3A_23 = arith.constant 1 : i32
      scf.for %scan3A_26 = %scan3A_20 to %scan3A_22 step %scan3A_23  : i32 {
        %get3A = arith.index_cast %scan3A_26 : i32 to index
        %get3A_27 = arith.constant 0 : index
        %get3A_28 = tpu.vector_load %arg9[%get3A, %get3A_27] {strides = array<i32>} : memref<128x256xf32, #tpu.memory_space<vmem>>, vector<1x16xf32>,
        %get3A_29 = vector.shape_cast %get3A_28 : vector<1x16xf32> to vector<16xf32>
        %get3A_30 = arith.index_cast %scan3A_26 : i32 to index
        %get3A_31 = arith.constant 0 : index
        %get3A_32 = tpu.vector_load %arg10[%get3A_30, %get3A_31] {strides = array<i32>} : memref<128x256xf32, #tpu.memory_space<vmem>>, vector<1x16xf32>,
        %get3A_33 = vector.shape_cast %get3A_32 : vector<1x16xf32> to vector<16xf32>
        %add3A_34 = arith.addf %get3A_29, %get3A_33 : vector<16xf32>
        %max3A = arith.constant 0.000000e+00 : f32
        %max3A_35 = vector.broadcast %max3A : f32 to vector<16xf32>
        %max3A_36 = arith.maximumf %add3A_34, %max3A_35 : vector<16xf32>
        %swap3A = arith.index_cast %scan3A_26 : i32 to index
        %swap3A_37 = arith.constant 0 : index
        %swap3A_38 = tpu.vector_load %arg9[%swap3A, %swap3A_37] {strides = array<i32>} : memref<128x256xf32, #tpu.memory_space<vmem>>, vector<1x16xf32>,
        %swap3A_39 = vector.shape_cast %swap3A_38 : vector<1x16xf32> to vector<16xf32>
        %swap3A_40 = vector.shape_cast %max3A_36 : vector<16xf32> to vector<1x16xf32>
        tpu.vector_store %arg9[%swap3A, %swap3A_37], %swap3A_40 {strides = array<i32>} : memref<128x256xf32, #tpu.memory_space<vmem>>, vector<1x16xf32>,
        %get3A_41 = arith.index_cast %scan3A_26 : i32 to index
        %get3A_42 = arith.constant 16 : index
        %get3A_43 = tpu.vector_load %arg9[%get3A_41, %get3A_42] {strides = array<i32>} : memref<128x256xf32, #tpu.memory_space<vmem>>, vector<1x16xf32>,
        %get3A_44 = vector.shape_cast %get3A_43 : vector<1x16xf32> to vector<16xf32>
        %get3A_45 = arith.index_cast %scan3A_26 : i32 to index
        %get3A_46 = arith.constant 16 : index
        %get3A_47 = tpu.vector_load %arg10[%get3A_45, %get3A_46] {strides = array<i32>} : memref<128x256xf32, #tpu.memory_space<vmem>>, vector<1x16xf32>,
        %get3A_48 = vector.shape_cast %get3A_47 : vector<1x16xf32> to vector<16xf32>
        %add3A_49 = arith.addf %get3A_44, %get3A_48 : vector<16xf32>
        %max3A_50 = arith.constant 0.000000e+00 : f32
        %max3A_51 = vector.broadcast %max3A_50 : f32 to vector<16xf32>
        %max3A_52 = arith.maximumf %add3A_49, %max3A_51 : vector<16xf32>
        %swap3A_53 = arith.index_cast %scan3A_26 : i32 to index
        %swap3A_54 = arith.constant 16 : index
        %swap3A_55 = tpu.vector_load %arg9[%swap3A_53, %swap3A_54] {strides = array<i32>} : memref<128x256xf32, #tpu.memory_space<vmem>>, vector<1x16xf32>,
        %swap3A_56 = vector.shape_cast %swap3A_55 : vector<1x16xf32> to vector<16xf32>
        %swap3A_57 = vector.shape_cast %max3A_52 : vector<16xf32> to vector<1x16xf32>
        tpu.vector_store %arg9[%swap3A_53, %swap3A_54], %swap3A_57 {strides = array<i32>} : memref<128x256xf32, #tpu.memory_space<vmem>>, vector<1x16xf32>,
        %get3A_58 = arith.index_cast %scan3A_26 : i32 to index
        %get3A_59 = arith.constant 32 : index
        %get3A_60 = tpu.vector_load %arg9[%get3A_58, %get3A_59] {strides = array<i32>} : memref<128x256xf32, #tpu.memory_space<vmem>>, vector<1x16xf32>,
        %get3A_61 = vector.shape_cast %get3A_60 : vector<1x16xf32> to vector<16xf32>
        %get3A_62 = arith.index_cast %scan3A_26 : i32 to index
        %get3A_63 = arith.constant 32 : index
        %get3A_64 = tpu.vector_load %arg10[%get3A_62, %get3A_63] {strides = array<i32>} : memref<128x256xf32, #tpu.memory_space<vmem>>, vector<1x16xf32>,
        %get3A_65 = vector.shape_cast %get3A_64 : vector<1x16xf32> to vector<16xf32>
        %add3A_66 = arith.addf %get3A_61, %get3A_65 : vector<16xf32>
        %max3A_67 = arith.constant 0.000000e+00 : f32
        %max3A_68 = vector.broadcast %max3A_67 : f32 to vector<16xf32>
        %max3A_69 = arith.maximumf %add3A_66, %max3A_68 : vector<16xf32>
        %swap3A_70 = arith.index_cast %scan3A_26 : i32 to index
        %swap3A_71 = arith.constant 32 : index
        %swap3A_72 = tpu.vector_load %arg9[%swap3A_70, %swap3A_71] {strides = array<i32>} : memref<128x256xf32, #tpu.memory_space<vmem>>, vector<1x16xf32>,
        %swap3A_73 = vector.shape_cast %swap3A_72 : vector<1x16xf32> to vector<16xf32>
        %swap3A_74 = vector.shape_cast %max3A_69 : vector<16xf32> to vector<1x16xf32>
        tpu.vector_store %arg9[%swap3A_70, %swap3A_71], %swap3A_74 {strides = array<i32>} : memref<128x256xf32, #tpu.memory_space<vmem>>, vector<1x16xf32>,
        %get3A_75 = arith.index_cast %scan3A_26 : i32 to index
        %get3A_76 = arith.constant 48 : index
        %get3A_77 = tpu.vector_load %arg9[%get3A_75, %get3A_76] {strides = array<i32>} : memref<128x256xf32, #tpu.memory_space<vmem>>, vector<1x16xf32>,
        %get3A_78 = vector.shape_cast %get3A_77 : vector<1x16xf32> to vector<16xf32>
        %get3A_79 = arith.index_cast %scan3A_26 : i32 to index
        %get3A_80 = arith.constant 48 : index
        %get3A_81 = tpu.vector_load %arg10[%get3A_79, %get3A_80] {strides = array<i32>} : memref<128x256xf32, #tpu.memory_space<vmem>>, vector<1x16xf32>,
        %get3A_82 = vector.shape_cast %get3A_81 : vector<1x16xf32> to vector<16xf32>
        %add3A_83 = arith.addf %get3A_78, %get3A_82 : vector<16xf32>
        %max3A_84 = arith.constant 0.000000e+00 : f32
        %max3A_85 = vector.broadcast %max3A_84 : f32 to vector<16xf32>
        %max3A_86 = arith.maximumf %add3A_83, %max3A_85 : vector<16xf32>
        %swap3A_87 = arith.index_cast %scan3A_26 : i32 to index
        %swap3A_88 = arith.constant 48 : index
        %swap3A_89 = tpu.vector_load %arg9[%swap3A_87, %swap3A_88] {strides = array<i32>} : memref<128x256xf32, #tpu.memory_space<vmem>>, vector<1x16xf32>,
        %swap3A_90 = vector.shape_cast %swap3A_89 : vector<1x16xf32> to vector<16xf32>
        %swap3A_91 = vector.shape_cast %max3A_86 : vector<16xf32> to vector<1x16xf32>
        tpu.vector_store %arg9[%swap3A_87, %swap3A_88], %swap3A_91 {strides = array<i32>} : memref<128x256xf32, #tpu.memory_space<vmem>>, vector<1x16xf32>,
        %get3A_92 = arith.index_cast %scan3A_26 : i32 to index
        %get3A_93 = arith.constant 64 : index
        %get3A_94 = tpu.vector_load %arg9[%get3A_92, %get3A_93] {strides = array<i32>} : memref<128x256xf32, #tpu.memory_space<vmem>>, vector<1x16xf32>,
        %get3A_95 = vector.shape_cast %get3A_94 : vector<1x16xf32> to vector<16xf32>
        %get3A_96 = arith.index_cast %scan3A_26 : i32 to index
        %get3A_97 = arith.constant 64 : index
        %get3A_98 = tpu.vector_load %arg10[%get3A_96, %get3A_97] {strides = array<i32>} : memref<128x256xf32, #tpu.memory_space<vmem>>, vector<1x16xf32>,
        %get3A_99 = vector.shape_cast %get3A_98 : vector<1x16xf32> to vector<16xf32>
        %add3A_100 = arith.addf %get3A_95, %get3A_99 : vector<16xf32>
        %max3A_101 = arith.constant 0.000000e+00 : f32
        %max3A_102 = vector.broadcast %max3A_101 : f32 to vector<16xf32>
        %max3A_103 = arith.maximumf %add3A_100, %max3A_102 : vector<16xf32>
        %swap3A_104 = arith.index_cast %scan3A_26 : i32 to index
        %swap3A_105 = arith.constant 64 : index
        %swap3A_106 = tpu.vector_load %arg9[%swap3A_104, %swap3A_105] {strides = array<i32>} : memref<128x256xf32, #tpu.memory_space<vmem>>, vector<1x16xf32>,
        %swap3A_107 = vector.shape_cast %swap3A_106 : vector<1x16xf32> to vector<16xf32>
        %swap3A_108 = vector.shape_cast %max3A_103 : vector<16xf32> to vector<1x16xf32>
        tpu.vector_store %arg9[%swap3A_104, %swap3A_105], %swap3A_108 {strides = array<i32>} : memref<128x256xf32, #tpu.memory_space<vmem>>, vector<1x16xf32>,
        %get3A_109 = arith.index_cast %scan3A_26 : i32 to index
        %get3A_110 = arith.constant 80 : index
        %get3A_111 = tpu.vector_load %arg9[%get3A_109, %get3A_110] {strides = array<i32>} : memref<128x256xf32, #tpu.memory_space<vmem>>, vector<1x16xf32>,
        %get3A_112 = vector.shape_cast %get3A_111 : vector<1x16xf32> to vector<16xf32>
        %get3A_113 = arith.index_cast %scan3A_26 : i32 to index
        %get3A_114 = arith.constant 80 : index
        %get3A_115 = tpu.vector_load %arg10[%get3A_113, %get3A_114] {strides = array<i32>} : memref<128x256xf32, #tpu.memory_space<vmem>>, vector<1x16xf32>,
        %get3A_116 = vector.shape_cast %get3A_115 : vector<1x16xf32> to vector<16xf32>
        %add3A_117 = arith.addf %get3A_112, %get3A_116 : vector<16xf32>
        %max3A_118 = arith.constant 0.000000e+00 : f32
        %max3A_119 = vector.broadcast %max3A_118 : f32 to vector<16xf32>
        %max3A_120 = arith.maximumf %add3A_117, %max3A_119 : vector<16xf32>
        %swap3A_121 = arith.index_cast %scan3A_26 : i32 to index
        %swap3A_122 = arith.constant 80 : index
        %swap3A_123 = tpu.vector_load %arg9[%swap3A_121, %swap3A_122] {strides = array<i32>} : memref<128x256xf32, #tpu.memory_space<vmem>>, vector<1x16xf32>,
        %swap3A_124 = vector.shape_cast %swap3A_123 : vector<1x16xf32> to vector<16xf32>
        %swap3A_125 = vector.shape_cast %max3A_120 : vector<16xf32> to vector<1x16xf32>
        tpu.vector_store %arg9[%swap3A_121, %swap3A_122], %swap3A_125 {strides = array<i32>} : memref<128x256xf32, #tpu.memory_space<vmem>>, vector<1x16xf32>,
        %get3A_126 = arith.index_cast %scan3A_26 : i32 to index
        %get3A_127 = arith.constant 96 : index
        %get3A_128 = tpu.vector_load %arg9[%get3A_126, %get3A_127] {strides = array<i32>} : memref<128x256xf32, #tpu.memory_space<vmem>>, vector<1x16xf32>,
        %get3A_129 = vector.shape_cast %get3A_128 : vector<1x16xf32> to vector<16xf32>
        %get3A_130 = arith.index_cast %scan3A_26 : i32 to index
        %get3A_131 = arith.constant 96 : index
        %get3A_132 = tpu.vector_load %arg10[%get3A_130, %get3A_131] {strides = array<i32>} : memref<128x256xf32, #tpu.memory_space<vmem>>, vector<1x16xf32>,
        %get3A_133 = vector.shape_cast %get3A_132 : vector<1x16xf32> to vector<16xf32>
        %add3A_134 = arith.addf %get3A_129, %get3A_133 : vector<16xf32>
        %max3A_135 = arith.constant 0.000000e+00 : f32
        %max3A_136 = vector.broadcast %max3A_135 : f32 to vector<16xf32>
        %max3A_137 = arith.maximumf %add3A_134, %max3A_136 : vector<16xf32>
        %swap3A_138 = arith.index_cast %scan3A_26 : i32 to index
        %swap3A_139 = arith.constant 96 : index
        %swap3A_140 = tpu.vector_load %arg9[%swap3A_138, %swap3A_139] {strides = array<i32>} : memref<128x256xf32, #tpu.memory_space<vmem>>, vector<1x16xf32>,
        %swap3A_141 = vector.shape_cast %swap3A_140 : vector<1x16xf32> to vector<16xf32>
        %swap3A_142 = vector.shape_cast %max3A_137 : vector<16xf32> to vector<1x16xf32>
        tpu.vector_store %arg9[%swap3A_138, %swap3A_139], %swap3A_142 {strides = array<i32>} : memref<128x256xf32, #tpu.memory_space<vmem>>, vector<1x16xf32>,
        %get3A_143 = arith.index_cast %scan3A_26 : i32 to index
        %get3A_144 = arith.constant 112 : index
        %get3A_145 = tpu.vector_load %arg9[%get3A_143, %get3A_144] {strides = array<i32>} : memref<128x256xf32, #tpu.memory_space<vmem>>, vector<1x16xf32>,
        %get3A_146 = vector.shape_cast %get3A_145 : vector<1x16xf32> to vector<16xf32>
        %get3A_147 = arith.index_cast %scan3A_26 : i32 to index
        %get3A_148 = arith.constant 112 : index
        %get3A_149 = tpu.vector_load %arg10[%get3A_147, %get3A_148] {strides = array<i32>} : memref<128x256xf32, #tpu.memory_space<vmem>>, vector<1x16xf32>,
        %get3A_150 = vector.shape_cast %get3A_149 : vector<1x16xf32> to vector<16xf32>
        %add3A_151 = arith.addf %get3A_146, %get3A_150 : vector<16xf32>
        %max3A_152 = arith.constant 0.000000e+00 : f32
        %max3A_153 = vector.broadcast %max3A_152 : f32 to vector<16xf32>
        %max3A_154 = arith.maximumf %add3A_151, %max3A_153 : vector<16xf32>
        %swap3A_155 = arith.index_cast %scan3A_26 : i32 to index
        %swap3A_156 = arith.constant 112 : index
        %swap3A_157 = tpu.vector_load %arg9[%swap3A_155, %swap3A_156] {strides = array<i32>} : memref<128x256xf32, #tpu.memory_space<vmem>>, vector<1x16xf32>,
        %swap3A_158 = vector.shape_cast %swap3A_157 : vector<1x16xf32> to vector<16xf32>
        %swap3A_159 = vector.shape_cast %max3A_154 : vector<16xf32> to vector<1x16xf32>
        tpu.vector_store %arg9[%swap3A_155, %swap3A_156], %swap3A_159 {strides = array<i32>} : memref<128x256xf32, #tpu.memory_space<vmem>>, vector<1x16xf32>,
        %get3A_160 = arith.index_cast %scan3A_26 : i32 to index
        %get3A_161 = arith.constant 128 : index
        %get3A_162 = tpu.vector_load %arg9[%get3A_160, %get3A_161] {strides = array<i32>} : memref<128x256xf32, #tpu.memory_space<vmem>>, vector<1x16xf32>,
        %get3A_163 = vector.shape_cast %get3A_162 : vector<1x16xf32> to vector<16xf32>
        %get3A_164 = arith.index_cast %scan3A_26 : i32 to index
        %get3A_165 = arith.constant 128 : index
        %get3A_166 = tpu.vector_load %arg10[%get3A_164, %get3A_165] {strides = array<i32>} : memref<128x256xf32, #tpu.memory_space<vmem>>, vector<1x16xf32>,
        %get3A_167 = vector.shape_cast %get3A_166 : vector<1x16xf32> to vector<16xf32>
        %add3A_168 = arith.addf %get3A_163, %get3A_167 : vector<16xf32>
        %max3A_169 = arith.constant 0.000000e+00 : f32
        %max3A_170 = vector.broadcast %max3A_169 : f32 to vector<16xf32>
        %max3A_171 = arith.maximumf %add3A_168, %max3A_170 : vector<16xf32>
        %swap3A_172 = arith.index_cast %scan3A_26 : i32 to index
        %swap3A_173 = arith.constant 128 : index
        %swap3A_174 = tpu.vector_load %arg9[%swap3A_172, %swap3A_173] {strides = array<i32>} : memref<128x256xf32, #tpu.memory_space<vmem>>, vector<1x16xf32>,
        %swap3A_175 = vector.shape_cast %swap3A_174 : vector<1x16xf32> to vector<16xf32>
        %swap3A_176 = vector.shape_cast %max3A_171 : vector<16xf32> to vector<1x16xf32>
        tpu.vector_store %arg9[%swap3A_172, %swap3A_173], %swap3A_176 {strides = array<i32>} : memref<128x256xf32, #tpu.memory_space<vmem>>, vector<1x16xf32>,
        %get3A_177 = arith.index_cast %scan3A_26 : i32 to index
        %get3A_178 = arith.constant 144 : index
        %get3A_179 = tpu.vector_load %arg9[%get3A_177, %get3A_178] {strides = array<i32>} : memref<128x256xf32, #tpu.memory_space<vmem>>, vector<1x16xf32>,
        %get3A_180 = vector.shape_cast %get3A_179 : vector<1x16xf32> to vector<16xf32>
        %get3A_181 = arith.index_cast %scan3A_26 : i32 to index
        %get3A_182 = arith.constant 144 : index
        %get3A_183 = tpu.vector_load %arg10[%get3A_181, %get3A_182] {strides = array<i32>} : memref<128x256xf32, #tpu.memory_space<vmem>>, vector<1x16xf32>,
        %get3A_184 = vector.shape_cast %get3A_183 : vector<1x16xf32> to vector<16xf32>
        %add3A_185 = arith.addf %get3A_180, %get3A_184 : vector<16xf32>
        %max3A_186 = arith.constant 0.000000e+00 : f32
        %max3A_187 = vector.broadcast %max3A_186 : f32 to vector<16xf32>
        %max3A_188 = arith.maximumf %add3A_185, %max3A_187 : vector<16xf32>
        %swap3A_189 = arith.index_cast %scan3A_26 : i32 to index
        %swap3A_190 = arith.constant 144 : index
        %swap3A_191 = tpu.vector_load %arg9[%swap3A_189, %swap3A_190] {strides = array<i32>} : memref<128x256xf32, #tpu.memory_space<vmem>>, vector<1x16xf32>,
        %swap3A_192 = vector.shape_cast %swap3A_191 : vector<1x16xf32> to vector<16xf32>
        %swap3A_193 = vector.shape_cast %max3A_188 : vector<16xf32> to vector<1x16xf32>
        tpu.vector_store %arg9[%swap3A_189, %swap3A_190], %swap3A_193 {strides = array<i32>} : memref<128x256xf32, #tpu.memory_space<vmem>>, vector<1x16xf32>,
        %get3A_194 = arith.index_cast %scan3A_26 : i32 to index
        %get3A_195 = arith.constant 160 : index
        %get3A_196 = tpu.vector_load %arg9[%get3A_194, %get3A_195] {strides = array<i32>} : memref<128x256xf32, #tpu.memory_space<vmem>>, vector<1x16xf32>,
        %get3A_197 = vector.shape_cast %get3A_196 : vector<1x16xf32> to vector<16xf32>
        %get3A_198 = arith.index_cast %scan3A_26 : i32 to index
        %get3A_199 = arith.constant 160 : index
        %get3A_200 = tpu.vector_load %arg10[%get3A_198, %get3A_199] {strides = array<i32>} : memref<128x256xf32, #tpu.memory_space<vmem>>, vector<1x16xf32>,
        %get3A_201 = vector.shape_cast %get3A_200 : vector<1x16xf32> to vector<16xf32>
        %add3A_202 = arith.addf %get3A_197, %get3A_201 : vector<16xf32>
        %max3A_203 = arith.constant 0.000000e+00 : f32
        %max3A_204 = vector.broadcast %max3A_203 : f32 to vector<16xf32>
        %max3A_205 = arith.maximumf %add3A_202, %max3A_204 : vector<16xf32>
        %swap3A_206 = arith.index_cast %scan3A_26 : i32 to index
        %swap3A_207 = arith.constant 160 : index
        %swap3A_208 = tpu.vector_load %arg9[%swap3A_206, %swap3A_207] {strides = array<i32>} : memref<128x256xf32, #tpu.memory_space<vmem>>, vector<1x16xf32>,
        %swap3A_209 = vector.shape_cast %swap3A_208 : vector<1x16xf32> to vector<16xf32>
        %swap3A_210 = vector.shape_cast %max3A_205 : vector<16xf32> to vector<1x16xf32>
        tpu.vector_store %arg9[%swap3A_206, %swap3A_207], %swap3A_210 {strides = array<i32>} : memref<128x256xf32, #tpu.memory_space<vmem>>, vector<1x16xf32>,
        %get3A_211 = arith.index_cast %scan3A_26 : i32 to index
        %get3A_212 = arith.constant 176 : index
        %get3A_213 = tpu.vector_load %arg9[%get3A_211, %get3A_212] {strides = array<i32>} : memref<128x256xf32, #tpu.memory_space<vmem>>, vector<1x16xf32>,
        %get3A_214 = vector.shape_cast %get3A_213 : vector<1x16xf32> to vector<16xf32>
        %get3A_215 = arith.index_cast %scan3A_26 : i32 to index
        %get3A_216 = arith.constant 176 : index
        %get3A_217 = tpu.vector_load %arg10[%get3A_215, %get3A_216] {strides = array<i32>} : memref<128x256xf32, #tpu.memory_space<vmem>>, vector<1x16xf32>,
        %get3A_218 = vector.shape_cast %get3A_217 : vector<1x16xf32> to vector<16xf32>
        %add3A_219 = arith.addf %get3A_214, %get3A_218 : vector<16xf32>
        %max3A_220 = arith.constant 0.000000e+00 : f32
        %max3A_221 = vector.broadcast %max3A_220 : f32 to vector<16xf32>
        %max3A_222 = arith.maximumf %add3A_219, %max3A_221 : vector<16xf32>
        %swap3A_223 = arith.index_cast %scan3A_26 : i32 to index
        %swap3A_224 = arith.constant 176 : index
        %swap3A_225 = tpu.vector_load %arg9[%swap3A_223, %swap3A_224] {strides = array<i32>} : memref<128x256xf32, #tpu.memory_space<vmem>>, vector<1x16xf32>,
        %swap3A_226 = vector.shape_cast %swap3A_225 : vector<1x16xf32> to vector<16xf32>
        %swap3A_227 = vector.shape_cast %max3A_222 : vector<16xf32> to vector<1x16xf32>
        tpu.vector_store %arg9[%swap3A_223, %swap3A_224], %swap3A_227 {strides = array<i32>} : memref<128x256xf32, #tpu.memory_space<vmem>>, vector<1x16xf32>,
        %get3A_228 = arith.index_cast %scan3A_26 : i32 to index
        %get3A_229 = arith.constant 192 : index
        %get3A_230 = tpu.vector_load %arg9[%get3A_228, %get3A_229] {strides = array<i32>} : memref<128x256xf32, #tpu.memory_space<vmem>>, vector<1x16xf32>,
        %get3A_231 = vector.shape_cast %get3A_230 : vector<1x16xf32> to vector<16xf32>
        %get3A_232 = arith.index_cast %scan3A_26 : i32 to index
        %get3A_233 = arith.constant 192 : index
        %get3A_234 = tpu.vector_load %arg10[%get3A_232, %get3A_233] {strides = array<i32>} : memref<128x256xf32, #tpu.memory_space<vmem>>, vector<1x16xf32>,
        %get3A_235 = vector.shape_cast %get3A_234 : vector<1x16xf32> to vector<16xf32>
        %add3A_236 = arith.addf %get3A_231, %get3A_235 : vector<16xf32>
        %max3A_237 = arith.constant 0.000000e+00 : f32
        %max3A_238 = vector.broadcast %max3A_237 : f32 to vector<16xf32>
        %max3A_239 = arith.maximumf %add3A_236, %max3A_238 : vector<16xf32>
        %swap3A_240 = arith.index_cast %scan3A_26 : i32 to index
        %swap3A_241 = arith.constant 192 : index
        %swap3A_242 = tpu.vector_load %arg9[%swap3A_240, %swap3A_241] {strides = array<i32>} : memref<128x256xf32, #tpu.memory_space<vmem>>, vector<1x16xf32>,
        %swap3A_243 = vector.shape_cast %swap3A_242 : vector<1x16xf32> to vector<16xf32>
        %swap3A_244 = vector.shape_cast %max3A_239 : vector<16xf32> to vector<1x16xf32>
        tpu.vector_store %arg9[%swap3A_240, %swap3A_241], %swap3A_244 {strides = array<i32>} : memref<128x256xf32, #tpu.memory_space<vmem>>, vector<1x16xf32>,
        %get3A_245 = arith.index_cast %scan3A_26 : i32 to index
        %get3A_246 = arith.constant 208 : index
        %get3A_247 = tpu.vector_load %arg9[%get3A_245, %get3A_246] {strides = array<i32>} : memref<128x256xf32, #tpu.memory_space<vmem>>, vector<1x16xf32>,
        %get3A_248 = vector.shape_cast %get3A_247 : vector<1x16xf32> to vector<16xf32>
        %get3A_249 = arith.index_cast %scan3A_26 : i32 to index
        %get3A_250 = arith.constant 208 : index
        %get3A_251 = tpu.vector_load %arg10[%get3A_249, %get3A_250] {strides = array<i32>} : memref<128x256xf32, #tpu.memory_space<vmem>>, vector<1x16xf32>,
        %get3A_252 = vector.shape_cast %get3A_251 : vector<1x16xf32> to vector<16xf32>
        %add3A_253 = arith.addf %get3A_248, %get3A_252 : vector<16xf32>
        %max3A_254 = arith.constant 0.000000e+00 : f32
        %max3A_255 = vector.broadcast %max3A_254 : f32 to vector<16xf32>
        %max3A_256 = arith.maximumf %add3A_253, %max3A_255 : vector<16xf32>
        %swap3A_257 = arith.index_cast %scan3A_26 : i32 to index
        %swap3A_258 = arith.constant 208 : index
        %swap3A_259 = tpu.vector_load %arg9[%swap3A_257, %swap3A_258] {strides = array<i32>} : memref<128x256xf32, #tpu.memory_space<vmem>>, vector<1x16xf32>,
        %swap3A_260 = vector.shape_cast %swap3A_259 : vector<1x16xf32> to vector<16xf32>
        %swap3A_261 = vector.shape_cast %max3A_256 : vector<16xf32> to vector<1x16xf32>
        tpu.vector_store %arg9[%swap3A_257, %swap3A_258], %swap3A_261 {strides = array<i32>} : memref<128x256xf32, #tpu.memory_space<vmem>>, vector<1x16xf32>,
        %get3A_262 = arith.index_cast %scan3A_26 : i32 to index
        %get3A_263 = arith.constant 224 : index
        %get3A_264 = tpu.vector_load %arg9[%get3A_262, %get3A_263] {strides = array<i32>} : memref<128x256xf32, #tpu.memory_space<vmem>>, vector<1x16xf32>,
        %get3A_265 = vector.shape_cast %get3A_264 : vector<1x16xf32> to vector<16xf32>
        %get3A_266 = arith.index_cast %scan3A_26 : i32 to index
        %get3A_267 = arith.constant 224 : index
        %get3A_268 = tpu.vector_load %arg10[%get3A_266, %get3A_267] {strides = array<i32>} : memref<128x256xf32, #tpu.memory_space<vmem>>, vector<1x16xf32>,
        %get3A_269 = vector.shape_cast %get3A_268 : vector<1x16xf32> to vector<16xf32>
        %add3A_270 = arith.addf %get3A_265, %get3A_269 : vector<16xf32>
        %max3A_271 = arith.constant 0.000000e+00 : f32
        %max3A_272 = vector.broadcast %max3A_271 : f32 to vector<16xf32>
        %max3A_273 = arith.maximumf %add3A_270, %max3A_272 : vector<16xf32>
        %swap3A_274 = arith.index_cast %scan3A_26 : i32 to index
        %swap3A_275 = arith.constant 224 : index
        %swap3A_276 = tpu.vector_load %arg9[%swap3A_274, %swap3A_275] {strides = array<i32>} : memref<128x256xf32, #tpu.memory_space<vmem>>, vector<1x16xf32>,
        %swap3A_277 = vector.shape_cast %swap3A_276 : vector<1x16xf32> to vector<16xf32>
        %swap3A_278 = vector.shape_cast %max3A_273 : vector<16xf32> to vector<1x16xf32>
        tpu.vector_store %arg9[%swap3A_274, %swap3A_275], %swap3A_278 {strides = array<i32>} : memref<128x256xf32, #tpu.memory_space<vmem>>, vector<1x16xf32>,
        %get3A_279 = arith.index_cast %scan3A_26 : i32 to index
        %get3A_280 = arith.constant 240 : index
        %get3A_281 = tpu.vector_load %arg9[%get3A_279, %get3A_280] {strides = array<i32>} : memref<128x256xf32, #tpu.memory_space<vmem>>, vector<1x16xf32>,
        %get3A_282 = vector.shape_cast %get3A_281 : vector<1x16xf32> to vector<16xf32>
        %get3A_283 = arith.index_cast %scan3A_26 : i32 to index
        %get3A_284 = arith.constant 240 : index
        %get3A_285 = tpu.vector_load %arg10[%get3A_283, %get3A_284] {strides = array<i32>} : memref<128x256xf32, #tpu.memory_space<vmem>>, vector<1x16xf32>,
        %get3A_286 = vector.shape_cast %get3A_285 : vector<1x16xf32> to vector<16xf32>
        %add3A_287 = arith.addf %get3A_282, %get3A_286 : vector<16xf32>
        %max3A_288 = arith.constant 0.000000e+00 : f32
        %max3A_289 = vector.broadcast %max3A_288 : f32 to vector<16xf32>
        %max3A_290 = arith.maximumf %add3A_287, %max3A_289 : vector<16xf32>
        %swap3A_291 = arith.index_cast %scan3A_26 : i32 to index
        %swap3A_292 = arith.constant 240 : index
        %swap3A_293 = tpu.vector_load %arg9[%swap3A_291, %swap3A_292] {strides = array<i32>} : memref<128x256xf32, #tpu.memory_space<vmem>>, vector<1x16xf32>,
        %swap3A_294 = vector.shape_cast %swap3A_293 : vector<1x16xf32> to vector<16xf32>
        %swap3A_295 = vector.shape_cast %max3A_290 : vector<16xf32> to vector<1x16xf32>
        tpu.vector_store %arg9[%swap3A_291, %swap3A_292], %swap3A_295 {strides = array<i32>} : memref<128x256xf32, #tpu.memory_space<vmem>>, vector<1x16xf32>,
      }
      %scan3A_24 = arith.constant 128 : i32
      %add3A_25 = arith.addi %mul3A_2, %mul3A_18 : i32
      "tpu.region"() ({
        %run_scoped3A = tpu.sem_alloc : memref<!tpu.dma_semaphore, #tpu.memory_space<semaphore_mem>>
        %dma_start3A = arith.constant 0 : i32
        %dma_start3A_26 = arith.constant 0 : i32
        %dma_start3A_27 = tpu.memref_slice %arg9[%dma_start3A, %dma_start3A_26] : memref<128x256xf32, #tpu.memory_space<vmem>> -> memref<128x256xf32, #tpu.memory_space<vmem>>
        %dma_start3A_28 = arith.constant 0 : i32
        %dma_start3A_29 = tpu.memref_slice %arg6[%add3A_25, %dma_start3A_28] : memref<160000x256xf32, #tpu.memory_space<hbm>> -> memref<128x256xf32, #tpu.memory_space<hbm>>
        %dma_start3A_30 = arith.constant 0 : i32
        %dma_start3A_31 = tpu.memref_slice %arg6[%add3A_25, %dma_start3A_30] : memref<160000x256xf32, #tpu.memory_space<hbm>> -> memref<128x256xf32, #tpu.memory_space<hbm>>
        %dma_start3A_32 = arith.constant 0 : i32
        %dma_start3A_33 = arith.constant 0 : i32
        %dma_start3A_34 = tpu.memref_slice %arg9[%dma_start3A_32, %dma_start3A_33] : memref<128x256xf32, #tpu.memory_space<vmem>> -> memref<128x256xf32, #tpu.memory_space<vmem>>
        tpu.enqueue_dma source(%dma_start3A_34 : memref<128x256xf32, #tpu.memory_space<vmem>>) target(%dma_start3A_31 : memref<128x256xf32, #tpu.memory_space<hbm>>) target_semaphore(%run_scoped3A : memref<!tpu.dma_semaphore, #tpu.memory_space<semaphore_mem>>)
        %dma_wait3A = arith.constant 0 : i32
        %dma_wait3A_35 = arith.constant 0 : i32
        %dma_wait3A_36 = tpu.memref_slice %arg9[%dma_wait3A, %dma_wait3A_35] : memref<128x256xf32, #tpu.memory_space<vmem>> -> memref<128x256xf32, #tpu.memory_space<vmem>>
        %dma_wait3A_37 = arith.constant 0 : i32
        %dma_wait3A_38 = tpu.memref_slice %arg6[%add3A_25, %dma_wait3A_37] : memref<160000x256xf32, #tpu.memory_space<hbm>> -> memref<128x256xf32, #tpu.memory_space<hbm>>
        %dma_wait3A_39 = arith.constant 0 : i32
        %dma_wait3A_40 = tpu.memref_slice %arg6[%add3A_25, %dma_wait3A_39] : memref<160000x256xf32, #tpu.memory_space<hbm>> -> memref<128x256xf32, #tpu.memory_space<hbm>>
        %dma_wait3A_41 = arith.constant 0 : i32
        %dma_wait3A_42 = arith.constant 0 : i32
        %dma_wait3A_43 = tpu.memref_slice %arg9[%dma_wait3A_41, %dma_wait3A_42] : memref<128x256xf32, #tpu.memory_space<vmem>> -> memref<128x256xf32, #tpu.memory_space<vmem>>
        tpu.wait_dma2 semaphore(%run_scoped3A : memref<!tpu.dma_semaphore, #tpu.memory_space<semaphore_mem>>) src(%dma_wait3A_43 : memref<128x256xf32, #tpu.memory_space<vmem>>) dst(%dma_wait3A_40 : memref<128x256xf32, #tpu.memory_space<hbm>>)
        tpu.yield
      }) : () -> ()
    }
    %scan3A_7 = arith.constant 39 : i32
    "tpu.region"() ({
      %run_scoped3A = tpu.sem_alloc : memref<!tpu.dma_semaphore, #tpu.memory_space<semaphore_mem>>
      %dma_start3A = arith.constant 0 : i32
      %dma_start3A_16 = arith.constant 0 : i32
      %dma_start3A_17 = tpu.memref_slice %arg9[%dma_start3A, %dma_start3A_16] : memref<128x256xf32, #tpu.memory_space<vmem>> -> memref<8x256xf32, #tpu.memory_space<vmem>>
      %dma_start3A_18 = arith.constant 4992 : i32
      %dma_start3A_19 = tpu.memref_slice %arg7[%dma_start3A_18] : memref<5000xi32, #tpu.memory_space<vmem>> -> memref<8xi32, #tpu.memory_space<vmem>>
      %dma_start3A_20 = arith.constant 0 : i32
      %dma_start3A_21 = arith.constant 0 : i32
      %dma_start3A_22 = tpu.memref_slice %arg2[%dma_start3A_20, %dma_start3A_21] : memref<10000x256xf32, #tpu.memory_space<hbm>> -> memref<10000x256xf32, #tpu.memory_space<hbm>>
      tpu.enqueue_indirect_dma source(%dma_start3A_22 : memref<10000x256xf32, #tpu.memory_space<hbm>>) target(%dma_start3A_17 : memref<8x256xf32, #tpu.memory_space<vmem>>) offsets(%dma_start3A_19 : memref<8xi32, #tpu.memory_space<vmem>>) semaphore(%run_scoped3A : memref<!tpu.dma_semaphore, #tpu.memory_space<semaphore_mem>>)
      %dma_wait3A = arith.constant 0 : i32
      %dma_wait3A_23 = arith.constant 0 : i32
      %dma_wait3A_24 = tpu.memref_slice %arg9[%dma_wait3A, %dma_wait3A_23] : memref<128x256xf32, #tpu.memory_space<vmem>> -> memref<8x256xf32, #tpu.memory_space<vmem>>
      %dma_wait3A_25 = arith.constant 4992 : i32
      %dma_wait3A_26 = tpu.memref_slice %arg7[%dma_wait3A_25] : memref<5000xi32, #tpu.memory_space<vmem>> -> memref<8xi32, #tpu.memory_space<vmem>>
      %dma_wait3A_27 = arith.constant 0 : i32
      %dma_wait3A_28 = arith.constant 0 : i32
      %dma_wait3A_29 = tpu.memref_slice %arg2[%dma_wait3A_27, %dma_wait3A_28] : memref<10000x256xf32, #tpu.memory_space<hbm>> -> memref<10000x256xf32, #tpu.memory_space<hbm>>
      tpu.wait_indirect_dma semaphore(%run_scoped3A : memref<!tpu.dma_semaphore, #tpu.memory_space<semaphore_mem>>) src(%dma_wait3A_29 : memref<10000x256xf32, #tpu.memory_space<hbm>>) dst(%dma_wait3A_24 : memref<8x256xf32, #tpu.memory_space<vmem>>)
      tpu.yield
    }) : () -> ()
    "tpu.region"() ({
      %run_scoped3A = tpu.sem_alloc : memref<!tpu.dma_semaphore, #tpu.memory_space<semaphore_mem>>
      %dma_start3A = arith.constant 0 : i32
      %dma_start3A_16 = arith.constant 0 : i32
      %dma_start3A_17 = tpu.memref_slice %arg10[%dma_start3A, %dma_start3A_16] : memref<128x256xf32, #tpu.memory_space<vmem>> -> memref<8x256xf32, #tpu.memory_space<vmem>>
      %dma_start3A_18 = arith.constant 4992 : i32
      %dma_start3A_19 = tpu.memref_slice %arg8[%dma_start3A_18] : memref<5000xi32, #tpu.memory_space<vmem>> -> memref<8xi32, #tpu.memory_space<vmem>>
      %dma_start3A_20 = arith.constant 0 : i32
      %dma_start3A_21 = arith.constant 0 : i32
      %dma_start3A_22 = tpu.memref_slice %arg3[%dma_start3A_20, %dma_start3A_21] : memref<10000x256xf32, #tpu.memory_space<hbm>> -> memref<10000x256xf32, #tpu.memory_space<hbm>>
      tpu.enqueue_indirect_dma source(%dma_start3A_22 : memref<10000x256xf32, #tpu.memory_space<hbm>>) target(%dma_start3A_17 : memref<8x256xf32, #tpu.memory_space<vmem>>) offsets(%dma_start3A_19 : memref<8xi32, #tpu.memory_space<vmem>>) semaphore(%run_scoped3A : memref<!tpu.dma_semaphore, #tpu.memory_space<semaphore_mem>>)
      %dma_wait3A = arith.constant 0 : i32
      %dma_wait3A_23 = arith.constant 0 : i32
      %dma_wait3A_24 = tpu.memref_slice %arg10[%dma_wait3A, %dma_wait3A_23] : memref<128x256xf32, #tpu.memory_space<vmem>> -> memref<8x256xf32, #tpu.memory_space<vmem>>
      %dma_wait3A_25 = arith.constant 4992 : i32
      %dma_wait3A_26 = tpu.memref_slice %arg8[%dma_wait3A_25] : memref<5000xi32, #tpu.memory_space<vmem>> -> memref<8xi32, #tpu.memory_space<vmem>>
      %dma_wait3A_27 = arith.constant 0 : i32
      %dma_wait3A_28 = arith.constant 0 : i32
      %dma_wait3A_29 = tpu.memref_slice %arg3[%dma_wait3A_27, %dma_wait3A_28] : memref<10000x256xf32, #tpu.memory_space<hbm>> -> memref<10000x256xf32, #tpu.memory_space<hbm>>
      tpu.wait_indirect_dma semaphore(%run_scoped3A : memref<!tpu.dma_semaphore, #tpu.memory_space<semaphore_mem>>) src(%dma_wait3A_29 : memref<10000x256xf32, #tpu.memory_space<hbm>>) dst(%dma_wait3A_24 : memref<8x256xf32, #tpu.memory_space<vmem>>)
      tpu.yield
    }) : () -> ()
    %scan3A_8 = arith.constant 0 : i32
    %scan3A_9 = arith.constant 0 : i32
    %scan3A_10 = arith.constant 8 : i32
    %scan3A_11 = arith.addi %scan3A_9, %scan3A_10 : i32
    %scan3A_12 = arith.constant 1 : i32
    scf.for %scan3A_16 = %scan3A_9 to %scan3A_11 step %scan3A_12  : i32 {
      %get3A = arith.index_cast %scan3A_16 : i32 to index
      %get3A_17 = arith.constant 0 : index
      %get3A_18 = tpu.vector_load %arg9[%get3A, %get3A_17] {strides = array<i32>} : memref<128x256xf32, #tpu.memory_space<vmem>>, vector<1x16xf32>,
      %get3A_19 = vector.shape_cast %get3A_18 : vector<1x16xf32> to vector<16xf32>
      %get3A_20 = arith.index_cast %scan3A_16 : i32 to index
      %get3A_21 = arith.constant 0 : index
      %get3A_22 = tpu.vector_load %arg10[%get3A_20, %get3A_21] {strides = array<i32>} : memref<128x256xf32, #tpu.memory_space<vmem>>, vector<1x16xf32>,
      %get3A_23 = vector.shape_cast %get3A_22 : vector<1x16xf32> to vector<16xf32>
      %add3A_24 = arith.addf %get3A_19, %get3A_23 : vector<16xf32>
      %max3A = arith.constant 0.000000e+00 : f32
      %max3A_25 = vector.broadcast %max3A : f32 to vector<16xf32>
      %max3A_26 = arith.maximumf %add3A_24, %max3A_25 : vector<16xf32>
      %swap3A = arith.index_cast %scan3A_16 : i32 to index
      %swap3A_27 = arith.constant 0 : index
      %swap3A_28 = tpu.vector_load %arg9[%swap3A, %swap3A_27] {strides = array<i32>} : memref<128x256xf32, #tpu.memory_space<vmem>>, vector<1x16xf32>,
      %swap3A_29 = vector.shape_cast %swap3A_28 : vector<1x16xf32> to vector<16xf32>
      %swap3A_30 = vector.shape_cast %max3A_26 : vector<16xf32> to vector<1x16xf32>
      tpu.vector_store %arg9[%swap3A, %swap3A_27], %swap3A_30 {strides = array<i32>} : memref<128x256xf32, #tpu.memory_space<vmem>>, vector<1x16xf32>,
      %get3A_31 = arith.index_cast %scan3A_16 : i32 to index
      %get3A_32 = arith.constant 16 : index
      %get3A_33 = tpu.vector_load %arg9[%get3A_31, %get3A_32] {strides = array<i32>} : memref<128x256xf32, #tpu.memory_space<vmem>>, vector<1x16xf32>,
      %get3A_34 = vector.shape_cast %get3A_33 : vector<1x16xf32> to vector<16xf32>
      %get3A_35 = arith.index_cast %scan3A_16 : i32 to index
      %get3A_36 = arith.constant 16 : index
      %get3A_37 = tpu.vector_load %arg10[%get3A_35, %get3A_36] {strides = array<i32>} : memref<128x256xf32, #tpu.memory_space<vmem>>, vector<1x16xf32>,
      %get3A_38 = vector.shape_cast %get3A_37 : vector<1x16xf32> to vector<16xf32>
      %add3A_39 = arith.addf %get3A_34, %get3A_38 : vector<16xf32>
      %max3A_40 = arith.constant 0.000000e+00 : f32
      %max3A_41 = vector.broadcast %max3A_40 : f32 to vector<16xf32>
      %max3A_42 = arith.maximumf %add3A_39, %max3A_41 : vector<16xf32>
      %swap3A_43 = arith.index_cast %scan3A_16 : i32 to index
      %swap3A_44 = arith.constant 16 : index
      %swap3A_45 = tpu.vector_load %arg9[%swap3A_43, %swap3A_44] {strides = array<i32>} : memref<128x256xf32, #tpu.memory_space<vmem>>, vector<1x16xf32>,
      %swap3A_46 = vector.shape_cast %swap3A_45 : vector<1x16xf32> to vector<16xf32>
      %swap3A_47 = vector.shape_cast %max3A_42 : vector<16xf32> to vector<1x16xf32>
      tpu.vector_store %arg9[%swap3A_43, %swap3A_44], %swap3A_47 {strides = array<i32>} : memref<128x256xf32, #tpu.memory_space<vmem>>, vector<1x16xf32>,
      %get3A_48 = arith.index_cast %scan3A_16 : i32 to index
      %get3A_49 = arith.constant 32 : index
      %get3A_50 = tpu.vector_load %arg9[%get3A_48, %get3A_49] {strides = array<i32>} : memref<128x256xf32, #tpu.memory_space<vmem>>, vector<1x16xf32>,
      %get3A_51 = vector.shape_cast %get3A_50 : vector<1x16xf32> to vector<16xf32>
      %get3A_52 = arith.index_cast %scan3A_16 : i32 to index
      %get3A_53 = arith.constant 32 : index
      %get3A_54 = tpu.vector_load %arg10[%get3A_52, %get3A_53] {strides = array<i32>} : memref<128x256xf32, #tpu.memory_space<vmem>>, vector<1x16xf32>,
      %get3A_55 = vector.shape_cast %get3A_54 : vector<1x16xf32> to vector<16xf32>
      %add3A_56 = arith.addf %get3A_51, %get3A_55 : vector<16xf32>
      %max3A_57 = arith.constant 0.000000e+00 : f32
      %max3A_58 = vector.broadcast %max3A_57 : f32 to vector<16xf32>
      %max3A_59 = arith.maximumf %add3A_56, %max3A_58 : vector<16xf32>
      %swap3A_60 = arith.index_cast %scan3A_16 : i32 to index
      %swap3A_61 = arith.constant 32 : index
      %swap3A_62 = tpu.vector_load %arg9[%swap3A_60, %swap3A_61] {strides = array<i32>} : memref<128x256xf32, #tpu.memory_space<vmem>>, vector<1x16xf32>,
      %swap3A_63 = vector.shape_cast %swap3A_62 : vector<1x16xf32> to vector<16xf32>
      %swap3A_64 = vector.shape_cast %max3A_59 : vector<16xf32> to vector<1x16xf32>
      tpu.vector_store %arg9[%swap3A_60, %swap3A_61], %swap3A_64 {strides = array<i32>} : memref<128x256xf32, #tpu.memory_space<vmem>>, vector<1x16xf32>,
      %get3A_65 = arith.index_cast %scan3A_16 : i32 to index
      %get3A_66 = arith.constant 48 : index
      %get3A_67 = tpu.vector_load %arg9[%get3A_65, %get3A_66] {strides = array<i32>} : memref<128x256xf32, #tpu.memory_space<vmem>>, vector<1x16xf32>,
      %get3A_68 = vector.shape_cast %get3A_67 : vector<1x16xf32> to vector<16xf32>
      %get3A_69 = arith.index_cast %scan3A_16 : i32 to index
      %get3A_70 = arith.constant 48 : index
      %get3A_71 = tpu.vector_load %arg10[%get3A_69, %get3A_70] {strides = array<i32>} : memref<128x256xf32, #tpu.memory_space<vmem>>, vector<1x16xf32>,
      %get3A_72 = vector.shape_cast %get3A_71 : vector<1x16xf32> to vector<16xf32>
      %add3A_73 = arith.addf %get3A_68, %get3A_72 : vector<16xf32>
      %max3A_74 = arith.constant 0.000000e+00 : f32
      %max3A_75 = vector.broadcast %max3A_74 : f32 to vector<16xf32>
      %max3A_76 = arith.maximumf %add3A_73, %max3A_75 : vector<16xf32>
      %swap3A_77 = arith.index_cast %scan3A_16 : i32 to index
      %swap3A_78 = arith.constant 48 : index
      %swap3A_79 = tpu.vector_load %arg9[%swap3A_77, %swap3A_78] {strides = array<i32>} : memref<128x256xf32, #tpu.memory_space<vmem>>, vector<1x16xf32>,
      %swap3A_80 = vector.shape_cast %swap3A_79 : vector<1x16xf32> to vector<16xf32>
      %swap3A_81 = vector.shape_cast %max3A_76 : vector<16xf32> to vector<1x16xf32>
      tpu.vector_store %arg9[%swap3A_77, %swap3A_78], %swap3A_81 {strides = array<i32>} : memref<128x256xf32, #tpu.memory_space<vmem>>, vector<1x16xf32>,
      %get3A_82 = arith.index_cast %scan3A_16 : i32 to index
      %get3A_83 = arith.constant 64 : index
      %get3A_84 = tpu.vector_load %arg9[%get3A_82, %get3A_83] {strides = array<i32>} : memref<128x256xf32, #tpu.memory_space<vmem>>, vector<1x16xf32>,
      %get3A_85 = vector.shape_cast %get3A_84 : vector<1x16xf32> to vector<16xf32>
      %get3A_86 = arith.index_cast %scan3A_16 : i32 to index
      %get3A_87 = arith.constant 64 : index
      %get3A_88 = tpu.vector_load %arg10[%get3A_86, %get3A_87] {strides = array<i32>} : memref<128x256xf32, #tpu.memory_space<vmem>>, vector<1x16xf32>,
      %get3A_89 = vector.shape_cast %get3A_88 : vector<1x16xf32> to vector<16xf32>
      %add3A_90 = arith.addf %get3A_85, %get3A_89 : vector<16xf32>
      %max3A_91 = arith.constant 0.000000e+00 : f32
      %max3A_92 = vector.broadcast %max3A_91 : f32 to vector<16xf32>
      %max3A_93 = arith.maximumf %add3A_90, %max3A_92 : vector<16xf32>
      %swap3A_94 = arith.index_cast %scan3A_16 : i32 to index
      %swap3A_95 = arith.constant 64 : index
      %swap3A_96 = tpu.vector_load %arg9[%swap3A_94, %swap3A_95] {strides = array<i32>} : memref<128x256xf32, #tpu.memory_space<vmem>>, vector<1x16xf32>,
      %swap3A_97 = vector.shape_cast %swap3A_96 : vector<1x16xf32> to vector<16xf32>
      %swap3A_98 = vector.shape_cast %max3A_93 : vector<16xf32> to vector<1x16xf32>
      tpu.vector_store %arg9[%swap3A_94, %swap3A_95], %swap3A_98 {strides = array<i32>} : memref<128x256xf32, #tpu.memory_space<vmem>>, vector<1x16xf32>,
      %get3A_99 = arith.index_cast %scan3A_16 : i32 to index
      %get3A_100 = arith.constant 80 : index
      %get3A_101 = tpu.vector_load %arg9[%get3A_99, %get3A_100] {strides = array<i32>} : memref<128x256xf32, #tpu.memory_space<vmem>>, vector<1x16xf32>,
      %get3A_102 = vector.shape_cast %get3A_101 : vector<1x16xf32> to vector<16xf32>
      %get3A_103 = arith.index_cast %scan3A_16 : i32 to index
      %get3A_104 = arith.constant 80 : index
      %get3A_105 = tpu.vector_load %arg10[%get3A_103, %get3A_104] {strides = array<i32>} : memref<128x256xf32, #tpu.memory_space<vmem>>, vector<1x16xf32>,
      %get3A_106 = vector.shape_cast %get3A_105 : vector<1x16xf32> to vector<16xf32>
      %add3A_107 = arith.addf %get3A_102, %get3A_106 : vector<16xf32>
      %max3A_108 = arith.constant 0.000000e+00 : f32
      %max3A_109 = vector.broadcast %max3A_108 : f32 to vector<16xf32>
      %max3A_110 = arith.maximumf %add3A_107, %max3A_109 : vector<16xf32>
      %swap3A_111 = arith.index_cast %scan3A_16 : i32 to index
      %swap3A_112 = arith.constant 80 : index
      %swap3A_113 = tpu.vector_load %arg9[%swap3A_111, %swap3A_112] {strides = array<i32>} : memref<128x256xf32, #tpu.memory_space<vmem>>, vector<1x16xf32>,
      %swap3A_114 = vector.shape_cast %swap3A_113 : vector<1x16xf32> to vector<16xf32>
      %swap3A_115 = vector.shape_cast %max3A_110 : vector<16xf32> to vector<1x16xf32>
      tpu.vector_store %arg9[%swap3A_111, %swap3A_112], %swap3A_115 {strides = array<i32>} : memref<128x256xf32, #tpu.memory_space<vmem>>, vector<1x16xf32>,
      %get3A_116 = arith.index_cast %scan3A_16 : i32 to index
      %get3A_117 = arith.constant 96 : index
      %get3A_118 = tpu.vector_load %arg9[%get3A_116, %get3A_117] {strides = array<i32>} : memref<128x256xf32, #tpu.memory_space<vmem>>, vector<1x16xf32>,
      %get3A_119 = vector.shape_cast %get3A_118 : vector<1x16xf32> to vector<16xf32>
      %get3A_120 = arith.index_cast %scan3A_16 : i32 to index
      %get3A_121 = arith.constant 96 : index
      %get3A_122 = tpu.vector_load %arg10[%get3A_120, %get3A_121] {strides = array<i32>} : memref<128x256xf32, #tpu.memory_space<vmem>>, vector<1x16xf32>,
      %get3A_123 = vector.shape_cast %get3A_122 : vector<1x16xf32> to vector<16xf32>
      %add3A_124 = arith.addf %get3A_119, %get3A_123 : vector<16xf32>
      %max3A_125 = arith.constant 0.000000e+00 : f32
      %max3A_126 = vector.broadcast %max3A_125 : f32 to vector<16xf32>
      %max3A_127 = arith.maximumf %add3A_124, %max3A_126 : vector<16xf32>
      %swap3A_128 = arith.index_cast %scan3A_16 : i32 to index
      %swap3A_129 = arith.constant 96 : index
      %swap3A_130 = tpu.vector_load %arg9[%swap3A_128, %swap3A_129] {strides = array<i32>} : memref<128x256xf32, #tpu.memory_space<vmem>>, vector<1x16xf32>,
      %swap3A_131 = vector.shape_cast %swap3A_130 : vector<1x16xf32> to vector<16xf32>
      %swap3A_132 = vector.shape_cast %max3A_127 : vector<16xf32> to vector<1x16xf32>
      tpu.vector_store %arg9[%swap3A_128, %swap3A_129], %swap3A_132 {strides = array<i32>} : memref<128x256xf32, #tpu.memory_space<vmem>>, vector<1x16xf32>,
      %get3A_133 = arith.index_cast %scan3A_16 : i32 to index
      %get3A_134 = arith.constant 112 : index
      %get3A_135 = tpu.vector_load %arg9[%get3A_133, %get3A_134] {strides = array<i32>} : memref<128x256xf32, #tpu.memory_space<vmem>>, vector<1x16xf32>,
      %get3A_136 = vector.shape_cast %get3A_135 : vector<1x16xf32> to vector<16xf32>
      %get3A_137 = arith.index_cast %scan3A_16 : i32 to index
      %get3A_138 = arith.constant 112 : index
      %get3A_139 = tpu.vector_load %arg10[%get3A_137, %get3A_138] {strides = array<i32>} : memref<128x256xf32, #tpu.memory_space<vmem>>, vector<1x16xf32>,
      %get3A_140 = vector.shape_cast %get3A_139 : vector<1x16xf32> to vector<16xf32>
      %add3A_141 = arith.addf %get3A_136, %get3A_140 : vector<16xf32>
      %max3A_142 = arith.constant 0.000000e+00 : f32
      %max3A_143 = vector.broadcast %max3A_142 : f32 to vector<16xf32>
      %max3A_144 = arith.maximumf %add3A_141, %max3A_143 : vector<16xf32>
      %swap3A_145 = arith.index_cast %scan3A_16 : i32 to index
      %swap3A_146 = arith.constant 112 : index
      %swap3A_147 = tpu.vector_load %arg9[%swap3A_145, %swap3A_146] {strides = array<i32>} : memref<128x256xf32, #tpu.memory_space<vmem>>, vector<1x16xf32>,
      %swap3A_148 = vector.shape_cast %swap3A_147 : vector<1x16xf32> to vector<16xf32>
      %swap3A_149 = vector.shape_cast %max3A_144 : vector<16xf32> to vector<1x16xf32>
      tpu.vector_store %arg9[%swap3A_145, %swap3A_146], %swap3A_149 {strides = array<i32>} : memref<128x256xf32, #tpu.memory_space<vmem>>, vector<1x16xf32>,
      %get3A_150 = arith.index_cast %scan3A_16 : i32 to index
      %get3A_151 = arith.constant 128 : index
      %get3A_152 = tpu.vector_load %arg9[%get3A_150, %get3A_151] {strides = array<i32>} : memref<128x256xf32, #tpu.memory_space<vmem>>, vector<1x16xf32>,
      %get3A_153 = vector.shape_cast %get3A_152 : vector<1x16xf32> to vector<16xf32>
      %get3A_154 = arith.index_cast %scan3A_16 : i32 to index
      %get3A_155 = arith.constant 128 : index
      %get3A_156 = tpu.vector_load %arg10[%get3A_154, %get3A_155] {strides = array<i32>} : memref<128x256xf32, #tpu.memory_space<vmem>>, vector<1x16xf32>,
      %get3A_157 = vector.shape_cast %get3A_156 : vector<1x16xf32> to vector<16xf32>
      %add3A_158 = arith.addf %get3A_153, %get3A_157 : vector<16xf32>
      %max3A_159 = arith.constant 0.000000e+00 : f32
      %max3A_160 = vector.broadcast %max3A_159 : f32 to vector<16xf32>
      %max3A_161 = arith.maximumf %add3A_158, %max3A_160 : vector<16xf32>
      %swap3A_162 = arith.index_cast %scan3A_16 : i32 to index
      %swap3A_163 = arith.constant 128 : index
      %swap3A_164 = tpu.vector_load %arg9[%swap3A_162, %swap3A_163] {strides = array<i32>} : memref<128x256xf32, #tpu.memory_space<vmem>>, vector<1x16xf32>,
      %swap3A_165 = vector.shape_cast %swap3A_164 : vector<1x16xf32> to vector<16xf32>
      %swap3A_166 = vector.shape_cast %max3A_161 : vector<16xf32> to vector<1x16xf32>
      tpu.vector_store %arg9[%swap3A_162, %swap3A_163], %swap3A_166 {strides = array<i32>} : memref<128x256xf32, #tpu.memory_space<vmem>>, vector<1x16xf32>,
      %get3A_167 = arith.index_cast %scan3A_16 : i32 to index
      %get3A_168 = arith.constant 144 : index
      %get3A_169 = tpu.vector_load %arg9[%get3A_167, %get3A_168] {strides = array<i32>} : memref<128x256xf32, #tpu.memory_space<vmem>>, vector<1x16xf32>,
      %get3A_170 = vector.shape_cast %get3A_169 : vector<1x16xf32> to vector<16xf32>
      %get3A_171 = arith.index_cast %scan3A_16 : i32 to index
      %get3A_172 = arith.constant 144 : index
      %get3A_173 = tpu.vector_load %arg10[%get3A_171, %get3A_172] {strides = array<i32>} : memref<128x256xf32, #tpu.memory_space<vmem>>, vector<1x16xf32>,
      %get3A_174 = vector.shape_cast %get3A_173 : vector<1x16xf32> to vector<16xf32>
      %add3A_175 = arith.addf %get3A_170, %get3A_174 : vector<16xf32>
      %max3A_176 = arith.constant 0.000000e+00 : f32
      %max3A_177 = vector.broadcast %max3A_176 : f32 to vector<16xf32>
      %max3A_178 = arith.maximumf %add3A_175, %max3A_177 : vector<16xf32>
      %swap3A_179 = arith.index_cast %scan3A_16 : i32 to index
      %swap3A_180 = arith.constant 144 : index
      %swap3A_181 = tpu.vector_load %arg9[%swap3A_179, %swap3A_180] {strides = array<i32>} : memref<128x256xf32, #tpu.memory_space<vmem>>, vector<1x16xf32>,
      %swap3A_182 = vector.shape_cast %swap3A_181 : vector<1x16xf32> to vector<16xf32>
      %swap3A_183 = vector.shape_cast %max3A_178 : vector<16xf32> to vector<1x16xf32>
      tpu.vector_store %arg9[%swap3A_179, %swap3A_180], %swap3A_183 {strides = array<i32>} : memref<128x256xf32, #tpu.memory_space<vmem>>, vector<1x16xf32>,
      %get3A_184 = arith.index_cast %scan3A_16 : i32 to index
      %get3A_185 = arith.constant 160 : index
      %get3A_186 = tpu.vector_load %arg9[%get3A_184, %get3A_185] {strides = array<i32>} : memref<128x256xf32, #tpu.memory_space<vmem>>, vector<1x16xf32>,
      %get3A_187 = vector.shape_cast %get3A_186 : vector<1x16xf32> to vector<16xf32>
      %get3A_188 = arith.index_cast %scan3A_16 : i32 to index
      %get3A_189 = arith.constant 160 : index
      %get3A_190 = tpu.vector_load %arg10[%get3A_188, %get3A_189] {strides = array<i32>} : memref<128x256xf32, #tpu.memory_space<vmem>>, vector<1x16xf32>,
      %get3A_191 = vector.shape_cast %get3A_190 : vector<1x16xf32> to vector<16xf32>
      %add3A_192 = arith.addf %get3A_187, %get3A_191 : vector<16xf32>
      %max3A_193 = arith.constant 0.000000e+00 : f32
      %max3A_194 = vector.broadcast %max3A_193 : f32 to vector<16xf32>
      %max3A_195 = arith.maximumf %add3A_192, %max3A_194 : vector<16xf32>
      %swap3A_196 = arith.index_cast %scan3A_16 : i32 to index
      %swap3A_197 = arith.constant 160 : index
      %swap3A_198 = tpu.vector_load %arg9[%swap3A_196, %swap3A_197] {strides = array<i32>} : memref<128x256xf32, #tpu.memory_space<vmem>>, vector<1x16xf32>,
      %swap3A_199 = vector.shape_cast %swap3A_198 : vector<1x16xf32> to vector<16xf32>
      %swap3A_200 = vector.shape_cast %max3A_195 : vector<16xf32> to vector<1x16xf32>
      tpu.vector_store %arg9[%swap3A_196, %swap3A_197], %swap3A_200 {strides = array<i32>} : memref<128x256xf32, #tpu.memory_space<vmem>>, vector<1x16xf32>,
      %get3A_201 = arith.index_cast %scan3A_16 : i32 to index
      %get3A_202 = arith.constant 176 : index
      %get3A_203 = tpu.vector_load %arg9[%get3A_201, %get3A_202] {strides = array<i32>} : memref<128x256xf32, #tpu.memory_space<vmem>>, vector<1x16xf32>,
      %get3A_204 = vector.shape_cast %get3A_203 : vector<1x16xf32> to vector<16xf32>
      %get3A_205 = arith.index_cast %scan3A_16 : i32 to index
      %get3A_206 = arith.constant 176 : index
      %get3A_207 = tpu.vector_load %arg10[%get3A_205, %get3A_206] {strides = array<i32>} : memref<128x256xf32, #tpu.memory_space<vmem>>, vector<1x16xf32>,
      %get3A_208 = vector.shape_cast %get3A_207 : vector<1x16xf32> to vector<16xf32>
      %add3A_209 = arith.addf %get3A_204, %get3A_208 : vector<16xf32>
      %max3A_210 = arith.constant 0.000000e+00 : f32
      %max3A_211 = vector.broadcast %max3A_210 : f32 to vector<16xf32>
      %max3A_212 = arith.maximumf %add3A_209, %max3A_211 : vector<16xf32>
      %swap3A_213 = arith.index_cast %scan3A_16 : i32 to index
      %swap3A_214 = arith.constant 176 : index
      %swap3A_215 = tpu.vector_load %arg9[%swap3A_213, %swap3A_214] {strides = array<i32>} : memref<128x256xf32, #tpu.memory_space<vmem>>, vector<1x16xf32>,
      %swap3A_216 = vector.shape_cast %swap3A_215 : vector<1x16xf32> to vector<16xf32>
      %swap3A_217 = vector.shape_cast %max3A_212 : vector<16xf32> to vector<1x16xf32>
      tpu.vector_store %arg9[%swap3A_213, %swap3A_214], %swap3A_217 {strides = array<i32>} : memref<128x256xf32, #tpu.memory_space<vmem>>, vector<1x16xf32>,
      %get3A_218 = arith.index_cast %scan3A_16 : i32 to index
      %get3A_219 = arith.constant 192 : index
      %get3A_220 = tpu.vector_load %arg9[%get3A_218, %get3A_219] {strides = array<i32>} : memref<128x256xf32, #tpu.memory_space<vmem>>, vector<1x16xf32>,
      %get3A_221 = vector.shape_cast %get3A_220 : vector<1x16xf32> to vector<16xf32>
      %get3A_222 = arith.index_cast %scan3A_16 : i32 to index
      %get3A_223 = arith.constant 192 : index
      %get3A_224 = tpu.vector_load %arg10[%get3A_222, %get3A_223] {strides = array<i32>} : memref<128x256xf32, #tpu.memory_space<vmem>>, vector<1x16xf32>,
      %get3A_225 = vector.shape_cast %get3A_224 : vector<1x16xf32> to vector<16xf32>
      %add3A_226 = arith.addf %get3A_221, %get3A_225 : vector<16xf32>
      %max3A_227 = arith.constant 0.000000e+00 : f32
      %max3A_228 = vector.broadcast %max3A_227 : f32 to vector<16xf32>
      %max3A_229 = arith.maximumf %add3A_226, %max3A_228 : vector<16xf32>
      %swap3A_230 = arith.index_cast %scan3A_16 : i32 to index
      %swap3A_231 = arith.constant 192 : index
      %swap3A_232 = tpu.vector_load %arg9[%swap3A_230, %swap3A_231] {strides = array<i32>} : memref<128x256xf32, #tpu.memory_space<vmem>>, vector<1x16xf32>,
      %swap3A_233 = vector.shape_cast %swap3A_232 : vector<1x16xf32> to vector<16xf32>
      %swap3A_234 = vector.shape_cast %max3A_229 : vector<16xf32> to vector<1x16xf32>
      tpu.vector_store %arg9[%swap3A_230, %swap3A_231], %swap3A_234 {strides = array<i32>} : memref<128x256xf32, #tpu.memory_space<vmem>>, vector<1x16xf32>,
      %get3A_235 = arith.index_cast %scan3A_16 : i32 to index
      %get3A_236 = arith.constant 208 : index
      %get3A_237 = tpu.vector_load %arg9[%get3A_235, %get3A_236] {strides = array<i32>} : memref<128x256xf32, #tpu.memory_space<vmem>>, vector<1x16xf32>,
      %get3A_238 = vector.shape_cast %get3A_237 : vector<1x16xf32> to vector<16xf32>
      %get3A_239 = arith.index_cast %scan3A_16 : i32 to index
      %get3A_240 = arith.constant 208 : index
      %get3A_241 = tpu.vector_load %arg10[%get3A_239, %get3A_240] {strides = array<i32>} : memref<128x256xf32, #tpu.memory_space<vmem>>, vector<1x16xf32>,
      %get3A_242 = vector.shape_cast %get3A_241 : vector<1x16xf32> to vector<16xf32>
      %add3A_243 = arith.addf %get3A_238, %get3A_242 : vector<16xf32>
      %max3A_244 = arith.constant 0.000000e+00 : f32
      %max3A_245 = vector.broadcast %max3A_244 : f32 to vector<16xf32>
      %max3A_246 = arith.maximumf %add3A_243, %max3A_245 : vector<16xf32>
      %swap3A_247 = arith.index_cast %scan3A_16 : i32 to index
      %swap3A_248 = arith.constant 208 : index
      %swap3A_249 = tpu.vector_load %arg9[%swap3A_247, %swap3A_248] {strides = array<i32>} : memref<128x256xf32, #tpu.memory_space<vmem>>, vector<1x16xf32>,
      %swap3A_250 = vector.shape_cast %swap3A_249 : vector<1x16xf32> to vector<16xf32>
      %swap3A_251 = vector.shape_cast %max3A_246 : vector<16xf32> to vector<1x16xf32>
      tpu.vector_store %arg9[%swap3A_247, %swap3A_248], %swap3A_251 {strides = array<i32>} : memref<128x256xf32, #tpu.memory_space<vmem>>, vector<1x16xf32>,
      %get3A_252 = arith.index_cast %scan3A_16 : i32 to index
      %get3A_253 = arith.constant 224 : index
      %get3A_254 = tpu.vector_load %arg9[%get3A_252, %get3A_253] {strides = array<i32>} : memref<128x256xf32, #tpu.memory_space<vmem>>, vector<1x16xf32>,
      %get3A_255 = vector.shape_cast %get3A_254 : vector<1x16xf32> to vector<16xf32>
      %get3A_256 = arith.index_cast %scan3A_16 : i32 to index
      %get3A_257 = arith.constant 224 : index
      %get3A_258 = tpu.vector_load %arg10[%get3A_256, %get3A_257] {strides = array<i32>} : memref<128x256xf32, #tpu.memory_space<vmem>>, vector<1x16xf32>,
      %get3A_259 = vector.shape_cast %get3A_258 : vector<1x16xf32> to vector<16xf32>
      %add3A_260 = arith.addf %get3A_255, %get3A_259 : vector<16xf32>
      %max3A_261 = arith.constant 0.000000e+00 : f32
      %max3A_262 = vector.broadcast %max3A_261 : f32 to vector<16xf32>
      %max3A_263 = arith.maximumf %add3A_260, %max3A_262 : vector<16xf32>
      %swap3A_264 = arith.index_cast %scan3A_16 : i32 to index
      %swap3A_265 = arith.constant 224 : index
      %swap3A_266 = tpu.vector_load %arg9[%swap3A_264, %swap3A_265] {strides = array<i32>} : memref<128x256xf32, #tpu.memory_space<vmem>>, vector<1x16xf32>,
      %swap3A_267 = vector.shape_cast %swap3A_266 : vector<1x16xf32> to vector<16xf32>
      %swap3A_268 = vector.shape_cast %max3A_263 : vector<16xf32> to vector<1x16xf32>
      tpu.vector_store %arg9[%swap3A_264, %swap3A_265], %swap3A_268 {strides = array<i32>} : memref<128x256xf32, #tpu.memory_space<vmem>>, vector<1x16xf32>,
      %get3A_269 = arith.index_cast %scan3A_16 : i32 to index
      %get3A_270 = arith.constant 240 : index
      %get3A_271 = tpu.vector_load %arg9[%get3A_269, %get3A_270] {strides = array<i32>} : memref<128x256xf32, #tpu.memory_space<vmem>>, vector<1x16xf32>,
      %get3A_272 = vector.shape_cast %get3A_271 : vector<1x16xf32> to vector<16xf32>
      %get3A_273 = arith.index_cast %scan3A_16 : i32 to index
      %get3A_274 = arith.constant 240 : index
      %get3A_275 = tpu.vector_load %arg10[%get3A_273, %get3A_274] {strides = array<i32>} : memref<128x256xf32, #tpu.memory_space<vmem>>, vector<1x16xf32>,
      %get3A_276 = vector.shape_cast %get3A_275 : vector<1x16xf32> to vector<16xf32>
      %add3A_277 = arith.addf %get3A_272, %get3A_276 : vector<16xf32>
      %max3A_278 = arith.constant 0.000000e+00 : f32
      %max3A_279 = vector.broadcast %max3A_278 : f32 to vector<16xf32>
      %max3A_280 = arith.maximumf %add3A_277, %max3A_279 : vector<16xf32>
      %swap3A_281 = arith.index_cast %scan3A_16 : i32 to index
      %swap3A_282 = arith.constant 240 : index
      %swap3A_283 = tpu.vector_load %arg9[%swap3A_281, %swap3A_282] {strides = array<i32>} : memref<128x256xf32, #tpu.memory_space<vmem>>, vector<1x16xf32>,
      %swap3A_284 = vector.shape_cast %swap3A_283 : vector<1x16xf32> to vector<16xf32>
      %swap3A_285 = vector.shape_cast %max3A_280 : vector<16xf32> to vector<1x16xf32>
      tpu.vector_store %arg9[%swap3A_281, %swap3A_282], %swap3A_285 {strides = array<i32>} : memref<128x256xf32, #tpu.memory_space<vmem>>, vector<1x16xf32>,
    }
    %scan3A_13 = arith.constant 8 : i32
    %add3A_14 = arith.constant 4992 : i32
    %add3A_15 = arith.addi %mul3A_2, %add3A_14 : i32
    "tpu.region"() ({
      %run_scoped3A = tpu.sem_alloc : memref<!tpu.dma_semaphore, #tpu.memory_space<semaphore_mem>>
      %dma_start3A = arith.constant 0 : i32
      %dma_start3A_16 = arith.constant 0 : i32
      %dma_start3A_17 = tpu.memref_slice %arg9[%dma_start3A, %dma_start3A_16] : memref<128x256xf32, #tpu.memory_space<vmem>> -> memref<8x256xf32, #tpu.memory_space<vmem>>
      %dma_start3A_18 = arith.constant 0 : i32
      %dma_start3A_19 = tpu.memref_slice %arg6[%add3A_15, %dma_start3A_18] : memref<160000x256xf32, #tpu.memory_space<hbm>> -> memref<8x256xf32, #tpu.memory_space<hbm>>
      %dma_start3A_20 = arith.constant 0 : i32
      %dma_start3A_21 = tpu.memref_slice %arg6[%add3A_15, %dma_start3A_20] : memref<160000x256xf32, #tpu.memory_space<hbm>> -> memref<8x256xf32, #tpu.memory_space<hbm>>
      %dma_start3A_22 = arith.constant 0 : i32
      %dma_start3A_23 = arith.constant 0 : i32
      %dma_start3A_24 = tpu.memref_slice %arg9[%dma_start3A_22, %dma_start3A_23] : memref<128x256xf32, #tpu.memory_space<vmem>> -> memref<8x256xf32, #tpu.memory_space<vmem>>
      tpu.enqueue_dma source(%dma_start3A_24 : memref<8x256xf32, #tpu.memory_space<vmem>>) target(%dma_start3A_21 : memref<8x256xf32, #tpu.memory_space<hbm>>) target_semaphore(%run_scoped3A : memref<!tpu.dma_semaphore, #tpu.memory_space<semaphore_mem>>)
      %dma_wait3A = arith.constant 0 : i32
      %dma_wait3A_25 = arith.constant 0 : i32
      %dma_wait3A_26 = tpu.memref_slice %arg9[%dma_wait3A, %dma_wait3A_25] : memref<128x256xf32, #tpu.memory_space<vmem>> -> memref<8x256xf32, #tpu.memory_space<vmem>>
      %dma_wait3A_27 = arith.constant 0 : i32
      %dma_wait3A_28 = tpu.memref_slice %arg6[%add3A_15, %dma_wait3A_27] : memref<160000x256xf32, #tpu.memory_space<hbm>> -> memref<8x256xf32, #tpu.memory_space<hbm>>
      %dma_wait3A_29 = arith.constant 0 : i32
      %dma_wait3A_30 = tpu.memref_slice %arg6[%add3A_15, %dma_wait3A_29] : memref<160000x256xf32, #tpu.memory_space<hbm>> -> memref<8x256xf32, #tpu.memory_space<hbm>>
      %dma_wait3A_31 = arith.constant 0 : i32
      %dma_wait3A_32 = arith.constant 0 : i32
      %dma_wait3A_33 = tpu.memref_slice %arg9[%dma_wait3A_31, %dma_wait3A_32] : memref<128x256xf32, #tpu.memory_space<vmem>> -> memref<8x256xf32, #tpu.memory_space<vmem>>
      tpu.wait_dma2 semaphore(%run_scoped3A : memref<!tpu.dma_semaphore, #tpu.memory_space<semaphore_mem>>) src(%dma_wait3A_33 : memref<8x256xf32, #tpu.memory_space<vmem>>) dst(%dma_wait3A_30 : memref<8x256xf32, #tpu.memory_space<hbm>>)
      tpu.yield
    }) : () -> ()
    return
  }
}

#map = affine_map<(d0, d1) -> (0, 0)>
#map1 = affine_map<(d0, d1) -> (0, 0, 0)>
module attributes {stable_mosaic.version = 14 : i64} {
  func.func @_cnt_body(%arg0: i32, %arg1: i32, %arg2: memref<2000x80xi32, #tpu.memory_space<hbm>>, %arg3: memref<2x10000x128xf32, #tpu.memory_space<hbm>>, %arg4: memref<10000x128xf32, #tpu.memory_space<vmem_shared>>, %arg5: memref<64x80xi32, #tpu.memory_space<vmem>>, %arg6: memref<80x128xf32, #tpu.memory_space<vmem>>, %arg7: memref<8x128xf32, #tpu.memory_space<vmem>>) attributes {dimension_semantics = [#tpu.dimension_semantics<core_parallel>, #tpu.dimension_semantics<subcore_parallel>], iteration_bounds = array<i64: 2, 16>, scalar_prefetch = 0 : i64, scratch_operands = 4 : i64, tpu.core_type = #tpu.core_type<sc_vector_subcore>, window_params = [{transform_indices = #map}, {transform_indices = #map1}]} {
    %mul3A = arith.constant 2 : i32
    %mul3A_0 = arith.muli %arg1, %mul3A : i32
    %add3A = arith.addi %mul3A_0, %arg0 : i32
    %scan3A = arith.constant 0 : i32
    %scan3A_1 = arith.constant 0 : i32
    %scan3A_2 = arith.constant 8 : i32
    %scan3A_3 = arith.addi %scan3A_1, %scan3A_2 : i32
    %scan3A_4 = arith.constant 1 : i32
    scf.for %scan3A_102 = %scan3A_1 to %scan3A_3 step %scan3A_4  : i32 {
      %broadcast_in_dim3A = arith.constant 0.000000e+00 : f32
      %broadcast_in_dim3A_103 = vector.broadcast %broadcast_in_dim3A : f32 to vector<16xf32>
      %swap3A = arith.index_cast %scan3A_102 : i32 to index
      %swap3A_104 = arith.constant 0 : index
      %swap3A_105 = tpu.vector_load %arg7[%swap3A, %swap3A_104] {strides = array<i32>} : memref<8x128xf32, #tpu.memory_space<vmem>>, vector<1x16xf32>,
      %swap3A_106 = vector.shape_cast %swap3A_105 : vector<1x16xf32> to vector<16xf32>
      %swap3A_107 = vector.shape_cast %broadcast_in_dim3A_103 : vector<16xf32> to vector<1x16xf32>
      tpu.vector_store %arg7[%swap3A, %swap3A_104], %swap3A_107 {strides = array<i32>} : memref<8x128xf32, #tpu.memory_space<vmem>>, vector<1x16xf32>,
      %broadcast_in_dim3A_108 = arith.constant 0.000000e+00 : f32
      %broadcast_in_dim3A_109 = vector.broadcast %broadcast_in_dim3A_108 : f32 to vector<16xf32>
      %swap3A_110 = arith.index_cast %scan3A_102 : i32 to index
      %swap3A_111 = arith.constant 16 : index
      %swap3A_112 = tpu.vector_load %arg7[%swap3A_110, %swap3A_111] {strides = array<i32>} : memref<8x128xf32, #tpu.memory_space<vmem>>, vector<1x16xf32>,
      %swap3A_113 = vector.shape_cast %swap3A_112 : vector<1x16xf32> to vector<16xf32>
      %swap3A_114 = vector.shape_cast %broadcast_in_dim3A_109 : vector<16xf32> to vector<1x16xf32>
      tpu.vector_store %arg7[%swap3A_110, %swap3A_111], %swap3A_114 {strides = array<i32>} : memref<8x128xf32, #tpu.memory_space<vmem>>, vector<1x16xf32>,
      %broadcast_in_dim3A_115 = arith.constant 0.000000e+00 : f32
      %broadcast_in_dim3A_116 = vector.broadcast %broadcast_in_dim3A_115 : f32 to vector<16xf32>
      %swap3A_117 = arith.index_cast %scan3A_102 : i32 to index
      %swap3A_118 = arith.constant 32 : index
      %swap3A_119 = tpu.vector_load %arg7[%swap3A_117, %swap3A_118] {strides = array<i32>} : memref<8x128xf32, #tpu.memory_space<vmem>>, vector<1x16xf32>,
      %swap3A_120 = vector.shape_cast %swap3A_119 : vector<1x16xf32> to vector<16xf32>
      %swap3A_121 = vector.shape_cast %broadcast_in_dim3A_116 : vector<16xf32> to vector<1x16xf32>
      tpu.vector_store %arg7[%swap3A_117, %swap3A_118], %swap3A_121 {strides = array<i32>} : memref<8x128xf32, #tpu.memory_space<vmem>>, vector<1x16xf32>,
      %broadcast_in_dim3A_122 = arith.constant 0.000000e+00 : f32
      %broadcast_in_dim3A_123 = vector.broadcast %broadcast_in_dim3A_122 : f32 to vector<16xf32>
      %swap3A_124 = arith.index_cast %scan3A_102 : i32 to index
      %swap3A_125 = arith.constant 48 : index
      %swap3A_126 = tpu.vector_load %arg7[%swap3A_124, %swap3A_125] {strides = array<i32>} : memref<8x128xf32, #tpu.memory_space<vmem>>, vector<1x16xf32>,
      %swap3A_127 = vector.shape_cast %swap3A_126 : vector<1x16xf32> to vector<16xf32>
      %swap3A_128 = vector.shape_cast %broadcast_in_dim3A_123 : vector<16xf32> to vector<1x16xf32>
      tpu.vector_store %arg7[%swap3A_124, %swap3A_125], %swap3A_128 {strides = array<i32>} : memref<8x128xf32, #tpu.memory_space<vmem>>, vector<1x16xf32>,
      %broadcast_in_dim3A_129 = arith.constant 0.000000e+00 : f32
      %broadcast_in_dim3A_130 = vector.broadcast %broadcast_in_dim3A_129 : f32 to vector<16xf32>
      %swap3A_131 = arith.index_cast %scan3A_102 : i32 to index
      %swap3A_132 = arith.constant 64 : index
      %swap3A_133 = tpu.vector_load %arg7[%swap3A_131, %swap3A_132] {strides = array<i32>} : memref<8x128xf32, #tpu.memory_space<vmem>>, vector<1x16xf32>,
      %swap3A_134 = vector.shape_cast %swap3A_133 : vector<1x16xf32> to vector<16xf32>
      %swap3A_135 = vector.shape_cast %broadcast_in_dim3A_130 : vector<16xf32> to vector<1x16xf32>
      tpu.vector_store %arg7[%swap3A_131, %swap3A_132], %swap3A_135 {strides = array<i32>} : memref<8x128xf32, #tpu.memory_space<vmem>>, vector<1x16xf32>,
      %broadcast_in_dim3A_136 = arith.constant 0.000000e+00 : f32
      %broadcast_in_dim3A_137 = vector.broadcast %broadcast_in_dim3A_136 : f32 to vector<16xf32>
      %swap3A_138 = arith.index_cast %scan3A_102 : i32 to index
      %swap3A_139 = arith.constant 80 : index
      %swap3A_140 = tpu.vector_load %arg7[%swap3A_138, %swap3A_139] {strides = array<i32>} : memref<8x128xf32, #tpu.memory_space<vmem>>, vector<1x16xf32>,
      %swap3A_141 = vector.shape_cast %swap3A_140 : vector<1x16xf32> to vector<16xf32>
      %swap3A_142 = vector.shape_cast %broadcast_in_dim3A_137 : vector<16xf32> to vector<1x16xf32>
      tpu.vector_store %arg7[%swap3A_138, %swap3A_139], %swap3A_142 {strides = array<i32>} : memref<8x128xf32, #tpu.memory_space<vmem>>, vector<1x16xf32>,
      %broadcast_in_dim3A_143 = arith.constant 0.000000e+00 : f32
      %broadcast_in_dim3A_144 = vector.broadcast %broadcast_in_dim3A_143 : f32 to vector<16xf32>
      %swap3A_145 = arith.index_cast %scan3A_102 : i32 to index
      %swap3A_146 = arith.constant 96 : index
      %swap3A_147 = tpu.vector_load %arg7[%swap3A_145, %swap3A_146] {strides = array<i32>} : memref<8x128xf32, #tpu.memory_space<vmem>>, vector<1x16xf32>,
      %swap3A_148 = vector.shape_cast %swap3A_147 : vector<1x16xf32> to vector<16xf32>
      %swap3A_149 = vector.shape_cast %broadcast_in_dim3A_144 : vector<16xf32> to vector<1x16xf32>
      tpu.vector_store %arg7[%swap3A_145, %swap3A_146], %swap3A_149 {strides = array<i32>} : memref<8x128xf32, #tpu.memory_space<vmem>>, vector<1x16xf32>,
      %broadcast_in_dim3A_150 = arith.constant 0.000000e+00 : f32
      %broadcast_in_dim3A_151 = vector.broadcast %broadcast_in_dim3A_150 : f32 to vector<16xf32>
      %swap3A_152 = arith.index_cast %scan3A_102 : i32 to index
      %swap3A_153 = arith.constant 112 : index
      %swap3A_154 = tpu.vector_load %arg7[%swap3A_152, %swap3A_153] {strides = array<i32>} : memref<8x128xf32, #tpu.memory_space<vmem>>, vector<1x16xf32>,
      %swap3A_155 = vector.shape_cast %swap3A_154 : vector<1x16xf32> to vector<16xf32>
      %swap3A_156 = vector.shape_cast %broadcast_in_dim3A_151 : vector<16xf32> to vector<1x16xf32>
      tpu.vector_store %arg7[%swap3A_152, %swap3A_153], %swap3A_156 {strides = array<i32>} : memref<8x128xf32, #tpu.memory_space<vmem>>, vector<1x16xf32>,
    }
    %scan3A_5 = arith.constant 8 : i32
    %scan3A_6 = arith.constant 0 : i32
    %scan3A_7 = arith.constant 0 : i32
    %scan3A_8 = arith.constant 80 : i32
    %scan3A_9 = arith.addi %scan3A_7, %scan3A_8 : i32
    %scan3A_10 = arith.constant 1 : i32
    scf.for %scan3A_102 = %scan3A_7 to %scan3A_9 step %scan3A_10  : i32 {
      %broadcast_in_dim3A = arith.constant 1.000000e+00 : f32
      %broadcast_in_dim3A_103 = vector.broadcast %broadcast_in_dim3A : f32 to vector<16xf32>
      %swap3A = arith.index_cast %scan3A_102 : i32 to index
      %swap3A_104 = arith.constant 0 : index
      %swap3A_105 = tpu.vector_load %arg6[%swap3A, %swap3A_104] {strides = array<i32>} : memref<80x128xf32, #tpu.memory_space<vmem>>, vector<1x16xf32>,
      %swap3A_106 = vector.shape_cast %swap3A_105 : vector<1x16xf32> to vector<16xf32>
      %swap3A_107 = vector.shape_cast %broadcast_in_dim3A_103 : vector<16xf32> to vector<1x16xf32>
      tpu.vector_store %arg6[%swap3A, %swap3A_104], %swap3A_107 {strides = array<i32>} : memref<80x128xf32, #tpu.memory_space<vmem>>, vector<1x16xf32>,
      %broadcast_in_dim3A_108 = arith.constant 1.000000e+00 : f32
      %broadcast_in_dim3A_109 = vector.broadcast %broadcast_in_dim3A_108 : f32 to vector<16xf32>
      %swap3A_110 = arith.index_cast %scan3A_102 : i32 to index
      %swap3A_111 = arith.constant 16 : index
      %swap3A_112 = tpu.vector_load %arg6[%swap3A_110, %swap3A_111] {strides = array<i32>} : memref<80x128xf32, #tpu.memory_space<vmem>>, vector<1x16xf32>,
      %swap3A_113 = vector.shape_cast %swap3A_112 : vector<1x16xf32> to vector<16xf32>
      %swap3A_114 = vector.shape_cast %broadcast_in_dim3A_109 : vector<16xf32> to vector<1x16xf32>
      tpu.vector_store %arg6[%swap3A_110, %swap3A_111], %swap3A_114 {strides = array<i32>} : memref<80x128xf32, #tpu.memory_space<vmem>>, vector<1x16xf32>,
      %broadcast_in_dim3A_115 = arith.constant 1.000000e+00 : f32
      %broadcast_in_dim3A_116 = vector.broadcast %broadcast_in_dim3A_115 : f32 to vector<16xf32>
      %swap3A_117 = arith.index_cast %scan3A_102 : i32 to index
      %swap3A_118 = arith.constant 32 : index
      %swap3A_119 = tpu.vector_load %arg6[%swap3A_117, %swap3A_118] {strides = array<i32>} : memref<80x128xf32, #tpu.memory_space<vmem>>, vector<1x16xf32>,
      %swap3A_120 = vector.shape_cast %swap3A_119 : vector<1x16xf32> to vector<16xf32>
      %swap3A_121 = vector.shape_cast %broadcast_in_dim3A_116 : vector<16xf32> to vector<1x16xf32>
      tpu.vector_store %arg6[%swap3A_117, %swap3A_118], %swap3A_121 {strides = array<i32>} : memref<80x128xf32, #tpu.memory_space<vmem>>, vector<1x16xf32>,
      %broadcast_in_dim3A_122 = arith.constant 1.000000e+00 : f32
      %broadcast_in_dim3A_123 = vector.broadcast %broadcast_in_dim3A_122 : f32 to vector<16xf32>
      %swap3A_124 = arith.index_cast %scan3A_102 : i32 to index
      %swap3A_125 = arith.constant 48 : index
      %swap3A_126 = tpu.vector_load %arg6[%swap3A_124, %swap3A_125] {strides = array<i32>} : memref<80x128xf32, #tpu.memory_space<vmem>>, vector<1x16xf32>,
      %swap3A_127 = vector.shape_cast %swap3A_126 : vector<1x16xf32> to vector<16xf32>
      %swap3A_128 = vector.shape_cast %broadcast_in_dim3A_123 : vector<16xf32> to vector<1x16xf32>
      tpu.vector_store %arg6[%swap3A_124, %swap3A_125], %swap3A_128 {strides = array<i32>} : memref<80x128xf32, #tpu.memory_space<vmem>>, vector<1x16xf32>,
      %broadcast_in_dim3A_129 = arith.constant 1.000000e+00 : f32
      %broadcast_in_dim3A_130 = vector.broadcast %broadcast_in_dim3A_129 : f32 to vector<16xf32>
      %swap3A_131 = arith.index_cast %scan3A_102 : i32 to index
      %swap3A_132 = arith.constant 64 : index
      %swap3A_133 = tpu.vector_load %arg6[%swap3A_131, %swap3A_132] {strides = array<i32>} : memref<80x128xf32, #tpu.memory_space<vmem>>, vector<1x16xf32>,
      %swap3A_134 = vector.shape_cast %swap3A_133 : vector<1x16xf32> to vector<16xf32>
      %swap3A_135 = vector.shape_cast %broadcast_in_dim3A_130 : vector<16xf32> to vector<1x16xf32>
      tpu.vector_store %arg6[%swap3A_131, %swap3A_132], %swap3A_135 {strides = array<i32>} : memref<80x128xf32, #tpu.memory_space<vmem>>, vector<1x16xf32>,
      %broadcast_in_dim3A_136 = arith.constant 1.000000e+00 : f32
      %broadcast_in_dim3A_137 = vector.broadcast %broadcast_in_dim3A_136 : f32 to vector<16xf32>
      %swap3A_138 = arith.index_cast %scan3A_102 : i32 to index
      %swap3A_139 = arith.constant 80 : index
      %swap3A_140 = tpu.vector_load %arg6[%swap3A_138, %swap3A_139] {strides = array<i32>} : memref<80x128xf32, #tpu.memory_space<vmem>>, vector<1x16xf32>,
      %swap3A_141 = vector.shape_cast %swap3A_140 : vector<1x16xf32> to vector<16xf32>
      %swap3A_142 = vector.shape_cast %broadcast_in_dim3A_137 : vector<16xf32> to vector<1x16xf32>
      tpu.vector_store %arg6[%swap3A_138, %swap3A_139], %swap3A_142 {strides = array<i32>} : memref<80x128xf32, #tpu.memory_space<vmem>>, vector<1x16xf32>,
      %broadcast_in_dim3A_143 = arith.constant 1.000000e+00 : f32
      %broadcast_in_dim3A_144 = vector.broadcast %broadcast_in_dim3A_143 : f32 to vector<16xf32>
      %swap3A_145 = arith.index_cast %scan3A_102 : i32 to index
      %swap3A_146 = arith.constant 96 : index
      %swap3A_147 = tpu.vector_load %arg6[%swap3A_145, %swap3A_146] {strides = array<i32>} : memref<80x128xf32, #tpu.memory_space<vmem>>, vector<1x16xf32>,
      %swap3A_148 = vector.shape_cast %swap3A_147 : vector<1x16xf32> to vector<16xf32>
      %swap3A_149 = vector.shape_cast %broadcast_in_dim3A_144 : vector<16xf32> to vector<1x16xf32>
      tpu.vector_store %arg6[%swap3A_145, %swap3A_146], %swap3A_149 {strides = array<i32>} : memref<80x128xf32, #tpu.memory_space<vmem>>, vector<1x16xf32>,
      %broadcast_in_dim3A_150 = arith.constant 1.000000e+00 : f32
      %broadcast_in_dim3A_151 = vector.broadcast %broadcast_in_dim3A_150 : f32 to vector<16xf32>
      %swap3A_152 = arith.index_cast %scan3A_102 : i32 to index
      %swap3A_153 = arith.constant 112 : index
      %swap3A_154 = tpu.vector_load %arg6[%swap3A_152, %swap3A_153] {strides = array<i32>} : memref<80x128xf32, #tpu.memory_space<vmem>>, vector<1x16xf32>,
      %swap3A_155 = vector.shape_cast %swap3A_154 : vector<1x16xf32> to vector<16xf32>
      %swap3A_156 = vector.shape_cast %broadcast_in_dim3A_151 : vector<16xf32> to vector<1x16xf32>
      tpu.vector_store %arg6[%swap3A_152, %swap3A_153], %swap3A_156 {strides = array<i32>} : memref<80x128xf32, #tpu.memory_space<vmem>>, vector<1x16xf32>,
    }
    %scan3A_11 = arith.constant 80 : i32
    %mul3A_12 = arith.constant 632 : i32
    %mul3A_13 = arith.muli %arg1, %mul3A_12 : i32
    %eq3A = arith.constant 15 : i32
    %eq3A_14 = arith.cmpi eq, %arg1, %eq3A : i32
    %jit3A = arith.constant 520 : i32
    %jit3A_15 = arith.constant 632 : i32
    %select_n3A = arith.select %eq3A_14, %jit3A, %jit3A_15 : i32
    %jit3A_16 = arith.constant 8 : i32
    %div3A = arith.divsi %select_n3A, %jit3A_16 : i32
    %sign3A = arith.constant 0 : i32
    %sign3A_17 = arith.cmpi sgt, %select_n3A, %sign3A : i32
    %sign3A_18 = arith.extui %sign3A_17 : i1 to i32
    %sign3A_19 = arith.constant 0 : i32
    %sign3A_20 = arith.cmpi slt, %select_n3A, %sign3A_19 : i32
    %sign3A_21 = arith.extui %sign3A_20 : i1 to i32
    %sign3A_22 = arith.subi %sign3A_18, %sign3A_21 : i32
    %sign3A_23 = arith.constant 0 : i32
    %sign3A_24 = arith.cmpi sgt, %jit3A_16, %sign3A_23 : i32
    %sign3A_25 = arith.extui %sign3A_24 : i1 to i32
    %sign3A_26 = arith.constant 0 : i32
    %sign3A_27 = arith.cmpi slt, %jit3A_16, %sign3A_26 : i32
    %sign3A_28 = arith.extui %sign3A_27 : i1 to i32
    %sign3A_29 = arith.subi %sign3A_25, %sign3A_28 : i32
    %ne3A = arith.cmpi ne, %sign3A_22, %sign3A_29 : i32
    %rem3A = arith.remsi %select_n3A, %jit3A_16 : i32
    %ne3A_30 = arith.constant 0 : i32
    %ne3A_31 = arith.cmpi ne, %rem3A, %ne3A_30 : i32
    %and3A = arith.andi %ne3A, %ne3A_31 : i1
    %sub3A = arith.constant 1 : i32
    %sub3A_32 = arith.subi %div3A, %sub3A : i32
    %select_n3A_33 = arith.select %and3A, %sub3A_32, %div3A : i32
    %while3A = arith.constant 0 : i32
    %while3A_34 = arith.constant 0 : i32
    %while3A_35 = arith.subi %select_n3A_33, %while3A_34 : i32
    %while3A_36 = arith.addi %while3A_34, %while3A_35 : i32
    %while3A_37 = arith.constant 1 : i32
    %while3A_38 = arith.divsi %while3A_35, %while3A_37 : i32
    %while3A_39 = arith.muli %while3A_38, %while3A_37 : i32
    %while3A_40 = arith.addi %while3A_34, %while3A_39 : i32
    %while3A_41 = arith.constant 1 : i32
    scf.for %while3A_102 = %while3A_34 to %while3A_40 step %while3A_41  : i32 {
      %mul3A_103 = arith.constant 8 : i32
      %mul3A_104 = arith.muli %while3A_102, %mul3A_103 : i32
      %add3A_105 = arith.addi %mul3A_13, %mul3A_104 : i32
      "tpu.region"() ({
        %run_scoped3A = tpu.sem_alloc : memref<!tpu.dma_semaphore, #tpu.memory_space<semaphore_mem>>
        %dma_start3A = arith.constant 0 : i32
        %dma_start3A_106 = tpu.memref_slice %arg4[%add3A_105, %dma_start3A] : memref<10000x128xf32, #tpu.memory_space<vmem_shared>> -> memref<8x128xf32, #tpu.memory_space<vmem_shared>>
        %dma_start3A_107 = arith.constant 0 : i32
        %dma_start3A_108 = tpu.memref_slice %arg4[%add3A_105, %dma_start3A_107] : memref<10000x128xf32, #tpu.memory_space<vmem_shared>> -> memref<8x128xf32, #tpu.memory_space<vmem_shared>>
        tpu.enqueue_dma source(%arg7 : memref<8x128xf32, #tpu.memory_space<vmem>>) target(%dma_start3A_108 : memref<8x128xf32, #tpu.memory_space<vmem_shared>>) target_semaphore(%run_scoped3A : memref<!tpu.dma_semaphore, #tpu.memory_space<semaphore_mem>>)
        %dma_wait3A = arith.constant 0 : i32
        %dma_wait3A_109 = tpu.memref_slice %arg4[%add3A_105, %dma_wait3A] : memref<10000x128xf32, #tpu.memory_space<vmem_shared>> -> memref<8x128xf32, #tpu.memory_space<vmem_shared>>
        %dma_wait3A_110 = arith.constant 0 : i32
        %dma_wait3A_111 = tpu.memref_slice %arg4[%add3A_105, %dma_wait3A_110] : memref<10000x128xf32, #tpu.memory_space<vmem_shared>> -> memref<8x128xf32, #tpu.memory_space<vmem_shared>>
        tpu.wait_dma2 semaphore(%run_scoped3A : memref<!tpu.dma_semaphore, #tpu.memory_space<semaphore_mem>>) src(%arg7 : memref<8x128xf32, #tpu.memory_space<vmem>>) dst(%dma_wait3A_111 : memref<8x128xf32, #tpu.memory_space<vmem_shared>>)
        tpu.yield
      }) : () -> ()
    }
    %while3A_42 = arith.constant 1 : i32
    scf.for %while3A_102 = %while3A_40 to %while3A_36 step %while3A_42  : i32 {
      %mul3A_103 = arith.constant 8 : i32
      %mul3A_104 = arith.muli %while3A_102, %mul3A_103 : i32
      %add3A_105 = arith.addi %mul3A_13, %mul3A_104 : i32
      "tpu.region"() ({
        %run_scoped3A = tpu.sem_alloc : memref<!tpu.dma_semaphore, #tpu.memory_space<semaphore_mem>>
        %dma_start3A = arith.constant 0 : i32
        %dma_start3A_106 = tpu.memref_slice %arg4[%add3A_105, %dma_start3A] : memref<10000x128xf32, #tpu.memory_space<vmem_shared>> -> memref<8x128xf32, #tpu.memory_space<vmem_shared>>
        %dma_start3A_107 = arith.constant 0 : i32
        %dma_start3A_108 = tpu.memref_slice %arg4[%add3A_105, %dma_start3A_107] : memref<10000x128xf32, #tpu.memory_space<vmem_shared>> -> memref<8x128xf32, #tpu.memory_space<vmem_shared>>
        tpu.enqueue_dma source(%arg7 : memref<8x128xf32, #tpu.memory_space<vmem>>) target(%dma_start3A_108 : memref<8x128xf32, #tpu.memory_space<vmem_shared>>) target_semaphore(%run_scoped3A : memref<!tpu.dma_semaphore, #tpu.memory_space<semaphore_mem>>)
        %dma_wait3A = arith.constant 0 : i32
        %dma_wait3A_109 = tpu.memref_slice %arg4[%add3A_105, %dma_wait3A] : memref<10000x128xf32, #tpu.memory_space<vmem_shared>> -> memref<8x128xf32, #tpu.memory_space<vmem_shared>>
        %dma_wait3A_110 = arith.constant 0 : i32
        %dma_wait3A_111 = tpu.memref_slice %arg4[%add3A_105, %dma_wait3A_110] : memref<10000x128xf32, #tpu.memory_space<vmem_shared>> -> memref<8x128xf32, #tpu.memory_space<vmem_shared>>
        tpu.wait_dma2 semaphore(%run_scoped3A : memref<!tpu.dma_semaphore, #tpu.memory_space<semaphore_mem>>) src(%arg7 : memref<8x128xf32, #tpu.memory_space<vmem>>) dst(%dma_wait3A_111 : memref<8x128xf32, #tpu.memory_space<vmem_shared>>)
        tpu.yield
      }) : () -> ()
    }
    %barrier3A = arith.constant 0 : index
    tpu.barrier barrier_id(%barrier3A)
    %mul3A_43 = arith.constant 64 : i32
    %mul3A_44 = arith.muli %add3A, %mul3A_43 : i32
    %eq3A_45 = arith.constant 31 : i32
    %eq3A_46 = arith.cmpi eq, %add3A, %eq3A_45 : i32
    %jit3A_47 = arith.constant 16 : i32
    %jit3A_48 = arith.constant 64 : i32
    %select_n3A_49 = arith.select %eq3A_46, %jit3A_47, %jit3A_48 : i32
    %lt3A = arith.constant 31 : i32
    %lt3A_50 = arith.cmpi slt, %add3A, %lt3A : i32
    %convert_element_type3A = arith.extui %lt3A_50 : i1 to i32
    %cond3A = arith.constant 0 : i32
    %cond3A_51 = arith.cmpi ne, %convert_element_type3A, %cond3A : i32
    scf.if %cond3A_51 {
      "tpu.region"() ({
        %run_scoped3A = tpu.sem_alloc : memref<!tpu.dma_semaphore, #tpu.memory_space<semaphore_mem>>
        %dma_start3A = arith.constant 0 : i32
        %dma_start3A_102 = tpu.memref_slice %arg2[%mul3A_44, %dma_start3A] : memref<2000x80xi32, #tpu.memory_space<hbm>> -> memref<64x80xi32, #tpu.memory_space<hbm>>
        %dma_start3A_103 = arith.constant 0 : i32
        %dma_start3A_104 = tpu.memref_slice %arg2[%mul3A_44, %dma_start3A_103] : memref<2000x80xi32, #tpu.memory_space<hbm>> -> memref<64x80xi32, #tpu.memory_space<hbm>>
        tpu.enqueue_dma source(%dma_start3A_104 : memref<64x80xi32, #tpu.memory_space<hbm>>) target(%arg5 : memref<64x80xi32, #tpu.memory_space<vmem>>) target_semaphore(%run_scoped3A : memref<!tpu.dma_semaphore, #tpu.memory_space<semaphore_mem>>)
        %dma_wait3A = arith.constant 0 : i32
        %dma_wait3A_105 = tpu.memref_slice %arg2[%mul3A_44, %dma_wait3A] : memref<2000x80xi32, #tpu.memory_space<hbm>> -> memref<64x80xi32, #tpu.memory_space<hbm>>
        %dma_wait3A_106 = arith.constant 0 : i32
        %dma_wait3A_107 = tpu.memref_slice %arg2[%mul3A_44, %dma_wait3A_106] : memref<2000x80xi32, #tpu.memory_space<hbm>> -> memref<64x80xi32, #tpu.memory_space<hbm>>
        tpu.wait_dma2 semaphore(%run_scoped3A : memref<!tpu.dma_semaphore, #tpu.memory_space<semaphore_mem>>) src(%dma_wait3A_107 : memref<64x80xi32, #tpu.memory_space<hbm>>) dst(%arg5 : memref<64x80xi32, #tpu.memory_space<vmem>>)
        tpu.yield
      }) : () -> ()
    } else {
    }
    %eq3A_52 = arith.constant 31 : i32
    %eq3A_53 = arith.cmpi eq, %add3A, %eq3A_52 : i32
    %convert_element_type3A_54 = arith.extui %eq3A_53 : i1 to i32
    %cond3A_55 = arith.constant 0 : i32
    %cond3A_56 = arith.cmpi ne, %convert_element_type3A_54, %cond3A_55 : i32
    scf.if %cond3A_56 {
      "tpu.region"() ({
        %run_scoped3A = tpu.sem_alloc : memref<!tpu.dma_semaphore, #tpu.memory_space<semaphore_mem>>
        %dma_start3A = arith.constant 0 : i32
        %dma_start3A_102 = arith.constant 0 : i32
        %dma_start3A_103 = tpu.memref_slice %arg5[%dma_start3A, %dma_start3A_102] : memref<64x80xi32, #tpu.memory_space<vmem>> -> memref<16x80xi32, #tpu.memory_space<vmem>>
        %dma_start3A_104 = arith.constant 1984 : i32
        %dma_start3A_105 = arith.constant 0 : i32
        %dma_start3A_106 = tpu.memref_slice %arg2[%dma_start3A_104, %dma_start3A_105] : memref<2000x80xi32, #tpu.memory_space<hbm>> -> memref<16x80xi32, #tpu.memory_space<hbm>>
        %dma_start3A_107 = arith.constant 0 : i32
        %dma_start3A_108 = arith.constant 0 : i32
        %dma_start3A_109 = tpu.memref_slice %arg5[%dma_start3A_107, %dma_start3A_108] : memref<64x80xi32, #tpu.memory_space<vmem>> -> memref<16x80xi32, #tpu.memory_space<vmem>>
        %dma_start3A_110 = arith.constant 1984 : i32
        %dma_start3A_111 = arith.constant 0 : i32
        %dma_start3A_112 = tpu.memref_slice %arg2[%dma_start3A_110, %dma_start3A_111] : memref<2000x80xi32, #tpu.memory_space<hbm>> -> memref<16x80xi32, #tpu.memory_space<hbm>>
        tpu.enqueue_dma source(%dma_start3A_112 : memref<16x80xi32, #tpu.memory_space<hbm>>) target(%dma_start3A_109 : memref<16x80xi32, #tpu.memory_space<vmem>>) target_semaphore(%run_scoped3A : memref<!tpu.dma_semaphore, #tpu.memory_space<semaphore_mem>>)
        %dma_wait3A = arith.constant 0 : i32
        %dma_wait3A_113 = arith.constant 0 : i32
        %dma_wait3A_114 = tpu.memref_slice %arg5[%dma_wait3A, %dma_wait3A_113] : memref<64x80xi32, #tpu.memory_space<vmem>> -> memref<16x80xi32, #tpu.memory_space<vmem>>
        %dma_wait3A_115 = arith.constant 1984 : i32
        %dma_wait3A_116 = arith.constant 0 : i32
        %dma_wait3A_117 = tpu.memref_slice %arg2[%dma_wait3A_115, %dma_wait3A_116] : memref<2000x80xi32, #tpu.memory_space<hbm>> -> memref<16x80xi32, #tpu.memory_space<hbm>>
        %dma_wait3A_118 = arith.constant 0 : i32
        %dma_wait3A_119 = arith.constant 0 : i32
        %dma_wait3A_120 = tpu.memref_slice %arg5[%dma_wait3A_118, %dma_wait3A_119] : memref<64x80xi32, #tpu.memory_space<vmem>> -> memref<16x80xi32, #tpu.memory_space<vmem>>
        %dma_wait3A_121 = arith.constant 1984 : i32
        %dma_wait3A_122 = arith.constant 0 : i32
        %dma_wait3A_123 = tpu.memref_slice %arg2[%dma_wait3A_121, %dma_wait3A_122] : memref<2000x80xi32, #tpu.memory_space<hbm>> -> memref<16x80xi32, #tpu.memory_space<hbm>>
        tpu.wait_dma2 semaphore(%run_scoped3A : memref<!tpu.dma_semaphore, #tpu.memory_space<semaphore_mem>>) src(%dma_wait3A_123 : memref<16x80xi32, #tpu.memory_space<hbm>>) dst(%dma_wait3A_120 : memref<16x80xi32, #tpu.memory_space<vmem>>)
        tpu.yield
      }) : () -> ()
    } else {
    }
    %while3A_57 = arith.constant 0 : i32
    %while3A_58 = arith.constant 0 : i32
    %while3A_59 = arith.subi %select_n3A_49, %while3A_58 : i32
    %while3A_60 = arith.addi %while3A_58, %while3A_59 : i32
    %while3A_61 = arith.constant 1 : i32
    %while3A_62 = arith.divsi %while3A_59, %while3A_61 : i32
    %while3A_63 = arith.muli %while3A_62, %while3A_61 : i32
    %while3A_64 = arith.addi %while3A_58, %while3A_63 : i32
    %while3A_65 = arith.constant 1 : i32
    scf.for %while3A_102 = %while3A_58 to %while3A_64 step %while3A_65  : i32 {
      "tpu.region"() ({
        %run_scoped3A = tpu.sem_alloc : memref<!tpu.dma_semaphore, #tpu.memory_space<semaphore_mem>>
        %dma_start3A = arith.constant 0 : i32
        %dma_start3A_103 = tpu.memref_slice %arg5[%while3A_102, %dma_start3A] : memref<64x80xi32, #tpu.memory_space<vmem>> -> memref<1x80xi32, #tpu.memory_space<vmem>>
        %dma_start3A_104 = tpu.memref_squeeze %dma_start3A_103 : memref<1x80xi32, #tpu.memory_space<vmem>> -> memref<80xi32, #tpu.memory_space<vmem>>
        %dma_start3A_105 = arith.constant 0 : i32
        %dma_start3A_106 = arith.constant 0 : i32
        %dma_start3A_107 = tpu.memref_slice %arg4[%dma_start3A_105, %dma_start3A_106] : memref<10000x128xf32, #tpu.memory_space<vmem_shared>> -> memref<10000x128xf32, #tpu.memory_space<vmem_shared>>
        tpu.enqueue_indirect_dma source(%arg6 : memref<80x128xf32, #tpu.memory_space<vmem>>) target(%dma_start3A_107 : memref<10000x128xf32, #tpu.memory_space<vmem_shared>>) offsets(%dma_start3A_104 : memref<80xi32, #tpu.memory_space<vmem>>) semaphore(%run_scoped3A : memref<!tpu.dma_semaphore, #tpu.memory_space<semaphore_mem>>) {add = true}
        %dma_wait3A = arith.constant 0 : i32
        %dma_wait3A_108 = tpu.memref_slice %arg5[%while3A_102, %dma_wait3A] : memref<64x80xi32, #tpu.memory_space<vmem>> -> memref<1x80xi32, #tpu.memory_space<vmem>>
        %dma_wait3A_109 = tpu.memref_squeeze %dma_wait3A_108 : memref<1x80xi32, #tpu.memory_space<vmem>> -> memref<80xi32, #tpu.memory_space<vmem>>
        %dma_wait3A_110 = arith.constant 0 : i32
        %dma_wait3A_111 = arith.constant 0 : i32
        %dma_wait3A_112 = tpu.memref_slice %arg4[%dma_wait3A_110, %dma_wait3A_111] : memref<10000x128xf32, #tpu.memory_space<vmem_shared>> -> memref<10000x128xf32, #tpu.memory_space<vmem_shared>>
        tpu.wait_indirect_dma semaphore(%run_scoped3A : memref<!tpu.dma_semaphore, #tpu.memory_space<semaphore_mem>>) src(%arg6 : memref<80x128xf32, #tpu.memory_space<vmem>>) dst(%dma_wait3A_112 : memref<10000x128xf32, #tpu.memory_space<vmem_shared>>)
        tpu.yield
      }) : () -> ()
    }
    %while3A_66 = arith.constant 1 : i32
    scf.for %while3A_102 = %while3A_64 to %while3A_60 step %while3A_66  : i32 {
      "tpu.region"() ({
        %run_scoped3A = tpu.sem_alloc : memref<!tpu.dma_semaphore, #tpu.memory_space<semaphore_mem>>
        %dma_start3A = arith.constant 0 : i32
        %dma_start3A_103 = tpu.memref_slice %arg5[%while3A_102, %dma_start3A] : memref<64x80xi32, #tpu.memory_space<vmem>> -> memref<1x80xi32, #tpu.memory_space<vmem>>
        %dma_start3A_104 = tpu.memref_squeeze %dma_start3A_103 : memref<1x80xi32, #tpu.memory_space<vmem>> -> memref<80xi32, #tpu.memory_space<vmem>>
        %dma_start3A_105 = arith.constant 0 : i32
        %dma_start3A_106 = arith.constant 0 : i32
        %dma_start3A_107 = tpu.memref_slice %arg4[%dma_start3A_105, %dma_start3A_106] : memref<10000x128xf32, #tpu.memory_space<vmem_shared>> -> memref<10000x128xf32, #tpu.memory_space<vmem_shared>>
        tpu.enqueue_indirect_dma source(%arg6 : memref<80x128xf32, #tpu.memory_space<vmem>>) target(%dma_start3A_107 : memref<10000x128xf32, #tpu.memory_space<vmem_shared>>) offsets(%dma_start3A_104 : memref<80xi32, #tpu.memory_space<vmem>>) semaphore(%run_scoped3A : memref<!tpu.dma_semaphore, #tpu.memory_space<semaphore_mem>>) {add = true}
        %dma_wait3A = arith.constant 0 : i32
        %dma_wait3A_108 = tpu.memref_slice %arg5[%while3A_102, %dma_wait3A] : memref<64x80xi32, #tpu.memory_space<vmem>> -> memref<1x80xi32, #tpu.memory_space<vmem>>
        %dma_wait3A_109 = tpu.memref_squeeze %dma_wait3A_108 : memref<1x80xi32, #tpu.memory_space<vmem>> -> memref<80xi32, #tpu.memory_space<vmem>>
        %dma_wait3A_110 = arith.constant 0 : i32
        %dma_wait3A_111 = arith.constant 0 : i32
        %dma_wait3A_112 = tpu.memref_slice %arg4[%dma_wait3A_110, %dma_wait3A_111] : memref<10000x128xf32, #tpu.memory_space<vmem_shared>> -> memref<10000x128xf32, #tpu.memory_space<vmem_shared>>
        tpu.wait_indirect_dma semaphore(%run_scoped3A : memref<!tpu.dma_semaphore, #tpu.memory_space<semaphore_mem>>) src(%arg6 : memref<80x128xf32, #tpu.memory_space<vmem>>) dst(%dma_wait3A_112 : memref<10000x128xf32, #tpu.memory_space<vmem_shared>>)
        tpu.yield
      }) : () -> ()
    }
    %barrier3A_67 = arith.constant 0 : index
    tpu.barrier barrier_id(%barrier3A_67)
    %jit3A_68 = arith.constant 8 : i32
    %div3A_69 = arith.divsi %select_n3A, %jit3A_68 : i32
    %sign3A_70 = arith.constant 0 : i32
    %sign3A_71 = arith.cmpi sgt, %select_n3A, %sign3A_70 : i32
    %sign3A_72 = arith.extui %sign3A_71 : i1 to i32
    %sign3A_73 = arith.constant 0 : i32
    %sign3A_74 = arith.cmpi slt, %select_n3A, %sign3A_73 : i32
    %sign3A_75 = arith.extui %sign3A_74 : i1 to i32
    %sign3A_76 = arith.subi %sign3A_72, %sign3A_75 : i32
    %sign3A_77 = arith.constant 0 : i32
    %sign3A_78 = arith.cmpi sgt, %jit3A_68, %sign3A_77 : i32
    %sign3A_79 = arith.extui %sign3A_78 : i1 to i32
    %sign3A_80 = arith.constant 0 : i32
    %sign3A_81 = arith.cmpi slt, %jit3A_68, %sign3A_80 : i32
    %sign3A_82 = arith.extui %sign3A_81 : i1 to i32
    %sign3A_83 = arith.subi %sign3A_79, %sign3A_82 : i32
    %ne3A_84 = arith.cmpi ne, %sign3A_76, %sign3A_83 : i32
    %rem3A_85 = arith.remsi %select_n3A, %jit3A_68 : i32
    %ne3A_86 = arith.constant 0 : i32
    %ne3A_87 = arith.cmpi ne, %rem3A_85, %ne3A_86 : i32
    %and3A_88 = arith.andi %ne3A_84, %ne3A_87 : i1
    %sub3A_89 = arith.constant 1 : i32
    %sub3A_90 = arith.subi %div3A_69, %sub3A_89 : i32
    %select_n3A_91 = arith.select %and3A_88, %sub3A_90, %div3A_69 : i32
    %while3A_92 = arith.constant 0 : i32
    %while3A_93 = arith.constant 0 : i32
    %while3A_94 = arith.subi %select_n3A_91, %while3A_93 : i32
    %while3A_95 = arith.addi %while3A_93, %while3A_94 : i32
    %while3A_96 = arith.constant 1 : i32
    %while3A_97 = arith.divsi %while3A_94, %while3A_96 : i32
    %while3A_98 = arith.muli %while3A_97, %while3A_96 : i32
    %while3A_99 = arith.addi %while3A_93, %while3A_98 : i32
    %while3A_100 = arith.constant 1 : i32
    scf.for %while3A_102 = %while3A_93 to %while3A_99 step %while3A_100  : i32 {
      %mul3A_103 = arith.constant 8 : i32
      %mul3A_104 = arith.muli %while3A_102, %mul3A_103 : i32
      %add3A_105 = arith.addi %mul3A_13, %mul3A_104 : i32
      %mul3A_106 = arith.constant 8 : i32
      %mul3A_107 = arith.muli %while3A_102, %mul3A_106 : i32
      %add3A_108 = arith.addi %mul3A_13, %mul3A_107 : i32
      "tpu.region"() ({
        %run_scoped3A = tpu.sem_alloc : memref<!tpu.dma_semaphore, #tpu.memory_space<semaphore_mem>>
        %dma_start3A = arith.constant 0 : i32
        %dma_start3A_109 = tpu.memref_slice %arg3[%arg0, %add3A_108, %dma_start3A] : memref<2x10000x128xf32, #tpu.memory_space<hbm>> -> memref<1x8x128xf32, #tpu.memory_space<hbm>>
        %dma_start3A_110 = tpu.memref_squeeze %dma_start3A_109 : memref<1x8x128xf32, #tpu.memory_space<hbm>> -> memref<8x128xf32, #tpu.memory_space<hbm>>
        %dma_start3A_111 = arith.constant 0 : i32
        %dma_start3A_112 = tpu.memref_slice %arg4[%add3A_105, %dma_start3A_111] : memref<10000x128xf32, #tpu.memory_space<vmem_shared>> -> memref<8x128xf32, #tpu.memory_space<vmem_shared>>
        tpu.enqueue_dma source(%dma_start3A_112 : memref<8x128xf32, #tpu.memory_space<vmem_shared>>) target(%dma_start3A_110 : memref<8x128xf32, #tpu.memory_space<hbm>>) target_semaphore(%run_scoped3A : memref<!tpu.dma_semaphore, #tpu.memory_space<semaphore_mem>>)
        %dma_wait3A = arith.constant 0 : i32
        %dma_wait3A_113 = tpu.memref_slice %arg3[%arg0, %add3A_108, %dma_wait3A] : memref<2x10000x128xf32, #tpu.memory_space<hbm>> -> memref<1x8x128xf32, #tpu.memory_space<hbm>>
        %dma_wait3A_114 = tpu.memref_squeeze %dma_wait3A_113 : memref<1x8x128xf32, #tpu.memory_space<hbm>> -> memref<8x128xf32, #tpu.memory_space<hbm>>
        %dma_wait3A_115 = arith.constant 0 : i32
        %dma_wait3A_116 = tpu.memref_slice %arg4[%add3A_105, %dma_wait3A_115] : memref<10000x128xf32, #tpu.memory_space<vmem_shared>> -> memref<8x128xf32, #tpu.memory_space<vmem_shared>>
        tpu.wait_dma2 semaphore(%run_scoped3A : memref<!tpu.dma_semaphore, #tpu.memory_space<semaphore_mem>>) src(%dma_wait3A_116 : memref<8x128xf32, #tpu.memory_space<vmem_shared>>) dst(%dma_wait3A_114 : memref<8x128xf32, #tpu.memory_space<hbm>>)
        tpu.yield
      }) : () -> ()
    }
    %while3A_101 = arith.constant 1 : i32
    scf.for %while3A_102 = %while3A_99 to %while3A_95 step %while3A_101  : i32 {
      %mul3A_103 = arith.constant 8 : i32
      %mul3A_104 = arith.muli %while3A_102, %mul3A_103 : i32
      %add3A_105 = arith.addi %mul3A_13, %mul3A_104 : i32
      %mul3A_106 = arith.constant 8 : i32
      %mul3A_107 = arith.muli %while3A_102, %mul3A_106 : i32
      %add3A_108 = arith.addi %mul3A_13, %mul3A_107 : i32
      "tpu.region"() ({
        %run_scoped3A = tpu.sem_alloc : memref<!tpu.dma_semaphore, #tpu.memory_space<semaphore_mem>>
        %dma_start3A = arith.constant 0 : i32
        %dma_start3A_109 = tpu.memref_slice %arg3[%arg0, %add3A_108, %dma_start3A] : memref<2x10000x128xf32, #tpu.memory_space<hbm>> -> memref<1x8x128xf32, #tpu.memory_space<hbm>>
        %dma_start3A_110 = tpu.memref_squeeze %dma_start3A_109 : memref<1x8x128xf32, #tpu.memory_space<hbm>> -> memref<8x128xf32, #tpu.memory_space<hbm>>
        %dma_start3A_111 = arith.constant 0 : i32
        %dma_start3A_112 = tpu.memref_slice %arg4[%add3A_105, %dma_start3A_111] : memref<10000x128xf32, #tpu.memory_space<vmem_shared>> -> memref<8x128xf32, #tpu.memory_space<vmem_shared>>
        tpu.enqueue_dma source(%dma_start3A_112 : memref<8x128xf32, #tpu.memory_space<vmem_shared>>) target(%dma_start3A_110 : memref<8x128xf32, #tpu.memory_space<hbm>>) target_semaphore(%run_scoped3A : memref<!tpu.dma_semaphore, #tpu.memory_space<semaphore_mem>>)
        %dma_wait3A = arith.constant 0 : i32
        %dma_wait3A_113 = tpu.memref_slice %arg3[%arg0, %add3A_108, %dma_wait3A] : memref<2x10000x128xf32, #tpu.memory_space<hbm>> -> memref<1x8x128xf32, #tpu.memory_space<hbm>>
        %dma_wait3A_114 = tpu.memref_squeeze %dma_wait3A_113 : memref<1x8x128xf32, #tpu.memory_space<hbm>> -> memref<8x128xf32, #tpu.memory_space<hbm>>
        %dma_wait3A_115 = arith.constant 0 : i32
        %dma_wait3A_116 = tpu.memref_slice %arg4[%add3A_105, %dma_wait3A_115] : memref<10000x128xf32, #tpu.memory_space<vmem_shared>> -> memref<8x128xf32, #tpu.memory_space<vmem_shared>>
        tpu.wait_dma2 semaphore(%run_scoped3A : memref<!tpu.dma_semaphore, #tpu.memory_space<semaphore_mem>>) src(%dma_wait3A_116 : memref<8x128xf32, #tpu.memory_space<vmem_shared>>) dst(%dma_wait3A_114 : memref<8x128xf32, #tpu.memory_space<hbm>>)
        tpu.yield
      }) : () -> ()
    }
    return
  }
}

#map = affine_map<(d0, d1) -> (0, 0)>
module attributes {stable_mosaic.version = 14 : i64} {
  func.func @_scatter_body(%arg0: i32, %arg1: i32, %arg2: memref<160000x256xf32, #tpu.memory_space<hbm>>, %arg3: memref<2000x80xi32, #tpu.memory_space<hbm>>, %arg4: memref<10000x256xf32, #tpu.memory_space<hbm>>, %arg5: memref<10000x128xf32, #tpu.memory_space<vmem_shared>>, %arg6: memref<128x80xi32, #tpu.memory_space<vmem>>, %arg7: memref<80x128xf32, #tpu.memory_space<vmem>>, %arg8: memref<8x128xf32, #tpu.memory_space<vmem>>) attributes {dimension_semantics = [#tpu.dimension_semantics<core_parallel>, #tpu.dimension_semantics<subcore_parallel>], iteration_bounds = array<i64: 2, 16>, scalar_prefetch = 0 : i64, scratch_operands = 4 : i64, tpu.core_type = #tpu.core_type<sc_vector_subcore>, window_params = [{transform_indices = #map}, {transform_indices = #map}, {transform_indices = #map}]} {
    %mul3A = arith.constant 128 : i32
    %mul3A_0 = arith.muli %arg0, %mul3A : i32
    %scan3A = arith.constant 0 : i32
    %scan3A_1 = arith.constant 0 : i32
    %scan3A_2 = arith.constant 8 : i32
    %scan3A_3 = arith.addi %scan3A_1, %scan3A_2 : i32
    %scan3A_4 = arith.constant 1 : i32
    scf.for %scan3A_96 = %scan3A_1 to %scan3A_3 step %scan3A_4  : i32 {
      %broadcast_in_dim3A = arith.constant 0.000000e+00 : f32
      %broadcast_in_dim3A_97 = vector.broadcast %broadcast_in_dim3A : f32 to vector<16xf32>
      %swap3A = arith.index_cast %scan3A_96 : i32 to index
      %swap3A_98 = arith.constant 0 : index
      %swap3A_99 = tpu.vector_load %arg8[%swap3A, %swap3A_98] {strides = array<i32>} : memref<8x128xf32, #tpu.memory_space<vmem>>, vector<1x16xf32>,
      %swap3A_100 = vector.shape_cast %swap3A_99 : vector<1x16xf32> to vector<16xf32>
      %swap3A_101 = vector.shape_cast %broadcast_in_dim3A_97 : vector<16xf32> to vector<1x16xf32>
      tpu.vector_store %arg8[%swap3A, %swap3A_98], %swap3A_101 {strides = array<i32>} : memref<8x128xf32, #tpu.memory_space<vmem>>, vector<1x16xf32>,
      %broadcast_in_dim3A_102 = arith.constant 0.000000e+00 : f32
      %broadcast_in_dim3A_103 = vector.broadcast %broadcast_in_dim3A_102 : f32 to vector<16xf32>
      %swap3A_104 = arith.index_cast %scan3A_96 : i32 to index
      %swap3A_105 = arith.constant 16 : index
      %swap3A_106 = tpu.vector_load %arg8[%swap3A_104, %swap3A_105] {strides = array<i32>} : memref<8x128xf32, #tpu.memory_space<vmem>>, vector<1x16xf32>,
      %swap3A_107 = vector.shape_cast %swap3A_106 : vector<1x16xf32> to vector<16xf32>
      %swap3A_108 = vector.shape_cast %broadcast_in_dim3A_103 : vector<16xf32> to vector<1x16xf32>
      tpu.vector_store %arg8[%swap3A_104, %swap3A_105], %swap3A_108 {strides = array<i32>} : memref<8x128xf32, #tpu.memory_space<vmem>>, vector<1x16xf32>,
      %broadcast_in_dim3A_109 = arith.constant 0.000000e+00 : f32
      %broadcast_in_dim3A_110 = vector.broadcast %broadcast_in_dim3A_109 : f32 to vector<16xf32>
      %swap3A_111 = arith.index_cast %scan3A_96 : i32 to index
      %swap3A_112 = arith.constant 32 : index
      %swap3A_113 = tpu.vector_load %arg8[%swap3A_111, %swap3A_112] {strides = array<i32>} : memref<8x128xf32, #tpu.memory_space<vmem>>, vector<1x16xf32>,
      %swap3A_114 = vector.shape_cast %swap3A_113 : vector<1x16xf32> to vector<16xf32>
      %swap3A_115 = vector.shape_cast %broadcast_in_dim3A_110 : vector<16xf32> to vector<1x16xf32>
      tpu.vector_store %arg8[%swap3A_111, %swap3A_112], %swap3A_115 {strides = array<i32>} : memref<8x128xf32, #tpu.memory_space<vmem>>, vector<1x16xf32>,
      %broadcast_in_dim3A_116 = arith.constant 0.000000e+00 : f32
      %broadcast_in_dim3A_117 = vector.broadcast %broadcast_in_dim3A_116 : f32 to vector<16xf32>
      %swap3A_118 = arith.index_cast %scan3A_96 : i32 to index
      %swap3A_119 = arith.constant 48 : index
      %swap3A_120 = tpu.vector_load %arg8[%swap3A_118, %swap3A_119] {strides = array<i32>} : memref<8x128xf32, #tpu.memory_space<vmem>>, vector<1x16xf32>,
      %swap3A_121 = vector.shape_cast %swap3A_120 : vector<1x16xf32> to vector<16xf32>
      %swap3A_122 = vector.shape_cast %broadcast_in_dim3A_117 : vector<16xf32> to vector<1x16xf32>
      tpu.vector_store %arg8[%swap3A_118, %swap3A_119], %swap3A_122 {strides = array<i32>} : memref<8x128xf32, #tpu.memory_space<vmem>>, vector<1x16xf32>,
      %broadcast_in_dim3A_123 = arith.constant 0.000000e+00 : f32
      %broadcast_in_dim3A_124 = vector.broadcast %broadcast_in_dim3A_123 : f32 to vector<16xf32>
      %swap3A_125 = arith.index_cast %scan3A_96 : i32 to index
      %swap3A_126 = arith.constant 64 : index
      %swap3A_127 = tpu.vector_load %arg8[%swap3A_125, %swap3A_126] {strides = array<i32>} : memref<8x128xf32, #tpu.memory_space<vmem>>, vector<1x16xf32>,
      %swap3A_128 = vector.shape_cast %swap3A_127 : vector<1x16xf32> to vector<16xf32>
      %swap3A_129 = vector.shape_cast %broadcast_in_dim3A_124 : vector<16xf32> to vector<1x16xf32>
      tpu.vector_store %arg8[%swap3A_125, %swap3A_126], %swap3A_129 {strides = array<i32>} : memref<8x128xf32, #tpu.memory_space<vmem>>, vector<1x16xf32>,
      %broadcast_in_dim3A_130 = arith.constant 0.000000e+00 : f32
      %broadcast_in_dim3A_131 = vector.broadcast %broadcast_in_dim3A_130 : f32 to vector<16xf32>
      %swap3A_132 = arith.index_cast %scan3A_96 : i32 to index
      %swap3A_133 = arith.constant 80 : index
      %swap3A_134 = tpu.vector_load %arg8[%swap3A_132, %swap3A_133] {strides = array<i32>} : memref<8x128xf32, #tpu.memory_space<vmem>>, vector<1x16xf32>,
      %swap3A_135 = vector.shape_cast %swap3A_134 : vector<1x16xf32> to vector<16xf32>
      %swap3A_136 = vector.shape_cast %broadcast_in_dim3A_131 : vector<16xf32> to vector<1x16xf32>
      tpu.vector_store %arg8[%swap3A_132, %swap3A_133], %swap3A_136 {strides = array<i32>} : memref<8x128xf32, #tpu.memory_space<vmem>>, vector<1x16xf32>,
      %broadcast_in_dim3A_137 = arith.constant 0.000000e+00 : f32
      %broadcast_in_dim3A_138 = vector.broadcast %broadcast_in_dim3A_137 : f32 to vector<16xf32>
      %swap3A_139 = arith.index_cast %scan3A_96 : i32 to index
      %swap3A_140 = arith.constant 96 : index
      %swap3A_141 = tpu.vector_load %arg8[%swap3A_139, %swap3A_140] {strides = array<i32>} : memref<8x128xf32, #tpu.memory_space<vmem>>, vector<1x16xf32>,
      %swap3A_142 = vector.shape_cast %swap3A_141 : vector<1x16xf32> to vector<16xf32>
      %swap3A_143 = vector.shape_cast %broadcast_in_dim3A_138 : vector<16xf32> to vector<1x16xf32>
      tpu.vector_store %arg8[%swap3A_139, %swap3A_140], %swap3A_143 {strides = array<i32>} : memref<8x128xf32, #tpu.memory_space<vmem>>, vector<1x16xf32>,
      %broadcast_in_dim3A_144 = arith.constant 0.000000e+00 : f32
      %broadcast_in_dim3A_145 = vector.broadcast %broadcast_in_dim3A_144 : f32 to vector<16xf32>
      %swap3A_146 = arith.index_cast %scan3A_96 : i32 to index
      %swap3A_147 = arith.constant 112 : index
      %swap3A_148 = tpu.vector_load %arg8[%swap3A_146, %swap3A_147] {strides = array<i32>} : memref<8x128xf32, #tpu.memory_space<vmem>>, vector<1x16xf32>,
      %swap3A_149 = vector.shape_cast %swap3A_148 : vector<1x16xf32> to vector<16xf32>
      %swap3A_150 = vector.shape_cast %broadcast_in_dim3A_145 : vector<16xf32> to vector<1x16xf32>
      tpu.vector_store %arg8[%swap3A_146, %swap3A_147], %swap3A_150 {strides = array<i32>} : memref<8x128xf32, #tpu.memory_space<vmem>>, vector<1x16xf32>,
    }
    %scan3A_5 = arith.constant 8 : i32
    %mul3A_6 = arith.constant 624 : i32
    %mul3A_7 = arith.muli %arg1, %mul3A_6 : i32
    %eq3A = arith.constant 15 : i32
    %eq3A_8 = arith.cmpi eq, %arg1, %eq3A : i32
    %jit3A = arith.constant 640 : i32
    %jit3A_9 = arith.constant 624 : i32
    %select_n3A = arith.select %eq3A_8, %jit3A, %jit3A_9 : i32
    %jit3A_10 = arith.constant 8 : i32
    %div3A = arith.divsi %select_n3A, %jit3A_10 : i32
    %sign3A = arith.constant 0 : i32
    %sign3A_11 = arith.cmpi sgt, %select_n3A, %sign3A : i32
    %sign3A_12 = arith.extui %sign3A_11 : i1 to i32
    %sign3A_13 = arith.constant 0 : i32
    %sign3A_14 = arith.cmpi slt, %select_n3A, %sign3A_13 : i32
    %sign3A_15 = arith.extui %sign3A_14 : i1 to i32
    %sign3A_16 = arith.subi %sign3A_12, %sign3A_15 : i32
    %sign3A_17 = arith.constant 0 : i32
    %sign3A_18 = arith.cmpi sgt, %jit3A_10, %sign3A_17 : i32
    %sign3A_19 = arith.extui %sign3A_18 : i1 to i32
    %sign3A_20 = arith.constant 0 : i32
    %sign3A_21 = arith.cmpi slt, %jit3A_10, %sign3A_20 : i32
    %sign3A_22 = arith.extui %sign3A_21 : i1 to i32
    %sign3A_23 = arith.subi %sign3A_19, %sign3A_22 : i32
    %ne3A = arith.cmpi ne, %sign3A_16, %sign3A_23 : i32
    %rem3A = arith.remsi %select_n3A, %jit3A_10 : i32
    %ne3A_24 = arith.constant 0 : i32
    %ne3A_25 = arith.cmpi ne, %rem3A, %ne3A_24 : i32
    %and3A = arith.andi %ne3A, %ne3A_25 : i1
    %sub3A = arith.constant 1 : i32
    %sub3A_26 = arith.subi %div3A, %sub3A : i32
    %select_n3A_27 = arith.select %and3A, %sub3A_26, %div3A : i32
    %while3A = arith.constant 0 : i32
    %while3A_28 = arith.constant 0 : i32
    %while3A_29 = arith.subi %select_n3A_27, %while3A_28 : i32
    %while3A_30 = arith.addi %while3A_28, %while3A_29 : i32
    %while3A_31 = arith.constant 1 : i32
    %while3A_32 = arith.divsi %while3A_29, %while3A_31 : i32
    %while3A_33 = arith.muli %while3A_32, %while3A_31 : i32
    %while3A_34 = arith.addi %while3A_28, %while3A_33 : i32
    %while3A_35 = arith.constant 1 : i32
    scf.for %while3A_96 = %while3A_28 to %while3A_34 step %while3A_35  : i32 {
      %mul3A_97 = arith.constant 8 : i32
      %mul3A_98 = arith.muli %while3A_96, %mul3A_97 : i32
      %add3A = arith.addi %mul3A_7, %mul3A_98 : i32
      "tpu.region"() ({
        %run_scoped3A = tpu.sem_alloc : memref<!tpu.dma_semaphore, #tpu.memory_space<semaphore_mem>>
        %dma_start3A = arith.constant 0 : i32
        %dma_start3A_99 = tpu.memref_slice %arg5[%add3A, %dma_start3A] : memref<10000x128xf32, #tpu.memory_space<vmem_shared>> -> memref<8x128xf32, #tpu.memory_space<vmem_shared>>
        %dma_start3A_100 = arith.constant 0 : i32
        %dma_start3A_101 = tpu.memref_slice %arg5[%add3A, %dma_start3A_100] : memref<10000x128xf32, #tpu.memory_space<vmem_shared>> -> memref<8x128xf32, #tpu.memory_space<vmem_shared>>
        tpu.enqueue_dma source(%arg8 : memref<8x128xf32, #tpu.memory_space<vmem>>) target(%dma_start3A_101 : memref<8x128xf32, #tpu.memory_space<vmem_shared>>) target_semaphore(%run_scoped3A : memref<!tpu.dma_semaphore, #tpu.memory_space<semaphore_mem>>)
        %dma_wait3A = arith.constant 0 : i32
        %dma_wait3A_102 = tpu.memref_slice %arg5[%add3A, %dma_wait3A] : memref<10000x128xf32, #tpu.memory_space<vmem_shared>> -> memref<8x128xf32, #tpu.memory_space<vmem_shared>>
        %dma_wait3A_103 = arith.constant 0 : i32
        %dma_wait3A_104 = tpu.memref_slice %arg5[%add3A, %dma_wait3A_103] : memref<10000x128xf32, #tpu.memory_space<vmem_shared>> -> memref<8x128xf32, #tpu.memory_space<vmem_shared>>
        tpu.wait_dma2 semaphore(%run_scoped3A : memref<!tpu.dma_semaphore, #tpu.memory_space<semaphore_mem>>) src(%arg8 : memref<8x128xf32, #tpu.memory_space<vmem>>) dst(%dma_wait3A_104 : memref<8x128xf32, #tpu.memory_space<vmem_shared>>)
        tpu.yield
      }) : () -> ()
    }
    %while3A_36 = arith.constant 1 : i32
    scf.for %while3A_96 = %while3A_34 to %while3A_30 step %while3A_36  : i32 {
      %mul3A_97 = arith.constant 8 : i32
      %mul3A_98 = arith.muli %while3A_96, %mul3A_97 : i32
      %add3A = arith.addi %mul3A_7, %mul3A_98 : i32
      "tpu.region"() ({
        %run_scoped3A = tpu.sem_alloc : memref<!tpu.dma_semaphore, #tpu.memory_space<semaphore_mem>>
        %dma_start3A = arith.constant 0 : i32
        %dma_start3A_99 = tpu.memref_slice %arg5[%add3A, %dma_start3A] : memref<10000x128xf32, #tpu.memory_space<vmem_shared>> -> memref<8x128xf32, #tpu.memory_space<vmem_shared>>
        %dma_start3A_100 = arith.constant 0 : i32
        %dma_start3A_101 = tpu.memref_slice %arg5[%add3A, %dma_start3A_100] : memref<10000x128xf32, #tpu.memory_space<vmem_shared>> -> memref<8x128xf32, #tpu.memory_space<vmem_shared>>
        tpu.enqueue_dma source(%arg8 : memref<8x128xf32, #tpu.memory_space<vmem>>) target(%dma_start3A_101 : memref<8x128xf32, #tpu.memory_space<vmem_shared>>) target_semaphore(%run_scoped3A : memref<!tpu.dma_semaphore, #tpu.memory_space<semaphore_mem>>)
        %dma_wait3A = arith.constant 0 : i32
        %dma_wait3A_102 = tpu.memref_slice %arg5[%add3A, %dma_wait3A] : memref<10000x128xf32, #tpu.memory_space<vmem_shared>> -> memref<8x128xf32, #tpu.memory_space<vmem_shared>>
        %dma_wait3A_103 = arith.constant 0 : i32
        %dma_wait3A_104 = tpu.memref_slice %arg5[%add3A, %dma_wait3A_103] : memref<10000x128xf32, #tpu.memory_space<vmem_shared>> -> memref<8x128xf32, #tpu.memory_space<vmem_shared>>
        tpu.wait_dma2 semaphore(%run_scoped3A : memref<!tpu.dma_semaphore, #tpu.memory_space<semaphore_mem>>) src(%arg8 : memref<8x128xf32, #tpu.memory_space<vmem>>) dst(%dma_wait3A_104 : memref<8x128xf32, #tpu.memory_space<vmem_shared>>)
        tpu.yield
      }) : () -> ()
    }
    %barrier3A = arith.constant 0 : index
    tpu.barrier barrier_id(%barrier3A)
    %mul3A_37 = arith.constant 128 : i32
    %mul3A_38 = arith.muli %arg1, %mul3A_37 : i32
    %eq3A_39 = arith.constant 15 : i32
    %eq3A_40 = arith.cmpi eq, %arg1, %eq3A_39 : i32
    %jit3A_41 = arith.constant 80 : i32
    %jit3A_42 = arith.constant 128 : i32
    %select_n3A_43 = arith.select %eq3A_40, %jit3A_41, %jit3A_42 : i32
    %lt3A = arith.constant 15 : i32
    %lt3A_44 = arith.cmpi slt, %arg1, %lt3A : i32
    %convert_element_type3A = arith.extui %lt3A_44 : i1 to i32
    %cond3A = arith.constant 0 : i32
    %cond3A_45 = arith.cmpi ne, %convert_element_type3A, %cond3A : i32
    scf.if %cond3A_45 {
      "tpu.region"() ({
        %run_scoped3A = tpu.sem_alloc : memref<!tpu.dma_semaphore, #tpu.memory_space<semaphore_mem>>
        %dma_start3A = arith.constant 0 : i32
        %dma_start3A_96 = tpu.memref_slice %arg3[%mul3A_38, %dma_start3A] : memref<2000x80xi32, #tpu.memory_space<hbm>> -> memref<128x80xi32, #tpu.memory_space<hbm>>
        %dma_start3A_97 = arith.constant 0 : i32
        %dma_start3A_98 = tpu.memref_slice %arg3[%mul3A_38, %dma_start3A_97] : memref<2000x80xi32, #tpu.memory_space<hbm>> -> memref<128x80xi32, #tpu.memory_space<hbm>>
        tpu.enqueue_dma source(%dma_start3A_98 : memref<128x80xi32, #tpu.memory_space<hbm>>) target(%arg6 : memref<128x80xi32, #tpu.memory_space<vmem>>) target_semaphore(%run_scoped3A : memref<!tpu.dma_semaphore, #tpu.memory_space<semaphore_mem>>)
        %dma_wait3A = arith.constant 0 : i32
        %dma_wait3A_99 = tpu.memref_slice %arg3[%mul3A_38, %dma_wait3A] : memref<2000x80xi32, #tpu.memory_space<hbm>> -> memref<128x80xi32, #tpu.memory_space<hbm>>
        %dma_wait3A_100 = arith.constant 0 : i32
        %dma_wait3A_101 = tpu.memref_slice %arg3[%mul3A_38, %dma_wait3A_100] : memref<2000x80xi32, #tpu.memory_space<hbm>> -> memref<128x80xi32, #tpu.memory_space<hbm>>
        tpu.wait_dma2 semaphore(%run_scoped3A : memref<!tpu.dma_semaphore, #tpu.memory_space<semaphore_mem>>) src(%dma_wait3A_101 : memref<128x80xi32, #tpu.memory_space<hbm>>) dst(%arg6 : memref<128x80xi32, #tpu.memory_space<vmem>>)
        tpu.yield
      }) : () -> ()
    } else {
    }
    %eq3A_46 = arith.constant 15 : i32
    %eq3A_47 = arith.cmpi eq, %arg1, %eq3A_46 : i32
    %convert_element_type3A_48 = arith.extui %eq3A_47 : i1 to i32
    %cond3A_49 = arith.constant 0 : i32
    %cond3A_50 = arith.cmpi ne, %convert_element_type3A_48, %cond3A_49 : i32
    scf.if %cond3A_50 {
      "tpu.region"() ({
        %run_scoped3A = tpu.sem_alloc : memref<!tpu.dma_semaphore, #tpu.memory_space<semaphore_mem>>
        %dma_start3A = arith.constant 0 : i32
        %dma_start3A_96 = arith.constant 0 : i32
        %dma_start3A_97 = tpu.memref_slice %arg6[%dma_start3A, %dma_start3A_96] : memref<128x80xi32, #tpu.memory_space<vmem>> -> memref<80x80xi32, #tpu.memory_space<vmem>>
        %dma_start3A_98 = arith.constant 1920 : i32
        %dma_start3A_99 = arith.constant 0 : i32
        %dma_start3A_100 = tpu.memref_slice %arg3[%dma_start3A_98, %dma_start3A_99] : memref<2000x80xi32, #tpu.memory_space<hbm>> -> memref<80x80xi32, #tpu.memory_space<hbm>>
        %dma_start3A_101 = arith.constant 0 : i32
        %dma_start3A_102 = arith.constant 0 : i32
        %dma_start3A_103 = tpu.memref_slice %arg6[%dma_start3A_101, %dma_start3A_102] : memref<128x80xi32, #tpu.memory_space<vmem>> -> memref<80x80xi32, #tpu.memory_space<vmem>>
        %dma_start3A_104 = arith.constant 1920 : i32
        %dma_start3A_105 = arith.constant 0 : i32
        %dma_start3A_106 = tpu.memref_slice %arg3[%dma_start3A_104, %dma_start3A_105] : memref<2000x80xi32, #tpu.memory_space<hbm>> -> memref<80x80xi32, #tpu.memory_space<hbm>>
        tpu.enqueue_dma source(%dma_start3A_106 : memref<80x80xi32, #tpu.memory_space<hbm>>) target(%dma_start3A_103 : memref<80x80xi32, #tpu.memory_space<vmem>>) target_semaphore(%run_scoped3A : memref<!tpu.dma_semaphore, #tpu.memory_space<semaphore_mem>>)
        %dma_wait3A = arith.constant 0 : i32
        %dma_wait3A_107 = arith.constant 0 : i32
        %dma_wait3A_108 = tpu.memref_slice %arg6[%dma_wait3A, %dma_wait3A_107] : memref<128x80xi32, #tpu.memory_space<vmem>> -> memref<80x80xi32, #tpu.memory_space<vmem>>
        %dma_wait3A_109 = arith.constant 1920 : i32
        %dma_wait3A_110 = arith.constant 0 : i32
        %dma_wait3A_111 = tpu.memref_slice %arg3[%dma_wait3A_109, %dma_wait3A_110] : memref<2000x80xi32, #tpu.memory_space<hbm>> -> memref<80x80xi32, #tpu.memory_space<hbm>>
        %dma_wait3A_112 = arith.constant 0 : i32
        %dma_wait3A_113 = arith.constant 0 : i32
        %dma_wait3A_114 = tpu.memref_slice %arg6[%dma_wait3A_112, %dma_wait3A_113] : memref<128x80xi32, #tpu.memory_space<vmem>> -> memref<80x80xi32, #tpu.memory_space<vmem>>
        %dma_wait3A_115 = arith.constant 1920 : i32
        %dma_wait3A_116 = arith.constant 0 : i32
        %dma_wait3A_117 = tpu.memref_slice %arg3[%dma_wait3A_115, %dma_wait3A_116] : memref<2000x80xi32, #tpu.memory_space<hbm>> -> memref<80x80xi32, #tpu.memory_space<hbm>>
        tpu.wait_dma2 semaphore(%run_scoped3A : memref<!tpu.dma_semaphore, #tpu.memory_space<semaphore_mem>>) src(%dma_wait3A_117 : memref<80x80xi32, #tpu.memory_space<hbm>>) dst(%dma_wait3A_114 : memref<80x80xi32, #tpu.memory_space<vmem>>)
        tpu.yield
      }) : () -> ()
    } else {
    }
    %while3A_51 = arith.constant 0 : i32
    %while3A_52 = arith.constant 0 : i32
    %while3A_53 = arith.subi %select_n3A_43, %while3A_52 : i32
    %while3A_54 = arith.addi %while3A_52, %while3A_53 : i32
    %while3A_55 = arith.constant 1 : i32
    %while3A_56 = arith.divsi %while3A_53, %while3A_55 : i32
    %while3A_57 = arith.muli %while3A_56, %while3A_55 : i32
    %while3A_58 = arith.addi %while3A_52, %while3A_57 : i32
    %while3A_59 = arith.constant 1 : i32
    scf.for %while3A_96 = %while3A_52 to %while3A_58 step %while3A_59  : i32 {
      %add3A = arith.addi %mul3A_38, %while3A_96 : i32
      %mul3A_97 = arith.constant 80 : i32
      %mul3A_98 = arith.muli %add3A, %mul3A_97 : i32
      "tpu.region"() ({
        %run_scoped3A = tpu.sem_alloc : memref<!tpu.dma_semaphore, #tpu.memory_space<semaphore_mem>>
        %dma_start3A = tpu.memref_slice %arg2[%mul3A_98, %mul3A_0] : memref<160000x256xf32, #tpu.memory_space<hbm>> -> memref<80x128xf32, #tpu.memory_space<hbm>>
        %dma_start3A_99 = tpu.memref_slice %arg2[%mul3A_98, %mul3A_0] : memref<160000x256xf32, #tpu.memory_space<hbm>> -> memref<80x128xf32, #tpu.memory_space<hbm>>
        tpu.enqueue_dma source(%dma_start3A_99 : memref<80x128xf32, #tpu.memory_space<hbm>>) target(%arg7 : memref<80x128xf32, #tpu.memory_space<vmem>>) target_semaphore(%run_scoped3A : memref<!tpu.dma_semaphore, #tpu.memory_space<semaphore_mem>>)
        %dma_wait3A = tpu.memref_slice %arg2[%mul3A_98, %mul3A_0] : memref<160000x256xf32, #tpu.memory_space<hbm>> -> memref<80x128xf32, #tpu.memory_space<hbm>>
        %dma_wait3A_100 = tpu.memref_slice %arg2[%mul3A_98, %mul3A_0] : memref<160000x256xf32, #tpu.memory_space<hbm>> -> memref<80x128xf32, #tpu.memory_space<hbm>>
        tpu.wait_dma2 semaphore(%run_scoped3A : memref<!tpu.dma_semaphore, #tpu.memory_space<semaphore_mem>>) src(%dma_wait3A_100 : memref<80x128xf32, #tpu.memory_space<hbm>>) dst(%arg7 : memref<80x128xf32, #tpu.memory_space<vmem>>)
        tpu.yield
      }) : () -> ()
      "tpu.region"() ({
        %run_scoped3A = tpu.sem_alloc : memref<!tpu.dma_semaphore, #tpu.memory_space<semaphore_mem>>
        %dma_start3A = arith.constant 0 : i32
        %dma_start3A_99 = tpu.memref_slice %arg6[%while3A_96, %dma_start3A] : memref<128x80xi32, #tpu.memory_space<vmem>> -> memref<1x80xi32, #tpu.memory_space<vmem>>
        %dma_start3A_100 = tpu.memref_squeeze %dma_start3A_99 : memref<1x80xi32, #tpu.memory_space<vmem>> -> memref<80xi32, #tpu.memory_space<vmem>>
        %dma_start3A_101 = arith.constant 0 : i32
        %dma_start3A_102 = arith.constant 0 : i32
        %dma_start3A_103 = tpu.memref_slice %arg5[%dma_start3A_101, %dma_start3A_102] : memref<10000x128xf32, #tpu.memory_space<vmem_shared>> -> memref<10000x128xf32, #tpu.memory_space<vmem_shared>>
        tpu.enqueue_indirect_dma source(%arg7 : memref<80x128xf32, #tpu.memory_space<vmem>>) target(%dma_start3A_103 : memref<10000x128xf32, #tpu.memory_space<vmem_shared>>) offsets(%dma_start3A_100 : memref<80xi32, #tpu.memory_space<vmem>>) semaphore(%run_scoped3A : memref<!tpu.dma_semaphore, #tpu.memory_space<semaphore_mem>>) {add = true}
        %dma_wait3A = arith.constant 0 : i32
        %dma_wait3A_104 = tpu.memref_slice %arg6[%while3A_96, %dma_wait3A] : memref<128x80xi32, #tpu.memory_space<vmem>> -> memref<1x80xi32, #tpu.memory_space<vmem>>
        %dma_wait3A_105 = tpu.memref_squeeze %dma_wait3A_104 : memref<1x80xi32, #tpu.memory_space<vmem>> -> memref<80xi32, #tpu.memory_space<vmem>>
        %dma_wait3A_106 = arith.constant 0 : i32
        %dma_wait3A_107 = arith.constant 0 : i32
        %dma_wait3A_108 = tpu.memref_slice %arg5[%dma_wait3A_106, %dma_wait3A_107] : memref<10000x128xf32, #tpu.memory_space<vmem_shared>> -> memref<10000x128xf32, #tpu.memory_space<vmem_shared>>
        tpu.wait_indirect_dma semaphore(%run_scoped3A : memref<!tpu.dma_semaphore, #tpu.memory_space<semaphore_mem>>) src(%arg7 : memref<80x128xf32, #tpu.memory_space<vmem>>) dst(%dma_wait3A_108 : memref<10000x128xf32, #tpu.memory_space<vmem_shared>>)
        tpu.yield
      }) : () -> ()
    }
    %while3A_60 = arith.constant 1 : i32
    scf.for %while3A_96 = %while3A_58 to %while3A_54 step %while3A_60  : i32 {
      %add3A = arith.addi %mul3A_38, %while3A_96 : i32
      %mul3A_97 = arith.constant 80 : i32
      %mul3A_98 = arith.muli %add3A, %mul3A_97 : i32
      "tpu.region"() ({
        %run_scoped3A = tpu.sem_alloc : memref<!tpu.dma_semaphore, #tpu.memory_space<semaphore_mem>>
        %dma_start3A = tpu.memref_slice %arg2[%mul3A_98, %mul3A_0] : memref<160000x256xf32, #tpu.memory_space<hbm>> -> memref<80x128xf32, #tpu.memory_space<hbm>>
        %dma_start3A_99 = tpu.memref_slice %arg2[%mul3A_98, %mul3A_0] : memref<160000x256xf32, #tpu.memory_space<hbm>> -> memref<80x128xf32, #tpu.memory_space<hbm>>
        tpu.enqueue_dma source(%dma_start3A_99 : memref<80x128xf32, #tpu.memory_space<hbm>>) target(%arg7 : memref<80x128xf32, #tpu.memory_space<vmem>>) target_semaphore(%run_scoped3A : memref<!tpu.dma_semaphore, #tpu.memory_space<semaphore_mem>>)
        %dma_wait3A = tpu.memref_slice %arg2[%mul3A_98, %mul3A_0] : memref<160000x256xf32, #tpu.memory_space<hbm>> -> memref<80x128xf32, #tpu.memory_space<hbm>>
        %dma_wait3A_100 = tpu.memref_slice %arg2[%mul3A_98, %mul3A_0] : memref<160000x256xf32, #tpu.memory_space<hbm>> -> memref<80x128xf32, #tpu.memory_space<hbm>>
        tpu.wait_dma2 semaphore(%run_scoped3A : memref<!tpu.dma_semaphore, #tpu.memory_space<semaphore_mem>>) src(%dma_wait3A_100 : memref<80x128xf32, #tpu.memory_space<hbm>>) dst(%arg7 : memref<80x128xf32, #tpu.memory_space<vmem>>)
        tpu.yield
      }) : () -> ()
      "tpu.region"() ({
        %run_scoped3A = tpu.sem_alloc : memref<!tpu.dma_semaphore, #tpu.memory_space<semaphore_mem>>
        %dma_start3A = arith.constant 0 : i32
        %dma_start3A_99 = tpu.memref_slice %arg6[%while3A_96, %dma_start3A] : memref<128x80xi32, #tpu.memory_space<vmem>> -> memref<1x80xi32, #tpu.memory_space<vmem>>
        %dma_start3A_100 = tpu.memref_squeeze %dma_start3A_99 : memref<1x80xi32, #tpu.memory_space<vmem>> -> memref<80xi32, #tpu.memory_space<vmem>>
        %dma_start3A_101 = arith.constant 0 : i32
        %dma_start3A_102 = arith.constant 0 : i32
        %dma_start3A_103 = tpu.memref_slice %arg5[%dma_start3A_101, %dma_start3A_102] : memref<10000x128xf32, #tpu.memory_space<vmem_shared>> -> memref<10000x128xf32, #tpu.memory_space<vmem_shared>>
        tpu.enqueue_indirect_dma source(%arg7 : memref<80x128xf32, #tpu.memory_space<vmem>>) target(%dma_start3A_103 : memref<10000x128xf32, #tpu.memory_space<vmem_shared>>) offsets(%dma_start3A_100 : memref<80xi32, #tpu.memory_space<vmem>>) semaphore(%run_scoped3A : memref<!tpu.dma_semaphore, #tpu.memory_space<semaphore_mem>>) {add = true}
        %dma_wait3A = arith.constant 0 : i32
        %dma_wait3A_104 = tpu.memref_slice %arg6[%while3A_96, %dma_wait3A] : memref<128x80xi32, #tpu.memory_space<vmem>> -> memref<1x80xi32, #tpu.memory_space<vmem>>
        %dma_wait3A_105 = tpu.memref_squeeze %dma_wait3A_104 : memref<1x80xi32, #tpu.memory_space<vmem>> -> memref<80xi32, #tpu.memory_space<vmem>>
        %dma_wait3A_106 = arith.constant 0 : i32
        %dma_wait3A_107 = arith.constant 0 : i32
        %dma_wait3A_108 = tpu.memref_slice %arg5[%dma_wait3A_106, %dma_wait3A_107] : memref<10000x128xf32, #tpu.memory_space<vmem_shared>> -> memref<10000x128xf32, #tpu.memory_space<vmem_shared>>
        tpu.wait_indirect_dma semaphore(%run_scoped3A : memref<!tpu.dma_semaphore, #tpu.memory_space<semaphore_mem>>) src(%arg7 : memref<80x128xf32, #tpu.memory_space<vmem>>) dst(%dma_wait3A_108 : memref<10000x128xf32, #tpu.memory_space<vmem_shared>>)
        tpu.yield
      }) : () -> ()
    }
    %barrier3A_61 = arith.constant 0 : index
    tpu.barrier barrier_id(%barrier3A_61)
    %jit3A_62 = arith.constant 8 : i32
    %div3A_63 = arith.divsi %select_n3A, %jit3A_62 : i32
    %sign3A_64 = arith.constant 0 : i32
    %sign3A_65 = arith.cmpi sgt, %select_n3A, %sign3A_64 : i32
    %sign3A_66 = arith.extui %sign3A_65 : i1 to i32
    %sign3A_67 = arith.constant 0 : i32
    %sign3A_68 = arith.cmpi slt, %select_n3A, %sign3A_67 : i32
    %sign3A_69 = arith.extui %sign3A_68 : i1 to i32
    %sign3A_70 = arith.subi %sign3A_66, %sign3A_69 : i32
    %sign3A_71 = arith.constant 0 : i32
    %sign3A_72 = arith.cmpi sgt, %jit3A_62, %sign3A_71 : i32
    %sign3A_73 = arith.extui %sign3A_72 : i1 to i32
    %sign3A_74 = arith.constant 0 : i32
    %sign3A_75 = arith.cmpi slt, %jit3A_62, %sign3A_74 : i32
    %sign3A_76 = arith.extui %sign3A_75 : i1 to i32
    %sign3A_77 = arith.subi %sign3A_73, %sign3A_76 : i32
    %ne3A_78 = arith.cmpi ne, %sign3A_70, %sign3A_77 : i32
    %rem3A_79 = arith.remsi %select_n3A, %jit3A_62 : i32
    %ne3A_80 = arith.constant 0 : i32
    %ne3A_81 = arith.cmpi ne, %rem3A_79, %ne3A_80 : i32
    %and3A_82 = arith.andi %ne3A_78, %ne3A_81 : i1
    %sub3A_83 = arith.constant 1 : i32
    %sub3A_84 = arith.subi %div3A_63, %sub3A_83 : i32
    %select_n3A_85 = arith.select %and3A_82, %sub3A_84, %div3A_63 : i32
    %while3A_86 = arith.constant 0 : i32
    %while3A_87 = arith.constant 0 : i32
    %while3A_88 = arith.subi %select_n3A_85, %while3A_87 : i32
    %while3A_89 = arith.addi %while3A_87, %while3A_88 : i32
    %while3A_90 = arith.constant 1 : i32
    %while3A_91 = arith.divsi %while3A_88, %while3A_90 : i32
    %while3A_92 = arith.muli %while3A_91, %while3A_90 : i32
    %while3A_93 = arith.addi %while3A_87, %while3A_92 : i32
    %while3A_94 = arith.constant 1 : i32
    scf.for %while3A_96 = %while3A_87 to %while3A_93 step %while3A_94  : i32 {
      %mul3A_97 = arith.constant 8 : i32
      %mul3A_98 = arith.muli %while3A_96, %mul3A_97 : i32
      %add3A = arith.addi %mul3A_7, %mul3A_98 : i32
      %mul3A_99 = arith.constant 8 : i32
      %mul3A_100 = arith.muli %while3A_96, %mul3A_99 : i32
      %add3A_101 = arith.addi %mul3A_7, %mul3A_100 : i32
      "tpu.region"() ({
        %run_scoped3A = tpu.sem_alloc : memref<!tpu.dma_semaphore, #tpu.memory_space<semaphore_mem>>
        %dma_start3A = tpu.memref_slice %arg4[%add3A_101, %mul3A_0] : memref<10000x256xf32, #tpu.memory_space<hbm>> -> memref<8x128xf32, #tpu.memory_space<hbm>>
        %dma_start3A_102 = arith.constant 0 : i32
        %dma_start3A_103 = tpu.memref_slice %arg5[%add3A, %dma_start3A_102] : memref<10000x128xf32, #tpu.memory_space<vmem_shared>> -> memref<8x128xf32, #tpu.memory_space<vmem_shared>>
        tpu.enqueue_dma source(%dma_start3A_103 : memref<8x128xf32, #tpu.memory_space<vmem_shared>>) target(%dma_start3A : memref<8x128xf32, #tpu.memory_space<hbm>>) target_semaphore(%run_scoped3A : memref<!tpu.dma_semaphore, #tpu.memory_space<semaphore_mem>>)
        %dma_wait3A = tpu.memref_slice %arg4[%add3A_101, %mul3A_0] : memref<10000x256xf32, #tpu.memory_space<hbm>> -> memref<8x128xf32, #tpu.memory_space<hbm>>
        %dma_wait3A_104 = arith.constant 0 : i32
        %dma_wait3A_105 = tpu.memref_slice %arg5[%add3A, %dma_wait3A_104] : memref<10000x128xf32, #tpu.memory_space<vmem_shared>> -> memref<8x128xf32, #tpu.memory_space<vmem_shared>>
        tpu.wait_dma2 semaphore(%run_scoped3A : memref<!tpu.dma_semaphore, #tpu.memory_space<semaphore_mem>>) src(%dma_wait3A_105 : memref<8x128xf32, #tpu.memory_space<vmem_shared>>) dst(%dma_wait3A : memref<8x128xf32, #tpu.memory_space<hbm>>)
        tpu.yield
      }) : () -> ()
    }
    %while3A_95 = arith.constant 1 : i32
    scf.for %while3A_96 = %while3A_93 to %while3A_89 step %while3A_95  : i32 {
      %mul3A_97 = arith.constant 8 : i32
      %mul3A_98 = arith.muli %while3A_96, %mul3A_97 : i32
      %add3A = arith.addi %mul3A_7, %mul3A_98 : i32
      %mul3A_99 = arith.constant 8 : i32
      %mul3A_100 = arith.muli %while3A_96, %mul3A_99 : i32
      %add3A_101 = arith.addi %mul3A_7, %mul3A_100 : i32
      "tpu.region"() ({
        %run_scoped3A = tpu.sem_alloc : memref<!tpu.dma_semaphore, #tpu.memory_space<semaphore_mem>>
        %dma_start3A = tpu.memref_slice %arg4[%add3A_101, %mul3A_0] : memref<10000x256xf32, #tpu.memory_space<hbm>> -> memref<8x128xf32, #tpu.memory_space<hbm>>
        %dma_start3A_102 = arith.constant 0 : i32
        %dma_start3A_103 = tpu.memref_slice %arg5[%add3A, %dma_start3A_102] : memref<10000x128xf32, #tpu.memory_space<vmem_shared>> -> memref<8x128xf32, #tpu.memory_space<vmem_shared>>
        tpu.enqueue_dma source(%dma_start3A_103 : memref<8x128xf32, #tpu.memory_space<vmem_shared>>) target(%dma_start3A : memref<8x128xf32, #tpu.memory_space<hbm>>) target_semaphore(%run_scoped3A : memref<!tpu.dma_semaphore, #tpu.memory_space<semaphore_mem>>)
        %dma_wait3A = tpu.memref_slice %arg4[%add3A_101, %mul3A_0] : memref<10000x256xf32, #tpu.memory_space<hbm>> -> memref<8x128xf32, #tpu.memory_space<hbm>>
        %dma_wait3A_104 = arith.constant 0 : i32
        %dma_wait3A_105 = tpu.memref_slice %arg5[%add3A, %dma_wait3A_104] : memref<10000x128xf32, #tpu.memory_space<vmem_shared>> -> memref<8x128xf32, #tpu.memory_space<vmem_shared>>
        tpu.wait_dma2 semaphore(%run_scoped3A : memref<!tpu.dma_semaphore, #tpu.memory_space<semaphore_mem>>) src(%dma_wait3A_105 : memref<8x128xf32, #tpu.memory_space<vmem_shared>>) dst(%dma_wait3A : memref<8x128xf32, #tpu.memory_space<hbm>>)
        tpu.yield
      }) : () -> ()
    }
    return
  }
}

module attributes {stable_mosaic.version = 14 : i64} {
  func.func @_pre_enc_body(%arg0: i32, %arg1: memref<1000x128xf32, #tpu.memory_space<vmem>>, %arg2: memref<256x256xf32, #tpu.memory_space<vmem>>, %arg3: memref<1x256xf32, #tpu.memory_space<vmem>>, %arg4: memref<1000x256xf32, #tpu.memory_space<vmem>>, %arg5: memref<1000x256xf32, #tpu.memory_space<vmem>>) attributes {dimension_semantics = [#tpu.dimension_semantics<arbitrary>], iteration_bounds = array<i64: 10>, scalar_prefetch = 0 : i64, scratch_operands = 0 : i64, tpu.core_type = #tpu.core_type<tc>, window_params = [{transform_indices = @transform_0, window_bounds = array<i64: 1000, 128>}, {pipeline_mode = #tpu.pipeline_mode<synchronous>, transform_indices = @transform_1, window_bounds = array<i64: 256, 256>}, {pipeline_mode = #tpu.pipeline_mode<synchronous>, transform_indices = @transform_2, window_bounds = array<i64: 1, 256>}, {transform_indices = @transform_3, window_bounds = array<i64: 1000, 256>}, {transform_indices = @transform_4, window_bounds = array<i64: 1000, 256>}]} {
    %get3A = arith.constant 0 : index
    %get3A_0 = arith.constant 0 : index
    %get3A_1 = vector.load %arg1[%get3A, %get3A_0] : memref<1000x128xf32, #tpu.memory_space<vmem>>, vector<1000x128xf32>
    %get3A_2 = arith.constant 0 : index
    %get3A_3 = arith.constant 0 : index
    %get3A_4 = vector.load %arg2[%get3A_2, %get3A_3] : memref<256x256xf32, #tpu.memory_space<vmem>>, vector<128x256xf32>
    %get3A_5 = arith.constant 128 : index
    %get3A_6 = arith.constant 0 : index
    %get3A_7 = vector.load %arg2[%get3A_5, %get3A_6] : memref<256x256xf32, #tpu.memory_space<vmem>>, vector<128x256xf32>
    %sub3A = arith.subf %get3A_4, %get3A_7 : vector<128x256xf32>
    %dot_general3A = arith.constant dense<0.000000e+00> : vector<1000x256xf32>
    %dot_general3A_8 = tpu.matmul %get3A_1, %sub3A, %dot_general3A {dimension_numbers = #tpu.dot_dimension_numbers<[1], [0], [0], [1], [0, 0, 1, 1], [], []>, transpose_lhs_hint = false} : vector<1000x128xf32>, vector<128x256xf32>, vector<1000x256xf32> -> vector<1000x256xf32>
    %get3A_9 = arith.constant 0 : index
    %get3A_10 = arith.constant 0 : index
    %get3A_11 = vector.load %arg3[%get3A_9, %get3A_10] : memref<1x256xf32, #tpu.memory_space<vmem>>, vector<1x256xf32>
    %add3A = vector.broadcast %get3A_11 : vector<1x256xf32> to vector<1000x256xf32>
    %add3A_12 = arith.addf %dot_general3A_8, %add3A : vector<1000x256xf32>
    %swap3A = arith.constant 0 : index
    %swap3A_13 = arith.constant 0 : index
    %swap3A_14 = vector.load %arg4[%swap3A, %swap3A_13] : memref<1000x256xf32, #tpu.memory_space<vmem>>, vector<1000x256xf32>
    tpu.vector_store %arg4[%swap3A, %swap3A_13], %add3A_12 {strides = array<i32>} : memref<1000x256xf32, #tpu.memory_space<vmem>>, vector<1000x256xf32>,
    %get3A_15 = arith.constant 128 : index
    %get3A_16 = arith.constant 0 : index
    %get3A_17 = vector.load %arg2[%get3A_15, %get3A_16] : memref<256x256xf32, #tpu.memory_space<vmem>>, vector<128x256xf32>
    %dot_general3A_18 = arith.constant dense<0.000000e+00> : vector<1000x256xf32>
    %dot_general3A_19 = tpu.matmul %get3A_1, %get3A_17, %dot_general3A_18 {dimension_numbers = #tpu.dot_dimension_numbers<[1], [0], [0], [1], [0, 0, 1, 1], [], []>, transpose_lhs_hint = false} : vector<1000x128xf32>, vector<128x256xf32>, vector<1000x256xf32> -> vector<1000x256xf32>
    %swap3A_20 = arith.constant 0 : index
    %swap3A_21 = arith.constant 0 : index
    %swap3A_22 = vector.load %arg5[%swap3A_20, %swap3A_21] : memref<1000x256xf32, #tpu.memory_space<vmem>>, vector<1000x256xf32>
    tpu.vector_store %arg5[%swap3A_20, %swap3A_21], %dot_general3A_19 {strides = array<i32>} : memref<1000x256xf32, #tpu.memory_space<vmem>>, vector<1000x256xf32>,
    return
  }
  func.func @transform_0(%arg0: i32) -> (i32, i32) {
    %c0_i32 = arith.constant 0 : i32
    %c0_i32_0 = arith.constant 0 : i32
    return %arg0, %c0_i32 : i32, i32
  }
  func.func @transform_1(%arg0: i32) -> (i32, i32) {
    %c0_i32 = arith.constant 0 : i32
    %c0_i32_0 = arith.constant 0 : i32
    %c0_i32_1 = arith.constant 0 : i32
    return %c0_i32, %c0_i32_0 : i32, i32
  }
  func.func @transform_2(%arg0: i32) -> (i32, i32) {
    %c0_i32 = arith.constant 0 : i32
    %c0_i32_0 = arith.constant 0 : i32
    %c0_i32_1 = arith.constant 0 : i32
    return %c0_i32, %c0_i32_0 : i32, i32
  }
  func.func @transform_3(%arg0: i32) -> (i32, i32) {
    %c0_i32 = arith.constant 0 : i32
    %c0_i32_0 = arith.constant 0 : i32
    return %arg0, %c0_i32 : i32, i32
  }
  func.func @transform_4(%arg0: i32) -> (i32, i32) {
    %c0_i32 = arith.constant 0 : i32
    %c0_i32_0 = arith.constant 0 : i32
    return %arg0, %c0_i32 : i32, i32
  }
}

module attributes {stable_mosaic.version = 14 : i64} {
  func.func @_mm_relu_body(%arg0: i32, %arg1: memref<640x256xf32, #tpu.memory_space<vmem>>, %arg2: memref<256x256xf32, #tpu.memory_space<vmem>>, %arg3: memref<1x256xf32, #tpu.memory_space<vmem>>, %arg4: memref<640x256xf32, #tpu.memory_space<vmem>>) attributes {dimension_semantics = [#tpu.dimension_semantics<arbitrary>], iteration_bounds = array<i64: 250>, scalar_prefetch = 0 : i64, scratch_operands = 0 : i64, tpu.core_type = #tpu.core_type<tc>, window_params = [{transform_indices = @transform_0, window_bounds = array<i64: 640, 256>}, {pipeline_mode = #tpu.pipeline_mode<synchronous>, transform_indices = @transform_1, window_bounds = array<i64: 256, 256>}, {pipeline_mode = #tpu.pipeline_mode<synchronous>, transform_indices = @transform_2, window_bounds = array<i64: 1, 256>}, {transform_indices = @transform_3, window_bounds = array<i64: 640, 256>}]} {
    %get3A = arith.constant 0 : index
    %get3A_0 = arith.constant 0 : index
    %get3A_1 = vector.load %arg1[%get3A, %get3A_0] : memref<640x256xf32, #tpu.memory_space<vmem>>, vector<640x256xf32>
    %get3A_2 = arith.constant 0 : index
    %get3A_3 = arith.constant 0 : index
    %get3A_4 = vector.load %arg2[%get3A_2, %get3A_3] : memref<256x256xf32, #tpu.memory_space<vmem>>, vector<256x256xf32>
    %dot_general3A = arith.constant dense<0.000000e+00> : vector<640x256xf32>
    %dot_general3A_5 = tpu.matmul %get3A_1, %get3A_4, %dot_general3A {dimension_numbers = #tpu.dot_dimension_numbers<[1], [0], [0], [1], [0, 0, 1, 1], [], []>, transpose_lhs_hint = false} : vector<640x256xf32>, vector<256x256xf32>, vector<640x256xf32> -> vector<640x256xf32>
    %get3A_6 = arith.constant 0 : index
    %get3A_7 = arith.constant 0 : index
    %get3A_8 = vector.load %arg3[%get3A_6, %get3A_7] : memref<1x256xf32, #tpu.memory_space<vmem>>, vector<1x256xf32>
    %add3A = vector.broadcast %get3A_8 : vector<1x256xf32> to vector<640x256xf32>
    %add3A_9 = arith.addf %dot_general3A_5, %add3A : vector<640x256xf32>
    %max3A = arith.constant 0.000000e+00 : f32
    %max3A_10 = vector.broadcast %max3A : f32 to vector<640x256xf32>
    %max3A_11 = arith.maximumf %add3A_9, %max3A_10 : vector<640x256xf32>
    %swap3A = arith.constant 0 : index
    %swap3A_12 = arith.constant 0 : index
    %swap3A_13 = vector.load %arg4[%swap3A, %swap3A_12] : memref<640x256xf32, #tpu.memory_space<vmem>>, vector<640x256xf32>
    tpu.vector_store %arg4[%swap3A, %swap3A_12], %max3A_11 {strides = array<i32>} : memref<640x256xf32, #tpu.memory_space<vmem>>, vector<640x256xf32>,
    return
  }
  func.func @transform_0(%arg0: i32) -> (i32, i32) {
    %c0_i32 = arith.constant 0 : i32
    %c0_i32_0 = arith.constant 0 : i32
    return %arg0, %c0_i32 : i32, i32
  }
  func.func @transform_1(%arg0: i32) -> (i32, i32) {
    %c0_i32 = arith.constant 0 : i32
    %c0_i32_0 = arith.constant 0 : i32
    %c0_i32_1 = arith.constant 0 : i32
    return %c0_i32, %c0_i32_0 : i32, i32
  }
  func.func @transform_2(%arg0: i32) -> (i32, i32) {
    %c0_i32 = arith.constant 0 : i32
    %c0_i32_0 = arith.constant 0 : i32
    %c0_i32_1 = arith.constant 0 : i32
    return %c0_i32, %c0_i32_0 : i32, i32
  }
  func.func @transform_3(%arg0: i32) -> (i32, i32) {
    %c0_i32 = arith.constant 0 : i32
    %c0_i32_0 = arith.constant 0 : i32
    return %arg0, %c0_i32 : i32, i32
  }
}

module attributes {stable_mosaic.version = 14 : i64} {
  func.func @_post_enc_body(%arg0: i32, %arg1: memref<400x256xf32, #tpu.memory_space<vmem>>, %arg2: memref<400x128xf32, #tpu.memory_space<vmem>>, %arg3: memref<400x128xf32, #tpu.memory_space<vmem>>, %arg4: memref<400x16xf32, #tpu.memory_space<vmem>>, %arg5: memref<6x256x256xf32, #tpu.memory_space<vmem>>, %arg6: memref<6x1x256xf32, #tpu.memory_space<vmem>>, %arg7: memref<6x256x16xf32, #tpu.memory_space<vmem>>, %arg8: memref<6x1x16xf32, #tpu.memory_space<vmem>>, %arg9: memref<6x256x16xf32, #tpu.memory_space<vmem>>, %arg10: memref<6x1x16xf32, #tpu.memory_space<vmem>>, %arg11: memref<6x256x16xf32, #tpu.memory_space<vmem>>, %arg12: memref<6x1x16xf32, #tpu.memory_space<vmem>>, %arg13: memref<256x16xf32, #tpu.memory_space<vmem>>, %arg14: memref<1x16xf32, #tpu.memory_space<vmem>>, %arg15: memref<256x16xf32, #tpu.memory_space<vmem>>, %arg16: memref<1x16xf32, #tpu.memory_space<vmem>>, %arg17: memref<32x256xf32, #tpu.memory_space<vmem>>, %arg18: memref<1x256xf32, #tpu.memory_space<vmem>>, %arg19: memref<400x16xf32, #tpu.memory_space<vmem>>, %arg20: memref<400x16xf32, #tpu.memory_space<vmem>>, %arg21: memref<400x16xf32, #tpu.memory_space<vmem>>, %arg22: memref<400x16xf32, #tpu.memory_space<vmem>>, %arg23: memref<400x128xf32, #tpu.memory_space<vmem>>, %arg24: memref<400x256xf32, #tpu.memory_space<vmem>>, %arg25: memref<400x256xf32, #tpu.memory_space<vmem>>) attributes {dimension_semantics = [#tpu.dimension_semantics<arbitrary>], iteration_bounds = array<i64: 25>, scalar_prefetch = 0 : i64, scratch_operands = 0 : i64, tpu.core_type = #tpu.core_type<tc>, window_params = [{transform_indices = @transform_0, window_bounds = array<i64: 400, 256>}, {transform_indices = @transform_1, window_bounds = array<i64: 400, 128>}, {transform_indices = @transform_2, window_bounds = array<i64: 400, 128>}, {transform_indices = @transform_3, window_bounds = array<i64: 400, 16>}, {pipeline_mode = #tpu.pipeline_mode<synchronous>, transform_indices = @transform_4, window_bounds = array<i64: 6, 256, 256>}, {pipeline_mode = #tpu.pipeline_mode<synchronous>, transform_indices = @transform_5, window_bounds = array<i64: 6, 1, 256>}, {pipeline_mode = #tpu.pipeline_mode<synchronous>, transform_indices = @transform_6, window_bounds = array<i64: 6, 256, 16>}, {pipeline_mode = #tpu.pipeline_mode<synchronous>, transform_indices = @transform_7, window_bounds = array<i64: 6, 1, 16>}, {pipeline_mode = #tpu.pipeline_mode<synchronous>, transform_indices = @transform_8, window_bounds = array<i64: 6, 256, 16>}, {pipeline_mode = #tpu.pipeline_mode<synchronous>, transform_indices = @transform_9, window_bounds = array<i64: 6, 1, 16>}, {pipeline_mode = #tpu.pipeline_mode<synchronous>, transform_indices = @transform_10, window_bounds = array<i64: 6, 256, 16>}, {pipeline_mode = #tpu.pipeline_mode<synchronous>, transform_indices = @transform_11, window_bounds = array<i64: 6, 1, 16>}, {pipeline_mode = #tpu.pipeline_mode<synchronous>, transform_indices = @transform_12, window_bounds = array<i64: 256, 16>}, {pipeline_mode = #tpu.pipeline_mode<synchronous>, transform_indices = @transform_13, window_bounds = array<i64: 1, 16>}, {pipeline_mode = #tpu.pipeline_mode<synchronous>, transform_indices = @transform_14, window_bounds = array<i64: 256, 16>}, {pipeline_mode = #tpu.pipeline_mode<synchronous>, transform_indices = @transform_15, window_bounds = array<i64: 1, 16>}, {pipeline_mode = #tpu.pipeline_mode<synchronous>, transform_indices = @transform_16, window_bounds = array<i64: 32, 256>}, {pipeline_mode = #tpu.pipeline_mode<synchronous>, transform_indices = @transform_17, window_bounds = array<i64: 1, 256>}, {transform_indices = @transform_18, window_bounds = array<i64: 400, 16>}, {transform_indices = @transform_19, window_bounds = array<i64: 400, 16>}, {transform_indices = @transform_20, window_bounds = array<i64: 400, 16>}, {transform_indices = @transform_21, window_bounds = array<i64: 400, 16>}, {transform_indices = @transform_22, window_bounds = array<i64: 400, 128>}, {transform_indices = @transform_23, window_bounds = array<i64: 400, 256>}, {transform_indices = @transform_24, window_bounds = array<i64: 400, 256>}]} {
    %get3A = arith.constant 0 : index
    %get3A_0 = arith.constant 0 : index
    %get3A_1 = vector.load %arg2[%get3A, %get3A_0] : memref<400x128xf32, #tpu.memory_space<vmem>>, vector<400x1xf32>
    %get3A_2 = arith.constant 0 : index
    %get3A_3 = arith.constant 0 : index
    %get3A_4 = vector.load %arg3[%get3A_2, %get3A_3] : memref<400x128xf32, #tpu.memory_space<vmem>>, vector<400x1xf32>
    %add3A = arith.addf %get3A_1, %get3A_4 : vector<400x1xf32>
    %max3A = arith.constant 1.000000e+00 : f32
    %max3A_5 = vector.broadcast %max3A : f32 to vector<400x1xf32>
    %max3A_6 = arith.maximumf %add3A, %max3A_5 : vector<400x1xf32>
    %div3A = arith.constant 1.000000e+00 : f32
    %div3A_7 = vector.broadcast %div3A : f32 to vector<400x1xf32>
    %div3A_8 = arith.divf %div3A_7, %max3A_6 : vector<400x1xf32>
    %get3A_9 = arith.constant 0 : index
    %get3A_10 = arith.constant 0 : index
    %get3A_11 = vector.load %arg1[%get3A_9, %get3A_10] : memref<400x256xf32, #tpu.memory_space<vmem>>, vector<400x256xf32>
    %mul3A = vector.broadcast %div3A_8 : vector<400x1xf32> to vector<400x256xf32>
    %mul3A_12 = arith.mulf %get3A_11, %mul3A : vector<400x256xf32>
    %get3A_13 = arith.constant 0 : index
    %get3A_14 = arith.constant 0 : index
    %get3A_15 = vector.load %arg13[%get3A_13, %get3A_14] : memref<256x16xf32, #tpu.memory_space<vmem>>, vector<256x16xf32>
    %dot_general3A = arith.constant dense<0.000000e+00> : vector<400x16xf32>
    %dot_general3A_16 = tpu.matmul %mul3A_12, %get3A_15, %dot_general3A {dimension_numbers = #tpu.dot_dimension_numbers<[1], [0], [0], [1], [0, 0, 1, 1], [], []>, transpose_lhs_hint = false} : vector<400x256xf32>, vector<256x16xf32>, vector<400x16xf32> -> vector<400x16xf32>
    %get3A_17 = arith.constant 0 : index
    %get3A_18 = arith.constant 0 : index
    %get3A_19 = vector.load %arg14[%get3A_17, %get3A_18] : memref<1x16xf32, #tpu.memory_space<vmem>>, vector<1x16xf32>
    %add3A_20 = vector.broadcast %get3A_19 : vector<1x16xf32> to vector<400x16xf32>
    %add3A_21 = arith.addf %dot_general3A_16, %add3A_20 : vector<400x16xf32>
    %get3A_22 = arith.constant 0 : index
    %get3A_23 = arith.constant 0 : index
    %get3A_24 = vector.load %arg15[%get3A_22, %get3A_23] : memref<256x16xf32, #tpu.memory_space<vmem>>, vector<256x16xf32>
    %dot_general3A_25 = arith.constant dense<0.000000e+00> : vector<400x16xf32>
    %dot_general3A_26 = tpu.matmul %mul3A_12, %get3A_24, %dot_general3A_25 {dimension_numbers = #tpu.dot_dimension_numbers<[1], [0], [0], [1], [0, 0, 1, 1], [], []>, transpose_lhs_hint = false} : vector<400x256xf32>, vector<256x16xf32>, vector<400x16xf32> -> vector<400x16xf32>
    %get3A_27 = arith.constant 0 : index
    %get3A_28 = arith.constant 0 : index
    %get3A_29 = vector.load %arg16[%get3A_27, %get3A_28] : memref<1x16xf32, #tpu.memory_space<vmem>>, vector<1x16xf32>
    %add3A_30 = vector.broadcast %get3A_29 : vector<1x16xf32> to vector<400x16xf32>
    %add3A_31 = arith.addf %dot_general3A_26, %add3A_30 : vector<400x16xf32>
    %mul3A_32 = arith.constant 5.000000e-01 : f32
    %mul3A_33 = vector.broadcast %mul3A_32 : f32 to vector<400x16xf32>
    %mul3A_34 = arith.mulf %mul3A_33, %add3A_31 : vector<400x16xf32>
    %exp3A = math.exp %mul3A_34 : vector<400x16xf32>
    %get3A_35 = arith.constant 0 : index
    %get3A_36 = arith.constant 0 : index
    %get3A_37 = vector.load %arg4[%get3A_35, %get3A_36] : memref<400x16xf32, #tpu.memory_space<vmem>>, vector<400x16xf32>
    %mul3A_38 = arith.mulf %get3A_37, %exp3A : vector<400x16xf32>
    %add3A_39 = arith.addf %add3A_21, %mul3A_38 : vector<400x16xf32>
    %iota3A = tpu.iota {dimensions = array<i32: 1>} : vector<16x256xi32>
    %iota3A_40 = tpu.iota {dimensions = array<i32: 0>} : vector<16x256xi32>
    %jit3A = arith.constant 16 : i32
    %div3A_41 = vector.broadcast %jit3A : i32 to vector<16x256xi32>
    %div3A_42 = arith.divsi %iota3A, %div3A_41 : vector<16x256xi32>
    %sign3A = arith.constant 0 : i32
    %sign3A_43 = vector.broadcast %sign3A : i32 to vector<16x256xi32>
    %sign3A_44 = arith.cmpi sgt, %iota3A, %sign3A_43 : vector<16x256xi32>
    %sign3A_45 = arith.extui %sign3A_44 : vector<16x256xi1> to vector<16x256xi32>
    %sign3A_46 = arith.constant 0 : i32
    %sign3A_47 = vector.broadcast %sign3A_46 : i32 to vector<16x256xi32>
    %sign3A_48 = arith.cmpi slt, %iota3A, %sign3A_47 : vector<16x256xi32>
    %sign3A_49 = arith.extui %sign3A_48 : vector<16x256xi1> to vector<16x256xi32>
    %sign3A_50 = arith.subi %sign3A_45, %sign3A_49 : vector<16x256xi32>
    %sign3A_51 = arith.constant 0 : i32
    %sign3A_52 = arith.cmpi sgt, %jit3A, %sign3A_51 : i32
    %sign3A_53 = arith.extui %sign3A_52 : i1 to i32
    %sign3A_54 = arith.constant 0 : i32
    %sign3A_55 = arith.cmpi slt, %jit3A, %sign3A_54 : i32
    %sign3A_56 = arith.extui %sign3A_55 : i1 to i32
    %sign3A_57 = arith.subi %sign3A_53, %sign3A_56 : i32
    %ne3A = vector.broadcast %sign3A_57 : i32 to vector<16x256xi32>
    %ne3A_58 = arith.cmpi ne, %sign3A_50, %ne3A : vector<16x256xi32>
    %rem3A = vector.broadcast %jit3A : i32 to vector<16x256xi32>
    %rem3A_59 = arith.remsi %iota3A, %rem3A : vector<16x256xi32>
    %ne3A_60 = arith.constant 0 : i32
    %ne3A_61 = vector.broadcast %ne3A_60 : i32 to vector<16x256xi32>
    %ne3A_62 = arith.cmpi ne, %rem3A_59, %ne3A_61 : vector<16x256xi32>
    %and3A = arith.andi %ne3A_58, %ne3A_62 : vector<16x256xi1>
    %sub3A = arith.constant 1 : i32
    %sub3A_63 = vector.broadcast %sub3A : i32 to vector<16x256xi32>
    %sub3A_64 = arith.subi %div3A_42, %sub3A_63 : vector<16x256xi32>
    %select_n3A = arith.select %and3A, %sub3A_64, %div3A_42 : vector<16x256xi1>, vector<16x256xi32>
    %eq3A = arith.cmpi eq, %select_n3A, %iota3A_40 : vector<16x256xi32>
    %convert_element_type3A = arith.extui %eq3A : vector<16x256xi1> to vector<16x256xi32>
    %convert_element_type3A_65 = arith.sitofp %convert_element_type3A : vector<16x256xi32> to vector<16x256xf32>
    %jit3A_66 = arith.constant 16 : i32
    %eq3A_67 = arith.constant 0 : i32
    %eq3A_68 = arith.cmpi eq, %jit3A_66, %eq3A_67 : i32
    %jit3A_69 = arith.constant 1 : i32
    %select_n3A_70 = arith.select %eq3A_68, %jit3A_69, %jit3A_66 : i32
    %rem3A_71 = vector.broadcast %select_n3A_70 : i32 to vector<16x256xi32>
    %rem3A_72 = arith.remsi %iota3A, %rem3A_71 : vector<16x256xi32>
    %ne3A_73 = arith.constant 0 : i32
    %ne3A_74 = vector.broadcast %ne3A_73 : i32 to vector<16x256xi32>
    %ne3A_75 = arith.cmpi ne, %rem3A_72, %ne3A_74 : vector<16x256xi32>
    %lt3A = arith.constant 0 : i32
    %lt3A_76 = vector.broadcast %lt3A : i32 to vector<16x256xi32>
    %lt3A_77 = arith.cmpi slt, %rem3A_72, %lt3A_76 : vector<16x256xi32>
    %lt3A_78 = arith.constant 0 : i32
    %lt3A_79 = arith.cmpi slt, %select_n3A_70, %lt3A_78 : i32
    %ne3A_80 = vector.broadcast %lt3A_79 : i1 to vector<16x256xi1>
    %ne3A_81 = vector.broadcast %ne3A_80 : vector<16x256xi1> to vector<16x256xi1>
    %ne3A_82 = arith.xori %lt3A_77, %ne3A_81 : vector<16x256xi1>
    %and3A_83 = arith.andi %ne3A_82, %ne3A_75 : vector<16x256xi1>
    %add3A_84 = vector.broadcast %select_n3A_70 : i32 to vector<16x256xi32>
    %add3A_85 = arith.addi %rem3A_72, %add3A_84 : vector<16x256xi32>
    %select_n3A_86 = arith.select %and3A_83, %add3A_85, %rem3A_72 : vector<16x256xi1>, vector<16x256xi32>
    %eq3A_87 = arith.cmpi eq, %select_n3A_86, %iota3A_40 : vector<16x256xi32>
    %convert_element_type3A_88 = arith.extui %eq3A_87 : vector<16x256xi1> to vector<16x256xi32>
    %convert_element_type3A_89 = arith.sitofp %convert_element_type3A_88 : vector<16x256xi32> to vector<16x256xf32>
    %iota3A_90 = tpu.iota {dimensions = array<i32: 0>} : vector<256x16xi32>
    %iota3A_91 = tpu.iota {dimensions = array<i32: 1>} : vector<256x16xi32>
    %jit3A_92 = arith.constant 16 : i32
    %div3A_93 = vector.broadcast %jit3A_92 : i32 to vector<256x16xi32>
    %div3A_94 = arith.divsi %iota3A_90, %div3A_93 : vector<256x16xi32>
    %sign3A_95 = arith.constant 0 : i32
    %sign3A_96 = vector.broadcast %sign3A_95 : i32 to vector<256x16xi32>
    %sign3A_97 = arith.cmpi sgt, %iota3A_90, %sign3A_96 : vector<256x16xi32>
    %sign3A_98 = arith.extui %sign3A_97 : vector<256x16xi1> to vector<256x16xi32>
    %sign3A_99 = arith.constant 0 : i32
    %sign3A_100 = vector.broadcast %sign3A_99 : i32 to vector<256x16xi32>
    %sign3A_101 = arith.cmpi slt, %iota3A_90, %sign3A_100 : vector<256x16xi32>
    %sign3A_102 = arith.extui %sign3A_101 : vector<256x16xi1> to vector<256x16xi32>
    %sign3A_103 = arith.subi %sign3A_98, %sign3A_102 : vector<256x16xi32>
    %sign3A_104 = arith.constant 0 : i32
    %sign3A_105 = arith.cmpi sgt, %jit3A_92, %sign3A_104 : i32
    %sign3A_106 = arith.extui %sign3A_105 : i1 to i32
    %sign3A_107 = arith.constant 0 : i32
    %sign3A_108 = arith.cmpi slt, %jit3A_92, %sign3A_107 : i32
    %sign3A_109 = arith.extui %sign3A_108 : i1 to i32
    %sign3A_110 = arith.subi %sign3A_106, %sign3A_109 : i32
    %ne3A_111 = vector.broadcast %sign3A_110 : i32 to vector<256x16xi32>
    %ne3A_112 = arith.cmpi ne, %sign3A_103, %ne3A_111 : vector<256x16xi32>
    %rem3A_113 = vector.broadcast %jit3A_92 : i32 to vector<256x16xi32>
    %rem3A_114 = arith.remsi %iota3A_90, %rem3A_113 : vector<256x16xi32>
    %ne3A_115 = arith.constant 0 : i32
    %ne3A_116 = vector.broadcast %ne3A_115 : i32 to vector<256x16xi32>
    %ne3A_117 = arith.cmpi ne, %rem3A_114, %ne3A_116 : vector<256x16xi32>
    %and3A_118 = arith.andi %ne3A_112, %ne3A_117 : vector<256x16xi1>
    %sub3A_119 = arith.constant 1 : i32
    %sub3A_120 = vector.broadcast %sub3A_119 : i32 to vector<256x16xi32>
    %sub3A_121 = arith.subi %div3A_94, %sub3A_120 : vector<256x16xi32>
    %select_n3A_122 = arith.select %and3A_118, %sub3A_121, %div3A_94 : vector<256x16xi1>, vector<256x16xi32>
    %eq3A_123 = arith.cmpi eq, %select_n3A_122, %iota3A_91 : vector<256x16xi32>
    %convert_element_type3A_124 = arith.extui %eq3A_123 : vector<256x16xi1> to vector<256x16xi32>
    %convert_element_type3A_125 = arith.sitofp %convert_element_type3A_124 : vector<256x16xi32> to vector<256x16xf32>
    %jit3A_126 = arith.constant 16 : i32
    %eq3A_127 = arith.constant 0 : i32
    %eq3A_128 = arith.cmpi eq, %jit3A_126, %eq3A_127 : i32
    %jit3A_129 = arith.constant 1 : i32
    %select_n3A_130 = arith.select %eq3A_128, %jit3A_129, %jit3A_126 : i32
    %rem3A_131 = vector.broadcast %select_n3A_130 : i32 to vector<256x16xi32>
    %rem3A_132 = arith.remsi %iota3A_90, %rem3A_131 : vector<256x16xi32>
    %ne3A_133 = arith.constant 0 : i32
    %ne3A_134 = vector.broadcast %ne3A_133 : i32 to vector<256x16xi32>
    %ne3A_135 = arith.cmpi ne, %rem3A_132, %ne3A_134 : vector<256x16xi32>
    %lt3A_136 = arith.constant 0 : i32
    %lt3A_137 = vector.broadcast %lt3A_136 : i32 to vector<256x16xi32>
    %lt3A_138 = arith.cmpi slt, %rem3A_132, %lt3A_137 : vector<256x16xi32>
    %lt3A_139 = arith.constant 0 : i32
    %lt3A_140 = arith.cmpi slt, %select_n3A_130, %lt3A_139 : i32
    %ne3A_141 = vector.broadcast %lt3A_140 : i1 to vector<256x16xi1>
    %ne3A_142 = vector.broadcast %ne3A_141 : vector<256x16xi1> to vector<256x16xi1>
    %ne3A_143 = arith.xori %lt3A_138, %ne3A_142 : vector<256x16xi1>
    %and3A_144 = arith.andi %ne3A_143, %ne3A_135 : vector<256x16xi1>
    %add3A_145 = vector.broadcast %select_n3A_130 : i32 to vector<256x16xi32>
    %add3A_146 = arith.addi %rem3A_132, %add3A_145 : vector<256x16xi32>
    %select_n3A_147 = arith.select %and3A_144, %add3A_146, %rem3A_132 : vector<256x16xi1>, vector<256x16xi32>
    %eq3A_148 = arith.cmpi eq, %select_n3A_147, %iota3A_91 : vector<256x16xi32>
    %convert_element_type3A_149 = arith.extui %eq3A_148 : vector<256x16xi1> to vector<256x16xi32>
    %convert_element_type3A_150 = arith.sitofp %convert_element_type3A_149 : vector<256x16xi32> to vector<256x16xf32>
    %iota3A_151 = tpu.iota {dimensions = array<i32: 1>} : vector<1x256xi32>
    %jit3A_152 = arith.constant 16 : i32
    %div3A_153 = vector.broadcast %jit3A_152 : i32 to vector<1x256xi32>
    %div3A_154 = arith.divsi %iota3A_151, %div3A_153 : vector<1x256xi32>
    %sign3A_155 = arith.constant 0 : i32
    %sign3A_156 = vector.broadcast %sign3A_155 : i32 to vector<1x256xi32>
    %sign3A_157 = arith.cmpi sgt, %iota3A_151, %sign3A_156 : vector<1x256xi32>
    %sign3A_158 = arith.extui %sign3A_157 : vector<1x256xi1> to vector<1x256xi32>
    %sign3A_159 = arith.constant 0 : i32
    %sign3A_160 = vector.broadcast %sign3A_159 : i32 to vector<1x256xi32>
    %sign3A_161 = arith.cmpi slt, %iota3A_151, %sign3A_160 : vector<1x256xi32>
    %sign3A_162 = arith.extui %sign3A_161 : vector<1x256xi1> to vector<1x256xi32>
    %sign3A_163 = arith.subi %sign3A_158, %sign3A_162 : vector<1x256xi32>
    %sign3A_164 = arith.constant 0 : i32
    %sign3A_165 = arith.cmpi sgt, %jit3A_152, %sign3A_164 : i32
    %sign3A_166 = arith.extui %sign3A_165 : i1 to i32
    %sign3A_167 = arith.constant 0 : i32
    %sign3A_168 = arith.cmpi slt, %jit3A_152, %sign3A_167 : i32
    %sign3A_169 = arith.extui %sign3A_168 : i1 to i32
    %sign3A_170 = arith.subi %sign3A_166, %sign3A_169 : i32
    %ne3A_171 = vector.broadcast %sign3A_170 : i32 to vector<1x256xi32>
    %ne3A_172 = arith.cmpi ne, %sign3A_163, %ne3A_171 : vector<1x256xi32>
    %rem3A_173 = vector.broadcast %jit3A_152 : i32 to vector<1x256xi32>
    %rem3A_174 = arith.remsi %iota3A_151, %rem3A_173 : vector<1x256xi32>
    %ne3A_175 = arith.constant 0 : i32
    %ne3A_176 = vector.broadcast %ne3A_175 : i32 to vector<1x256xi32>
    %ne3A_177 = arith.cmpi ne, %rem3A_174, %ne3A_176 : vector<1x256xi32>
    %and3A_178 = arith.andi %ne3A_172, %ne3A_177 : vector<1x256xi1>
    %sub3A_179 = arith.constant 1 : i32
    %sub3A_180 = vector.broadcast %sub3A_179 : i32 to vector<1x256xi32>
    %sub3A_181 = arith.subi %div3A_154, %sub3A_180 : vector<1x256xi32>
    %select_n3A_182 = arith.select %and3A_178, %sub3A_181, %div3A_154 : vector<1x256xi1>, vector<1x256xi32>
    %jit3A_183 = arith.constant 16 : i32
    %eq3A_184 = arith.constant 0 : i32
    %eq3A_185 = arith.cmpi eq, %jit3A_183, %eq3A_184 : i32
    %jit3A_186 = arith.constant 1 : i32
    %select_n3A_187 = arith.select %eq3A_185, %jit3A_186, %jit3A_183 : i32
    %rem3A_188 = vector.broadcast %select_n3A_187 : i32 to vector<1x256xi32>
    %rem3A_189 = arith.remsi %iota3A_151, %rem3A_188 : vector<1x256xi32>
    %ne3A_190 = arith.constant 0 : i32
    %ne3A_191 = vector.broadcast %ne3A_190 : i32 to vector<1x256xi32>
    %ne3A_192 = arith.cmpi ne, %rem3A_189, %ne3A_191 : vector<1x256xi32>
    %lt3A_193 = arith.constant 0 : i32
    %lt3A_194 = vector.broadcast %lt3A_193 : i32 to vector<1x256xi32>
    %lt3A_195 = arith.cmpi slt, %rem3A_189, %lt3A_194 : vector<1x256xi32>
    %lt3A_196 = arith.constant 0 : i32
    %lt3A_197 = arith.cmpi slt, %select_n3A_187, %lt3A_196 : i32
    %ne3A_198 = vector.broadcast %lt3A_197 : i1 to vector<1x256xi1>
    %ne3A_199 = vector.broadcast %ne3A_198 : vector<1x256xi1> to vector<1x256xi1>
    %ne3A_200 = arith.xori %lt3A_195, %ne3A_199 : vector<1x256xi1>
    %and3A_201 = arith.andi %ne3A_200, %ne3A_192 : vector<1x256xi1>
    %add3A_202 = vector.broadcast %select_n3A_187 : i32 to vector<1x256xi32>
    %add3A_203 = arith.addi %rem3A_189, %add3A_202 : vector<1x256xi32>
    %select_n3A_204 = arith.select %and3A_201, %add3A_203, %rem3A_189 : vector<1x256xi1>, vector<1x256xi32>
    %gt3A = arith.cmpi sgt, %select_n3A_182, %select_n3A_204 : vector<1x256xi32>
    %convert_element_type3A_205 = arith.extui %gt3A : vector<1x256xi1> to vector<1x256xi32>
    %convert_element_type3A_206 = arith.sitofp %convert_element_type3A_205 : vector<1x256xi32> to vector<1x256xf32>
    %jit3A_207 = arith.constant 16 : i32
    %eq3A_208 = arith.constant 0 : i32
    %eq3A_209 = arith.cmpi eq, %jit3A_207, %eq3A_208 : i32
    %jit3A_210 = arith.constant 1 : i32
    %select_n3A_211 = arith.select %eq3A_209, %jit3A_210, %jit3A_207 : i32
    %rem3A_212 = vector.broadcast %select_n3A_211 : i32 to vector<1x256xi32>
    %rem3A_213 = arith.remsi %iota3A_151, %rem3A_212 : vector<1x256xi32>
    %ne3A_214 = arith.constant 0 : i32
    %ne3A_215 = vector.broadcast %ne3A_214 : i32 to vector<1x256xi32>
    %ne3A_216 = arith.cmpi ne, %rem3A_213, %ne3A_215 : vector<1x256xi32>
    %lt3A_217 = arith.constant 0 : i32
    %lt3A_218 = vector.broadcast %lt3A_217 : i32 to vector<1x256xi32>
    %lt3A_219 = arith.cmpi slt, %rem3A_213, %lt3A_218 : vector<1x256xi32>
    %lt3A_220 = arith.constant 0 : i32
    %lt3A_221 = arith.cmpi slt, %select_n3A_211, %lt3A_220 : i32
    %ne3A_222 = vector.broadcast %lt3A_221 : i1 to vector<1x256xi1>
    %ne3A_223 = vector.broadcast %ne3A_222 : vector<1x256xi1> to vector<1x256xi1>
    %ne3A_224 = arith.xori %lt3A_219, %ne3A_223 : vector<1x256xi1>
    %and3A_225 = arith.andi %ne3A_224, %ne3A_216 : vector<1x256xi1>
    %add3A_226 = vector.broadcast %select_n3A_211 : i32 to vector<1x256xi32>
    %add3A_227 = arith.addi %rem3A_213, %add3A_226 : vector<1x256xi32>
    %select_n3A_228 = arith.select %and3A_225, %add3A_227, %rem3A_213 : vector<1x256xi1>, vector<1x256xi32>
    %jit3A_229 = arith.constant 16 : i32
    %div3A_230 = vector.broadcast %jit3A_229 : i32 to vector<1x256xi32>
    %div3A_231 = arith.divsi %iota3A_151, %div3A_230 : vector<1x256xi32>
    %sign3A_232 = arith.constant 0 : i32
    %sign3A_233 = vector.broadcast %sign3A_232 : i32 to vector<1x256xi32>
    %sign3A_234 = arith.cmpi sgt, %iota3A_151, %sign3A_233 : vector<1x256xi32>
    %sign3A_235 = arith.extui %sign3A_234 : vector<1x256xi1> to vector<1x256xi32>
    %sign3A_236 = arith.constant 0 : i32
    %sign3A_237 = vector.broadcast %sign3A_236 : i32 to vector<1x256xi32>
    %sign3A_238 = arith.cmpi slt, %iota3A_151, %sign3A_237 : vector<1x256xi32>
    %sign3A_239 = arith.extui %sign3A_238 : vector<1x256xi1> to vector<1x256xi32>
    %sign3A_240 = arith.subi %sign3A_235, %sign3A_239 : vector<1x256xi32>
    %sign3A_241 = arith.constant 0 : i32
    %sign3A_242 = arith.cmpi sgt, %jit3A_229, %sign3A_241 : i32
    %sign3A_243 = arith.extui %sign3A_242 : i1 to i32
    %sign3A_244 = arith.constant 0 : i32
    %sign3A_245 = arith.cmpi slt, %jit3A_229, %sign3A_244 : i32
    %sign3A_246 = arith.extui %sign3A_245 : i1 to i32
    %sign3A_247 = arith.subi %sign3A_243, %sign3A_246 : i32
    %ne3A_248 = vector.broadcast %sign3A_247 : i32 to vector<1x256xi32>
    %ne3A_249 = arith.cmpi ne, %sign3A_240, %ne3A_248 : vector<1x256xi32>
    %rem3A_250 = vector.broadcast %jit3A_229 : i32 to vector<1x256xi32>
    %rem3A_251 = arith.remsi %iota3A_151, %rem3A_250 : vector<1x256xi32>
    %ne3A_252 = arith.constant 0 : i32
    %ne3A_253 = vector.broadcast %ne3A_252 : i32 to vector<1x256xi32>
    %ne3A_254 = arith.cmpi ne, %rem3A_251, %ne3A_253 : vector<1x256xi32>
    %and3A_255 = arith.andi %ne3A_249, %ne3A_254 : vector<1x256xi1>
    %sub3A_256 = arith.constant 1 : i32
    %sub3A_257 = vector.broadcast %sub3A_256 : i32 to vector<1x256xi32>
    %sub3A_258 = arith.subi %div3A_231, %sub3A_257 : vector<1x256xi32>
    %select_n3A_259 = arith.select %and3A_255, %sub3A_258, %div3A_231 : vector<1x256xi1>, vector<1x256xi32>
    %gt3A_260 = arith.cmpi sgt, %select_n3A_228, %select_n3A_259 : vector<1x256xi32>
    %convert_element_type3A_261 = arith.extui %gt3A_260 : vector<1x256xi1> to vector<1x256xi32>
    %convert_element_type3A_262 = arith.sitofp %convert_element_type3A_261 : vector<1x256xi32> to vector<1x256xf32>
    %iota3A_263 = tpu.iota {dimensions = array<i32: 0>} : vector<16x16xi32>
    %iota3A_264 = tpu.iota {dimensions = array<i32: 1>} : vector<16x16xi32>
    %add3A_265 = arith.addi %iota3A_263, %iota3A_264 : vector<16x16xi32>
    %eq3A_266 = arith.constant 15 : i32
    %eq3A_267 = vector.broadcast %eq3A_266 : i32 to vector<16x16xi32>
    %eq3A_268 = arith.cmpi eq, %add3A_265, %eq3A_267 : vector<16x16xi32>
    %convert_element_type3A_269 = arith.extui %eq3A_268 : vector<16x16xi1> to vector<16x16xi32>
    %convert_element_type3A_270 = arith.sitofp %convert_element_type3A_269 : vector<16x16xi32> to vector<16x16xf32>
    %broadcast_in_dim3A = arith.constant 0.000000e+00 : f32
    %broadcast_in_dim3A_271 = vector.broadcast %broadcast_in_dim3A : f32 to vector<400x1xf32>
    %get3A_272 = arith.constant 0 : index
    %get3A_273 = arith.constant 0 : index
    %get3A_274 = arith.constant 0 : index
    %get3A_275 = vector.load %arg5[%get3A_272, %get3A_273, %get3A_274] : memref<6x256x256xf32, #tpu.memory_space<vmem>>, vector<1x256x256xf32>
    %get3A_276 = vector.shape_cast %get3A_275 : vector<1x256x256xf32> to vector<256x256xf32>
    %dot_general3A_277 = arith.constant dense<0.000000e+00> : vector<400x256xf32>
    %dot_general3A_278 = tpu.matmul %mul3A_12, %get3A_276, %dot_general3A_277 {dimension_numbers = #tpu.dot_dimension_numbers<[1], [0], [0], [1], [0, 0, 1, 1], [], []>, transpose_lhs_hint = false} : vector<400x256xf32>, vector<256x256xf32>, vector<400x256xf32> -> vector<400x256xf32>
    %get3A_279 = arith.constant 0 : index
    %get3A_280 = arith.constant 0 : index
    %get3A_281 = arith.constant 0 : index
    %get3A_282 = vector.load %arg6[%get3A_279, %get3A_280, %get3A_281] : memref<6x1x256xf32, #tpu.memory_space<vmem>>, vector<1x1x256xf32>
    %get3A_283 = vector.shape_cast %get3A_282 : vector<1x1x256xf32> to vector<1x256xf32>
    %add3A_284 = vector.broadcast %get3A_283 : vector<1x256xf32> to vector<400x256xf32>
    %add3A_285 = arith.addf %dot_general3A_278, %add3A_284 : vector<400x256xf32>
    %get3A_286 = arith.constant 0 : index
    %get3A_287 = arith.constant 0 : index
    %get3A_288 = arith.constant 0 : index
    %get3A_289 = vector.load %arg7[%get3A_286, %get3A_287, %get3A_288] : memref<6x256x16xf32, #tpu.memory_space<vmem>>, vector<1x256x16xf32>
    %get3A_290 = vector.shape_cast %get3A_289 : vector<1x256x16xf32> to vector<256x16xf32>
    %dot_general3A_291 = arith.constant dense<0.000000e+00> : vector<400x16xf32>
    %dot_general3A_292 = tpu.matmul %mul3A_12, %get3A_290, %dot_general3A_291 {dimension_numbers = #tpu.dot_dimension_numbers<[1], [0], [0], [1], [0, 0, 1, 1], [], []>, transpose_lhs_hint = false} : vector<400x256xf32>, vector<256x16xf32>, vector<400x16xf32> -> vector<400x16xf32>
    %get3A_293 = arith.constant 0 : index
    %get3A_294 = arith.constant 0 : index
    %get3A_295 = arith.constant 0 : index
    %get3A_296 = vector.load %arg8[%get3A_293, %get3A_294, %get3A_295] : memref<6x1x16xf32, #tpu.memory_space<vmem>>, vector<1x1x16xf32>
    %get3A_297 = vector.shape_cast %get3A_296 : vector<1x1x16xf32> to vector<1x16xf32>
    %add3A_298 = vector.broadcast %get3A_297 : vector<1x16xf32> to vector<400x16xf32>
    %add3A_299 = arith.addf %dot_general3A_292, %add3A_298 : vector<400x16xf32>
    %tanh3A = math.tanh %add3A_299 : vector<400x16xf32>
    %get3A_300 = arith.constant 0 : index
    %get3A_301 = arith.constant 0 : index
    %get3A_302 = arith.constant 0 : index
    %get3A_303 = vector.load %arg9[%get3A_300, %get3A_301, %get3A_302] : memref<6x256x16xf32, #tpu.memory_space<vmem>>, vector<1x256x16xf32>
    %get3A_304 = vector.shape_cast %get3A_303 : vector<1x256x16xf32> to vector<256x16xf32>
    %dot_general3A_305 = arith.constant dense<0.000000e+00> : vector<400x16xf32>
    %dot_general3A_306 = tpu.matmul %mul3A_12, %get3A_304, %dot_general3A_305 {dimension_numbers = #tpu.dot_dimension_numbers<[1], [0], [0], [1], [0, 0, 1, 1], [], []>, transpose_lhs_hint = false} : vector<400x256xf32>, vector<256x16xf32>, vector<400x16xf32> -> vector<400x16xf32>
    %get3A_307 = arith.constant 0 : index
    %get3A_308 = arith.constant 0 : index
    %get3A_309 = arith.constant 0 : index
    %get3A_310 = vector.load %arg10[%get3A_307, %get3A_308, %get3A_309] : memref<6x1x16xf32, #tpu.memory_space<vmem>>, vector<1x1x16xf32>
    %get3A_311 = vector.shape_cast %get3A_310 : vector<1x1x16xf32> to vector<1x16xf32>
    %add3A_312 = vector.broadcast %get3A_311 : vector<1x16xf32> to vector<400x16xf32>
    %add3A_313 = arith.addf %dot_general3A_306, %add3A_312 : vector<400x16xf32>
    %tanh3A_314 = math.tanh %add3A_313 : vector<400x16xf32>
    %get3A_315 = arith.constant 0 : index
    %get3A_316 = arith.constant 0 : index
    %get3A_317 = arith.constant 0 : index
    %get3A_318 = vector.load %arg11[%get3A_315, %get3A_316, %get3A_317] : memref<6x256x16xf32, #tpu.memory_space<vmem>>, vector<1x256x16xf32>
    %get3A_319 = vector.shape_cast %get3A_318 : vector<1x256x16xf32> to vector<256x16xf32>
    %dot_general3A_320 = arith.constant dense<0.000000e+00> : vector<400x16xf32>
    %dot_general3A_321 = tpu.matmul %mul3A_12, %get3A_319, %dot_general3A_320 {dimension_numbers = #tpu.dot_dimension_numbers<[1], [0], [0], [1], [0, 0, 1, 1], [], []>, transpose_lhs_hint = false} : vector<400x256xf32>, vector<256x16xf32>, vector<400x16xf32> -> vector<400x16xf32>
    %get3A_322 = arith.constant 0 : index
    %get3A_323 = arith.constant 0 : index
    %get3A_324 = arith.constant 0 : index
    %get3A_325 = vector.load %arg12[%get3A_322, %get3A_323, %get3A_324] : memref<6x1x16xf32, #tpu.memory_space<vmem>>, vector<1x1x16xf32>
    %get3A_326 = vector.shape_cast %get3A_325 : vector<1x1x16xf32> to vector<1x16xf32>
    %add3A_327 = vector.broadcast %get3A_326 : vector<1x16xf32> to vector<400x16xf32>
    %add3A_328 = arith.addf %dot_general3A_321, %add3A_327 : vector<400x16xf32>
    %dot_general3A_329 = arith.constant dense<0.000000e+00> : vector<400x256xf32>
    %dot_general3A_330 = tpu.matmul %add3A_39, %convert_element_type3A_65, %dot_general3A_329 {dimension_numbers = #tpu.dot_dimension_numbers<[1], [0], [0], [1], [0, 0, 1, 1], [], []>, transpose_lhs_hint = false} : vector<400x16xf32>, vector<16x256xf32>, vector<400x256xf32> -> vector<400x256xf32>
    %mul3A_331 = vector.broadcast %convert_element_type3A_206 : vector<1x256xf32> to vector<400x256xf32>
    %mul3A_332 = arith.mulf %add3A_285, %mul3A_331 : vector<400x256xf32>
    %mul3A_333 = arith.mulf %mul3A_332, %dot_general3A_330 : vector<400x256xf32>
    %dot_general3A_334 = arith.constant dense<0.000000e+00> : vector<400x16xf32>
    %dot_general3A_335 = tpu.matmul %mul3A_333, %convert_element_type3A_150, %dot_general3A_334 {dimension_numbers = #tpu.dot_dimension_numbers<[1], [0], [0], [1], [0, 0, 1, 1], [], []>, transpose_lhs_hint = false} : vector<400x256xf32>, vector<256x16xf32>, vector<400x16xf32> -> vector<400x16xf32>
    %mul3A_336 = arith.mulf %add3A_39, %tanh3A_314 : vector<400x16xf32>
    %add3A_337 = arith.addf %dot_general3A_335, %mul3A_336 : vector<400x16xf32>
    %add3A_338 = arith.addf %add3A_337, %add3A_328 : vector<400x16xf32>
    %tanh3A_339 = math.tanh %add3A_338 : vector<400x16xf32>
    %dot_general3A_340 = arith.constant dense<0.000000e+00> : vector<400x256xf32>
    %dot_general3A_341 = tpu.matmul %tanh3A_339, %convert_element_type3A_89, %dot_general3A_340 {dimension_numbers = #tpu.dot_dimension_numbers<[1], [0], [0], [1], [0, 0, 1, 1], [], []>, transpose_lhs_hint = false} : vector<400x16xf32>, vector<16x256xf32>, vector<400x256xf32> -> vector<400x256xf32>
    %mul3A_342 = vector.broadcast %convert_element_type3A_262 : vector<1x256xf32> to vector<400x256xf32>
    %mul3A_343 = arith.mulf %add3A_285, %mul3A_342 : vector<400x256xf32>
    %mul3A_344 = arith.mulf %mul3A_343, %dot_general3A_341 : vector<400x256xf32>
    %dot_general3A_345 = arith.constant dense<0.000000e+00> : vector<400x16xf32>
    %dot_general3A_346 = tpu.matmul %mul3A_344, %convert_element_type3A_125, %dot_general3A_345 {dimension_numbers = #tpu.dot_dimension_numbers<[1], [0], [0], [1], [0, 0, 1, 1], [], []>, transpose_lhs_hint = false} : vector<400x256xf32>, vector<256x16xf32>, vector<400x16xf32> -> vector<400x16xf32>
    %mul3A_347 = arith.mulf %tanh3A_339, %tanh3A : vector<400x16xf32>
    %add3A_348 = arith.addf %dot_general3A_346, %mul3A_347 : vector<400x16xf32>
    %add3A_349 = arith.addf %add3A_348, %add3A_39 : vector<400x16xf32>
    %mul3A_350 = arith.mulf %tanh3A_339, %tanh3A_339 : vector<400x16xf32>
    %sub3A_351 = arith.constant 1.000000e+00 : f32
    %sub3A_352 = vector.broadcast %sub3A_351 : f32 to vector<400x16xf32>
    %sub3A_353 = arith.subf %sub3A_352, %mul3A_350 : vector<400x16xf32>
    %mul3A_354 = arith.mulf %sub3A_353, %tanh3A : vector<400x16xf32>
    %mul3A_355 = arith.mulf %mul3A_354, %tanh3A_314 : vector<400x16xf32>
    %add3A_356 = arith.constant 1.000000e+00 : f32
    %add3A_357 = vector.broadcast %add3A_356 : f32 to vector<400x16xf32>
    %add3A_358 = arith.addf %mul3A_355, %add3A_357 : vector<400x16xf32>
    %abs3A = math.absf %add3A_358 : vector<400x16xf32>
    %log3A = math.log %abs3A : vector<400x16xf32>
    %reduce_sum3A = arith.constant dense<0.000000e+00> : vector<400xf32>
    %reduce_sum3A_359 = vector.multi_reduction <add>, %log3A, %reduce_sum3A [1] : vector<400x16xf32> to vector<400xf32>
    %broadcast_in_dim3A_360 = vector.shape_cast %reduce_sum3A_359 : vector<400xf32> to vector<400x1xf32>
    %add3A_361 = arith.addf %broadcast_in_dim3A_271, %broadcast_in_dim3A_360 : vector<400x1xf32>
    %get3A_362 = arith.constant 1 : index
    %get3A_363 = arith.constant 0 : index
    %get3A_364 = arith.constant 0 : index
    %get3A_365 = vector.load %arg5[%get3A_362, %get3A_363, %get3A_364] : memref<6x256x256xf32, #tpu.memory_space<vmem>>, vector<1x256x256xf32>
    %get3A_366 = vector.shape_cast %get3A_365 : vector<1x256x256xf32> to vector<256x256xf32>
    %dot_general3A_367 = arith.constant dense<0.000000e+00> : vector<400x256xf32>
    %dot_general3A_368 = tpu.matmul %mul3A_12, %get3A_366, %dot_general3A_367 {dimension_numbers = #tpu.dot_dimension_numbers<[1], [0], [0], [1], [0, 0, 1, 1], [], []>, transpose_lhs_hint = false} : vector<400x256xf32>, vector<256x256xf32>, vector<400x256xf32> -> vector<400x256xf32>
    %get3A_369 = arith.constant 1 : index
    %get3A_370 = arith.constant 0 : index
    %get3A_371 = arith.constant 0 : index
    %get3A_372 = vector.load %arg6[%get3A_369, %get3A_370, %get3A_371] : memref<6x1x256xf32, #tpu.memory_space<vmem>>, vector<1x1x256xf32>
    %get3A_373 = vector.shape_cast %get3A_372 : vector<1x1x256xf32> to vector<1x256xf32>
    %add3A_374 = vector.broadcast %get3A_373 : vector<1x256xf32> to vector<400x256xf32>
    %add3A_375 = arith.addf %dot_general3A_368, %add3A_374 : vector<400x256xf32>
    %get3A_376 = arith.constant 1 : index
    %get3A_377 = arith.constant 0 : index
    %get3A_378 = arith.constant 0 : index
    %get3A_379 = vector.load %arg7[%get3A_376, %get3A_377, %get3A_378] : memref<6x256x16xf32, #tpu.memory_space<vmem>>, vector<1x256x16xf32>
    %get3A_380 = vector.shape_cast %get3A_379 : vector<1x256x16xf32> to vector<256x16xf32>
    %dot_general3A_381 = arith.constant dense<0.000000e+00> : vector<400x16xf32>
    %dot_general3A_382 = tpu.matmul %mul3A_12, %get3A_380, %dot_general3A_381 {dimension_numbers = #tpu.dot_dimension_numbers<[1], [0], [0], [1], [0, 0, 1, 1], [], []>, transpose_lhs_hint = false} : vector<400x256xf32>, vector<256x16xf32>, vector<400x16xf32> -> vector<400x16xf32>
    %get3A_383 = arith.constant 1 : index
    %get3A_384 = arith.constant 0 : index
    %get3A_385 = arith.constant 0 : index
    %get3A_386 = vector.load %arg8[%get3A_383, %get3A_384, %get3A_385] : memref<6x1x16xf32, #tpu.memory_space<vmem>>, vector<1x1x16xf32>
    %get3A_387 = vector.shape_cast %get3A_386 : vector<1x1x16xf32> to vector<1x16xf32>
    %add3A_388 = vector.broadcast %get3A_387 : vector<1x16xf32> to vector<400x16xf32>
    %add3A_389 = arith.addf %dot_general3A_382, %add3A_388 : vector<400x16xf32>
    %tanh3A_390 = math.tanh %add3A_389 : vector<400x16xf32>
    %get3A_391 = arith.constant 1 : index
    %get3A_392 = arith.constant 0 : index
    %get3A_393 = arith.constant 0 : index
    %get3A_394 = vector.load %arg9[%get3A_391, %get3A_392, %get3A_393] : memref<6x256x16xf32, #tpu.memory_space<vmem>>, vector<1x256x16xf32>
    %get3A_395 = vector.shape_cast %get3A_394 : vector<1x256x16xf32> to vector<256x16xf32>
    %dot_general3A_396 = arith.constant dense<0.000000e+00> : vector<400x16xf32>
    %dot_general3A_397 = tpu.matmul %mul3A_12, %get3A_395, %dot_general3A_396 {dimension_numbers = #tpu.dot_dimension_numbers<[1], [0], [0], [1], [0, 0, 1, 1], [], []>, transpose_lhs_hint = false} : vector<400x256xf32>, vector<256x16xf32>, vector<400x16xf32> -> vector<400x16xf32>
    %get3A_398 = arith.constant 1 : index
    %get3A_399 = arith.constant 0 : index
    %get3A_400 = arith.constant 0 : index
    %get3A_401 = vector.load %arg10[%get3A_398, %get3A_399, %get3A_400] : memref<6x1x16xf32, #tpu.memory_space<vmem>>, vector<1x1x16xf32>
    %get3A_402 = vector.shape_cast %get3A_401 : vector<1x1x16xf32> to vector<1x16xf32>
    %add3A_403 = vector.broadcast %get3A_402 : vector<1x16xf32> to vector<400x16xf32>
    %add3A_404 = arith.addf %dot_general3A_397, %add3A_403 : vector<400x16xf32>
    %tanh3A_405 = math.tanh %add3A_404 : vector<400x16xf32>
    %get3A_406 = arith.constant 1 : index
    %get3A_407 = arith.constant 0 : index
    %get3A_408 = arith.constant 0 : index
    %get3A_409 = vector.load %arg11[%get3A_406, %get3A_407, %get3A_408] : memref<6x256x16xf32, #tpu.memory_space<vmem>>, vector<1x256x16xf32>
    %get3A_410 = vector.shape_cast %get3A_409 : vector<1x256x16xf32> to vector<256x16xf32>
    %dot_general3A_411 = arith.constant dense<0.000000e+00> : vector<400x16xf32>
    %dot_general3A_412 = tpu.matmul %mul3A_12, %get3A_410, %dot_general3A_411 {dimension_numbers = #tpu.dot_dimension_numbers<[1], [0], [0], [1], [0, 0, 1, 1], [], []>, transpose_lhs_hint = false} : vector<400x256xf32>, vector<256x16xf32>, vector<400x16xf32> -> vector<400x16xf32>
    %get3A_413 = arith.constant 1 : index
    %get3A_414 = arith.constant 0 : index
    %get3A_415 = arith.constant 0 : index
    %get3A_416 = vector.load %arg12[%get3A_413, %get3A_414, %get3A_415] : memref<6x1x16xf32, #tpu.memory_space<vmem>>, vector<1x1x16xf32>
    %get3A_417 = vector.shape_cast %get3A_416 : vector<1x1x16xf32> to vector<1x16xf32>
    %add3A_418 = vector.broadcast %get3A_417 : vector<1x16xf32> to vector<400x16xf32>
    %add3A_419 = arith.addf %dot_general3A_412, %add3A_418 : vector<400x16xf32>
    %dot_general3A_420 = arith.constant dense<0.000000e+00> : vector<400x16xf32>
    %dot_general3A_421 = tpu.matmul %add3A_349, %convert_element_type3A_270, %dot_general3A_420 {dimension_numbers = #tpu.dot_dimension_numbers<[1], [0], [0], [1], [0, 0, 1, 1], [], []>, transpose_lhs_hint = false} : vector<400x16xf32>, vector<16x16xf32>, vector<400x16xf32> -> vector<400x16xf32>
    %dot_general3A_422 = arith.constant dense<0.000000e+00> : vector<400x256xf32>
    %dot_general3A_423 = tpu.matmul %dot_general3A_421, %convert_element_type3A_65, %dot_general3A_422 {dimension_numbers = #tpu.dot_dimension_numbers<[1], [0], [0], [1], [0, 0, 1, 1], [], []>, transpose_lhs_hint = false} : vector<400x16xf32>, vector<16x256xf32>, vector<400x256xf32> -> vector<400x256xf32>
    %mul3A_424 = vector.broadcast %convert_element_type3A_206 : vector<1x256xf32> to vector<400x256xf32>
    %mul3A_425 = arith.mulf %add3A_375, %mul3A_424 : vector<400x256xf32>
    %mul3A_426 = arith.mulf %mul3A_425, %dot_general3A_423 : vector<400x256xf32>
    %dot_general3A_427 = arith.constant dense<0.000000e+00> : vector<400x16xf32>
    %dot_general3A_428 = tpu.matmul %mul3A_426, %convert_element_type3A_150, %dot_general3A_427 {dimension_numbers = #tpu.dot_dimension_numbers<[1], [0], [0], [1], [0, 0, 1, 1], [], []>, transpose_lhs_hint = false} : vector<400x256xf32>, vector<256x16xf32>, vector<400x16xf32> -> vector<400x16xf32>
    %mul3A_429 = arith.mulf %dot_general3A_421, %tanh3A_405 : vector<400x16xf32>
    %add3A_430 = arith.addf %dot_general3A_428, %mul3A_429 : vector<400x16xf32>
    %add3A_431 = arith.addf %add3A_430, %add3A_419 : vector<400x16xf32>
    %tanh3A_432 = math.tanh %add3A_431 : vector<400x16xf32>
    %dot_general3A_433 = arith.constant dense<0.000000e+00> : vector<400x256xf32>
    %dot_general3A_434 = tpu.matmul %tanh3A_432, %convert_element_type3A_89, %dot_general3A_433 {dimension_numbers = #tpu.dot_dimension_numbers<[1], [0], [0], [1], [0, 0, 1, 1], [], []>, transpose_lhs_hint = false} : vector<400x16xf32>, vector<16x256xf32>, vector<400x256xf32> -> vector<400x256xf32>
    %mul3A_435 = vector.broadcast %convert_element_type3A_262 : vector<1x256xf32> to vector<400x256xf32>
    %mul3A_436 = arith.mulf %add3A_375, %mul3A_435 : vector<400x256xf32>
    %mul3A_437 = arith.mulf %mul3A_436, %dot_general3A_434 : vector<400x256xf32>
    %dot_general3A_438 = arith.constant dense<0.000000e+00> : vector<400x16xf32>
    %dot_general3A_439 = tpu.matmul %mul3A_437, %convert_element_type3A_125, %dot_general3A_438 {dimension_numbers = #tpu.dot_dimension_numbers<[1], [0], [0], [1], [0, 0, 1, 1], [], []>, transpose_lhs_hint = false} : vector<400x256xf32>, vector<256x16xf32>, vector<400x16xf32> -> vector<400x16xf32>
    %mul3A_440 = arith.mulf %tanh3A_432, %tanh3A_390 : vector<400x16xf32>
    %add3A_441 = arith.addf %dot_general3A_439, %mul3A_440 : vector<400x16xf32>
    %dot_general3A_442 = arith.constant dense<0.000000e+00> : vector<400x16xf32>
    %dot_general3A_443 = tpu.matmul %add3A_441, %convert_element_type3A_270, %dot_general3A_442 {dimension_numbers = #tpu.dot_dimension_numbers<[1], [0], [0], [1], [0, 0, 1, 1], [], []>, transpose_lhs_hint = false} : vector<400x16xf32>, vector<16x16xf32>, vector<400x16xf32> -> vector<400x16xf32>
    %add3A_444 = arith.addf %dot_general3A_443, %add3A_349 : vector<400x16xf32>
    %mul3A_445 = arith.mulf %tanh3A_432, %tanh3A_432 : vector<400x16xf32>
    %sub3A_446 = arith.constant 1.000000e+00 : f32
    %sub3A_447 = vector.broadcast %sub3A_446 : f32 to vector<400x16xf32>
    %sub3A_448 = arith.subf %sub3A_447, %mul3A_445 : vector<400x16xf32>
    %mul3A_449 = arith.mulf %sub3A_448, %tanh3A_390 : vector<400x16xf32>
    %mul3A_450 = arith.mulf %mul3A_449, %tanh3A_405 : vector<400x16xf32>
    %add3A_451 = arith.constant 1.000000e+00 : f32
    %add3A_452 = vector.broadcast %add3A_451 : f32 to vector<400x16xf32>
    %add3A_453 = arith.addf %mul3A_450, %add3A_452 : vector<400x16xf32>
    %abs3A_454 = math.absf %add3A_453 : vector<400x16xf32>
    %log3A_455 = math.log %abs3A_454 : vector<400x16xf32>
    %reduce_sum3A_456 = arith.constant dense<0.000000e+00> : vector<400xf32>
    %reduce_sum3A_457 = vector.multi_reduction <add>, %log3A_455, %reduce_sum3A_456 [1] : vector<400x16xf32> to vector<400xf32>
    %broadcast_in_dim3A_458 = vector.shape_cast %reduce_sum3A_457 : vector<400xf32> to vector<400x1xf32>
    %add3A_459 = arith.addf %add3A_361, %broadcast_in_dim3A_458 : vector<400x1xf32>
    %get3A_460 = arith.constant 2 : index
    %get3A_461 = arith.constant 0 : index
    %get3A_462 = arith.constant 0 : index
    %get3A_463 = vector.load %arg5[%get3A_460, %get3A_461, %get3A_462] : memref<6x256x256xf32, #tpu.memory_space<vmem>>, vector<1x256x256xf32>
    %get3A_464 = vector.shape_cast %get3A_463 : vector<1x256x256xf32> to vector<256x256xf32>
    %dot_general3A_465 = arith.constant dense<0.000000e+00> : vector<400x256xf32>
    %dot_general3A_466 = tpu.matmul %mul3A_12, %get3A_464, %dot_general3A_465 {dimension_numbers = #tpu.dot_dimension_numbers<[1], [0], [0], [1], [0, 0, 1, 1], [], []>, transpose_lhs_hint = false} : vector<400x256xf32>, vector<256x256xf32>, vector<400x256xf32> -> vector<400x256xf32>
    %get3A_467 = arith.constant 2 : index
    %get3A_468 = arith.constant 0 : index
    %get3A_469 = arith.constant 0 : index
    %get3A_470 = vector.load %arg6[%get3A_467, %get3A_468, %get3A_469] : memref<6x1x256xf32, #tpu.memory_space<vmem>>, vector<1x1x256xf32>
    %get3A_471 = vector.shape_cast %get3A_470 : vector<1x1x256xf32> to vector<1x256xf32>
    %add3A_472 = vector.broadcast %get3A_471 : vector<1x256xf32> to vector<400x256xf32>
    %add3A_473 = arith.addf %dot_general3A_466, %add3A_472 : vector<400x256xf32>
    %get3A_474 = arith.constant 2 : index
    %get3A_475 = arith.constant 0 : index
    %get3A_476 = arith.constant 0 : index
    %get3A_477 = vector.load %arg7[%get3A_474, %get3A_475, %get3A_476] : memref<6x256x16xf32, #tpu.memory_space<vmem>>, vector<1x256x16xf32>
    %get3A_478 = vector.shape_cast %get3A_477 : vector<1x256x16xf32> to vector<256x16xf32>
    %dot_general3A_479 = arith.constant dense<0.000000e+00> : vector<400x16xf32>
    %dot_general3A_480 = tpu.matmul %mul3A_12, %get3A_478, %dot_general3A_479 {dimension_numbers = #tpu.dot_dimension_numbers<[1], [0], [0], [1], [0, 0, 1, 1], [], []>, transpose_lhs_hint = false} : vector<400x256xf32>, vector<256x16xf32>, vector<400x16xf32> -> vector<400x16xf32>
    %get3A_481 = arith.constant 2 : index
    %get3A_482 = arith.constant 0 : index
    %get3A_483 = arith.constant 0 : index
    %get3A_484 = vector.load %arg8[%get3A_481, %get3A_482, %get3A_483] : memref<6x1x16xf32, #tpu.memory_space<vmem>>, vector<1x1x16xf32>
    %get3A_485 = vector.shape_cast %get3A_484 : vector<1x1x16xf32> to vector<1x16xf32>
    %add3A_486 = vector.broadcast %get3A_485 : vector<1x16xf32> to vector<400x16xf32>
    %add3A_487 = arith.addf %dot_general3A_480, %add3A_486 : vector<400x16xf32>
    %tanh3A_488 = math.tanh %add3A_487 : vector<400x16xf32>
    %get3A_489 = arith.constant 2 : index
    %get3A_490 = arith.constant 0 : index
    %get3A_491 = arith.constant 0 : index
    %get3A_492 = vector.load %arg9[%get3A_489, %get3A_490, %get3A_491] : memref<6x256x16xf32, #tpu.memory_space<vmem>>, vector<1x256x16xf32>
    %get3A_493 = vector.shape_cast %get3A_492 : vector<1x256x16xf32> to vector<256x16xf32>
    %dot_general3A_494 = arith.constant dense<0.000000e+00> : vector<400x16xf32>
    %dot_general3A_495 = tpu.matmul %mul3A_12, %get3A_493, %dot_general3A_494 {dimension_numbers = #tpu.dot_dimension_numbers<[1], [0], [0], [1], [0, 0, 1, 1], [], []>, transpose_lhs_hint = false} : vector<400x256xf32>, vector<256x16xf32>, vector<400x16xf32> -> vector<400x16xf32>
    %get3A_496 = arith.constant 2 : index
    %get3A_497 = arith.constant 0 : index
    %get3A_498 = arith.constant 0 : index
    %get3A_499 = vector.load %arg10[%get3A_496, %get3A_497, %get3A_498] : memref<6x1x16xf32, #tpu.memory_space<vmem>>, vector<1x1x16xf32>
    %get3A_500 = vector.shape_cast %get3A_499 : vector<1x1x16xf32> to vector<1x16xf32>
    %add3A_501 = vector.broadcast %get3A_500 : vector<1x16xf32> to vector<400x16xf32>
    %add3A_502 = arith.addf %dot_general3A_495, %add3A_501 : vector<400x16xf32>
    %tanh3A_503 = math.tanh %add3A_502 : vector<400x16xf32>
    %get3A_504 = arith.constant 2 : index
    %get3A_505 = arith.constant 0 : index
    %get3A_506 = arith.constant 0 : index
    %get3A_507 = vector.load %arg11[%get3A_504, %get3A_505, %get3A_506] : memref<6x256x16xf32, #tpu.memory_space<vmem>>, vector<1x256x16xf32>
    %get3A_508 = vector.shape_cast %get3A_507 : vector<1x256x16xf32> to vector<256x16xf32>
    %dot_general3A_509 = arith.constant dense<0.000000e+00> : vector<400x16xf32>
    %dot_general3A_510 = tpu.matmul %mul3A_12, %get3A_508, %dot_general3A_509 {dimension_numbers = #tpu.dot_dimension_numbers<[1], [0], [0], [1], [0, 0, 1, 1], [], []>, transpose_lhs_hint = false} : vector<400x256xf32>, vector<256x16xf32>, vector<400x16xf32> -> vector<400x16xf32>
    %get3A_511 = arith.constant 2 : index
    %get3A_512 = arith.constant 0 : index
    %get3A_513 = arith.constant 0 : index
    %get3A_514 = vector.load %arg12[%get3A_511, %get3A_512, %get3A_513] : memref<6x1x16xf32, #tpu.memory_space<vmem>>, vector<1x1x16xf32>
    %get3A_515 = vector.shape_cast %get3A_514 : vector<1x1x16xf32> to vector<1x16xf32>
    %add3A_516 = vector.broadcast %get3A_515 : vector<1x16xf32> to vector<400x16xf32>
    %add3A_517 = arith.addf %dot_general3A_510, %add3A_516 : vector<400x16xf32>
    %dot_general3A_518 = arith.constant dense<0.000000e+00> : vector<400x256xf32>
    %dot_general3A_519 = tpu.matmul %add3A_444, %convert_element_type3A_65, %dot_general3A_518 {dimension_numbers = #tpu.dot_dimension_numbers<[1], [0], [0], [1], [0, 0, 1, 1], [], []>, transpose_lhs_hint = false} : vector<400x16xf32>, vector<16x256xf32>, vector<400x256xf32> -> vector<400x256xf32>
    %mul3A_520 = vector.broadcast %convert_element_type3A_206 : vector<1x256xf32> to vector<400x256xf32>
    %mul3A_521 = arith.mulf %add3A_473, %mul3A_520 : vector<400x256xf32>
    %mul3A_522 = arith.mulf %mul3A_521, %dot_general3A_519 : vector<400x256xf32>
    %dot_general3A_523 = arith.constant dense<0.000000e+00> : vector<400x16xf32>
    %dot_general3A_524 = tpu.matmul %mul3A_522, %convert_element_type3A_150, %dot_general3A_523 {dimension_numbers = #tpu.dot_dimension_numbers<[1], [0], [0], [1], [0, 0, 1, 1], [], []>, transpose_lhs_hint = false} : vector<400x256xf32>, vector<256x16xf32>, vector<400x16xf32> -> vector<400x16xf32>
    %mul3A_525 = arith.mulf %add3A_444, %tanh3A_503 : vector<400x16xf32>
    %add3A_526 = arith.addf %dot_general3A_524, %mul3A_525 : vector<400x16xf32>
    %add3A_527 = arith.addf %add3A_526, %add3A_517 : vector<400x16xf32>
    %tanh3A_528 = math.tanh %add3A_527 : vector<400x16xf32>
    %dot_general3A_529 = arith.constant dense<0.000000e+00> : vector<400x256xf32>
    %dot_general3A_530 = tpu.matmul %tanh3A_528, %convert_element_type3A_89, %dot_general3A_529 {dimension_numbers = #tpu.dot_dimension_numbers<[1], [0], [0], [1], [0, 0, 1, 1], [], []>, transpose_lhs_hint = false} : vector<400x16xf32>, vector<16x256xf32>, vector<400x256xf32> -> vector<400x256xf32>
    %mul3A_531 = vector.broadcast %convert_element_type3A_262 : vector<1x256xf32> to vector<400x256xf32>
    %mul3A_532 = arith.mulf %add3A_473, %mul3A_531 : vector<400x256xf32>
    %mul3A_533 = arith.mulf %mul3A_532, %dot_general3A_530 : vector<400x256xf32>
    %dot_general3A_534 = arith.constant dense<0.000000e+00> : vector<400x16xf32>
    %dot_general3A_535 = tpu.matmul %mul3A_533, %convert_element_type3A_125, %dot_general3A_534 {dimension_numbers = #tpu.dot_dimension_numbers<[1], [0], [0], [1], [0, 0, 1, 1], [], []>, transpose_lhs_hint = false} : vector<400x256xf32>, vector<256x16xf32>, vector<400x16xf32> -> vector<400x16xf32>
    %mul3A_536 = arith.mulf %tanh3A_528, %tanh3A_488 : vector<400x16xf32>
    %add3A_537 = arith.addf %dot_general3A_535, %mul3A_536 : vector<400x16xf32>
    %add3A_538 = arith.addf %add3A_537, %add3A_444 : vector<400x16xf32>
    %mul3A_539 = arith.mulf %tanh3A_528, %tanh3A_528 : vector<400x16xf32>
    %sub3A_540 = arith.constant 1.000000e+00 : f32
    %sub3A_541 = vector.broadcast %sub3A_540 : f32 to vector<400x16xf32>
    %sub3A_542 = arith.subf %sub3A_541, %mul3A_539 : vector<400x16xf32>
    %mul3A_543 = arith.mulf %sub3A_542, %tanh3A_488 : vector<400x16xf32>
    %mul3A_544 = arith.mulf %mul3A_543, %tanh3A_503 : vector<400x16xf32>
    %add3A_545 = arith.constant 1.000000e+00 : f32
    %add3A_546 = vector.broadcast %add3A_545 : f32 to vector<400x16xf32>
    %add3A_547 = arith.addf %mul3A_544, %add3A_546 : vector<400x16xf32>
    %abs3A_548 = math.absf %add3A_547 : vector<400x16xf32>
    %log3A_549 = math.log %abs3A_548 : vector<400x16xf32>
    %reduce_sum3A_550 = arith.constant dense<0.000000e+00> : vector<400xf32>
    %reduce_sum3A_551 = vector.multi_reduction <add>, %log3A_549, %reduce_sum3A_550 [1] : vector<400x16xf32> to vector<400xf32>
    %broadcast_in_dim3A_552 = vector.shape_cast %reduce_sum3A_551 : vector<400xf32> to vector<400x1xf32>
    %add3A_553 = arith.addf %add3A_459, %broadcast_in_dim3A_552 : vector<400x1xf32>
    %get3A_554 = arith.constant 3 : index
    %get3A_555 = arith.constant 0 : index
    %get3A_556 = arith.constant 0 : index
    %get3A_557 = vector.load %arg5[%get3A_554, %get3A_555, %get3A_556] : memref<6x256x256xf32, #tpu.memory_space<vmem>>, vector<1x256x256xf32>
    %get3A_558 = vector.shape_cast %get3A_557 : vector<1x256x256xf32> to vector<256x256xf32>
    %dot_general3A_559 = arith.constant dense<0.000000e+00> : vector<400x256xf32>
    %dot_general3A_560 = tpu.matmul %mul3A_12, %get3A_558, %dot_general3A_559 {dimension_numbers = #tpu.dot_dimension_numbers<[1], [0], [0], [1], [0, 0, 1, 1], [], []>, transpose_lhs_hint = false} : vector<400x256xf32>, vector<256x256xf32>, vector<400x256xf32> -> vector<400x256xf32>
    %get3A_561 = arith.constant 3 : index
    %get3A_562 = arith.constant 0 : index
    %get3A_563 = arith.constant 0 : index
    %get3A_564 = vector.load %arg6[%get3A_561, %get3A_562, %get3A_563] : memref<6x1x256xf32, #tpu.memory_space<vmem>>, vector<1x1x256xf32>
    %get3A_565 = vector.shape_cast %get3A_564 : vector<1x1x256xf32> to vector<1x256xf32>
    %add3A_566 = vector.broadcast %get3A_565 : vector<1x256xf32> to vector<400x256xf32>
    %add3A_567 = arith.addf %dot_general3A_560, %add3A_566 : vector<400x256xf32>
    %get3A_568 = arith.constant 3 : index
    %get3A_569 = arith.constant 0 : index
    %get3A_570 = arith.constant 0 : index
    %get3A_571 = vector.load %arg7[%get3A_568, %get3A_569, %get3A_570] : memref<6x256x16xf32, #tpu.memory_space<vmem>>, vector<1x256x16xf32>
    %get3A_572 = vector.shape_cast %get3A_571 : vector<1x256x16xf32> to vector<256x16xf32>
    %dot_general3A_573 = arith.constant dense<0.000000e+00> : vector<400x16xf32>
    %dot_general3A_574 = tpu.matmul %mul3A_12, %get3A_572, %dot_general3A_573 {dimension_numbers = #tpu.dot_dimension_numbers<[1], [0], [0], [1], [0, 0, 1, 1], [], []>, transpose_lhs_hint = false} : vector<400x256xf32>, vector<256x16xf32>, vector<400x16xf32> -> vector<400x16xf32>
    %get3A_575 = arith.constant 3 : index
    %get3A_576 = arith.constant 0 : index
    %get3A_577 = arith.constant 0 : index
    %get3A_578 = vector.load %arg8[%get3A_575, %get3A_576, %get3A_577] : memref<6x1x16xf32, #tpu.memory_space<vmem>>, vector<1x1x16xf32>
    %get3A_579 = vector.shape_cast %get3A_578 : vector<1x1x16xf32> to vector<1x16xf32>
    %add3A_580 = vector.broadcast %get3A_579 : vector<1x16xf32> to vector<400x16xf32>
    %add3A_581 = arith.addf %dot_general3A_574, %add3A_580 : vector<400x16xf32>
    %tanh3A_582 = math.tanh %add3A_581 : vector<400x16xf32>
    %get3A_583 = arith.constant 3 : index
    %get3A_584 = arith.constant 0 : index
    %get3A_585 = arith.constant 0 : index
    %get3A_586 = vector.load %arg9[%get3A_583, %get3A_584, %get3A_585] : memref<6x256x16xf32, #tpu.memory_space<vmem>>, vector<1x256x16xf32>
    %get3A_587 = vector.shape_cast %get3A_586 : vector<1x256x16xf32> to vector<256x16xf32>
    %dot_general3A_588 = arith.constant dense<0.000000e+00> : vector<400x16xf32>
    %dot_general3A_589 = tpu.matmul %mul3A_12, %get3A_587, %dot_general3A_588 {dimension_numbers = #tpu.dot_dimension_numbers<[1], [0], [0], [1], [0, 0, 1, 1], [], []>, transpose_lhs_hint = false} : vector<400x256xf32>, vector<256x16xf32>, vector<400x16xf32> -> vector<400x16xf32>
    %get3A_590 = arith.constant 3 : index
    %get3A_591 = arith.constant 0 : index
    %get3A_592 = arith.constant 0 : index
    %get3A_593 = vector.load %arg10[%get3A_590, %get3A_591, %get3A_592] : memref<6x1x16xf32, #tpu.memory_space<vmem>>, vector<1x1x16xf32>
    %get3A_594 = vector.shape_cast %get3A_593 : vector<1x1x16xf32> to vector<1x16xf32>
    %add3A_595 = vector.broadcast %get3A_594 : vector<1x16xf32> to vector<400x16xf32>
    %add3A_596 = arith.addf %dot_general3A_589, %add3A_595 : vector<400x16xf32>
    %tanh3A_597 = math.tanh %add3A_596 : vector<400x16xf32>
    %get3A_598 = arith.constant 3 : index
    %get3A_599 = arith.constant 0 : index
    %get3A_600 = arith.constant 0 : index
    %get3A_601 = vector.load %arg11[%get3A_598, %get3A_599, %get3A_600] : memref<6x256x16xf32, #tpu.memory_space<vmem>>, vector<1x256x16xf32>
    %get3A_602 = vector.shape_cast %get3A_601 : vector<1x256x16xf32> to vector<256x16xf32>
    %dot_general3A_603 = arith.constant dense<0.000000e+00> : vector<400x16xf32>
    %dot_general3A_604 = tpu.matmul %mul3A_12, %get3A_602, %dot_general3A_603 {dimension_numbers = #tpu.dot_dimension_numbers<[1], [0], [0], [1], [0, 0, 1, 1], [], []>, transpose_lhs_hint = false} : vector<400x256xf32>, vector<256x16xf32>, vector<400x16xf32> -> vector<400x16xf32>
    %get3A_605 = arith.constant 3 : index
    %get3A_606 = arith.constant 0 : index
    %get3A_607 = arith.constant 0 : index
    %get3A_608 = vector.load %arg12[%get3A_605, %get3A_606, %get3A_607] : memref<6x1x16xf32, #tpu.memory_space<vmem>>, vector<1x1x16xf32>
    %get3A_609 = vector.shape_cast %get3A_608 : vector<1x1x16xf32> to vector<1x16xf32>
    %add3A_610 = vector.broadcast %get3A_609 : vector<1x16xf32> to vector<400x16xf32>
    %add3A_611 = arith.addf %dot_general3A_604, %add3A_610 : vector<400x16xf32>
    %dot_general3A_612 = arith.constant dense<0.000000e+00> : vector<400x16xf32>
    %dot_general3A_613 = tpu.matmul %add3A_538, %convert_element_type3A_270, %dot_general3A_612 {dimension_numbers = #tpu.dot_dimension_numbers<[1], [0], [0], [1], [0, 0, 1, 1], [], []>, transpose_lhs_hint = false} : vector<400x16xf32>, vector<16x16xf32>, vector<400x16xf32> -> vector<400x16xf32>
    %dot_general3A_614 = arith.constant dense<0.000000e+00> : vector<400x256xf32>
    %dot_general3A_615 = tpu.matmul %dot_general3A_613, %convert_element_type3A_65, %dot_general3A_614 {dimension_numbers = #tpu.dot_dimension_numbers<[1], [0], [0], [1], [0, 0, 1, 1], [], []>, transpose_lhs_hint = false} : vector<400x16xf32>, vector<16x256xf32>, vector<400x256xf32> -> vector<400x256xf32>
    %mul3A_616 = vector.broadcast %convert_element_type3A_206 : vector<1x256xf32> to vector<400x256xf32>
    %mul3A_617 = arith.mulf %add3A_567, %mul3A_616 : vector<400x256xf32>
    %mul3A_618 = arith.mulf %mul3A_617, %dot_general3A_615 : vector<400x256xf32>
    %dot_general3A_619 = arith.constant dense<0.000000e+00> : vector<400x16xf32>
    %dot_general3A_620 = tpu.matmul %mul3A_618, %convert_element_type3A_150, %dot_general3A_619 {dimension_numbers = #tpu.dot_dimension_numbers<[1], [0], [0], [1], [0, 0, 1, 1], [], []>, transpose_lhs_hint = false} : vector<400x256xf32>, vector<256x16xf32>, vector<400x16xf32> -> vector<400x16xf32>
    %mul3A_621 = arith.mulf %dot_general3A_613, %tanh3A_597 : vector<400x16xf32>
    %add3A_622 = arith.addf %dot_general3A_620, %mul3A_621 : vector<400x16xf32>
    %add3A_623 = arith.addf %add3A_622, %add3A_611 : vector<400x16xf32>
    %tanh3A_624 = math.tanh %add3A_623 : vector<400x16xf32>
    %dot_general3A_625 = arith.constant dense<0.000000e+00> : vector<400x256xf32>
    %dot_general3A_626 = tpu.matmul %tanh3A_624, %convert_element_type3A_89, %dot_general3A_625 {dimension_numbers = #tpu.dot_dimension_numbers<[1], [0], [0], [1], [0, 0, 1, 1], [], []>, transpose_lhs_hint = false} : vector<400x16xf32>, vector<16x256xf32>, vector<400x256xf32> -> vector<400x256xf32>
    %mul3A_627 = vector.broadcast %convert_element_type3A_262 : vector<1x256xf32> to vector<400x256xf32>
    %mul3A_628 = arith.mulf %add3A_567, %mul3A_627 : vector<400x256xf32>
    %mul3A_629 = arith.mulf %mul3A_628, %dot_general3A_626 : vector<400x256xf32>
    %dot_general3A_630 = arith.constant dense<0.000000e+00> : vector<400x16xf32>
    %dot_general3A_631 = tpu.matmul %mul3A_629, %convert_element_type3A_125, %dot_general3A_630 {dimension_numbers = #tpu.dot_dimension_numbers<[1], [0], [0], [1], [0, 0, 1, 1], [], []>, transpose_lhs_hint = false} : vector<400x256xf32>, vector<256x16xf32>, vector<400x16xf32> -> vector<400x16xf32>
    %mul3A_632 = arith.mulf %tanh3A_624, %tanh3A_582 : vector<400x16xf32>
    %add3A_633 = arith.addf %dot_general3A_631, %mul3A_632 : vector<400x16xf32>
    %dot_general3A_634 = arith.constant dense<0.000000e+00> : vector<400x16xf32>
    %dot_general3A_635 = tpu.matmul %add3A_633, %convert_element_type3A_270, %dot_general3A_634 {dimension_numbers = #tpu.dot_dimension_numbers<[1], [0], [0], [1], [0, 0, 1, 1], [], []>, transpose_lhs_hint = false} : vector<400x16xf32>, vector<16x16xf32>, vector<400x16xf32> -> vector<400x16xf32>
    %add3A_636 = arith.addf %dot_general3A_635, %add3A_538 : vector<400x16xf32>
    %mul3A_637 = arith.mulf %tanh3A_624, %tanh3A_624 : vector<400x16xf32>
    %sub3A_638 = arith.constant 1.000000e+00 : f32
    %sub3A_639 = vector.broadcast %sub3A_638 : f32 to vector<400x16xf32>
    %sub3A_640 = arith.subf %sub3A_639, %mul3A_637 : vector<400x16xf32>
    %mul3A_641 = arith.mulf %sub3A_640, %tanh3A_582 : vector<400x16xf32>
    %mul3A_642 = arith.mulf %mul3A_641, %tanh3A_597 : vector<400x16xf32>
    %add3A_643 = arith.constant 1.000000e+00 : f32
    %add3A_644 = vector.broadcast %add3A_643 : f32 to vector<400x16xf32>
    %add3A_645 = arith.addf %mul3A_642, %add3A_644 : vector<400x16xf32>
    %abs3A_646 = math.absf %add3A_645 : vector<400x16xf32>
    %log3A_647 = math.log %abs3A_646 : vector<400x16xf32>
    %reduce_sum3A_648 = arith.constant dense<0.000000e+00> : vector<400xf32>
    %reduce_sum3A_649 = vector.multi_reduction <add>, %log3A_647, %reduce_sum3A_648 [1] : vector<400x16xf32> to vector<400xf32>
    %broadcast_in_dim3A_650 = vector.shape_cast %reduce_sum3A_649 : vector<400xf32> to vector<400x1xf32>
    %add3A_651 = arith.addf %add3A_553, %broadcast_in_dim3A_650 : vector<400x1xf32>
    %get3A_652 = arith.constant 4 : index
    %get3A_653 = arith.constant 0 : index
    %get3A_654 = arith.constant 0 : index
    %get3A_655 = vector.load %arg5[%get3A_652, %get3A_653, %get3A_654] : memref<6x256x256xf32, #tpu.memory_space<vmem>>, vector<1x256x256xf32>
    %get3A_656 = vector.shape_cast %get3A_655 : vector<1x256x256xf32> to vector<256x256xf32>
    %dot_general3A_657 = arith.constant dense<0.000000e+00> : vector<400x256xf32>
    %dot_general3A_658 = tpu.matmul %mul3A_12, %get3A_656, %dot_general3A_657 {dimension_numbers = #tpu.dot_dimension_numbers<[1], [0], [0], [1], [0, 0, 1, 1], [], []>, transpose_lhs_hint = false} : vector<400x256xf32>, vector<256x256xf32>, vector<400x256xf32> -> vector<400x256xf32>
    %get3A_659 = arith.constant 4 : index
    %get3A_660 = arith.constant 0 : index
    %get3A_661 = arith.constant 0 : index
    %get3A_662 = vector.load %arg6[%get3A_659, %get3A_660, %get3A_661] : memref<6x1x256xf32, #tpu.memory_space<vmem>>, vector<1x1x256xf32>
    %get3A_663 = vector.shape_cast %get3A_662 : vector<1x1x256xf32> to vector<1x256xf32>
    %add3A_664 = vector.broadcast %get3A_663 : vector<1x256xf32> to vector<400x256xf32>
    %add3A_665 = arith.addf %dot_general3A_658, %add3A_664 : vector<400x256xf32>
    %get3A_666 = arith.constant 4 : index
    %get3A_667 = arith.constant 0 : index
    %get3A_668 = arith.constant 0 : index
    %get3A_669 = vector.load %arg7[%get3A_666, %get3A_667, %get3A_668] : memref<6x256x16xf32, #tpu.memory_space<vmem>>, vector<1x256x16xf32>
    %get3A_670 = vector.shape_cast %get3A_669 : vector<1x256x16xf32> to vector<256x16xf32>
    %dot_general3A_671 = arith.constant dense<0.000000e+00> : vector<400x16xf32>
    %dot_general3A_672 = tpu.matmul %mul3A_12, %get3A_670, %dot_general3A_671 {dimension_numbers = #tpu.dot_dimension_numbers<[1], [0], [0], [1], [0, 0, 1, 1], [], []>, transpose_lhs_hint = false} : vector<400x256xf32>, vector<256x16xf32>, vector<400x16xf32> -> vector<400x16xf32>
    %get3A_673 = arith.constant 4 : index
    %get3A_674 = arith.constant 0 : index
    %get3A_675 = arith.constant 0 : index
    %get3A_676 = vector.load %arg8[%get3A_673, %get3A_674, %get3A_675] : memref<6x1x16xf32, #tpu.memory_space<vmem>>, vector<1x1x16xf32>
    %get3A_677 = vector.shape_cast %get3A_676 : vector<1x1x16xf32> to vector<1x16xf32>
    %add3A_678 = vector.broadcast %get3A_677 : vector<1x16xf32> to vector<400x16xf32>
    %add3A_679 = arith.addf %dot_general3A_672, %add3A_678 : vector<400x16xf32>
    %tanh3A_680 = math.tanh %add3A_679 : vector<400x16xf32>
    %get3A_681 = arith.constant 4 : index
    %get3A_682 = arith.constant 0 : index
    %get3A_683 = arith.constant 0 : index
    %get3A_684 = vector.load %arg9[%get3A_681, %get3A_682, %get3A_683] : memref<6x256x16xf32, #tpu.memory_space<vmem>>, vector<1x256x16xf32>
    %get3A_685 = vector.shape_cast %get3A_684 : vector<1x256x16xf32> to vector<256x16xf32>
    %dot_general3A_686 = arith.constant dense<0.000000e+00> : vector<400x16xf32>
    %dot_general3A_687 = tpu.matmul %mul3A_12, %get3A_685, %dot_general3A_686 {dimension_numbers = #tpu.dot_dimension_numbers<[1], [0], [0], [1], [0, 0, 1, 1], [], []>, transpose_lhs_hint = false} : vector<400x256xf32>, vector<256x16xf32>, vector<400x16xf32> -> vector<400x16xf32>
    %get3A_688 = arith.constant 4 : index
    %get3A_689 = arith.constant 0 : index
    %get3A_690 = arith.constant 0 : index
    %get3A_691 = vector.load %arg10[%get3A_688, %get3A_689, %get3A_690] : memref<6x1x16xf32, #tpu.memory_space<vmem>>, vector<1x1x16xf32>
    %get3A_692 = vector.shape_cast %get3A_691 : vector<1x1x16xf32> to vector<1x16xf32>
    %add3A_693 = vector.broadcast %get3A_692 : vector<1x16xf32> to vector<400x16xf32>
    %add3A_694 = arith.addf %dot_general3A_687, %add3A_693 : vector<400x16xf32>
    %tanh3A_695 = math.tanh %add3A_694 : vector<400x16xf32>
    %get3A_696 = arith.constant 4 : index
    %get3A_697 = arith.constant 0 : index
    %get3A_698 = arith.constant 0 : index
    %get3A_699 = vector.load %arg11[%get3A_696, %get3A_697, %get3A_698] : memref<6x256x16xf32, #tpu.memory_space<vmem>>, vector<1x256x16xf32>
    %get3A_700 = vector.shape_cast %get3A_699 : vector<1x256x16xf32> to vector<256x16xf32>
    %dot_general3A_701 = arith.constant dense<0.000000e+00> : vector<400x16xf32>
    %dot_general3A_702 = tpu.matmul %mul3A_12, %get3A_700, %dot_general3A_701 {dimension_numbers = #tpu.dot_dimension_numbers<[1], [0], [0], [1], [0, 0, 1, 1], [], []>, transpose_lhs_hint = false} : vector<400x256xf32>, vector<256x16xf32>, vector<400x16xf32> -> vector<400x16xf32>
    %get3A_703 = arith.constant 4 : index
    %get3A_704 = arith.constant 0 : index
    %get3A_705 = arith.constant 0 : index
    %get3A_706 = vector.load %arg12[%get3A_703, %get3A_704, %get3A_705] : memref<6x1x16xf32, #tpu.memory_space<vmem>>, vector<1x1x16xf32>
    %get3A_707 = vector.shape_cast %get3A_706 : vector<1x1x16xf32> to vector<1x16xf32>
    %add3A_708 = vector.broadcast %get3A_707 : vector<1x16xf32> to vector<400x16xf32>
    %add3A_709 = arith.addf %dot_general3A_702, %add3A_708 : vector<400x16xf32>
    %dot_general3A_710 = arith.constant dense<0.000000e+00> : vector<400x256xf32>
    %dot_general3A_711 = tpu.matmul %add3A_636, %convert_element_type3A_65, %dot_general3A_710 {dimension_numbers = #tpu.dot_dimension_numbers<[1], [0], [0], [1], [0, 0, 1, 1], [], []>, transpose_lhs_hint = false} : vector<400x16xf32>, vector<16x256xf32>, vector<400x256xf32> -> vector<400x256xf32>
    %mul3A_712 = vector.broadcast %convert_element_type3A_206 : vector<1x256xf32> to vector<400x256xf32>
    %mul3A_713 = arith.mulf %add3A_665, %mul3A_712 : vector<400x256xf32>
    %mul3A_714 = arith.mulf %mul3A_713, %dot_general3A_711 : vector<400x256xf32>
    %dot_general3A_715 = arith.constant dense<0.000000e+00> : vector<400x16xf32>
    %dot_general3A_716 = tpu.matmul %mul3A_714, %convert_element_type3A_150, %dot_general3A_715 {dimension_numbers = #tpu.dot_dimension_numbers<[1], [0], [0], [1], [0, 0, 1, 1], [], []>, transpose_lhs_hint = false} : vector<400x256xf32>, vector<256x16xf32>, vector<400x16xf32> -> vector<400x16xf32>
    %mul3A_717 = arith.mulf %add3A_636, %tanh3A_695 : vector<400x16xf32>
    %add3A_718 = arith.addf %dot_general3A_716, %mul3A_717 : vector<400x16xf32>
    %add3A_719 = arith.addf %add3A_718, %add3A_709 : vector<400x16xf32>
    %tanh3A_720 = math.tanh %add3A_719 : vector<400x16xf32>
    %dot_general3A_721 = arith.constant dense<0.000000e+00> : vector<400x256xf32>
    %dot_general3A_722 = tpu.matmul %tanh3A_720, %convert_element_type3A_89, %dot_general3A_721 {dimension_numbers = #tpu.dot_dimension_numbers<[1], [0], [0], [1], [0, 0, 1, 1], [], []>, transpose_lhs_hint = false} : vector<400x16xf32>, vector<16x256xf32>, vector<400x256xf32> -> vector<400x256xf32>
    %mul3A_723 = vector.broadcast %convert_element_type3A_262 : vector<1x256xf32> to vector<400x256xf32>
    %mul3A_724 = arith.mulf %add3A_665, %mul3A_723 : vector<400x256xf32>
    %mul3A_725 = arith.mulf %mul3A_724, %dot_general3A_722 : vector<400x256xf32>
    %dot_general3A_726 = arith.constant dense<0.000000e+00> : vector<400x16xf32>
    %dot_general3A_727 = tpu.matmul %mul3A_725, %convert_element_type3A_125, %dot_general3A_726 {dimension_numbers = #tpu.dot_dimension_numbers<[1], [0], [0], [1], [0, 0, 1, 1], [], []>, transpose_lhs_hint = false} : vector<400x256xf32>, vector<256x16xf32>, vector<400x16xf32> -> vector<400x16xf32>
    %mul3A_728 = arith.mulf %tanh3A_720, %tanh3A_680 : vector<400x16xf32>
    %add3A_729 = arith.addf %dot_general3A_727, %mul3A_728 : vector<400x16xf32>
    %add3A_730 = arith.addf %add3A_729, %add3A_636 : vector<400x16xf32>
    %mul3A_731 = arith.mulf %tanh3A_720, %tanh3A_720 : vector<400x16xf32>
    %sub3A_732 = arith.constant 1.000000e+00 : f32
    %sub3A_733 = vector.broadcast %sub3A_732 : f32 to vector<400x16xf32>
    %sub3A_734 = arith.subf %sub3A_733, %mul3A_731 : vector<400x16xf32>
    %mul3A_735 = arith.mulf %sub3A_734, %tanh3A_680 : vector<400x16xf32>
    %mul3A_736 = arith.mulf %mul3A_735, %tanh3A_695 : vector<400x16xf32>
    %add3A_737 = arith.constant 1.000000e+00 : f32
    %add3A_738 = vector.broadcast %add3A_737 : f32 to vector<400x16xf32>
    %add3A_739 = arith.addf %mul3A_736, %add3A_738 : vector<400x16xf32>
    %abs3A_740 = math.absf %add3A_739 : vector<400x16xf32>
    %log3A_741 = math.log %abs3A_740 : vector<400x16xf32>
    %reduce_sum3A_742 = arith.constant dense<0.000000e+00> : vector<400xf32>
    %reduce_sum3A_743 = vector.multi_reduction <add>, %log3A_741, %reduce_sum3A_742 [1] : vector<400x16xf32> to vector<400xf32>
    %broadcast_in_dim3A_744 = vector.shape_cast %reduce_sum3A_743 : vector<400xf32> to vector<400x1xf32>
    %add3A_745 = arith.addf %add3A_651, %broadcast_in_dim3A_744 : vector<400x1xf32>
    %get3A_746 = arith.constant 5 : index
    %get3A_747 = arith.constant 0 : index
    %get3A_748 = arith.constant 0 : index
    %get3A_749 = vector.load %arg5[%get3A_746, %get3A_747, %get3A_748] : memref<6x256x256xf32, #tpu.memory_space<vmem>>, vector<1x256x256xf32>
    %get3A_750 = vector.shape_cast %get3A_749 : vector<1x256x256xf32> to vector<256x256xf32>
    %dot_general3A_751 = arith.constant dense<0.000000e+00> : vector<400x256xf32>
    %dot_general3A_752 = tpu.matmul %mul3A_12, %get3A_750, %dot_general3A_751 {dimension_numbers = #tpu.dot_dimension_numbers<[1], [0], [0], [1], [0, 0, 1, 1], [], []>, transpose_lhs_hint = false} : vector<400x256xf32>, vector<256x256xf32>, vector<400x256xf32> -> vector<400x256xf32>
    %get3A_753 = arith.constant 5 : index
    %get3A_754 = arith.constant 0 : index
    %get3A_755 = arith.constant 0 : index
    %get3A_756 = vector.load %arg6[%get3A_753, %get3A_754, %get3A_755] : memref<6x1x256xf32, #tpu.memory_space<vmem>>, vector<1x1x256xf32>
    %get3A_757 = vector.shape_cast %get3A_756 : vector<1x1x256xf32> to vector<1x256xf32>
    %add3A_758 = vector.broadcast %get3A_757 : vector<1x256xf32> to vector<400x256xf32>
    %add3A_759 = arith.addf %dot_general3A_752, %add3A_758 : vector<400x256xf32>
    %get3A_760 = arith.constant 5 : index
    %get3A_761 = arith.constant 0 : index
    %get3A_762 = arith.constant 0 : index
    %get3A_763 = vector.load %arg7[%get3A_760, %get3A_761, %get3A_762] : memref<6x256x16xf32, #tpu.memory_space<vmem>>, vector<1x256x16xf32>
    %get3A_764 = vector.shape_cast %get3A_763 : vector<1x256x16xf32> to vector<256x16xf32>
    %dot_general3A_765 = arith.constant dense<0.000000e+00> : vector<400x16xf32>
    %dot_general3A_766 = tpu.matmul %mul3A_12, %get3A_764, %dot_general3A_765 {dimension_numbers = #tpu.dot_dimension_numbers<[1], [0], [0], [1], [0, 0, 1, 1], [], []>, transpose_lhs_hint = false} : vector<400x256xf32>, vector<256x16xf32>, vector<400x16xf32> -> vector<400x16xf32>
    %get3A_767 = arith.constant 5 : index
    %get3A_768 = arith.constant 0 : index
    %get3A_769 = arith.constant 0 : index
    %get3A_770 = vector.load %arg8[%get3A_767, %get3A_768, %get3A_769] : memref<6x1x16xf32, #tpu.memory_space<vmem>>, vector<1x1x16xf32>
    %get3A_771 = vector.shape_cast %get3A_770 : vector<1x1x16xf32> to vector<1x16xf32>
    %add3A_772 = vector.broadcast %get3A_771 : vector<1x16xf32> to vector<400x16xf32>
    %add3A_773 = arith.addf %dot_general3A_766, %add3A_772 : vector<400x16xf32>
    %tanh3A_774 = math.tanh %add3A_773 : vector<400x16xf32>
    %get3A_775 = arith.constant 5 : index
    %get3A_776 = arith.constant 0 : index
    %get3A_777 = arith.constant 0 : index
    %get3A_778 = vector.load %arg9[%get3A_775, %get3A_776, %get3A_777] : memref<6x256x16xf32, #tpu.memory_space<vmem>>, vector<1x256x16xf32>
    %get3A_779 = vector.shape_cast %get3A_778 : vector<1x256x16xf32> to vector<256x16xf32>
    %dot_general3A_780 = arith.constant dense<0.000000e+00> : vector<400x16xf32>
    %dot_general3A_781 = tpu.matmul %mul3A_12, %get3A_779, %dot_general3A_780 {dimension_numbers = #tpu.dot_dimension_numbers<[1], [0], [0], [1], [0, 0, 1, 1], [], []>, transpose_lhs_hint = false} : vector<400x256xf32>, vector<256x16xf32>, vector<400x16xf32> -> vector<400x16xf32>
    %get3A_782 = arith.constant 5 : index
    %get3A_783 = arith.constant 0 : index
    %get3A_784 = arith.constant 0 : index
    %get3A_785 = vector.load %arg10[%get3A_782, %get3A_783, %get3A_784] : memref<6x1x16xf32, #tpu.memory_space<vmem>>, vector<1x1x16xf32>
    %get3A_786 = vector.shape_cast %get3A_785 : vector<1x1x16xf32> to vector<1x16xf32>
    %add3A_787 = vector.broadcast %get3A_786 : vector<1x16xf32> to vector<400x16xf32>
    %add3A_788 = arith.addf %dot_general3A_781, %add3A_787 : vector<400x16xf32>
    %tanh3A_789 = math.tanh %add3A_788 : vector<400x16xf32>
    %get3A_790 = arith.constant 5 : index
    %get3A_791 = arith.constant 0 : index
    %get3A_792 = arith.constant 0 : index
    %get3A_793 = vector.load %arg11[%get3A_790, %get3A_791, %get3A_792] : memref<6x256x16xf32, #tpu.memory_space<vmem>>, vector<1x256x16xf32>
    %get3A_794 = vector.shape_cast %get3A_793 : vector<1x256x16xf32> to vector<256x16xf32>
    %dot_general3A_795 = arith.constant dense<0.000000e+00> : vector<400x16xf32>
    %dot_general3A_796 = tpu.matmul %mul3A_12, %get3A_794, %dot_general3A_795 {dimension_numbers = #tpu.dot_dimension_numbers<[1], [0], [0], [1], [0, 0, 1, 1], [], []>, transpose_lhs_hint = false} : vector<400x256xf32>, vector<256x16xf32>, vector<400x16xf32> -> vector<400x16xf32>
    %get3A_797 = arith.constant 5 : index
    %get3A_798 = arith.constant 0 : index
    %get3A_799 = arith.constant 0 : index
    %get3A_800 = vector.load %arg12[%get3A_797, %get3A_798, %get3A_799] : memref<6x1x16xf32, #tpu.memory_space<vmem>>, vector<1x1x16xf32>
    %get3A_801 = vector.shape_cast %get3A_800 : vector<1x1x16xf32> to vector<1x16xf32>
    %add3A_802 = vector.broadcast %get3A_801 : vector<1x16xf32> to vector<400x16xf32>
    %add3A_803 = arith.addf %dot_general3A_796, %add3A_802 : vector<400x16xf32>
    %dot_general3A_804 = arith.constant dense<0.000000e+00> : vector<400x16xf32>
    %dot_general3A_805 = tpu.matmul %add3A_730, %convert_element_type3A_270, %dot_general3A_804 {dimension_numbers = #tpu.dot_dimension_numbers<[1], [0], [0], [1], [0, 0, 1, 1], [], []>, transpose_lhs_hint = false} : vector<400x16xf32>, vector<16x16xf32>, vector<400x16xf32> -> vector<400x16xf32>
    %dot_general3A_806 = arith.constant dense<0.000000e+00> : vector<400x256xf32>
    %dot_general3A_807 = tpu.matmul %dot_general3A_805, %convert_element_type3A_65, %dot_general3A_806 {dimension_numbers = #tpu.dot_dimension_numbers<[1], [0], [0], [1], [0, 0, 1, 1], [], []>, transpose_lhs_hint = false} : vector<400x16xf32>, vector<16x256xf32>, vector<400x256xf32> -> vector<400x256xf32>
    %mul3A_808 = vector.broadcast %convert_element_type3A_206 : vector<1x256xf32> to vector<400x256xf32>
    %mul3A_809 = arith.mulf %add3A_759, %mul3A_808 : vector<400x256xf32>
    %mul3A_810 = arith.mulf %mul3A_809, %dot_general3A_807 : vector<400x256xf32>
    %dot_general3A_811 = arith.constant dense<0.000000e+00> : vector<400x16xf32>
    %dot_general3A_812 = tpu.matmul %mul3A_810, %convert_element_type3A_150, %dot_general3A_811 {dimension_numbers = #tpu.dot_dimension_numbers<[1], [0], [0], [1], [0, 0, 1, 1], [], []>, transpose_lhs_hint = false} : vector<400x256xf32>, vector<256x16xf32>, vector<400x16xf32> -> vector<400x16xf32>
    %mul3A_813 = arith.mulf %dot_general3A_805, %tanh3A_789 : vector<400x16xf32>
    %add3A_814 = arith.addf %dot_general3A_812, %mul3A_813 : vector<400x16xf32>
    %add3A_815 = arith.addf %add3A_814, %add3A_803 : vector<400x16xf32>
    %tanh3A_816 = math.tanh %add3A_815 : vector<400x16xf32>
    %dot_general3A_817 = arith.constant dense<0.000000e+00> : vector<400x256xf32>
    %dot_general3A_818 = tpu.matmul %tanh3A_816, %convert_element_type3A_89, %dot_general3A_817 {dimension_numbers = #tpu.dot_dimension_numbers<[1], [0], [0], [1], [0, 0, 1, 1], [], []>, transpose_lhs_hint = false} : vector<400x16xf32>, vector<16x256xf32>, vector<400x256xf32> -> vector<400x256xf32>
    %mul3A_819 = vector.broadcast %convert_element_type3A_262 : vector<1x256xf32> to vector<400x256xf32>
    %mul3A_820 = arith.mulf %add3A_759, %mul3A_819 : vector<400x256xf32>
    %mul3A_821 = arith.mulf %mul3A_820, %dot_general3A_818 : vector<400x256xf32>
    %dot_general3A_822 = arith.constant dense<0.000000e+00> : vector<400x16xf32>
    %dot_general3A_823 = tpu.matmul %mul3A_821, %convert_element_type3A_125, %dot_general3A_822 {dimension_numbers = #tpu.dot_dimension_numbers<[1], [0], [0], [1], [0, 0, 1, 1], [], []>, transpose_lhs_hint = false} : vector<400x256xf32>, vector<256x16xf32>, vector<400x16xf32> -> vector<400x16xf32>
    %mul3A_824 = arith.mulf %tanh3A_816, %tanh3A_774 : vector<400x16xf32>
    %add3A_825 = arith.addf %dot_general3A_823, %mul3A_824 : vector<400x16xf32>
    %dot_general3A_826 = arith.constant dense<0.000000e+00> : vector<400x16xf32>
    %dot_general3A_827 = tpu.matmul %add3A_825, %convert_element_type3A_270, %dot_general3A_826 {dimension_numbers = #tpu.dot_dimension_numbers<[1], [0], [0], [1], [0, 0, 1, 1], [], []>, transpose_lhs_hint = false} : vector<400x16xf32>, vector<16x16xf32>, vector<400x16xf32> -> vector<400x16xf32>
    %add3A_828 = arith.addf %dot_general3A_827, %add3A_730 : vector<400x16xf32>
    %mul3A_829 = arith.mulf %tanh3A_816, %tanh3A_816 : vector<400x16xf32>
    %sub3A_830 = arith.constant 1.000000e+00 : f32
    %sub3A_831 = vector.broadcast %sub3A_830 : f32 to vector<400x16xf32>
    %sub3A_832 = arith.subf %sub3A_831, %mul3A_829 : vector<400x16xf32>
    %mul3A_833 = arith.mulf %sub3A_832, %tanh3A_774 : vector<400x16xf32>
    %mul3A_834 = arith.mulf %mul3A_833, %tanh3A_789 : vector<400x16xf32>
    %add3A_835 = arith.constant 1.000000e+00 : f32
    %add3A_836 = vector.broadcast %add3A_835 : f32 to vector<400x16xf32>
    %add3A_837 = arith.addf %mul3A_834, %add3A_836 : vector<400x16xf32>
    %abs3A_838 = math.absf %add3A_837 : vector<400x16xf32>
    %log3A_839 = math.log %abs3A_838 : vector<400x16xf32>
    %reduce_sum3A_840 = arith.constant dense<0.000000e+00> : vector<400xf32>
    %reduce_sum3A_841 = vector.multi_reduction <add>, %log3A_839, %reduce_sum3A_840 [1] : vector<400x16xf32> to vector<400xf32>
    %broadcast_in_dim3A_842 = vector.shape_cast %reduce_sum3A_841 : vector<400xf32> to vector<400x1xf32>
    %add3A_843 = arith.addf %add3A_745, %broadcast_in_dim3A_842 : vector<400x1xf32>
    %get3A_844 = arith.constant 0 : index
    %get3A_845 = arith.constant 0 : index
    %get3A_846 = vector.load %arg17[%get3A_844, %get3A_845] : memref<32x256xf32, #tpu.memory_space<vmem>>, vector<32x256xf32>
    %slice3A = vector.extract_strided_slice %get3A_846 {offsets = [0, 0], sizes = [16, 256], strides = [1, 1]} : vector<32x256xf32> to vector<16x256xf32>
    %slice3A_847 = vector.extract_strided_slice %get3A_846 {offsets = [16, 0], sizes = [16, 256], strides = [1, 1]} : vector<32x256xf32> to vector<16x256xf32>
    %sub3A_848 = arith.subf %slice3A, %slice3A_847 : vector<16x256xf32>
    %dot_general3A_849 = arith.constant dense<0.000000e+00> : vector<400x256xf32>
    %dot_general3A_850 = tpu.matmul %add3A_828, %sub3A_848, %dot_general3A_849 {dimension_numbers = #tpu.dot_dimension_numbers<[1], [0], [0], [1], [0, 0, 1, 1], [], []>, transpose_lhs_hint = false} : vector<400x16xf32>, vector<16x256xf32>, vector<400x256xf32> -> vector<400x256xf32>
    %get3A_851 = arith.constant 0 : index
    %get3A_852 = arith.constant 0 : index
    %get3A_853 = vector.load %arg18[%get3A_851, %get3A_852] : memref<1x256xf32, #tpu.memory_space<vmem>>, vector<1x256xf32>
    %add3A_854 = vector.broadcast %get3A_853 : vector<1x256xf32> to vector<400x256xf32>
    %add3A_855 = arith.addf %dot_general3A_850, %add3A_854 : vector<400x256xf32>
    %slice3A_856 = vector.extract_strided_slice %get3A_846 {offsets = [16, 0], sizes = [16, 256], strides = [1, 1]} : vector<32x256xf32> to vector<16x256xf32>
    %dot_general3A_857 = arith.constant dense<0.000000e+00> : vector<400x256xf32>
    %dot_general3A_858 = tpu.matmul %add3A_828, %slice3A_856, %dot_general3A_857 {dimension_numbers = #tpu.dot_dimension_numbers<[1], [0], [0], [1], [0, 0, 1, 1], [], []>, transpose_lhs_hint = false} : vector<400x16xf32>, vector<16x256xf32>, vector<400x256xf32> -> vector<400x256xf32>
    %swap3A = arith.constant 0 : index
    %swap3A_859 = arith.constant 0 : index
    %swap3A_860 = vector.load %arg19[%swap3A, %swap3A_859] : memref<400x16xf32, #tpu.memory_space<vmem>>, vector<400x16xf32>
    tpu.vector_store %arg19[%swap3A, %swap3A_859], %add3A_21 {strides = array<i32>} : memref<400x16xf32, #tpu.memory_space<vmem>>, vector<400x16xf32>,
    %swap3A_861 = arith.constant 0 : index
    %swap3A_862 = arith.constant 0 : index
    %swap3A_863 = vector.load %arg20[%swap3A_861, %swap3A_862] : memref<400x16xf32, #tpu.memory_space<vmem>>, vector<400x16xf32>
    tpu.vector_store %arg20[%swap3A_861, %swap3A_862], %add3A_31 {strides = array<i32>} : memref<400x16xf32, #tpu.memory_space<vmem>>, vector<400x16xf32>,
    %swap3A_864 = arith.constant 0 : index
    %swap3A_865 = arith.constant 0 : index
    %swap3A_866 = vector.load %arg21[%swap3A_864, %swap3A_865] : memref<400x16xf32, #tpu.memory_space<vmem>>, vector<400x16xf32>
    tpu.vector_store %arg21[%swap3A_864, %swap3A_865], %add3A_39 {strides = array<i32>} : memref<400x16xf32, #tpu.memory_space<vmem>>, vector<400x16xf32>,
    %swap3A_867 = arith.constant 0 : index
    %swap3A_868 = arith.constant 0 : index
    %swap3A_869 = vector.load %arg22[%swap3A_867, %swap3A_868] : memref<400x16xf32, #tpu.memory_space<vmem>>, vector<400x16xf32>
    tpu.vector_store %arg22[%swap3A_867, %swap3A_868], %add3A_828 {strides = array<i32>} : memref<400x16xf32, #tpu.memory_space<vmem>>, vector<400x16xf32>,
    %broadcast_in_dim3A_870 = arith.constant 1.000000e+00 : f32
    %broadcast_in_dim3A_871 = vector.broadcast %broadcast_in_dim3A_870 : f32 to vector<1x128xf32>
    %mul3A_872 = vector.broadcast %add3A_843 : vector<400x1xf32> to vector<400x128xf32>
    %mul3A_873 = vector.broadcast %broadcast_in_dim3A_871 : vector<1x128xf32> to vector<400x128xf32>
    %mul3A_874 = arith.mulf %mul3A_872, %mul3A_873 : vector<400x128xf32>
    %swap3A_875 = arith.constant 0 : index
    %swap3A_876 = arith.constant 0 : index
    %swap3A_877 = vector.load %arg23[%swap3A_875, %swap3A_876] : memref<400x128xf32, #tpu.memory_space<vmem>>, vector<400x128xf32>
    tpu.vector_store %arg23[%swap3A_875, %swap3A_876], %mul3A_874 {strides = array<i32>} : memref<400x128xf32, #tpu.memory_space<vmem>>, vector<400x128xf32>,
    %swap3A_878 = arith.constant 0 : index
    %swap3A_879 = arith.constant 0 : index
    %swap3A_880 = vector.load %arg24[%swap3A_878, %swap3A_879] : memref<400x256xf32, #tpu.memory_space<vmem>>, vector<400x256xf32>
    tpu.vector_store %arg24[%swap3A_878, %swap3A_879], %add3A_855 {strides = array<i32>} : memref<400x256xf32, #tpu.memory_space<vmem>>, vector<400x256xf32>,
    %swap3A_881 = arith.constant 0 : index
    %swap3A_882 = arith.constant 0 : index
    %swap3A_883 = vector.load %arg25[%swap3A_881, %swap3A_882] : memref<400x256xf32, #tpu.memory_space<vmem>>, vector<400x256xf32>
    tpu.vector_store %arg25[%swap3A_881, %swap3A_882], %dot_general3A_858 {strides = array<i32>} : memref<400x256xf32, #tpu.memory_space<vmem>>, vector<400x256xf32>,
    return
  }
  func.func @transform_0(%arg0: i32) -> (i32, i32) {
    %c0_i32 = arith.constant 0 : i32
    %c0_i32_0 = arith.constant 0 : i32
    return %arg0, %c0_i32 : i32, i32
  }
  func.func @transform_1(%arg0: i32) -> (i32, i32) {
    %c0_i32 = arith.constant 0 : i32
    %c0_i32_0 = arith.constant 0 : i32
    return %arg0, %c0_i32 : i32, i32
  }
  func.func @transform_2(%arg0: i32) -> (i32, i32) {
    %c0_i32 = arith.constant 0 : i32
    %c0_i32_0 = arith.constant 0 : i32
    return %arg0, %c0_i32 : i32, i32
  }
  func.func @transform_3(%arg0: i32) -> (i32, i32) {
    %c0_i32 = arith.constant 0 : i32
    %c0_i32_0 = arith.constant 0 : i32
    return %arg0, %c0_i32 : i32, i32
  }
  func.func @transform_4(%arg0: i32) -> (i32, i32, i32) {
    %c0_i32 = arith.constant 0 : i32
    %c0_i32_0 = arith.constant 0 : i32
    %c0_i32_1 = arith.constant 0 : i32
    %c0_i32_2 = arith.constant 0 : i32
    return %c0_i32, %c0_i32_0, %c0_i32_1 : i32, i32, i32
  }
  func.func @transform_5(%arg0: i32) -> (i32, i32, i32) {
    %c0_i32 = arith.constant 0 : i32
    %c0_i32_0 = arith.constant 0 : i32
    %c0_i32_1 = arith.constant 0 : i32
    %c0_i32_2 = arith.constant 0 : i32
    return %c0_i32, %c0_i32_0, %c0_i32_1 : i32, i32, i32
  }
  func.func @transform_6(%arg0: i32) -> (i32, i32, i32) {
    %c0_i32 = arith.constant 0 : i32
    %c0_i32_0 = arith.constant 0 : i32
    %c0_i32_1 = arith.constant 0 : i32
    %c0_i32_2 = arith.constant 0 : i32
    return %c0_i32, %c0_i32_0, %c0_i32_1 : i32, i32, i32
  }
  func.func @transform_7(%arg0: i32) -> (i32, i32, i32) {
    %c0_i32 = arith.constant 0 : i32
    %c0_i32_0 = arith.constant 0 : i32
    %c0_i32_1 = arith.constant 0 : i32
    %c0_i32_2 = arith.constant 0 : i32
    return %c0_i32, %c0_i32_0, %c0_i32_1 : i32, i32, i32
  }
  func.func @transform_8(%arg0: i32) -> (i32, i32, i32) {
    %c0_i32 = arith.constant 0 : i32
    %c0_i32_0 = arith.constant 0 : i32
    %c0_i32_1 = arith.constant 0 : i32
    %c0_i32_2 = arith.constant 0 : i32
    return %c0_i32, %c0_i32_0, %c0_i32_1 : i32, i32, i32
  }
  func.func @transform_9(%arg0: i32) -> (i32, i32, i32) {
    %c0_i32 = arith.constant 0 : i32
    %c0_i32_0 = arith.constant 0 : i32
    %c0_i32_1 = arith.constant 0 : i32
    %c0_i32_2 = arith.constant 0 : i32
    return %c0_i32, %c0_i32_0, %c0_i32_1 : i32, i32, i32
  }
  func.func @transform_10(%arg0: i32) -> (i32, i32, i32) {
    %c0_i32 = arith.constant 0 : i32
    %c0_i32_0 = arith.constant 0 : i32
    %c0_i32_1 = arith.constant 0 : i32
    %c0_i32_2 = arith.constant 0 : i32
    return %c0_i32, %c0_i32_0, %c0_i32_1 : i32, i32, i32
  }
  func.func @transform_11(%arg0: i32) -> (i32, i32, i32) {
    %c0_i32 = arith.constant 0 : i32
    %c0_i32_0 = arith.constant 0 : i32
    %c0_i32_1 = arith.constant 0 : i32
    %c0_i32_2 = arith.constant 0 : i32
    return %c0_i32, %c0_i32_0, %c0_i32_1 : i32, i32, i32
  }
  func.func @transform_12(%arg0: i32) -> (i32, i32) {
    %c0_i32 = arith.constant 0 : i32
    %c0_i32_0 = arith.constant 0 : i32
    %c0_i32_1 = arith.constant 0 : i32
    return %c0_i32, %c0_i32_0 : i32, i32
  }
  func.func @transform_13(%arg0: i32) -> (i32, i32) {
    %c0_i32 = arith.constant 0 : i32
    %c0_i32_0 = arith.constant 0 : i32
    %c0_i32_1 = arith.constant 0 : i32
    return %c0_i32, %c0_i32_0 : i32, i32
  }
  func.func @transform_14(%arg0: i32) -> (i32, i32) {
    %c0_i32 = arith.constant 0 : i32
    %c0_i32_0 = arith.constant 0 : i32
    %c0_i32_1 = arith.constant 0 : i32
    return %c0_i32, %c0_i32_0 : i32, i32
  }
  func.func @transform_15(%arg0: i32) -> (i32, i32) {
    %c0_i32 = arith.constant 0 : i32
    %c0_i32_0 = arith.constant 0 : i32
    %c0_i32_1 = arith.constant 0 : i32
    return %c0_i32, %c0_i32_0 : i32, i32
  }
  func.func @transform_16(%arg0: i32) -> (i32, i32) {
    %c0_i32 = arith.constant 0 : i32
    %c0_i32_0 = arith.constant 0 : i32
    %c0_i32_1 = arith.constant 0 : i32
    return %c0_i32, %c0_i32_0 : i32, i32
  }
  func.func @transform_17(%arg0: i32) -> (i32, i32) {
    %c0_i32 = arith.constant 0 : i32
    %c0_i32_0 = arith.constant 0 : i32
    %c0_i32_1 = arith.constant 0 : i32
    return %c0_i32, %c0_i32_0 : i32, i32
  }
  func.func @transform_18(%arg0: i32) -> (i32, i32) {
    %c0_i32 = arith.constant 0 : i32
    %c0_i32_0 = arith.constant 0 : i32
    return %arg0, %c0_i32 : i32, i32
  }
  func.func @transform_19(%arg0: i32) -> (i32, i32) {
    %c0_i32 = arith.constant 0 : i32
    %c0_i32_0 = arith.constant 0 : i32
    return %arg0, %c0_i32 : i32, i32
  }
  func.func @transform_20(%arg0: i32) -> (i32, i32) {
    %c0_i32 = arith.constant 0 : i32
    %c0_i32_0 = arith.constant 0 : i32
    return %arg0, %c0_i32 : i32, i32
  }
  func.func @transform_21(%arg0: i32) -> (i32, i32) {
    %c0_i32 = arith.constant 0 : i32
    %c0_i32_0 = arith.constant 0 : i32
    return %arg0, %c0_i32 : i32, i32
  }
  func.func @transform_22(%arg0: i32) -> (i32, i32) {
    %c0_i32 = arith.constant 0 : i32
    %c0_i32_0 = arith.constant 0 : i32
    return %arg0, %c0_i32 : i32, i32
  }
  func.func @transform_23(%arg0: i32) -> (i32, i32) {
    %c0_i32 = arith.constant 0 : i32
    %c0_i32_0 = arith.constant 0 : i32
    return %arg0, %c0_i32 : i32, i32
  }
  func.func @transform_24(%arg0: i32) -> (i32, i32) {
    %c0_i32 = arith.constant 0 : i32
    %c0_i32_0 = arith.constant 0 : i32
    return %arg0, %c0_i32 : i32, i32
  }
}

module attributes {stable_mosaic.version = 14 : i64} {
  func.func @_dec_out_body(%arg0: i32, %arg1: memref<1000x256xf32, #tpu.memory_space<vmem>>, %arg2: memref<1000x128xf32, #tpu.memory_space<vmem>>, %arg3: memref<1000x128xf32, #tpu.memory_space<vmem>>, %arg4: memref<256x128xf32, #tpu.memory_space<vmem>>, %arg5: memref<1x128xf32, #tpu.memory_space<vmem>>, %arg6: memref<1000x128xf32, #tpu.memory_space<vmem>>) attributes {dimension_semantics = [#tpu.dimension_semantics<arbitrary>], iteration_bounds = array<i64: 10>, scalar_prefetch = 0 : i64, scratch_operands = 0 : i64, tpu.core_type = #tpu.core_type<tc>, window_params = [{transform_indices = @transform_0, window_bounds = array<i64: 1000, 256>}, {transform_indices = @transform_1, window_bounds = array<i64: 1000, 128>}, {transform_indices = @transform_2, window_bounds = array<i64: 1000, 128>}, {pipeline_mode = #tpu.pipeline_mode<synchronous>, transform_indices = @transform_3, window_bounds = array<i64: 256, 128>}, {pipeline_mode = #tpu.pipeline_mode<synchronous>, transform_indices = @transform_4, window_bounds = array<i64: 1, 128>}, {transform_indices = @transform_5, window_bounds = array<i64: 1000, 128>}]} {
    %get3A = arith.constant 0 : index
    %get3A_0 = arith.constant 0 : index
    %get3A_1 = vector.load %arg2[%get3A, %get3A_0] : memref<1000x128xf32, #tpu.memory_space<vmem>>, vector<1000x1xf32>
    %get3A_2 = arith.constant 0 : index
    %get3A_3 = arith.constant 0 : index
    %get3A_4 = vector.load %arg3[%get3A_2, %get3A_3] : memref<1000x128xf32, #tpu.memory_space<vmem>>, vector<1000x1xf32>
    %add3A = arith.addf %get3A_1, %get3A_4 : vector<1000x1xf32>
    %max3A = arith.constant 1.000000e+00 : f32
    %max3A_5 = vector.broadcast %max3A : f32 to vector<1000x1xf32>
    %max3A_6 = arith.maximumf %add3A, %max3A_5 : vector<1000x1xf32>
    %div3A = arith.constant 1.000000e+00 : f32
    %div3A_7 = vector.broadcast %div3A : f32 to vector<1000x1xf32>
    %div3A_8 = arith.divf %div3A_7, %max3A_6 : vector<1000x1xf32>
    %gt3A = arith.constant 0.000000e+00 : f32
    %gt3A_9 = vector.broadcast %gt3A : f32 to vector<1000x1xf32>
    %gt3A_10 = arith.cmpf ogt, %add3A, %gt3A_9 : vector<1000x1xf32>
    %convert_element_type3A = arith.extui %gt3A_10 : vector<1000x1xi1> to vector<1000x1xi32>
    %convert_element_type3A_11 = arith.sitofp %convert_element_type3A : vector<1000x1xi32> to vector<1000x1xf32>
    %get3A_12 = arith.constant 0 : index
    %get3A_13 = arith.constant 0 : index
    %get3A_14 = vector.load %arg1[%get3A_12, %get3A_13] : memref<1000x256xf32, #tpu.memory_space<vmem>>, vector<1000x256xf32>
    %mul3A = vector.broadcast %div3A_8 : vector<1000x1xf32> to vector<1000x256xf32>
    %mul3A_15 = arith.mulf %get3A_14, %mul3A : vector<1000x256xf32>
    %get3A_16 = arith.constant 0 : index
    %get3A_17 = arith.constant 0 : index
    %get3A_18 = vector.load %arg4[%get3A_16, %get3A_17] : memref<256x128xf32, #tpu.memory_space<vmem>>, vector<256x128xf32>
    %dot_general3A = arith.constant dense<0.000000e+00> : vector<1000x128xf32>
    %dot_general3A_19 = tpu.matmul %mul3A_15, %get3A_18, %dot_general3A {dimension_numbers = #tpu.dot_dimension_numbers<[1], [0], [0], [1], [0, 0, 1, 1], [], []>, transpose_lhs_hint = false} : vector<1000x256xf32>, vector<256x128xf32>, vector<1000x128xf32> -> vector<1000x128xf32>
    %get3A_20 = arith.constant 0 : index
    %get3A_21 = arith.constant 0 : index
    %get3A_22 = vector.load %arg5[%get3A_20, %get3A_21] : memref<1x128xf32, #tpu.memory_space<vmem>>, vector<1x128xf32>
    %mul3A_23 = vector.broadcast %get3A_22 : vector<1x128xf32> to vector<1000x128xf32>
    %mul3A_24 = vector.broadcast %convert_element_type3A_11 : vector<1000x1xf32> to vector<1000x128xf32>
    %mul3A_25 = arith.mulf %mul3A_23, %mul3A_24 : vector<1000x128xf32>
    %add3A_26 = arith.addf %dot_general3A_19, %mul3A_25 : vector<1000x128xf32>
    %swap3A = arith.constant 0 : index
    %swap3A_27 = arith.constant 0 : index
    %swap3A_28 = vector.load %arg6[%swap3A, %swap3A_27] : memref<1000x128xf32, #tpu.memory_space<vmem>>, vector<1000x128xf32>
    tpu.vector_store %arg6[%swap3A, %swap3A_27], %add3A_26 {strides = array<i32>} : memref<1000x128xf32, #tpu.memory_space<vmem>>, vector<1000x128xf32>,
    return
  }
  func.func @transform_0(%arg0: i32) -> (i32, i32) {
    %c0_i32 = arith.constant 0 : i32
    %c0_i32_0 = arith.constant 0 : i32
    return %arg0, %c0_i32 : i32, i32
  }
  func.func @transform_1(%arg0: i32) -> (i32, i32) {
    %c0_i32 = arith.constant 0 : i32
    %c0_i32_0 = arith.constant 0 : i32
    return %arg0, %c0_i32 : i32, i32
  }
  func.func @transform_2(%arg0: i32) -> (i32, i32) {
    %c0_i32 = arith.constant 0 : i32
    %c0_i32_0 = arith.constant 0 : i32
    return %arg0, %c0_i32 : i32, i32
  }
  func.func @transform_3(%arg0: i32) -> (i32, i32) {
    %c0_i32 = arith.constant 0 : i32
    %c0_i32_0 = arith.constant 0 : i32
    %c0_i32_1 = arith.constant 0 : i32
    return %c0_i32, %c0_i32_0 : i32, i32
  }
  func.func @transform_4(%arg0: i32) -> (i32, i32) {
    %c0_i32 = arith.constant 0 : i32
    %c0_i32_0 = arith.constant 0 : i32
    %c0_i32_1 = arith.constant 0 : i32
    return %c0_i32, %c0_i32_0 : i32, i32
  }
  func.func @transform_5(%arg0: i32) -> (i32, i32) {
    %c0_i32 = arith.constant 0 : i32
    %c0_i32_0 = arith.constant 0 : i32
    return %arg0, %c0_i32 : i32, i32
  }
}

</mosaic_0001>

<sc_bundles>
// kernel: kernel.12.cloned.1.call-start
scs
__scs_entry_jumppad:
0x0: {  	(pc) =	sbr.rel $0x88, $3  }
0x1: {  	(tag) =	ssettag $0x0;
	lr =	simm.s32 $0x1  }
0x2: {  	[smem:$0x3F89] =	sst lr;
	_ =	strace $0xD0000000  }
0x3: {  	_ = 	snop  }
0x4: {  	_ = 	snop  }
0x5: {  	_ = 	snop  }
0x6: {  	_ = 	snop  }
0x7: {  	_ = 	snop  }
__scs_overlays_trampoline_lowered:
0x8: {  	[smem:$0x3F98] =	sst s0  }
0x9: {  	[smem:$0x3F99] =	sst s1  }
0xa: {  	[smem:$0x3F9A] =	sst s2  }
0xb: {  	[smem:$0x3F9B] =	sst s3  }
0xc: {  	[smem:$0x3F9C] =	sst s4  }
0xd: {  	[smem:$0x3F9D] =	sst s5  }
0xe: {  	[smem:$0x3F9E] =	sst s6  }
0xf: {  	[smem:$0x3F9F] =	sst s7  }
0x10: {  	[smem:$0x3FA0] =	sst s8  }
0x11: {  	[smem:$0x3FA1] =	sst s9;
	s0 =	simm.s32 @!p0 $0x0  }
0x12: {  	s1 =	sld [smem:$0x3F87];
	s0 =	simm.s32 @p0 $0x1  }
0x13: {  	[smem:$0x3FA2] =	sst s0;
	s0 =	simm.s32 @!p1 $0x0  }
0x14: {  	s2 =	sld [smem:$0x3F86];
	s0 =	simm.s32 @p1 $0x1  }
0x15: {  	[smem:$0x3FA3] =	sst s0;
	s0 =	simm.s32 @!p2 $0x0  }
0x16: {  	s3 =	sld [smem:$0x3FDB];
	s0 =	simm.s32 @p2 $0x1  }
0x17: {  	s4 =	simm.s32 $0x1BF5;
	[smem:$0x3FA5] =	sst s0  }
0x18: {  	s0 =	sld [smem:$0x3F88];
	_ =	swait.ge [sflag:s4], $0x0  }
0x19: {  	s7 =	sld [smem:$0x3F89]  }
0x1a: {  	s8 =	sadd.s32 $0xFFFFE003, lr  }
0x1b: {  	s9 =	sadd.s32 $0xFFFFFEF7, lr;
	s5 =	simm.s32 $0xFFFFFFFF;
	p2 =	slt.u32 s8, $0xFFFFF086  }
0x1c: {  	p1 =	slt.u32 s9, $0xF7A;
	s5 =	simm.s32 @!p2 $0x0  }
0x1d: {  	s5 =	simm.s32 @p1 $0x1;
	p0 =	seq.s32 s7, s2  }
0x1e: {  	s7 =	smul.u32 @!p0 $0xF7A, s2;
	p2 =	seq.s32 @!p0 s5, $0x0  }
0x1f: {  	s9 =	smul.u32 $0xF7A, s1;
	s8 =	simm.s32 @!p0 $0x1BF5;
	p2 =	por !p2, p0  }
0x20: {  	[sflag:s8] =	ssyncset.s32 @!p0 $0xFFFFF086;
	s6 =	sadd.s32 @!p0 s3, s7;
	s7 =	simm.s32 @!p0 $0x108  }
0x21: {  	s3 =	sadd.s32 s3, s9;
	s6 =	sadd.s32 @!p0 $0x88, s6;
	s7 =	simm.s32 @p2 $0x1082  }
0x22: {  	[simem:s7], [sflag:s8] =	dma.local @!p0 [hbm:s6], $0xF7A  }
0x23: {  	s9 =	sor.u32 $0xD0000000, s2;
	s6 =	simm.s32 $0x108;
	_ =	swait.ge @!p0 [sflag:s8], $0x0  }
0x24: {  	s3 =	sadd.s32 $0x88, s3;
	s6 =	simm.s32 @!p1 $0x1082;
	[sflag:s4] =	ssyncset.s32 $0xFFFFF086  }
0x25: {  	[simem:s6], [sflag:s4] =	dma.local [hbm:s3], $0xF7A  }
0x26: {  	[smem:$0x3F89] =	sst s1;
	(tag) =	ssettag s2;
	_ =	strace s9  }
0x27: {  	s1 =	sld [smem:$0x3F99]  }
0x28: {  	s2 =	sld [smem:$0x3F9A]  }
0x29: {  	s4 =	sld [smem:$0x3F9C]  }
0x2a: {  	p0 =	seq.s32 s5, $0x0;
	s5 =	sld [smem:$0x3F9D]  }
0x2b: {  	s6 =	sld [smem:$0x3F9E]  }
0x2c: {  	s7 =	sld [smem:$0x3F9F]  }
0x2d: {  	s3 =	simm.s32 $0x108;
	s8 =	sld [smem:$0x3FA0]  }
0x2e: {  	s3 =	simm.s32 @!p0 $0x1082;
	s9 =	sld [smem:$0x3FA1]  }
0x2f: {  	lr =	sadd.s32 s0, s3;
	s0 =	sld [smem:$0x3F98]  }
0x30: {  	s3 =	sld [smem:$0x3F9B]  }
0x31: {  	[smem:$0x3FA4] =	sst s10  }
0x32: {  	s10 =	sld [smem:$0x3FA2];
	_ =	sdelay $0x3  }
0x33: {  	p0 =	seq.s32 s10, $0x1;
	s10 =	sld [smem:$0x3FA4];
	_ =	sdelay $0x3  }
0x34: {  	[smem:$0x3FA4] =	sst s10  }
0x35: {  	s10 =	sld [smem:$0x3FA3];
	_ =	sdelay $0x3  }
0x36: {  	p1 =	seq.s32 s10, $0x1;
	s10 =	sld [smem:$0x3FA4];
	_ =	sdelay $0x3  }
0x37: {  	[smem:$0x3FA4] =	sst s10  }
0x38: {  	s10 =	sld [smem:$0x3FA5]  }
0x39: {  	_ = 	snop;
	(pc) =	sbr.ind lr, $3  }
0x3a: {  	_ = 	snop  }
0x3b: {  	_ = 	snop  }
0x3c: {  	p2 =	seq.s32 s10, $0x1;
	s10 =	sld [smem:$0x3FA4]  }
0x3d: {  	_ =	shalt  }
0x3e: {  	_ =	shalt  }
0x3f: {  	_ =	shalt  }
0x40: {  	_ =	shalt  }
0x41: {  	_ =	shalt  }
0x42: {  	_ =	shalt  }
0x43: {  	_ =	shalt  }
0x44: {  	_ =	shalt  }
0x45: {  	_ =	shalt  }
0x46: {  	_ =	shalt  }
0x47: {  	_ =	shalt  }
0x48: {  	_ =	shalt  }
0x49: {  	_ =	shalt  }
0x4a: {  	_ =	shalt  }
0x4b: {  	_ =	shalt  }
0x4c: {  	_ =	shalt  }
0x4d: {  	_ =	shalt  }
0x4e: {  	_ =	shalt  }
0x4f: {  	_ =	shalt  }
0x50: {  	_ =	shalt  }
0x51: {  	_ =	shalt  }
0x52: {  	_ =	shalt  }
0x53: {  	_ =	shalt  }
0x54: {  	_ =	shalt  }
0x55: {  	_ =	shalt  }
0x56: {  	_ =	shalt  }
0x57: {  	_ =	shalt  }
0x58: {  	_ =	shalt  }
0x59: {  	_ =	shalt  }
0x5a: {  	_ =	shalt  }
0x5b: {  	_ =	shalt  }
0x5c: {  	_ =	shalt  }
0x5d: {  	_ =	shalt  }
0x5e: {  	_ =	shalt  }
0x5f: {  	_ =	shalt  }
0x60: {  	_ =	shalt  }
0x61: {  	_ =	shalt  }
0x62: {  	_ =	shalt  }
0x63: {  	_ =	shalt  }
0x64: {  	_ =	shalt  }
0x65: {  	_ =	shalt  }
0x66: {  	_ =	shalt  }
0x67: {  	_ =	shalt  }
0x68: {  	_ =	shalt  }
0x69: {  	_ =	shalt  }
0x6a: {  	_ =	shalt  }
0x6b: {  	_ =	shalt  }
0x6c: {  	_ =	shalt  }
0x6d: {  	_ =	shalt  }
0x6e: {  	_ =	shalt  }
0x6f: {  	_ =	shalt  }
0x70: {  	_ =	shalt  }
0x71: {  	_ =	shalt  }
0x72: {  	_ =	shalt  }
0x73: {  	_ =	shalt  }
0x74: {  	_ =	shalt  }
0x75: {  	_ =	shalt  }
0x76: {  	_ =	shalt  }
0x77: {  	_ =	shalt  }
0x78: {  	_ =	shalt  }
0x79: {  	_ =	shalt  }
0x7a: {  	_ =	shalt  }
0x7b: {  	_ =	shalt  }
0x7c: {  	_ =	shalt  }
0x7d: {  	_ =	shalt  }
0x7e: {  	_ =	shalt  }
0x7f: {  	_ =	shalt  }
0x80: {  	_ =	shalt  }
0x81: {  	_ =	shalt  }
0x82: {  	_ =	shalt  }
0x83: {  	_ =	shalt  }
0x84: {  	_ =	shalt  }
0x85: {  	_ =	shalt  }
0x86: {  	_ =	shalt  }
0x87: {  	_ =	shalt  }
.Lfunc_end0:
.L_simem_size_0:
called_computation_lowered:
.L_overlay_start_0:
0x88: {  	s2 =	sld [smem:$0x3FD9]  }
0x89: {  	s3 =	sld [smem:$0x3FFE];
	_ =	sdelay $0x1  }
0x8a: {  	s1 =	srdreg.scid  }
0x8b: {  	s0 =	sand.u32 $0x1, s1  }
0x8c: {  	s14 =	sshll.u32 s0, $0xA;
	s2 =	sadd.s32 s3, s2  }
0x8d: {  	s2 =	sadd.s32 s2, s14  }
0x8e: {  	[smem:$0x3FB0] =	sst s2  }
0x8f: {  	_ = 	snop  }
0x90: {  	s2 =	sld [smem:$0x3FD0];
	_ =	sdelay $0x2  }
0x91: {  	s15 =	simm.s32 $0xB;
	s4 =	simm.s32 $0x10  }
0x92: {  	[smem:s4], [sflag:s15] =	dma.local [hbm:s2], $0x1  }
0x93: {  	_ =	swait.eq [sflag:s15], $0x1  }
0x94: {  	[sflag:s15] =	ssyncset.done $0x0  }
0x95: {  	s16 =	sld [smem:$0x14];
	[sflag:s15] =	ssyncadd.s32 $0xFFFFFFFF  }
0x96: {  	s17 =	sld [smem:$0x15];
	(tm) =	ssettm $0x1  }
0x97: {  	s18 =	sld [smem:$0x3FFB];
	_ =	sdelay $0x3  }
0x98: {  	_ =	strace s18  }
0x99: {  	s4 =	sld [smem:$0x3FFC];
	_ =	sdelay $0x3  }
0x9a: {  	_ =	strace s4  }
0x9b: {  	s4 =	sld [smem:$0x3FFD];
	_ =	sdelay $0x3  }
0x9c: {  	_ =	strace s4  }
0x9d: {  	_ =	strace $0x8FFFFFFF  }
0x9e: {  	s19 =	sld [smem:$0x3FDB];
	_ =	sdelay $0x1  }
0x9f: {  	s5 =	simm.s32 $_scs_section_size  }
0xa0: {  	s6 =	simm.s32 $_size__tile_overlayer_lowered;
	s7 =	simm.s32 $_tile_overlayer_lowered  }
0xa1: {  	s22 =	simm.s32 $0x1BFF;
	s21 =	sshll.u32 s7, $0x1;
	s4 =	sadd.s32 s5, s19  }
0xa2: {  	s8 =	simm.s32 $0x0;
	s20 =	sshll.u32 s6, $0x1;
	s6 =	sadd.s32 s21, s4  }
0xa3: {  	[timem:s8], [sflag:s22] =	dma.local [hbm:s6], s20  }
0xa4: {  	_ =	swait.ge [sflag:s22], s20  }
0xa5: {  	s5 =	ssub.s32 $0x0, s20;
	[sflag:s22] =	ssyncset.done $0x0  }
0xa6: {  	[sflag:s22] =	ssyncadd.s32 s5;
	_ =	sdelay $0x1  }
0xa7: {  	s23 =	simm.s32 $0x1B8B  }
0xa8: {  	_ =	swait.ge [sflag:s23], $0x1  }
0xa9: {  	[sflag:s23] =	ssyncset.done $0x0  }
0xaa: {  	s25 =	simm.s32 $0x1B8E;
	s24 =	sld [smem:$0x3FFE];
	[sflag:s23] =	ssyncadd.s32 $0xFFFFFFFF  }
0xab: {  	s26 =	simm.s32 $execute0_lowered;
	[smem:$0x3FD2] =	sst s25  }
0xac: {  	s6 =	sshll.u32 s26, $0x1;
	_ =	strace $0x80000046;
	[dreg:$0x1] =	wrdreg $0xFFFFFFFF  }
0xad: {  	s28 =	simm.s32 $_size_execute0_lowered;
	s4 =	sadd.s32 s4, s6;
	[dreg:$0x0] =	wrdreg $0x0  }
0xae: {  	s6 =	sshll.u32 s28, $0x1;
	[dreg:$0x2] =	wrdreg s4  }
0xaf: {  	[dreg:$0x3] =	wrdreg s6  }
0xb0: {  	[dreg:$0x4] =	wrdreg $0xC0  }
0xb1: {  	_ =	task [dreg:s8], $0x5FFFF  }
0xb2: {  	[dreg:$0x1] =	wrdreg $0xFFFFFFFF  }
0xb3: {  	[dreg:$0x0] =	wrdreg $0x60  }
0xb4: {  	[dreg:$0x2] =	wrdreg s24  }
0xb5: {  	[dreg:$0x3] =	wrdreg s16  }
0xb6: {  	[dreg:$0x4] =	wrdreg s17  }
0xb7: {  	[dreg:$0x5] =	wrdreg $0xA  }
0xb8: {  	_ =	task.clear_ibuf [dreg:s8], $0x6FFFF;
	_ =	strace $0x90000046  }
0xb9: {  	s29 =	simm.s32 $0xA;
	_ =	strace $0x80000048  }
0xba: {  	_ =	swait.ge [sflag:s29], $0x1  }
0xbb: {  	[sflag:s29] =	ssyncadd.s32 $0xFFFFFFFF  }
0xbc: {  	_ =	strace $0x90000048  }
0xbd: {  	_ =	sfence  }
0xbe: {  	s30 =	sld [smem:$0x0];
	_ =	sdelay $0x2  }
0xbf: {  	s31 =	sshll.u32 s1, $0xD;
	s1 =	sshrl.u32 s1, $0x2  }
0xc0: {  	s3 =	sand.u32 $0x4000, s31;
	s1 =	sadd.s32 s1, s30  }
0xc1: {  	s0 =	sor.u32 s3, s0;
	s1 =	sshll.u32 s1, $0x11  }
0xc2: {  	s0 =	sor.u32 s1, s0  }
0xc3: {  	s0 =	sadd.s32 $0x8F2B, s0  }
0xc4: {  	[sflag:s0] =	ssyncadd.remote.s32 $0x1  }
0xc5: {  	_ =	sfence.sel $0xFFFF  }
0xc6: {  	[dreg:$0x0] =	wrdreg $0xFFFFFFFF;
	(pc) =	sbr.abs _section_cstart, $3  }
0xc7: {  	[dreg:$0x1] =	wrdreg $0xFFFFFFFF  }
0xc8: {  	_ =	task.clear_ibuf [dreg:s8], $0x2FFFF;
	_ =	strace $0x9FFFFFFF  }
0xc9: {  	(tm) =	ssettm $0x7FFFFFFF  }
tec
execute0_lowered:
.L_overlay_start_1:
0x0: {  	(tag) =	ssettag $0x1  }
0x1: {  	s0 =	rddreg [dreg:$0x0]  }
0x2: {  	s1 =	rddreg [dreg:$0x1]  }
0x3: {  	s7 =	rddreg [dreg:$0x2]  }
0x4: {  	s3 =	srdreg.scid;
	s4 =	stileid.u32  }
0x5: {  	s2 =	simm.s32 $0x0;
	s13 =	simm.s32 $0x2800;
	s28 =	simm.s32 $0x9800  }
0x6: {  	s29 =	simm.s32 $0xA000;
	s30 =	simm.s32 $0xA800;
	s31 =	simm.s32 $0xB000  }
0x7: {  	s12 =	simm.s32 $0xC800;
	s14 =	simm.s32 $0xF000;
	s15 =	simm.s32 $0xF800  }
0x8: {  	s16 =	simm.s32 $0x10000;
	s17 =	simm.s32 $0x10800;
	s18 =	simm.s32 $0x11000  }
0x9: {  	s19 =	simm.s32 $0x11800;
	s20 =	simm.s32 $0x12000;
	s6 =	sand.u32 $0x1, s3  }
0xa: {  	s22 =	sshll.u32 s4, $0x1;
	[smem:$0x7FF] =	sst s2;
	s4 =	sadd.s32 $0x54C00, s0  }
0xb: {  	s5 =	sadd.s32 $0xA2E00, s0;
	s8 =	sor.u32 s6, s22;
	_ =	strace $0x80000047  }
0xc: {  	s9 =	ssub.s32 $0x2, s6;
	s6 =	sadd.s32 $0x6A00, s0;
	s3 =	smul.u32 $0x138800, s8  }
0xd: {  	s22 =	simm.s32 $0x0;
	s10 =	sshrl.u32 s9, $0x1;
	s8 =	smul.u32 $0x271, s8  }
0xe: {  	s23 =	ssub.s32 s9, s10;
	s9 =	simm.s32 $0xE000;
	s10 =	simm.s32 $0xE800  }
0xf: {  	s11 =	sshrl.u32 s3, $0x3;
	s1 =	sadd.s32 s1, s8;
	s25 =	sadd.s32 s7, s8  }
0x10: {  	s0 =	smax.u32 s23, $0x1;
	s7 =	simm.s32 $0xD000;
	[dreg:$0x4] =	wrdreg s1  }
0x11: {  	v2 =	vlaneseq.u32;
	s8 =	simm.s32 $0xD800;
	s24 =	sadd.s32 s5, s11;
	[dreg:$0x5] =	wrdreg s25  }
0x12: {  	vm0 =	vmmov $0xffff;
	v1 =	vshrl.u32 v2, $0x3;
	[dreg:$0x7] =	wrdreg s0;
	s11 =	simm.s32 $0x1;
	s26 =	sadd.s32 $0x27000, s24  }
0x13: {  	v0 =	vand.u32 $0x7, v2;
	v2 =	vor.u32 $0x8, v2;
	v1 =	vmul.u32 $0x8, v1;
	s0 =	simm.s32 $0xB800;
	s1 =	simm.s32 $0xC000;
	[dreg:$0x6] =	wrdreg s26  }
.LBB2_1:
0x14: {  	[dreg:$0x8] =	wrdreg s22  }
0x15: {  	s21 =	rddreg [dreg:$0x4]  }
0x16: {  	[tilespmem:s2], [sflag:$0x1] =	stream.linear.gather [hbm4b:s21+s2], $0x1388, $0x38;
	[tilespmem:$0x12800] =	vst v63  }
0x17: {  	_ =	swait.ge [sflag:s11], $0x1388  }
0x18: {  	[sflag:s11] =	ssyncset.done $0x0  }
0x19: {  	s26 =	simm.s32 $0x1400;
	s25 =	rddreg [dreg:$0x5];
	[sflag:s11] =	ssyncadd.s32 $0xFFFFEC78  }
0x1a: {  	[tilespmem:s26], [sflag:$0x1] =	stream.linear.gather [hbm4b:s25+s2], $0x1388, $0x38;
	[tilespmem:$0x12800] =	vst v63  }
0x1b: {  	_ =	swait.ge [sflag:s11], $0x1388  }
0x1c: {  	[sflag:s11] =	ssyncset.done $0x0  }
0x1d: {  	s21 =	simm.s32 $0x0;
	[sflag:s11] =	ssyncadd.s32 $0xFFFFEC78  }
.LBB2_2:
0x1e: {  	s23 =	sshll.u32 s21, $0x7  }
0x1f: {  	v3 =	vld [tilespmem:s23+$0x0];
	_ =	sdelay $0x4  }
0x20: {  	v4 =	vshll.u32 v3, $0x1  }
0x21: {  	v3 =	vand.u32 $0x7, v3;
	v4 =	vand.u32 $0xFFFFFFF0, v4  }
0x22: {  	v3 =	vor.u32 v3, v4  }
0x23: {  	v4 =	vperm.xlane v3, v0;
	_ =	sdelay $0x1  }
0x24: {  	v3 =	vperm.xlane v3, v2;
	v4 =	vadd.s32 v1, v4;
	_ =	sdelay $0x1  }
0x25: {  	v3 =	vadd.s32 v1, v3;
	_ =	sdelay $0x1  }
0x26: {  	s22 =	simm.s32 $0x0  }
0x27: {  	[tilespmem:s13], [sflag:$0x1] =	stream.indirect_vreg.gather [hbm4b:s4+s22], $0x80, v4, vm0, $0xb8;
	[tilespmem:$0x12800] =	vst v63  }
0x28: {  	s24 =	simm.s32 $0x3000  }
0x29: {  	[tilespmem:s24], [sflag:$0x1] =	stream.indirect_vreg.gather [hbm4b:s4+s22], $0x80, v3, vm0, $0xb8;
	[tilespmem:$0x12800] =	vst v63  }
0x2a: {  	v3 =	vld [tilespmem:s23+$0x10];
	_ =	sdelay $0x4  }
0x2b: {  	v4 =	vshll.u32 v3, $0x1  }
0x2c: {  	v3 =	vand.u32 $0x7, v3;
	v4 =	vand.u32 $0xFFFFFFF0, v4  }
0x2d: {  	v3 =	vor.u32 v3, v4  }
0x2e: {  	v4 =	vperm.xlane v3, v0;
	_ =	sdelay $0x1  }
0x2f: {  	v3 =	vperm.xlane v3, v2;
	v4 =	vadd.s32 v1, v4;
	_ =	sdelay $0x1  }
0x30: {  	v3 =	vadd.s32 v1, v3;
	_ =	sdelay $0x1  }
0x31: {  	s26 =	simm.s32 $0x3800  }
0x32: {  	[tilespmem:s26], [sflag:$0x1] =	stream.indirect_vreg.gather [hbm4b:s4+s22], $0x80, v4, vm0, $0xb8;
	[tilespmem:$0x12800] =	vst v63  }
0x33: {  	s25 =	simm.s32 $0x4000  }
0x34: {  	[tilespmem:s25], [sflag:$0x1] =	stream.indirect_vreg.gather [hbm4b:s4+s22], $0x80, v3, vm0, $0xb8;
	[tilespmem:$0x12800] =	vst v63  }
0x35: {  	v3 =	vld [tilespmem:s23+$0x20];
	_ =	sdelay $0x4  }
0x36: {  	v4 =	vshll.u32 v3, $0x1  }
0x37: {  	v3 =	vand.u32 $0x7, v3;
	v4 =	vand.u32 $0xFFFFFFF0, v4  }
0x38: {  	v3 =	vor.u32 v3, v4  }
0x39: {  	v4 =	vperm.xlane v3, v0;
	_ =	sdelay $0x1  }
0x3a: {  	v3 =	vperm.xlane v3, v2;
	v4 =	vadd.s32 v1, v4;
	_ =	sdelay $0x1  }
0x3b: {  	v3 =	vadd.s32 v1, v3;
	_ =	sdelay $0x1  }
0x3c: {  	s26 =	simm.s32 $0x4800  }
0x3d: {  	[tilespmem:s26], [sflag:$0x1] =	stream.indirect_vreg.gather [hbm4b:s4+s22], $0x80, v4, vm0, $0xb8;
	[tilespmem:$0x12800] =	vst v63  }
0x3e: {  	s25 =	simm.s32 $0x5000  }
0x3f: {  	[tilespmem:s25], [sflag:$0x1] =	stream.indirect_vreg.gather [hbm4b:s4+s22], $0x80, v3, vm0, $0xb8;
	[tilespmem:$0x12800] =	vst v63  }
0x40: {  	v3 =	vld [tilespmem:s23+$0x30];
	_ =	sdelay $0x4  }
0x41: {  	v4 =	vshll.u32 v3, $0x1  }
0x42: {  	v3 =	vand.u32 $0x7, v3;
	v4 =	vand.u32 $0xFFFFFFF0, v4  }
0x43: {  	v3 =	vor.u32 v3, v4  }
0x44: {  	v4 =	vperm.xlane v3, v0;
	_ =	sdelay $0x1  }
0x45: {  	v3 =	vperm.xlane v3, v2;
	v4 =	vadd.s32 v1, v4;
	_ =	sdelay $0x1  }
0x46: {  	v3 =	vadd.s32 v1, v3;
	_ =	sdelay $0x1  }
0x47: {  	s26 =	simm.s32 $0x5800  }
0x48: {  	[tilespmem:s26], [sflag:$0x1] =	stream.indirect_vreg.gather [hbm4b:s4+s22], $0x80, v4, vm0, $0xb8;
	[tilespmem:$0x12800] =	vst v63  }
0x49: {  	s25 =	simm.s32 $0x6000  }
0x4a: {  	[tilespmem:s25], [sflag:$0x1] =	stream.indirect_vreg.gather [hbm4b:s4+s22], $0x80, v3, vm0, $0xb8;
	[tilespmem:$0x12800] =	vst v63  }
0x4b: {  	v3 =	vld [tilespmem:s23+$0x40];
	_ =	sdelay $0x4  }
0x4c: {  	v4 =	vshll.u32 v3, $0x1  }
0x4d: {  	v3 =	vand.u32 $0x7, v3;
	v4 =	vand.u32 $0xFFFFFFF0, v4  }
0x4e: {  	v3 =	vor.u32 v3, v4  }
0x4f: {  	v4 =	vperm.xlane v3, v0;
	_ =	sdelay $0x1  }
0x50: {  	v3 =	vperm.xlane v3, v2;
	v4 =	vadd.s32 v1, v4;
	_ =	sdelay $0x1  }
0x51: {  	v3 =	vadd.s32 v1, v3;
	_ =	sdelay $0x1  }
0x52: {  	s26 =	simm.s32 $0x6800  }
0x53: {  	[tilespmem:s26], [sflag:$0x1] =	stream.indirect_vreg.gather [hbm4b:s4+s22], $0x80, v4, vm0, $0xb8;
	[tilespmem:$0x12800] =	vst v63  }
0x54: {  	s25 =	simm.s32 $0x7000  }
0x55: {  	[tilespmem:s25], [sflag:$0x1] =	stream.indirect_vreg.gather [hbm4b:s4+s22], $0x80, v3, vm0, $0xb8;
	[tilespmem:$0x12800] =	vst v63  }
0x56: {  	v3 =	vld [tilespmem:s23+$0x50];
	_ =	sdelay $0x4  }
0x57: {  	v4 =	vshll.u32 v3, $0x1  }
0x58: {  	v3 =	vand.u32 $0x7, v3;
	v4 =	vand.u32 $0xFFFFFFF0, v4  }
0x59: {  	v3 =	vor.u32 v3, v4  }
0x5a: {  	v4 =	vperm.xlane v3, v0;
	_ =	sdelay $0x1  }
0x5b: {  	v3 =	vperm.xlane v3, v2;
	v4 =	vadd.s32 v1, v4;
	_ =	sdelay $0x1  }
0x5c: {  	v3 =	vadd.s32 v1, v3;
	_ =	sdelay $0x1  }
0x5d: {  	s26 =	simm.s32 $0x7800  }
0x5e: {  	[tilespmem:s26], [sflag:$0x1] =	stream.indirect_vreg.gather [hbm4b:s4+s22], $0x80, v4, vm0, $0xb8;
	[tilespmem:$0x12800] =	vst v63  }
0x5f: {  	s25 =	simm.s32 $0x8000  }
0x60: {  	[tilespmem:s25], [sflag:$0x1] =	stream.indirect_vreg.gather [hbm4b:s4+s22], $0x80, v3, vm0, $0xb8;
	[tilespmem:$0x12800] =	vst v63  }
0x61: {  	v3 =	vld [tilespmem:s23+$0x60];
	_ =	sdelay $0x4  }
0x62: {  	v4 =	vshll.u32 v3, $0x1  }
0x63: {  	v3 =	vand.u32 $0x7, v3;
	v4 =	vand.u32 $0xFFFFFFF0, v4  }
0x64: {  	v3 =	vor.u32 v3, v4  }
0x65: {  	v4 =	vperm.xlane v3, v0;
	_ =	sdelay $0x1  }
0x66: {  	v3 =	vperm.xlane v3, v2;
	v4 =	vadd.s32 v1, v4;
	_ =	sdelay $0x1  }
0x67: {  	v3 =	vadd.s32 v1, v3;
	_ =	sdelay $0x1  }
0x68: {  	s26 =	simm.s32 $0x8800  }
0x69: {  	[tilespmem:s26], [sflag:$0x1] =	stream.indirect_vreg.gather [hbm4b:s4+s22], $0x80, v4, vm0, $0xb8;
	[tilespmem:$0x12800] =	vst v63  }
0x6a: {  	s25 =	simm.s32 $0x9000  }
0x6b: {  	[tilespmem:s25], [sflag:$0x1] =	stream.indirect_vreg.gather [hbm4b:s4+s22], $0x80, v3, vm0, $0xb8;
	[tilespmem:$0x12800] =	vst v63  }
0x6c: {  	v3 =	vld [tilespmem:s23+$0x70];
	_ =	sdelay $0x4  }
0x6d: {  	v4 =	vshll.u32 v3, $0x1  }
0x6e: {  	v3 =	vand.u32 $0x7, v3;
	v4 =	vand.u32 $0xFFFFFFF0, v4  }
0x6f: {  	v3 =	vor.u32 v3, v4  }
0x70: {  	v4 =	vperm.xlane v3, v0;
	_ =	sdelay $0x1  }
0x71: {  	v3 =	vperm.xlane v3, v2;
	v4 =	vadd.s32 v1, v4;
	_ =	sdelay $0x1  }
0x72: {  	v3 =	vadd.s32 v1, v3;
	_ =	sdelay $0x2  }
0x73: {  	[tilespmem:s28], [sflag:$0x1] =	stream.indirect_vreg.gather [hbm4b:s4+s22], $0x80, v4, vm0, $0xb8;
	[tilespmem:$0x12800] =	vst v63  }
0x74: {  	_ = 	snop  }
0x75: {  	[tilespmem:s29], [sflag:$0x1] =	stream.indirect_vreg.gather [hbm4b:s4+s22], $0x80, v3, vm0, $0xb8;
	[tilespmem:$0x12800] =	vst v63  }
0x76: {  	_ =	swait.ge [sflag:s11], $0x8000  }
0x77: {  	[sflag:s11] =	ssyncset.done $0x0  }
0x78: {  	[sflag:s11] =	ssyncadd.s32 $0xFFFF8000  }
0x79: {  	v3 =	vld [tilespmem:s23+$0x1400];
	_ =	sdelay $0x4  }
0x7a: {  	v4 =	vshll.u32 v3, $0x1  }
0x7b: {  	v3 =	vand.u32 $0x7, v3;
	v4 =	vand.u32 $0xFFFFFFF0, v4  }
0x7c: {  	v3 =	vor.u32 v3, v4  }
0x7d: {  	v4 =	vperm.xlane v3, v0;
	_ =	sdelay $0x1  }
0x7e: {  	v3 =	vperm.xlane v3, v2;
	v4 =	vadd.s32 v1, v4;
	_ =	sdelay $0x1  }
0x7f: {  	v3 =	vadd.s32 v1, v3;
	_ =	sdelay $0x2  }
0x80: {  	[tilespmem:s30], [sflag:$0x1] =	stream.indirect_vreg.gather [hbm4b:s6+s22], $0x80, v4, vm0, $0xb8;
	[tilespmem:$0x12800] =	vst v63  }
0x81: {  	_ = 	snop  }
0x82: {  	[tilespmem:s31], [sflag:$0x1] =	stream.indirect_vreg.gather [hbm4b:s6+s22], $0x80, v3, vm0, $0xb8;
	[tilespmem:$0x12800] =	vst v63  }
0x83: {  	v3 =	vld [tilespmem:s23+$0x1410];
	_ =	sdelay $0x4  }
0x84: {  	v4 =	vshll.u32 v3, $0x1  }
0x85: {  	v3 =	vand.u32 $0x7, v3;
	v4 =	vand.u32 $0xFFFFFFF0, v4  }
0x86: {  	v3 =	vor.u32 v3, v4  }
0x87: {  	v4 =	vperm.xlane v3, v0;
	_ =	sdelay $0x1  }
0x88: {  	v3 =	vperm.xlane v3, v2;
	v4 =	vadd.s32 v1, v4;
	_ =	sdelay $0x1  }
0x89: {  	v3 =	vadd.s32 v1, v3;
	_ =	sdelay $0x2  }
0x8a: {  	[tilespmem:s0], [sflag:$0x1] =	stream.indirect_vreg.gather [hbm4b:s6+s22], $0x80, v4, vm0, $0xb8;
	[tilespmem:$0x12800] =	vst v63  }
0x8b: {  	_ = 	snop  }
0x8c: {  	[tilespmem:s1], [sflag:$0x1] =	stream.indirect_vreg.gather [hbm4b:s6+s22], $0x80, v3, vm0, $0xb8;
	[tilespmem:$0x12800] =	vst v63  }
0x8d: {  	v3 =	vld [tilespmem:s23+$0x1420];
	_ =	sdelay $0x4  }
0x8e: {  	v4 =	vshll.u32 v3, $0x1  }
0x8f: {  	v3 =	vand.u32 $0x7, v3;
	v4 =	vand.u32 $0xFFFFFFF0, v4  }
0x90: {  	v3 =	vor.u32 v3, v4  }
0x91: {  	v4 =	vperm.xlane v3, v0;
	_ =	sdelay $0x1  }
0x92: {  	v3 =	vperm.xlane v3, v2;
	v4 =	vadd.s32 v1, v4;
	_ =	sdelay $0x1  }
0x93: {  	v3 =	vadd.s32 v1, v3;
	_ =	sdelay $0x2  }
0x94: {  	[tilespmem:s12], [sflag:$0x1] =	stream.indirect_vreg.gather [hbm4b:s6+s22], $0x80, v4, vm0, $0xb8;
	[tilespmem:$0x12800] =	vst v63  }
0x95: {  	_ = 	snop  }
0x96: {  	[tilespmem:s7], [sflag:$0x1] =	stream.indirect_vreg.gather [hbm4b:s6+s22], $0x80, v3, vm0, $0xb8;
	[tilespmem:$0x12800] =	vst v63  }
0x97: {  	v3 =	vld [tilespmem:s23+$0x1430];
	_ =	sdelay $0x4  }
0x98: {  	v4 =	vshll.u32 v3, $0x1  }
0x99: {  	v3 =	vand.u32 $0x7, v3;
	v4 =	vand.u32 $0xFFFFFFF0, v4  }
0x9a: {  	v3 =	vor.u32 v3, v4  }
0x9b: {  	v4 =	vperm.xlane v3, v0;
	_ =	sdelay $0x1  }
0x9c: {  	v3 =	vperm.xlane v3, v2;
	v4 =	vadd.s32 v1, v4;
	_ =	sdelay $0x1  }
0x9d: {  	v3 =	vadd.s32 v1, v3;
	_ =	sdelay $0x2  }
0x9e: {  	[tilespmem:s8], [sflag:$0x1] =	stream.indirect_vreg.gather [hbm4b:s6+s22], $0x80, v4, vm0, $0xb8;
	[tilespmem:$0x12800] =	vst v63  }
0x9f: {  	_ = 	snop  }
0xa0: {  	[tilespmem:s9], [sflag:$0x1] =	stream.indirect_vreg.gather [hbm4b:s6+s22], $0x80, v3, vm0, $0xb8;
	[tilespmem:$0x12800] =	vst v63  }
0xa1: {  	v3 =	vld [tilespmem:s23+$0x1440];
	_ =	sdelay $0x4  }
0xa2: {  	v4 =	vshll.u32 v3, $0x1  }
0xa3: {  	v3 =	vand.u32 $0x7, v3;
	v4 =	vand.u32 $0xFFFFFFF0, v4  }
0xa4: {  	v3 =	vor.u32 v3, v4  }
0xa5: {  	v4 =	vperm.xlane v3, v0;
	_ =	sdelay $0x1  }
0xa6: {  	v3 =	vperm.xlane v3, v2;
	v4 =	vadd.s32 v1, v4;
	_ =	sdelay $0x1  }
0xa7: {  	v3 =	vadd.s32 v1, v3;
	_ =	sdelay $0x2  }
0xa8: {  	[tilespmem:s10], [sflag:$0x1] =	stream.indirect_vreg.gather [hbm4b:s6+s22], $0x80, v4, vm0, $0xb8;
	[tilespmem:$0x12800] =	vst v63  }
0xa9: {  	_ = 	snop  }
0xaa: {  	[tilespmem:s14], [sflag:$0x1] =	stream.indirect_vreg.gather [hbm4b:s6+s22], $0x80, v3, vm0, $0xb8;
	[tilespmem:$0x12800] =	vst v63  }
0xab: {  	v3 =	vld [tilespmem:s23+$0x1450];
	_ =	sdelay $0x4  }
0xac: {  	v4 =	vshll.u32 v3, $0x1  }
0xad: {  	v3 =	vand.u32 $0x7, v3;
	v4 =	vand.u32 $0xFFFFFFF0, v4  }
0xae: {  	v3 =	vor.u32 v3, v4  }
0xaf: {  	v4 =	vperm.xlane v3, v0;
	_ =	sdelay $0x1  }
0xb0: {  	v3 =	vperm.xlane v3, v2;
	v4 =	vadd.s32 v1, v4;
	_ =	sdelay $0x1  }
0xb1: {  	v3 =	vadd.s32 v1, v3;
	_ =	sdelay $0x2  }
0xb2: {  	[tilespmem:s15], [sflag:$0x1] =	stream.indirect_vreg.gather [hbm4b:s6+s22], $0x80, v4, vm0, $0xb8;
	[tilespmem:$0x12800] =	vst v63  }
0xb3: {  	_ = 	snop  }
0xb4: {  	[tilespmem:s16], [sflag:$0x1] =	stream.indirect_vreg.gather [hbm4b:s6+s22], $0x80, v3, vm0, $0xb8;
	[tilespmem:$0x12800] =	vst v63  }
0xb5: {  	v3 =	vld [tilespmem:s23+$0x1460];
	_ =	sdelay $0x4  }
0xb6: {  	v4 =	vshll.u32 v3, $0x1  }
0xb7: {  	v3 =	vand.u32 $0x7, v3;
	v4 =	vand.u32 $0xFFFFFFF0, v4  }
0xb8: {  	v3 =	vor.u32 v3, v4  }
0xb9: {  	v4 =	vperm.xlane v3, v0;
	_ =	sdelay $0x1  }
0xba: {  	v3 =	vperm.xlane v3, v2;
	v4 =	vadd.s32 v1, v4;
	_ =	sdelay $0x1  }
0xbb: {  	v3 =	vadd.s32 v1, v3;
	_ =	sdelay $0x2  }
0xbc: {  	[tilespmem:s17], [sflag:$0x1] =	stream.indirect_vreg.gather [hbm4b:s6+s22], $0x80, v4, vm0, $0xb8;
	[tilespmem:$0x12800] =	vst v63  }
0xbd: {  	_ = 	snop  }
0xbe: {  	[tilespmem:s18], [sflag:$0x1] =	stream.indirect_vreg.gather [hbm4b:s6+s22], $0x80, v3, vm0, $0xb8;
	[tilespmem:$0x12800] =	vst v63  }
0xbf: {  	v3 =	vld [tilespmem:s23+$0x1470];
	_ =	sdelay $0x4  }
0xc0: {  	v4 =	vshll.u32 v3, $0x1  }
0xc1: {  	v3 =	vand.u32 $0x7, v3;
	v4 =	vand.u32 $0xFFFFFFF0, v4  }
0xc2: {  	v3 =	vor.u32 v3, v4  }
0xc3: {  	v4 =	vperm.xlane v3, v0;
	_ =	sdelay $0x1  }
0xc4: {  	v3 =	vperm.xlane v3, v2;
	v4 =	vadd.s32 v1, v4;
	_ =	sdelay $0x1  }
0xc5: {  	v3 =	vadd.s32 v1, v3;
	_ =	sdelay $0x2  }
0xc6: {  	[tilespmem:s19], [sflag:$0x1] =	stream.indirect_vreg.gather [hbm4b:s6+s22], $0x80, v4, vm0, $0xb8;
	[tilespmem:$0x12800] =	vst v63  }
0xc7: {  	_ = 	snop  }
0xc8: {  	[tilespmem:s20], [sflag:$0x1] =	stream.indirect_vreg.gather [hbm4b:s6+s22], $0x80, v3, vm0, $0xb8;
	[tilespmem:$0x12800] =	vst v63  }
0xc9: {  	_ =	swait.ge [sflag:s11], $0x8000  }
0xca: {  	s26 =	sand.u32 $0x7800, s22;
	s22 =	sand.u32 $0x380, s22;
	[sflag:s11] =	ssyncset.done $0x0  }
0xcb: {  	s22 =	sor.u32 s22, s26;
	[sflag:s11] =	ssyncadd.s32 $0xFFFF8000  }
0xcc: {  	v10 =	vld [tilespmem:s22+$0xA800]  }
0xcd: {  	v11 =	vld [tilespmem:s22+$0xA810]  }
0xce: {  	v12 =	vld [tilespmem:s22+$0xA820]  }
0xcf: {  	v13 =	vld [tilespmem:s22+$0xA830]  }
0xd0: {  	v14 =	vld [tilespmem:s22+$0xA840]  }
0xd1: {  	v15 =	vld [tilespmem:s22+$0xA850]  }
0xd2: {  	v16 =	vld [tilespmem:s22+$0xA860]  }
0xd3: {  	v17 =	vld [tilespmem:s22+$0xA870]  }
0xd4: {  	v18 =	vld [tilespmem:s22+$0xAC00]  }
0xd5: {  	v9 =	vld [tilespmem:s22+$0xAC10]  }
0xd6: {  	v8 =	vld [tilespmem:s22+$0xAC20]  }
0xd7: {  	v7 =	vld [tilespmem:s22+$0xAC30]  }
0xd8: {  	v6 =	vld [tilespmem:s22+$0xAC40]  }
0xd9: {  	v5 =	vld [tilespmem:s22+$0xAC50]  }
0xda: {  	v4 =	vld [tilespmem:s22+$0xAC60]  }
0xdb: {  	v3 =	vld [tilespmem:s22+$0xAC70]  }
0xdc: {  	v19 =	vld [tilespmem:s22+$0x2800]  }
0xdd: {  	v20 =	vld [tilespmem:s22+$0x2810]  }
0xde: {  	v21 =	vld [tilespmem:s22+$0x2820]  }
0xdf: {  	v22 =	vld [tilespmem:s22+$0x2830]  }
0xe0: {  	v23 =	vld [tilespmem:s22+$0x2840]  }
0xe1: {  	v10 =	vadd.f32 v10, v19;
	v19 =	vld [tilespmem:s22+$0x2850]  }
0xe2: {  	v61 =	vld [tilespmem:s22+$0x2860];
	v11 =	vadd.f32 v11, v20  }
0xe3: {  	v62 =	vld [tilespmem:s22+$0x2870];
	v12 =	vadd.f32 v12, v21;
	v10 =	vmax.f32 v10, $0.0e+00  }
0xe4: {  	v63 =	vld [tilespmem:s22+$0x2C00];
	[tilespmem:s22+$0x2800] =	vst v10;
	v10 =	vmax.f32 v11, $0.0e+00;
	v11 =	vadd.f32 v13, v22  }
0xe5: {  	v14 =	vadd.f32 v14, v23;
	v13 =	vld [tilespmem:s22+$0x2C10];
	[tilespmem:s22+$0x2810] =	vst v10;
	v10 =	vmax.f32 v12, $0.0e+00  }
0xe6: {  	v12 =	vld [tilespmem:s22+$0x2C20];
	[tilespmem:s22+$0x2820] =	vst v10;
	v10 =	vmax.f32 v11, $0.0e+00;
	v11 =	vadd.f32 v15, v19  }
0xe7: {  	v14 =	vmax.f32 v14, $0.0e+00;
	v15 =	vadd.f32 v16, v61;
	[tilespmem:s22+$0x2830] =	vst v10;
	v10 =	vld [tilespmem:s22+$0x2C30]  }
0xe8: {  	[tilespmem:s22+$0x2840] =	vst v14;
	v16 =	vadd.f32 v17, v62;
	v14 =	vmax.f32 v11, $0.0e+00;
	v11 =	vld [tilespmem:s22+$0x2C40]  }
0xe9: {  	s24 =	simm.s32 $0x100;
	s23 =	simm.s32 $0x80;
	v17 =	vmax.f32 v15, $0.0e+00;
	v15 =	vadd.f32 v18, v63;
	[tilespmem:s22+$0x2850] =	vst v14;
	v14 =	vld [tilespmem:s22+$0x2C50]  }
.LBB2_3:
0xea: {  	s25 =	sand.u32 $0x7800, s24;
	s26 =	sand.u32 $0x380, s23;
	p0 =	sne.s32 s24, $0x7F00;
	[tilespmem:s22+$0x2860] =	vst v17;
	v16 =	vmax.f32 v16, $0.0e+00;
	v9 =	vadd.f32 v9, v13;
	v13 =	vld [tilespmem:s22+$0x2C60]  }
0xeb: {  	s25 =	sor.u32 s26, s25;
	[tilespmem:s22+$0x2870] =	vst v16;
	v15 =	vmax.f32 v15, $0.0e+00;
	v8 =	vadd.f32 v8, v12;
	v12 =	vld [tilespmem:s22+$0x2C70]  }
0xec: {  	v16 =	vld [tilespmem:s25+$0xA800];
	[tilespmem:s22+$0x2C00] =	vst v15;
	v9 =	vmax.f32 v9, $0.0e+00;
	v7 =	vadd.f32 v7, v10  }
0xed: {  	v10 =	vld [tilespmem:s25+$0xA810];
	[tilespmem:s22+$0x2C10] =	vst v9;
	v8 =	vmax.f32 v8, $0.0e+00;
	v6 =	vadd.f32 v6, v11  }
0xee: {  	v11 =	vld [tilespmem:s25+$0xA820];
	[tilespmem:s22+$0x2C20] =	vst v8;
	v7 =	vmax.f32 v7, $0.0e+00;
	v5 =	vadd.f32 v5, v14  }
0xef: {  	v14 =	vld [tilespmem:s25+$0xA830];
	[tilespmem:s22+$0x2C30] =	vst v7;
	v6 =	vmax.f32 v6, $0.0e+00;
	v4 =	vadd.f32 v4, v13  }
0xf0: {  	v13 =	vld [tilespmem:s25+$0xA840];
	[tilespmem:s22+$0x2C40] =	vst v6;
	v5 =	vmax.f32 v5, $0.0e+00;
	v3 =	vadd.f32 v3, v12  }
0xf1: {  	v12 =	vld [tilespmem:s25+$0xA850];
	[tilespmem:s22+$0x2C50] =	vst v5;
	v4 =	vmax.f32 v4, $0.0e+00  }
0xf2: {  	v15 =	vld [tilespmem:s25+$0xA860];
	[tilespmem:s22+$0x2C60] =	vst v4;
	v3 =	vmax.f32 v3, $0.0e+00  }
0xf3: {  	v17 =	vld [tilespmem:s25+$0xA870];
	[tilespmem:s22+$0x2C70] =	vst v3;
	s22 =	smov.u32 s25  }
0xf4: {  	v18 =	vld [tilespmem:s22+$0xAC00]  }
0xf5: {  	v9 =	vld [tilespmem:s22+$0xAC10]  }
0xf6: {  	v8 =	vld [tilespmem:s22+$0xAC20]  }
0xf7: {  	v7 =	vld [tilespmem:s22+$0xAC30]  }
0xf8: {  	v6 =	vld [tilespmem:s22+$0xAC40]  }
0xf9: {  	v5 =	vld [tilespmem:s22+$0xAC50]  }
0xfa: {  	v4 =	vld [tilespmem:s22+$0xAC60]  }
0xfb: {  	v3 =	vld [tilespmem:s22+$0xAC70]  }
0xfc: {  	v19 =	vld [tilespmem:s22+$0x2800]  }
0xfd: {  	v20 =	vld [tilespmem:s22+$0x2810]  }
0xfe: {  	v21 =	vld [tilespmem:s22+$0x2820]  }
0xff: {  	v22 =	vld [tilespmem:s22+$0x2830]  }
0x100: {  	v23 =	vld [tilespmem:s22+$0x2840]  }
0x101: {  	v16 =	vadd.f32 v16, v19;
	v19 =	vld [tilespmem:s22+$0x2850]  }
0x102: {  	v10 =	vadd.f32 v10, v20;
	v20 =	vld [tilespmem:s22+$0x2860]  }
0x103: {  	v16 =	vmax.f32 v16, $0.0e+00;
	v11 =	vadd.f32 v11, v21;
	v21 =	vld [tilespmem:s22+$0x2870]  }
0x104: {  	[tilespmem:s22+$0x2800] =	vst v16;
	v10 =	vmax.f32 v10, $0.0e+00;
	v14 =	vadd.f32 v14, v22;
	v22 =	vld [tilespmem:s22+$0x2C00]  }
.Ltmp0:
0x105: {  	[tilespmem:s22+$0x2810] =	vst v10;
	v10 =	vmax.f32 v11, $0.0e+00;
	v11 =	vadd.f32 v13, v23;
	v13 =	vld [tilespmem:s22+$0x2C10];
	(pc) =	sbr.rel @p0 .LBB2_3-.Ltmp0, $4  }
0x106: {  	[tilespmem:s22+$0x2820] =	vst v10;
	v10 =	vmax.f32 v14, $0.0e+00;
	v14 =	vadd.f32 v12, v19;
	v12 =	vld [tilespmem:s22+$0x2C20]  }
0x107: {  	[tilespmem:s22+$0x2830] =	vst v10;
	v11 =	vmax.f32 v11, $0.0e+00;
	v15 =	vadd.f32 v15, v20;
	v10 =	vld [tilespmem:s22+$0x2C30]  }
0x108: {  	[tilespmem:s22+$0x2840] =	vst v11;
	v14 =	vmax.f32 v14, $0.0e+00;
	v16 =	vadd.f32 v17, v21;
	v11 =	vld [tilespmem:s22+$0x2C40]  }
0x109: {  	s23 =	sadd.s32 $0x80, s23;
	s24 =	sadd.s32 $0x100, s24;
	[tilespmem:s22+$0x2850] =	vst v14;
	v17 =	vmax.f32 v15, $0.0e+00;
	v15 =	vadd.f32 v18, v22;
	v14 =	vld [tilespmem:s22+$0x2C50]  }
0x10a: {  	[tilespmem:s22+$0x2860] =	vst v17;
	v16 =	vmax.f32 v16, $0.0e+00;
	v9 =	vadd.f32 v9, v13;
	v62 =	vld [tilespmem:s22+$0x2C60]  }
0x10b: {  	v63 =	vld [tilespmem:s22+$0x2C70];
	[tilespmem:s22+$0x2870] =	vst v16;
	v15 =	vmax.f32 v15, $0.0e+00;
	v8 =	vadd.f32 v8, v12  }
0x10c: {  	[tilespmem:s22+$0x2C00] =	vst v15;
	v9 =	vmax.f32 v9, $0.0e+00;
	v7 =	vadd.f32 v7, v10  }
0x10d: {  	[tilespmem:s22+$0x2C10] =	vst v9;
	v8 =	vmax.f32 v8, $0.0e+00;
	v6 =	vadd.f32 v6, v11  }
0x10e: {  	[tilespmem:s22+$0x2C20] =	vst v8;
	v7 =	vmax.f32 v7, $0.0e+00;
	v5 =	vadd.f32 v5, v14  }
0x10f: {  	[tilespmem:s22+$0x2C30] =	vst v7;
	v6 =	vmax.f32 v6, $0.0e+00;
	v4 =	vadd.f32 v4, v62  }
0x110: {  	s23 =	sshll.u32 s21, $0xF;
	v3 =	vadd.f32 v3, v63;
	[tilespmem:s22+$0x2C40] =	vst v6;
	v5 =	vmax.f32 v5, $0.0e+00  }
0x111: {  	s21 =	sadd.s32 $0x1, s21;
	s23 =	sadd.s32 s3, s23;
	[tilespmem:s22+$0x2C50] =	vst v5;
	v4 =	vmax.f32 v4, $0.0e+00  }
0x112: {  	p0 =	sne.s32 s21, $0x27;
	s23 =	sshrl.u32 s23, $0x3;
	v3 =	vmax.f32 v3, $0.0e+00;
	[tilespmem:s22+$0x2C60] =	vst v4  }
.Ltmp1:
0x113: {  	s26 =	sadd.s32 s5, s23;
	[tilespmem:s22+$0x2C70] =	vst v3;
	(pc) =	sbr.rel @p0 .LBB2_2-.Ltmp1, $4  }
0x114: {  	[hbm4b:s26+s2] =	stream.linear.scatter [tilespmem:s13], [sflag:$0x1], $0x8000, $0x38;
	[tilespmem:$0x12800] =	vst v63  }
0x115: {  	_ =	swait.ge [sflag:s11], $0x8000  }
0x116: {  	[sflag:s11] =	ssyncset.done $0x0  }
0x117: {  	[sflag:s11] =	ssyncadd.s32 $0xFFFF8000  }
0x118: {  	v3 =	vld.msk [tilespmem:$0x1380], $0xff;
	_ =	sdelay $0x4  }
0x119: {  	v4 =	vshll.u32 v3, $0x1  }
0x11a: {  	v3 =	vand.u32 $0x7, v3;
	v4 =	vand.u32 $0xFFFFFFF0, v4  }
0x11b: {  	v3 =	vor.u32 v3, v4  }
0x11c: {  	v3 =	vperm.xlane v3, v0;
	_ =	sdelay $0x1  }
0x11d: {  	v3 =	vadd.s32 v1, v3;
	_ =	sdelay $0x3  }
0x11e: {  	s21 =	simm.s32 $0x0  }
0x11f: {  	[tilespmem:s13], [sflag:$0x1] =	stream.indirect_vreg.gather [hbm4b:s4+s21], $0x80, v3, vm0, $0xb8;
	[tilespmem:$0x12800] =	vst v63  }
0x120: {  	_ =	swait.ge [sflag:s11], $0x800  }
0x121: {  	[sflag:s11] =	ssyncset.done $0x0  }
0x122: {  	[sflag:s11] =	ssyncadd.s32 $0xFFFFF800  }
0x123: {  	v3 =	vld.msk [tilespmem:$0x2780], $0xff;
	_ =	sdelay $0x4  }
0x124: {  	v4 =	vshll.u32 v3, $0x1  }
0x125: {  	v3 =	vand.u32 $0x7, v3;
	v4 =	vand.u32 $0xFFFFFFF0, v4  }
0x126: {  	v3 =	vor.u32 v3, v4  }
0x127: {  	v3 =	vperm.xlane v3, v0;
	_ =	sdelay $0x1  }
0x128: {  	v3 =	vadd.s32 v1, v3;
	_ =	sdelay $0x4  }
0x129: {  	[tilespmem:s30], [sflag:$0x1] =	stream.indirect_vreg.gather [hbm4b:s6+s21], $0x80, v3, vm0, $0xb8;
	[tilespmem:$0x12800] =	vst v63  }
0x12a: {  	_ =	swait.ge [sflag:s11], $0x800  }
0x12b: {  	[sflag:s11] =	ssyncset.done $0x0  }
0x12c: {  	s21 =	simm.s32 $0x0;
	[sflag:s11] =	ssyncadd.s32 $0xFFFFF800  }
0x12d: {  	v9 =	vld [tilespmem:s21+$0xA800]  }
0x12e: {  	v10 =	vld [tilespmem:s21+$0xA810]  }
0x12f: {  	v11 =	vld [tilespmem:s21+$0xA820]  }
0x130: {  	v12 =	vld [tilespmem:s21+$0xA830]  }
0x131: {  	v13 =	vld [tilespmem:s21+$0xA840]  }
0x132: {  	v14 =	vld [tilespmem:s21+$0xA850]  }
0x133: {  	v15 =	vld [tilespmem:s21+$0xA860]  }
0x134: {  	v16 =	vld [tilespmem:s21+$0xA870]  }
0x135: {  	v17 =	vld [tilespmem:s21+$0xAC00]  }
0x136: {  	v18 =	vld [tilespmem:s21+$0xAC10]  }
0x137: {  	v8 =	vld [tilespmem:s21+$0xAC20]  }
0x138: {  	v7 =	vld [tilespmem:s21+$0xAC30]  }
0x139: {  	v6 =	vld [tilespmem:s21+$0xAC40]  }
0x13a: {  	v19 =	vld [tilespmem:s21+$0x2800]  }
0x13b: {  	v20 =	vld [tilespmem:s21+$0x2810]  }
0x13c: {  	v5 =	vld [tilespmem:s21+$0xAC50]  }
0x13d: {  	v21 =	vld [tilespmem:s21+$0x2820]  }
0x13e: {  	v22 =	vld [tilespmem:s21+$0x2830]  }
0x13f: {  	v4 =	vld [tilespmem:s21+$0xAC60];
	v9 =	vadd.f32 v9, v19  }
0x140: {  	v23 =	vld [tilespmem:s21+$0x2840];
	v10 =	vadd.f32 v10, v20  }
0x141: {  	v19 =	vld [tilespmem:s21+$0x2850];
	v9 =	vmax.f32 v9, $0.0e+00  }
0x142: {  	v3 =	vld [tilespmem:s21+$0xAC70];
	v10 =	vmax.f32 v10, $0.0e+00;
	[tilespmem:s21+$0x2800] =	vst v9;
	v9 =	vadd.f32 v11, v21  }
0x143: {  	v24 =	vld [tilespmem:s21+$0x2860];
	[tilespmem:s21+$0x2810] =	vst v10;
	v10 =	vadd.f32 v12, v22  }
0x144: {  	v61 =	vld [tilespmem:s21+$0x2870];
	v9 =	vmax.f32 v9, $0.0e+00  }
0x145: {  	v62 =	vld [tilespmem:s21+$0x2C00];
	v11 =	vmax.f32 v10, $0.0e+00;
	[tilespmem:s21+$0x2820] =	vst v9;
	v9 =	vadd.f32 v13, v23  }
0x146: {  	v63 =	vld [tilespmem:s21+$0x2C10];
	[tilespmem:s21+$0x2830] =	vst v11;
	v11 =	vadd.f32 v14, v19  }
0x147: {  	v10 =	vld [tilespmem:s21+$0x2C20];
	v12 =	vmax.f32 v9, $0.0e+00  }
0x148: {  	v9 =	vld [tilespmem:s21+$0x2C30];
	v13 =	vmax.f32 v11, $0.0e+00;
	[tilespmem:s21+$0x2840] =	vst v12;
	v12 =	vadd.f32 v15, v24  }
0x149: {  	v11 =	vld [tilespmem:s21+$0x2C40];
	[tilespmem:s21+$0x2850] =	vst v13;
	v13 =	vadd.f32 v16, v61  }
0x14a: {  	v15 =	vadd.f32 v17, v62;
	v14 =	vmax.f32 v12, $0.0e+00;
	v12 =	vld [tilespmem:s21+$0x2C50]  }
0x14b: {  	s22 =	simm.s32 $0x200;
	v16 =	vmax.f32 v13, $0.0e+00;
	v13 =	vld [tilespmem:s21+$0x2C60];
	[tilespmem:s21+$0x2860] =	vst v14;
	v14 =	vadd.f32 v18, v63  }
.LBB2_6:
0x14c: {  	s23 =	sshra.s32 s22, $0x2;
	p0 =	sne.s32 s22, $0xE00;
	[tilespmem:s21+$0x2870] =	vst v16;
	v15 =	vmax.f32 v15, $0.0e+00;
	v8 =	vadd.f32 v8, v10;
	v10 =	vld [tilespmem:s21+$0x2C70]  }
0x14d: {  	v16 =	vld [tilespmem:s23+$0xA800];
	[tilespmem:s21+$0x2C00] =	vst v15;
	v14 =	vmax.f32 v14, $0.0e+00;
	v7 =	vadd.f32 v7, v9  }
0x14e: {  	v9 =	vld [tilespmem:s23+$0xA810];
	[tilespmem:s21+$0x2C10] =	vst v14;
	v8 =	vmax.f32 v8, $0.0e+00;
	v6 =	vadd.f32 v6, v11  }
0x14f: {  	v11 =	vld [tilespmem:s23+$0xA820];
	[tilespmem:s21+$0x2C20] =	vst v8;
	v7 =	vmax.f32 v7, $0.0e+00;
	v5 =	vadd.f32 v5, v12  }
0x150: {  	v12 =	vld [tilespmem:s23+$0xA830];
	[tilespmem:s21+$0x2C30] =	vst v7;
	v6 =	vmax.f32 v6, $0.0e+00;
	v4 =	vadd.f32 v4, v13  }
0x151: {  	v13 =	vld [tilespmem:s23+$0xA840];
	[tilespmem:s21+$0x2C40] =	vst v6;
	v5 =	vmax.f32 v5, $0.0e+00;
	v3 =	vadd.f32 v3, v10  }
0x152: {  	v10 =	vld [tilespmem:s23+$0xA850];
	[tilespmem:s21+$0x2C50] =	vst v5;
	v4 =	vmax.f32 v4, $0.0e+00  }
0x153: {  	v14 =	vld [tilespmem:s23+$0xA860];
	[tilespmem:s21+$0x2C60] =	vst v4;
	v3 =	vmax.f32 v3, $0.0e+00  }
0x154: {  	v15 =	vld [tilespmem:s23+$0xA870];
	[tilespmem:s21+$0x2C70] =	vst v3;
	s21 =	smov.u32 s23  }
0x155: {  	v17 =	vld [tilespmem:s21+$0xAC00]  }
0x156: {  	v18 =	vld [tilespmem:s21+$0xAC10]  }
0x157: {  	v8 =	vld [tilespmem:s21+$0xAC20]  }
0x158: {  	v7 =	vld [tilespmem:s21+$0xAC30]  }
0x159: {  	v6 =	vld [tilespmem:s21+$0xAC40]  }
0x15a: {  	v5 =	vld [tilespmem:s21+$0xAC50]  }
0x15b: {  	v4 =	vld [tilespmem:s21+$0xAC60]  }
0x15c: {  	v3 =	vld [tilespmem:s21+$0xAC70]  }
0x15d: {  	v19 =	vld [tilespmem:s21+$0x2800]  }
0x15e: {  	v20 =	vld [tilespmem:s21+$0x2810]  }
0x15f: {  	v21 =	vld [tilespmem:s21+$0x2820]  }
0x160: {  	v22 =	vld [tilespmem:s21+$0x2830]  }
0x161: {  	v23 =	vld [tilespmem:s21+$0x2840]  }
0x162: {  	v16 =	vadd.f32 v16, v19;
	v19 =	vld [tilespmem:s21+$0x2850]  }
0x163: {  	v9 =	vadd.f32 v9, v20;
	v20 =	vld [tilespmem:s21+$0x2860]  }
0x164: {  	v16 =	vmax.f32 v16, $0.0e+00;
	v11 =	vadd.f32 v11, v21;
	v21 =	vld [tilespmem:s21+$0x2870]  }
0x165: {  	[tilespmem:s21+$0x2800] =	vst v16;
	v9 =	vmax.f32 v9, $0.0e+00;
	v12 =	vadd.f32 v12, v22;
	v16 =	vld [tilespmem:s21+$0x2C00]  }
0x166: {  	[tilespmem:s21+$0x2810] =	vst v9;
	v9 =	vmax.f32 v11, $0.0e+00;
	v11 =	vadd.f32 v13, v23;
	v13 =	vld [tilespmem:s21+$0x2C10]  }
.Ltmp2:
0x167: {  	[tilespmem:s21+$0x2820] =	vst v9;
	v9 =	vmax.f32 v12, $0.0e+00;
	v12 =	vadd.f32 v10, v19;
	v10 =	vld [tilespmem:s21+$0x2C20];
	(pc) =	sbr.rel @p0 .LBB2_6-.Ltmp2, $4  }
0x168: {  	[tilespmem:s21+$0x2830] =	vst v9;
	v11 =	vmax.f32 v11, $0.0e+00;
	v14 =	vadd.f32 v14, v20;
	v9 =	vld [tilespmem:s21+$0x2C30]  }
0x169: {  	[tilespmem:s21+$0x2840] =	vst v11;
	v12 =	vmax.f32 v12, $0.0e+00;
	v19 =	vadd.f32 v15, v21;
	v11 =	vld [tilespmem:s21+$0x2C40]  }
0x16a: {  	[tilespmem:s21+$0x2850] =	vst v12;
	v14 =	vmax.f32 v14, $0.0e+00;
	v15 =	vadd.f32 v17, v16;
	v12 =	vld [tilespmem:s21+$0x2C50]  }
0x16b: {  	s22 =	sadd.s32 $0x200, s22;
	[tilespmem:s21+$0x2860] =	vst v14;
	v16 =	vmax.f32 v19, $0.0e+00;
	v14 =	vadd.f32 v18, v13;
	v13 =	vld [tilespmem:s21+$0x2C60]  }
0x16c: {  	[tilespmem:s21+$0x2870] =	vst v16;
	v15 =	vmax.f32 v15, $0.0e+00;
	v8 =	vadd.f32 v8, v10;
	v63 =	vld [tilespmem:s21+$0x2C70]  }
0x16d: {  	[tilespmem:s21+$0x2C00] =	vst v15;
	v14 =	vmax.f32 v14, $0.0e+00;
	v7 =	vadd.f32 v7, v9  }
0x16e: {  	[tilespmem:s21+$0x2C10] =	vst v14;
	v8 =	vmax.f32 v8, $0.0e+00;
	v6 =	vadd.f32 v6, v11  }
0x16f: {  	[tilespmem:s21+$0x2C20] =	vst v8;
	v7 =	vmax.f32 v7, $0.0e+00;
	v5 =	vadd.f32 v5, v12  }
0x170: {  	[tilespmem:s21+$0x2C30] =	vst v7;
	v6 =	vmax.f32 v6, $0.0e+00;
	v4 =	vadd.f32 v4, v13  }
0x171: {  	[tilespmem:s21+$0x2C40] =	vst v6;
	v5 =	vmax.f32 v5, $0.0e+00;
	v3 =	vadd.f32 v3, v63  }
0x172: {  	[tilespmem:s21+$0x2C50] =	vst v5;
	v4 =	vmax.f32 v4, $0.0e+00  }
0x173: {  	[tilespmem:s21+$0x2C60] =	vst v4;
	v3 =	vmax.f32 v3, $0.0e+00  }
0x174: {  	s25 =	rddreg [dreg:$0x6];
	[tilespmem:s21+$0x2C70] =	vst v3  }
0x175: {  	[hbm4b:s25+s2] =	stream.linear.scatter [tilespmem:s13], [sflag:$0x1], $0x800, $0x38;
	[tilespmem:$0x12800] =	vst v63  }
0x176: {  	_ =	swait.ge [sflag:s11], $0x800  }
0x177: {  	s22 =	rddreg [dreg:$0x8]  }
0x178: {  	s26 =	rddreg [dreg:$0x7];
	s22 =	sadd.s32 $0x1, s22  }
0x179: {  	p0 =	sne.s32 s22, s26  }
.Ltmp3:
0x17a: {  	_ = 	snop;
	(pc) =	sbr.rel @p0 .LBB2_1-.Ltmp3, $3  }
0x17b: {  	_ =	sdelay $0x1  }
0x17c: {  	[sflag:s11] =	ssyncset.done $0x0  }
0x17d: {  	[sflag:s11] =	ssyncadd.s32 $0xFFFFF800  }
0x17e: {  	_ =	sfence.sel $0x180000  }
0x17f: {  	[bflag:$0x0] =	sbarrier.arrive $0xFFFF  }
0x180: {  	_ =	strace $0x90000047  }
0x181: {  	s0 =	stileid.u32;
	[bflag:$0x2] =	sbarrier.arrive $0xFFFF  }
0x182: {  	p0 =	sne.s32 s0, $0x0;
	s0 =	rddreg [dreg:$0x3]  }
0x183: {  	s0 =	sadd.s32 @!p0 $0x100000, s0  }
0x184: {  	[sflag:s0] =	ssyncadd.tile.s32 @!p0 $0x1;
	_ =	shalt  }
.Lfunc_end2:
_tile_overlayer_lowered:
.L_overlay_start_2:
0x185: {  	(tag) =	ssettag $0x2  }
0x186: {  	s0 =	rddreg [dreg:$0x0];
	s2 =	stileid.u32  }
0x187: {  	s1 =	rddreg [dreg:$0x1];
	p0 =	sne.s32 s2, $0x0  }
0x188: {  	s3 =	rddreg [dreg:$0x2];
	[bflag:$0x3] =	sbarrier.arrive $0xFFFF;
	s2 =	simm.s32 @!p0 $0x1C01  }
0x189: {  	[timem:s3], [sflag:s2] =	dma.local @!p0 [hbm:s0], s1  }
0x18a: {  	s0 =	simm.s32 @!p0 $0x1  }
0x18b: {  	_ =	swait.ge @!p0 [sflag:s0], s1  }
0x18c: {  	s1 =	ssub.s32 @!p0 $0x0, s1;
	[sflag:s0] =	ssyncset.done @!p0 $0x0  }
0x18d: {  	[sflag:s0] =	ssyncadd.s32 @!p0 s1  }
0x18e: {  	[bflag:$0x3] =	sbarrier.arrive $0xFFFF  }
0x18f: {  	_ =	shalt  }

// kernel: kernel.15.cloned.1.call-start
scs
__scs_entry_jumppad:
0x0: {  	(pc) =	sbr.rel $0x88, $3  }
0x1: {  	(tag) =	ssettag $0x0;
	lr =	simm.s32 $0x1  }
0x2: {  	[smem:$0x3F89] =	sst lr;
	_ =	strace $0xD0000000  }
0x3: {  	_ = 	snop  }
0x4: {  	_ = 	snop  }
0x5: {  	_ = 	snop  }
0x6: {  	_ = 	snop  }
0x7: {  	_ = 	snop  }
__scs_overlays_trampoline_lowered:
0x8: {  	[smem:$0x3F98] =	sst s0  }
0x9: {  	[smem:$0x3F99] =	sst s1  }
0xa: {  	[smem:$0x3F9A] =	sst s2  }
0xb: {  	[smem:$0x3F9B] =	sst s3  }
0xc: {  	[smem:$0x3F9C] =	sst s4  }
0xd: {  	[smem:$0x3F9D] =	sst s5  }
0xe: {  	[smem:$0x3F9E] =	sst s6  }
0xf: {  	[smem:$0x3F9F] =	sst s7  }
0x10: {  	[smem:$0x3FA0] =	sst s8  }
0x11: {  	[smem:$0x3FA1] =	sst s9;
	s0 =	simm.s32 @!p0 $0x0  }
0x12: {  	s1 =	sld [smem:$0x3F87];
	s0 =	simm.s32 @p0 $0x1  }
0x13: {  	[smem:$0x3FA2] =	sst s0;
	s0 =	simm.s32 @!p1 $0x0  }
0x14: {  	s2 =	sld [smem:$0x3F86];
	s0 =	simm.s32 @p1 $0x1  }
0x15: {  	[smem:$0x3FA3] =	sst s0;
	s0 =	simm.s32 @!p2 $0x0  }
0x16: {  	s3 =	sld [smem:$0x3FDB];
	s0 =	simm.s32 @p2 $0x1  }
0x17: {  	s4 =	simm.s32 $0x1BF5;
	[smem:$0x3FA5] =	sst s0  }
0x18: {  	s0 =	sld [smem:$0x3F88];
	_ =	swait.ge [sflag:s4], $0x0  }
0x19: {  	s7 =	sld [smem:$0x3F89]  }
0x1a: {  	s8 =	sadd.s32 $0xFFFFE003, lr  }
0x1b: {  	s9 =	sadd.s32 $0xFFFFFEF7, lr;
	s5 =	simm.s32 $0xFFFFFFFF;
	p2 =	slt.u32 s8, $0xFFFFF086  }
0x1c: {  	p1 =	slt.u32 s9, $0xF7A;
	s5 =	simm.s32 @!p2 $0x0  }
0x1d: {  	s5 =	simm.s32 @p1 $0x1;
	p0 =	seq.s32 s7, s2  }
0x1e: {  	s7 =	smul.u32 @!p0 $0xF7A, s2;
	p2 =	seq.s32 @!p0 s5, $0x0  }
0x1f: {  	s9 =	smul.u32 $0xF7A, s1;
	s8 =	simm.s32 @!p0 $0x1BF5;
	p2 =	por !p2, p0  }
0x20: {  	[sflag:s8] =	ssyncset.s32 @!p0 $0xFFFFF086;
	s6 =	sadd.s32 @!p0 s3, s7;
	s7 =	simm.s32 @!p0 $0x108  }
0x21: {  	s3 =	sadd.s32 s3, s9;
	s6 =	sadd.s32 @!p0 $0x88, s6;
	s7 =	simm.s32 @p2 $0x1082  }
0x22: {  	[simem:s7], [sflag:s8] =	dma.local @!p0 [hbm:s6], $0xF7A  }
0x23: {  	s9 =	sor.u32 $0xD0000000, s2;
	s6 =	simm.s32 $0x108;
	_ =	swait.ge @!p0 [sflag:s8], $0x0  }
0x24: {  	s3 =	sadd.s32 $0x88, s3;
	s6 =	simm.s32 @!p1 $0x1082;
	[sflag:s4] =	ssyncset.s32 $0xFFFFF086  }
0x25: {  	[simem:s6], [sflag:s4] =	dma.local [hbm:s3], $0xF7A  }
0x26: {  	[smem:$0x3F89] =	sst s1;
	(tag) =	ssettag s2;
	_ =	strace s9  }
0x27: {  	s1 =	sld [smem:$0x3F99]  }
0x28: {  	s2 =	sld [smem:$0x3F9A]  }
0x29: {  	s4 =	sld [smem:$0x3F9C]  }
0x2a: {  	p0 =	seq.s32 s5, $0x0;
	s5 =	sld [smem:$0x3F9D]  }
0x2b: {  	s6 =	sld [smem:$0x3F9E]  }
0x2c: {  	s7 =	sld [smem:$0x3F9F]  }
0x2d: {  	s3 =	simm.s32 $0x108;
	s8 =	sld [smem:$0x3FA0]  }
0x2e: {  	s3 =	simm.s32 @!p0 $0x1082;
	s9 =	sld [smem:$0x3FA1]  }
0x2f: {  	lr =	sadd.s32 s0, s3;
	s0 =	sld [smem:$0x3F98]  }
0x30: {  	s3 =	sld [smem:$0x3F9B]  }
0x31: {  	[smem:$0x3FA4] =	sst s10  }
0x32: {  	s10 =	sld [smem:$0x3FA2];
	_ =	sdelay $0x3  }
0x33: {  	p0 =	seq.s32 s10, $0x1;
	s10 =	sld [smem:$0x3FA4];
	_ =	sdelay $0x3  }
0x34: {  	[smem:$0x3FA4] =	sst s10  }
0x35: {  	s10 =	sld [smem:$0x3FA3];
	_ =	sdelay $0x3  }
0x36: {  	p1 =	seq.s32 s10, $0x1;
	s10 =	sld [smem:$0x3FA4];
	_ =	sdelay $0x3  }
0x37: {  	[smem:$0x3FA4] =	sst s10  }
0x38: {  	s10 =	sld [smem:$0x3FA5]  }
0x39: {  	_ = 	snop;
	(pc) =	sbr.ind lr, $3  }
0x3a: {  	_ = 	snop  }
0x3b: {  	_ = 	snop  }
0x3c: {  	p2 =	seq.s32 s10, $0x1;
	s10 =	sld [smem:$0x3FA4]  }
0x3d: {  	_ =	shalt  }
0x3e: {  	_ =	shalt  }
0x3f: {  	_ =	shalt  }
0x40: {  	_ =	shalt  }
0x41: {  	_ =	shalt  }
0x42: {  	_ =	shalt  }
0x43: {  	_ =	shalt  }
0x44: {  	_ =	shalt  }
0x45: {  	_ =	shalt  }
0x46: {  	_ =	shalt  }
0x47: {  	_ =	shalt  }
0x48: {  	_ =	shalt  }
0x49: {  	_ =	shalt  }
0x4a: {  	_ =	shalt  }
0x4b: {  	_ =	shalt  }
0x4c: {  	_ =	shalt  }
0x4d: {  	_ =	shalt  }
0x4e: {  	_ =	shalt  }
0x4f: {  	_ =	shalt  }
0x50: {  	_ =	shalt  }
0x51: {  	_ =	shalt  }
0x52: {  	_ =	shalt  }
0x53: {  	_ =	shalt  }
0x54: {  	_ =	shalt  }
0x55: {  	_ =	shalt  }
0x56: {  	_ =	shalt  }
0x57: {  	_ =	shalt  }
0x58: {  	_ =	shalt  }
0x59: {  	_ =	shalt  }
0x5a: {  	_ =	shalt  }
0x5b: {  	_ =	shalt  }
0x5c: {  	_ =	shalt  }
0x5d: {  	_ =	shalt  }
0x5e: {  	_ =	shalt  }
0x5f: {  	_ =	shalt  }
0x60: {  	_ =	shalt  }
0x61: {  	_ =	shalt  }
0x62: {  	_ =	shalt  }
0x63: {  	_ =	shalt  }
0x64: {  	_ =	shalt  }
0x65: {  	_ =	shalt  }
0x66: {  	_ =	shalt  }
0x67: {  	_ =	shalt  }
0x68: {  	_ =	shalt  }
0x69: {  	_ =	shalt  }
0x6a: {  	_ =	shalt  }
0x6b: {  	_ =	shalt  }
0x6c: {  	_ =	shalt  }
0x6d: {  	_ =	shalt  }
0x6e: {  	_ =	shalt  }
0x6f: {  	_ =	shalt  }
0x70: {  	_ =	shalt  }
0x71: {  	_ =	shalt  }
0x72: {  	_ =	shalt  }
0x73: {  	_ =	shalt  }
0x74: {  	_ =	shalt  }
0x75: {  	_ =	shalt  }
0x76: {  	_ =	shalt  }
0x77: {  	_ =	shalt  }
0x78: {  	_ =	shalt  }
0x79: {  	_ =	shalt  }
0x7a: {  	_ =	shalt  }
0x7b: {  	_ =	shalt  }
0x7c: {  	_ =	shalt  }
0x7d: {  	_ =	shalt  }
0x7e: {  	_ =	shalt  }
0x7f: {  	_ =	shalt  }
0x80: {  	_ =	shalt  }
0x81: {  	_ =	shalt  }
0x82: {  	_ =	shalt  }
0x83: {  	_ =	shalt  }
0x84: {  	_ =	shalt  }
0x85: {  	_ =	shalt  }
0x86: {  	_ =	shalt  }
0x87: {  	_ =	shalt  }
.Lfunc_end0:
.L_simem_size_0:
called_computation.1_lowered:
.L_overlay_start_0:
0x88: {  	s2 =	sld [smem:$0x3FD9]  }
0x89: {  	s3 =	sld [smem:$0x3FFE];
	_ =	sdelay $0x1  }
0x8a: {  	s1 =	srdreg.scid  }
0x8b: {  	s0 =	sand.u32 $0x1, s1  }
0x8c: {  	s17 =	sshll.u32 s0, $0xA;
	s2 =	sadd.s32 s3, s2  }
0x8d: {  	s2 =	sadd.s32 s2, s17  }
0x8e: {  	[smem:$0x3FB0] =	sst s2  }
0x8f: {  	_ = 	snop  }
0x90: {  	(tm) =	ssettm $0x1  }
0x91: {  	s18 =	sld [smem:$0x3FFB];
	_ =	sdelay $0x3  }
0x92: {  	_ =	strace s18  }
0x93: {  	s2 =	sld [smem:$0x3FFC];
	_ =	sdelay $0x3  }
0x94: {  	_ =	strace s2  }
0x95: {  	s2 =	sld [smem:$0x3FFD];
	_ =	sdelay $0x3  }
0x96: {  	_ =	strace s2  }
0x97: {  	_ =	strace $0x8FFFFFFF  }
0x98: {  	s19 =	sld [smem:$0x3FDB];
	_ =	sdelay $0x1  }
0x99: {  	s20 =	simm.s32 $_scs_section_size  }
0x9a: {  	s4 =	simm.s32 $_size__tile_overlayer_lowered;
	s5 =	simm.s32 $_tile_overlayer_lowered  }
0x9b: {  	s6 =	simm.s32 $0x1BFF;
	s21 =	sshll.u32 s5, $0x1;
	s3 =	sadd.s32 s20, s19  }
0x9c: {  	s22 =	simm.s32 $0x0;
	s4 =	sshll.u32 s4, $0x1;
	s5 =	sadd.s32 s21, s3  }
0x9d: {  	[timem:s22], [sflag:s6] =	dma.local [hbm:s5], s4  }
0x9e: {  	_ =	swait.ge [sflag:s6], s4  }
0x9f: {  	s4 =	ssub.s32 $0x0, s4;
	[sflag:s6] =	ssyncset.done $0x0  }
0xa0: {  	[sflag:s6] =	ssyncadd.s32 s4;
	_ =	sdelay $0x1  }
0xa1: {  	s23 =	simm.s32 $0x1B8B  }
0xa2: {  	_ =	swait.ge [sflag:s23], $0x1  }
0xa3: {  	[sflag:s23] =	ssyncset.done $0x0  }
0xa4: {  	[sflag:s23] =	ssyncadd.s32 $0xFFFFFFFF  }
0xa5: {  	s4 =	sld [smem:$0x0]  }
0xa6: {  	s5 =	sand.u32 $0xFFFFFFFE, s1  }
0xa7: {  	p0 =	sne.s32 s1, s5  }
0xa8: {  	s5 =	sshll.u32 @p0 s5, $0xE  }
0xa9: {  	s5 =	sadd.s32 @p0 $0x11B8D, s5;
	s6 =	sshll.u32 @p0 s4, $0x11  }
0xaa: {  	s5 =	sor.u32 @p0 s6, s5  }
0xab: {  	[sflag:s5] =	ssyncadd.remote.s32 @p0 $0x1;
	_ =	sdelay $0x1  }
0xac: {  	s5 =	simm.s32 @p0 $0x1B8D  }
0xad: {  	_ =	swait.eq @p0 [sflag:s5], $0x1  }
0xae: {  	[sflag:s5] =	ssyncadd.s32 @p0 $0xFFFFFFFF  }
0xaf: {  	s6 =	sshll.u32 @!p0 s1, $0xE  }
0xb0: {  	s6 =	sor.u32 @!p0 $0x4000, s6;
	s5 =	simm.s32 @!p0 $0x1B8D  }
0xb1: {  	s4 =	sshll.u32 @!p0 s4, $0x11;
	s6 =	sadd.s32 @!p0 $0x11B8D, s6;
	_ =	swait.eq @!p0 [sflag:s5], $0x1  }
0xb2: {  	s4 =	sor.u32 @!p0 s4, s6;
	[sflag:s5] =	ssyncadd.s32 @!p0 $0xFFFFFFFF  }
0xb3: {  	s25 =	simm.s32 $0x1B8E;
	s24 =	sld [smem:$0x3FFE];
	[sflag:s4] =	ssyncadd.remote.s32 @!p0 $0x1  }
0xb4: {  	s26 =	simm.s32 $execute0_lowered;
	[smem:$0x3FD2] =	sst s25  }
0xb5: {  	s5 =	sshll.u32 s26, $0x1;
	_ =	strace $0x8000004C;
	[dreg:$0x1] =	wrdreg $0xFFFFFFFF  }
0xb6: {  	s28 =	simm.s32 $_size_execute0_lowered;
	s3 =	sadd.s32 s3, s5;
	[dreg:$0x0] =	wrdreg $0x0  }
0xb7: {  	s5 =	sshll.u32 s28, $0x1;
	[dreg:$0x2] =	wrdreg s3  }
0xb8: {  	[dreg:$0x3] =	wrdreg s5  }
0xb9: {  	[dreg:$0x4] =	wrdreg $0xC0  }
0xba: {  	_ =	task [dreg:s22], $0x5FFFF  }
0xbb: {  	[dreg:$0x1] =	wrdreg $0xFFFFFFFF  }
0xbc: {  	[dreg:$0x0] =	wrdreg $0x60  }
0xbd: {  	[dreg:$0x2] =	wrdreg s24  }
0xbe: {  	[dreg:$0x3] =	wrdreg $0x0  }
0xbf: {  	[dreg:$0x4] =	wrdreg $0xA  }
0xc0: {  	_ =	task.clear_ibuf [dreg:s22], $0x5FFFF;
	_ =	strace $0x9000004C  }
0xc1: {  	s29 =	simm.s32 $0xA;
	_ =	strace $0x8000004E  }
0xc2: {  	_ =	swait.ge [sflag:s29], $0x1  }
0xc3: {  	[sflag:s29] =	ssyncadd.s32 $0xFFFFFFFF  }
0xc4: {  	_ =	strace $0x9000004E  }
0xc5: {  	_ =	sfence  }
0xc6: {  	s30 =	sld [smem:$0x0];
	_ =	sdelay $0x2  }
0xc7: {  	s31 =	sshll.u32 s1, $0xD;
	s1 =	sshrl.u32 s1, $0x2  }
0xc8: {  	s4 =	sand.u32 $0x4000, s31;
	s1 =	sadd.s32 s1, s30  }
0xc9: {  	s0 =	sor.u32 s4, s0;
	s1 =	sshll.u32 s1, $0x11  }
0xca: {  	s0 =	sor.u32 s1, s0  }
0xcb: {  	s0 =	sadd.s32 $0x8F2B, s0  }
0xcc: {  	[sflag:s0] =	ssyncadd.remote.s32 $0x1  }
0xcd: {  	_ =	sfence.sel $0xFFFF  }
0xce: {  	[dreg:$0x0] =	wrdreg $0xFFFFFFFF;
	(pc) =	sbr.abs _section_cstart, $3  }
0xcf: {  	[dreg:$0x1] =	wrdreg $0xFFFFFFFF  }
0xd0: {  	_ =	task.clear_ibuf [dreg:s22], $0x2FFFF;
	_ =	strace $0x9FFFFFFF  }
0xd1: {  	(tm) =	ssettm $0x7FFFFFFF  }
tec
execute0_lowered:
.L_overlay_start_1:
0x0: {  	(tag) =	ssettag $0x1  }
0x1: {  	s10 =	rddreg [dreg:$0x0]  }
0x2: {  	s2 =	rddreg [dreg:$0x1]  }
0x3: {  	s0 =	rddreg [dreg:$0x2];
	s1 =	stileid.u32  }
0x4: {  	s4 =	srdreg.scid;
	s3 =	simm.s32 $0x0;
	s15 =	simm.s32 $0x1  }
0x5: {  	s16 =	simm.s32 $0x400;
	s17 =	simm.s32 $0x800;
	s18 =	simm.s32 $0x17880  }
0x6: {  	s5 =	sand.u32 $0x1, s4;
	s6 =	smul.u32 $0x27000, s1;
	[smem:$0x7FF] =	sst s3  }
0x7: {  	s4 =	sadd.s32 $0x5DAE00, s10;
	s7 =	sshll.u32 s1, $0xB;
	s30 =	smul.u32 $0x4E000, s1  }
0x8: {  	p0 =	seq.s32 s1, $0xF;
	s14 =	smul.u32 $0x280000, s1;
	s12 =	sshll.u32 s5, $0xA  }
0x9: {  	_ =	strace $0x8000004D;
	s8 =	ssub.s32 $0x2, s5;
	s9 =	sadd.s32 s7, s10  }
0xa: {  	s5 =	simm.s32 $0x50;
	s7 =	simm.s32 $0x50;
	s6 =	sor.u32 s12, s6  }
0xb: {  	s29 =	sshrl.u32 s8, $0x1;
	s5 =	simm.s32 @!p0 $0x4E;
	s31 =	sshrl.u32 s30, $0x2  }
0xc: {  	s7 =	simm.s32 @!p0 $0x80;
	s9 =	sadd.s32 $0x584E00, s9;
	s12 =	sor.u32 s12, s14  }
0xd: {  	s14 =	simm.s32 $0x1A080;
	s6 =	sshrl.u32 s6, $0x3;
	s11 =	ssub.s32 s8, s29  }
0xe: {  	s8 =	sadd.s32 s31, s2;
	s13 =	sadd.s32 s6, s10;
	s6 =	simm.s32 $0x50  }
0xf: {  	v0 =	vimm.f32 $0.0e+00;
	s10 =	sadd.s32 $0x58C600, s10;
	s11 =	smax.u32 s11, $0x1;
	s13 =	sadd.s32 $0x6A00, s13  }
.LBB2_1:
0x10: {  	[tilespmem:$0x1A080] =	vst v0  }
0x11: {  	[tilespmem:$0x1A090] =	vst v0  }
0x12: {  	[tilespmem:$0x1A0A0] =	vst v0  }
0x13: {  	[tilespmem:$0x1A0B0] =	vst v0  }
0x14: {  	[tilespmem:$0x1A0C0] =	vst v0  }
0x15: {  	[tilespmem:$0x1A0D0] =	vst v0  }
0x16: {  	[tilespmem:$0x1A0E0] =	vst v0  }
0x17: {  	[tilespmem:$0x1A0F0] =	vst v0  }
0x18: {  	[tilespmem:$0x1A100] =	vst v0  }
0x19: {  	[tilespmem:$0x1A110] =	vst v0  }
0x1a: {  	[tilespmem:$0x1A120] =	vst v0  }
0x1b: {  	[tilespmem:$0x1A130] =	vst v0  }
0x1c: {  	[tilespmem:$0x1A140] =	vst v0  }
0x1d: {  	[tilespmem:$0x1A150] =	vst v0  }
0x1e: {  	[tilespmem:$0x1A160] =	vst v0  }
0x1f: {  	[tilespmem:$0x1A170] =	vst v0  }
0x20: {  	[tilespmem:$0x1A180] =	vst v0  }
0x21: {  	[tilespmem:$0x1A190] =	vst v0  }
0x22: {  	[tilespmem:$0x1A1A0] =	vst v0  }
0x23: {  	[tilespmem:$0x1A1B0] =	vst v0  }
0x24: {  	[tilespmem:$0x1A1C0] =	vst v0  }
0x25: {  	[tilespmem:$0x1A1D0] =	vst v0  }
0x26: {  	[tilespmem:$0x1A1E0] =	vst v0  }
0x27: {  	[tilespmem:$0x1A1F0] =	vst v0  }
0x28: {  	[tilespmem:$0x1A200] =	vst v0  }
0x29: {  	[tilespmem:$0x1A210] =	vst v0  }
0x2a: {  	[tilespmem:$0x1A220] =	vst v0  }
0x2b: {  	[tilespmem:$0x1A230] =	vst v0  }
0x2c: {  	[tilespmem:$0x1A240] =	vst v0  }
0x2d: {  	[tilespmem:$0x1A250] =	vst v0  }
0x2e: {  	[tilespmem:$0x1A260] =	vst v0  }
0x2f: {  	[tilespmem:$0x1A270] =	vst v0  }
0x30: {  	[tilespmem:$0x1A280] =	vst v0  }
0x31: {  	[tilespmem:$0x1A290] =	vst v0  }
0x32: {  	[tilespmem:$0x1A2A0] =	vst v0  }
0x33: {  	[tilespmem:$0x1A2B0] =	vst v0  }
0x34: {  	[tilespmem:$0x1A2C0] =	vst v0  }
0x35: {  	[tilespmem:$0x1A2D0] =	vst v0  }
0x36: {  	[tilespmem:$0x1A2E0] =	vst v0  }
0x37: {  	[tilespmem:$0x1A2F0] =	vst v0  }
0x38: {  	[tilespmem:$0x1A300] =	vst v0  }
0x39: {  	[tilespmem:$0x1A310] =	vst v0  }
0x3a: {  	[tilespmem:$0x1A320] =	vst v0  }
0x3b: {  	[tilespmem:$0x1A330] =	vst v0  }
0x3c: {  	[tilespmem:$0x1A340] =	vst v0  }
0x3d: {  	[tilespmem:$0x1A350] =	vst v0  }
0x3e: {  	[tilespmem:$0x1A360] =	vst v0  }
0x3f: {  	[tilespmem:$0x1A370] =	vst v0  }
0x40: {  	[tilespmem:$0x1A380] =	vst v0  }
0x41: {  	[tilespmem:$0x1A390] =	vst v0  }
0x42: {  	[tilespmem:$0x1A3A0] =	vst v0  }
0x43: {  	[tilespmem:$0x1A3B0] =	vst v0  }
0x44: {  	[tilespmem:$0x1A3C0] =	vst v0  }
0x45: {  	[tilespmem:$0x1A3D0] =	vst v0  }
0x46: {  	[tilespmem:$0x1A3E0] =	vst v0  }
0x47: {  	[tilespmem:$0x1A3F0] =	vst v0  }
0x48: {  	[tilespmem:$0x1A400] =	vst v0  }
0x49: {  	[tilespmem:$0x1A410] =	vst v0  }
0x4a: {  	[tilespmem:$0x1A420] =	vst v0  }
0x4b: {  	[tilespmem:$0x1A430] =	vst v0  }
0x4c: {  	[tilespmem:$0x1A440] =	vst v0  }
0x4d: {  	[tilespmem:$0x1A450] =	vst v0;
	p1 =	sne.s32 s5, $0x1  }
.Ltmp0:
0x4e: {  	[tilespmem:$0x1A460] =	vst v0;
	(pc) =	sbr.rel @!p1 .LBB2_3-.Ltmp0, $4  }
0x4f: {  	[tilespmem:$0x1A470] =	vst v0  }
0x50: {  	[spmem:s8] =	stream.linear.scatter [tilespmem:s14], [sflag:$0x1], $0x400, $0x38;
	[tilespmem:$0x1A480] =	vst v63  }
0x51: {  	_ =	swait.ge [sflag:s15], $0x400  }
0x52: {  	s19 =	sadd.s32 $0xFFFFFFFF, s5;
	s20 =	smov.u32 s8;
	[sflag:s15] =	ssyncset.done $0x0  }
.LBB2_2:
0x53: {  	p2 =	sne.s32 s19, $0x1;
	[sflag:s15] =	ssyncadd.s32 $0xFFFFFC00;
	s20 =	sadd.s32 $0x400, s20  }
.Ltmp1:
0x54: {  	s19 =	sadd.s32 $0xFFFFFFFF, s19;
	(pc) =	sbr.rel @p2 .LBB2_2-.Ltmp1, $4  }
0x55: {  	_ = 	snop  }
0x56: {  	[spmem:s20] =	stream.linear.scatter [tilespmem:s14], [sflag:$0x1], $0x400, $0x38;
	[tilespmem:$0x1A480] =	vst v63  }
0x57: {  	_ =	swait.ge [sflag:s15], $0x400  }
0x58: {  	[sflag:s15] =	ssyncset.done $0x0  }
.LBB2_3:
0x59: {  	[sflag:s15] =	ssyncadd.s32 $0xFFFFFC00  }
0x5a: {  	s19 =	simm.s32 @p0 $0x0;
	s20 =	simm.s32 @p0 $0x13880;
	[bflag:$0x0] =	sbarrier.arrive $0xFFFF  }
0x5b: {  	[tilespmem:s20], [sflag:$0x1] =	stream.linear.gather @p0 [hbm4b:s10+s19], $0x2800, $0x38;
	[tilespmem:$0x1A480] =	vst v63  }
0x5c: {  	s19 =	simm.s32 @p0 $0x1  }
0x5d: {  	_ =	swait.ge @p0 [sflag:s19], $0x2800  }
0x5e: {  	p3 =	sne.s32 s7, $0x1;
	[sflag:s19] =	ssyncset.done @p0 $0x0  }
0x5f: {  	s20 =	simm.s32 @!p0 $0x13880;
	[sflag:s19] =	ssyncadd.s32 @p0 $0xFFFFD800;
	s19 =	simm.s32 @!p0 $0x0  }
0x60: {  	[tilespmem:s20], [sflag:$0x1] =	stream.linear.gather @!p0 [hbm4b:s9+s19], $0x4000, $0x38;
	[tilespmem:$0x1A480] =	vst v63  }
.Ltmp2:
0x61: {  	_ = 	snop;
	(pc) =	sbr.rel @!p3 .LBB2_4-.Ltmp2, $4  }
0x62: {  	s19 =	simm.s32 @!p0 $0x1  }
0x63: {  	_ =	swait.ge @!p0 [sflag:s19], $0x4000  }
0x64: {  	s23 =	sshrl.u32 s12, $0x3;
	p2 =	por $0x0, $0x0;
	[sflag:s19] =	ssyncset.done @!p0 $0x0  }
0x65: {  	s20 =	sadd.s32 $0xFFFFFFFF, s7;
	[sflag:s19] =	ssyncadd.s32 @!p0 $0xFFFFC000;
	s19 =	simm.s32 $0x13880  }
0x66: {  	s21 =	sadd.s32 s4, s23  }
0x67: {  	[tilespmem:s18], [sflag:$0x1] =	stream.strided.gather [hbm4b:s21+s16], $0x2800, s17, s16, $0x38;
	[tilespmem:$0x1A480] =	vst v63  }
0x68: {  	p3 =	sne.s32 s20, $0x1;
	_ =	swait.ge [sflag:s15], $0x2800  }
.Ltmp3:
0x69: {  	[sflag:s15] =	ssyncset.done $0x0;
	(pc) =	sbr.rel @!p3 .LBB2_6-.Ltmp3, $4  }
0x6a: {  	s22 =	sadd.s32 $0xFFFFFFFF, s20;
	[sflag:s15] =	ssyncadd.s32 $0xFFFFD800  }
0x6b: {  	[spmem:s2] =	stream.indirect.scatter.add.f32 [tilespmem:s18], [sflag:$0x1], $0x80, s19, s6, $0xb8;
	[tilespmem:$0x1A480] =	vst v63  }
0x6c: {  	p2 =	por $0x1, $0x1;
	s21 =	sadd.s32 $0x5000, s12;
	_ =	swait.ge [sflag:s15], $0x2800  }
0x6d: {  	s20 =	simm.s32 $0x13880;
	s23 =	sshrl.u32 s21, $0x3;
	[sflag:s15] =	ssyncset.done $0x0  }
.LBB2_7:
0x6e: {  	s23 =	sadd.s32 s4, s23;
	[sflag:s15] =	ssyncadd.s32 $0xFFFFD800;
	s20 =	sadd.s32 $0x80, s20  }
0x6f: {  	[tilespmem:s18], [sflag:$0x1] =	stream.strided.gather [hbm4b:s23+s16], $0x2800, s17, s16, $0x38;
	[tilespmem:$0x1A480] =	vst v63  }
0x70: {  	p3 =	sne.s32 s22, $0x1;
	s22 =	sadd.s32 $0xFFFFFFFF, s22;
	_ =	swait.ge [sflag:s15], $0x2800  }
.Ltmp4:
0x71: {  	[sflag:s15] =	ssyncset.done $0x0;
	(pc) =	sbr.rel @p3 .LBB2_7-.Ltmp4, $4  }
0x72: {  	[sflag:s15] =	ssyncadd.s32 $0xFFFFD800  }
0x73: {  	[spmem:s2] =	stream.indirect.scatter.add.f32 [tilespmem:s18], [sflag:$0x1], $0x80, s20, s6, $0xb8;
	[tilespmem:$0x1A480] =	vst v63  }
0x74: {  	s21 =	sadd.s32 $0x5000, s21;
	_ =	swait.ge [sflag:s15], $0x2800  }
0x75: {  	s23 =	sshrl.u32 s21, $0x3;
	[sflag:s15] =	ssyncset.done $0x0  }
.LBB2_8:
0x76: {  	s21 =	sadd.s32 s4, s23;
	[sflag:s15] =	ssyncadd.s32 @p2 $0xFFFFD800  }
0x77: {  	[tilespmem:s18], [sflag:$0x1] =	stream.strided.gather [hbm4b:s21+s16], $0x2800, s17, s16, $0x38;
	[tilespmem:$0x1A480] =	vst v63  }
0x78: {  	_ =	swait.ge [sflag:s15], $0x2800  }
0x79: {  	s20 =	sadd.s32 @p2 $0x80, s20;
	[sflag:s15] =	ssyncset.done $0x0  }
0x7a: {  	s19 =	smov.u32 @p2 s20;
	[sflag:s15] =	ssyncadd.s32 $0xFFFFD800  }
0x7b: {  	[spmem:s2] =	stream.indirect.scatter.add.f32 [tilespmem:s18], [sflag:$0x1], $0x80, s19, s6, $0xb8;
	[tilespmem:$0x1A480] =	vst v63  }
0x7c: {  	_ =	swait.ge [sflag:s15], $0x2800  }
.Ltmp5:
0x7d: {  	[sflag:s15] =	ssyncset.done $0x0;
	(pc) =	sbr.rel @!p1 .LBB2_10-.Ltmp5, $4  }
0x7e: {  	s30 =	sshll.u32 s1, $0x6;
	s31 =	sshrl.u32 s8, $0x3;
	[sflag:s15] =	ssyncadd.s32 $0xFFFFD800  }
0x7f: {  	s22 =	smov.u32 s13;
	s19 =	sor.u32 $0x1C01, s30;
	[bflag:$0x0] =	sbarrier.arrive $0xFFFF  }
0x80: {  	[hbm:s13], [sflag:s19] =	dma.local [spmem:s31], $0x80  }
0x81: {  	s20 =	sadd.s32 $0xFFFFFFFF, s5;
	s21 =	sadd.s32 $0x400, s8;
	_ =	swait.ge [sflag:s15], $0x80  }
.LBB2_9:
0x82: {  	[sflag:s15] =	ssyncset.done $0x0;
	s22 =	sadd.s32 $0x100, s22;
	p1 =	sne.s32 s20, $0x1  }
.Ltmp6:
0x83: {  	s23 =	sshrl.u32 s21, $0x3;
	[sflag:s15] =	ssyncadd.s32 $0xFFFFFF80;
	(pc) =	sbr.rel @p1 .LBB2_9-.Ltmp6, $3  }
0x84: {  	[hbm:s22], [sflag:s19] =	dma.local [spmem:s23], $0x80  }
0x85: {  	s20 =	sadd.s32 $0xFFFFFFFF, s20;
	_ =	sdelay $0x1  }
0x86: {  	s21 =	sadd.s32 $0x400, s21;
	_ =	swait.ge [sflag:s15], $0x80  }
.LBB2_10:
0x87: {  	s3 =	sadd.s32 $0x1, s3  }
0x88: {  	p1 =	sne.s32 s3, s11  }
.Ltmp7:
0x89: {  	_ = 	snop;
	(pc) =	sbr.rel @p1 .LBB2_1-.Ltmp7, $4  }
.Ltmp8:
0x8a: {  	_ = 	snop;
	(pc) =	sbr.rel @!p1 .LBB2_11-.Ltmp8, $4  }
0x8b: {  	_ = 	snop  }
0x8c: {  	[sflag:s15] =	ssyncset.done $0x0  }
0x8d: {  	[sflag:s15] =	ssyncadd.s32 $0xFFFFFF80  }
0x8e: {  	_ = 	snop  }
.LBB2_4:
.Ltmp9:
0x8f: {  	(pc) =	sbr.rel .LBB2_8-.Ltmp9, $2  }
0x90: {  	_ =	sdelay $0x2  }
0x91: {  	s20 =	simm.s32 $0x13880  }
.LBB2_6:
.Ltmp10:
0x92: {  	(pc) =	sbr.rel .LBB2_8-.Ltmp10, $2  }
0x93: {  	_ =	sdelay $0x2  }
0x94: {  	s20 =	simm.s32 $0x13880  }
.LBB2_11:
0x95: {  	_ =	sfence.sel $0x180000  }
0x96: {  	[bflag:$0x0] =	sbarrier.arrive $0xFFFF  }
0x97: {  	p0 =	sne.s32 s1, $0x0;
	_ =	strace $0x9000004D  }
0x98: {  	s0 =	sadd.s32 @!p0 $0x100000, s0;
	[bflag:$0x2] =	sbarrier.arrive $0xFFFF  }
0x99: {  	[sflag:s0] =	ssyncadd.tile.s32 @!p0 $0x1;
	_ =	shalt  }
.Lfunc_end2:
_tile_overlayer_lowered:
.L_overlay_start_2:
0x9a: {  	(tag) =	ssettag $0x2  }
0x9b: {  	s0 =	rddreg [dreg:$0x0];
	s2 =	stileid.u32  }
0x9c: {  	s1 =	rddreg [dreg:$0x1];
	p0 =	sne.s32 s2, $0x0  }
0x9d: {  	s3 =	rddreg [dreg:$0x2];
	[bflag:$0x3] =	sbarrier.arrive $0xFFFF;
	s2 =	simm.s32 @!p0 $0x1C01  }
0x9e: {  	[timem:s3], [sflag:s2] =	dma.local @!p0 [hbm:s0], s1  }
0x9f: {  	s0 =	simm.s32 @!p0 $0x1  }
0xa0: {  	_ =	swait.ge @!p0 [sflag:s0], s1  }
0xa1: {  	s1 =	ssub.s32 @!p0 $0x0, s1;
	[sflag:s0] =	ssyncset.done @!p0 $0x0  }
0xa2: {  	[sflag:s0] =	ssyncadd.s32 @!p0 s1  }
0xa3: {  	[bflag:$0x3] =	sbarrier.arrive $0xFFFF  }
0xa4: {  	_ =	shalt  }

// kernel: kernel.18.cloned.1.call-start
scs
__scs_entry_jumppad:
0x0: {  	(pc) =	sbr.rel $0x88, $3  }
0x1: {  	(tag) =	ssettag $0x0;
	lr =	simm.s32 $0x1  }
0x2: {  	[smem:$0x3F89] =	sst lr;
	_ =	strace $0xD0000000  }
0x3: {  	_ = 	snop  }
0x4: {  	_ = 	snop  }
0x5: {  	_ = 	snop  }
0x6: {  	_ = 	snop  }
0x7: {  	_ = 	snop  }
__scs_overlays_trampoline_lowered:
0x8: {  	[smem:$0x3F98] =	sst s0  }
0x9: {  	[smem:$0x3F99] =	sst s1  }
0xa: {  	[smem:$0x3F9A] =	sst s2  }
0xb: {  	[smem:$0x3F9B] =	sst s3  }
0xc: {  	[smem:$0x3F9C] =	sst s4  }
0xd: {  	[smem:$0x3F9D] =	sst s5  }
0xe: {  	[smem:$0x3F9E] =	sst s6  }
0xf: {  	[smem:$0x3F9F] =	sst s7  }
0x10: {  	[smem:$0x3FA0] =	sst s8  }
0x11: {  	[smem:$0x3FA1] =	sst s9;
	s0 =	simm.s32 @!p0 $0x0  }
0x12: {  	s1 =	sld [smem:$0x3F87];
	s0 =	simm.s32 @p0 $0x1  }
0x13: {  	[smem:$0x3FA2] =	sst s0;
	s0 =	simm.s32 @!p1 $0x0  }
0x14: {  	s2 =	sld [smem:$0x3F86];
	s0 =	simm.s32 @p1 $0x1  }
0x15: {  	[smem:$0x3FA3] =	sst s0;
	s0 =	simm.s32 @!p2 $0x0  }
0x16: {  	s3 =	sld [smem:$0x3FDB];
	s0 =	simm.s32 @p2 $0x1  }
0x17: {  	s4 =	simm.s32 $0x1BF5;
	[smem:$0x3FA5] =	sst s0  }
0x18: {  	s0 =	sld [smem:$0x3F88];
	_ =	swait.ge [sflag:s4], $0x0  }
0x19: {  	s7 =	sld [smem:$0x3F89]  }
0x1a: {  	s8 =	sadd.s32 $0xFFFFE003, lr  }
0x1b: {  	s9 =	sadd.s32 $0xFFFFFEF7, lr;
	s5 =	simm.s32 $0xFFFFFFFF;
	p2 =	slt.u32 s8, $0xFFFFF086  }
0x1c: {  	p1 =	slt.u32 s9, $0xF7A;
	s5 =	simm.s32 @!p2 $0x0  }
0x1d: {  	s5 =	simm.s32 @p1 $0x1;
	p0 =	seq.s32 s7, s2  }
0x1e: {  	s7 =	smul.u32 @!p0 $0xF7A, s2;
	p2 =	seq.s32 @!p0 s5, $0x0  }
0x1f: {  	s9 =	smul.u32 $0xF7A, s1;
	s8 =	simm.s32 @!p0 $0x1BF5;
	p2 =	por !p2, p0  }
0x20: {  	[sflag:s8] =	ssyncset.s32 @!p0 $0xFFFFF086;
	s6 =	sadd.s32 @!p0 s3, s7;
	s7 =	simm.s32 @!p0 $0x108  }
0x21: {  	s3 =	sadd.s32 s3, s9;
	s6 =	sadd.s32 @!p0 $0x88, s6;
	s7 =	simm.s32 @p2 $0x1082  }
0x22: {  	[simem:s7], [sflag:s8] =	dma.local @!p0 [hbm:s6], $0xF7A  }
0x23: {  	s9 =	sor.u32 $0xD0000000, s2;
	s6 =	simm.s32 $0x108;
	_ =	swait.ge @!p0 [sflag:s8], $0x0  }
0x24: {  	s3 =	sadd.s32 $0x88, s3;
	s6 =	simm.s32 @!p1 $0x1082;
	[sflag:s4] =	ssyncset.s32 $0xFFFFF086  }
0x25: {  	[simem:s6], [sflag:s4] =	dma.local [hbm:s3], $0xF7A  }
0x26: {  	[smem:$0x3F89] =	sst s1;
	(tag) =	ssettag s2;
	_ =	strace s9  }
0x27: {  	s1 =	sld [smem:$0x3F99]  }
0x28: {  	s2 =	sld [smem:$0x3F9A]  }
0x29: {  	s4 =	sld [smem:$0x3F9C]  }
0x2a: {  	p0 =	seq.s32 s5, $0x0;
	s5 =	sld [smem:$0x3F9D]  }
0x2b: {  	s6 =	sld [smem:$0x3F9E]  }
0x2c: {  	s7 =	sld [smem:$0x3F9F]  }
0x2d: {  	s3 =	simm.s32 $0x108;
	s8 =	sld [smem:$0x3FA0]  }
0x2e: {  	s3 =	simm.s32 @!p0 $0x1082;
	s9 =	sld [smem:$0x3FA1]  }
0x2f: {  	lr =	sadd.s32 s0, s3;
	s0 =	sld [smem:$0x3F98]  }
0x30: {  	s3 =	sld [smem:$0x3F9B]  }
0x31: {  	[smem:$0x3FA4] =	sst s10  }
0x32: {  	s10 =	sld [smem:$0x3FA2];
	_ =	sdelay $0x3  }
0x33: {  	p0 =	seq.s32 s10, $0x1;
	s10 =	sld [smem:$0x3FA4];
	_ =	sdelay $0x3  }
0x34: {  	[smem:$0x3FA4] =	sst s10  }
0x35: {  	s10 =	sld [smem:$0x3FA3];
	_ =	sdelay $0x3  }
0x36: {  	p1 =	seq.s32 s10, $0x1;
	s10 =	sld [smem:$0x3FA4];
	_ =	sdelay $0x3  }
0x37: {  	[smem:$0x3FA4] =	sst s10  }
0x38: {  	s10 =	sld [smem:$0x3FA5]  }
0x39: {  	_ = 	snop;
	(pc) =	sbr.ind lr, $3  }
0x3a: {  	_ = 	snop  }
0x3b: {  	_ = 	snop  }
0x3c: {  	p2 =	seq.s32 s10, $0x1;
	s10 =	sld [smem:$0x3FA4]  }
0x3d: {  	_ =	shalt  }
0x3e: {  	_ =	shalt  }
0x3f: {  	_ =	shalt  }
0x40: {  	_ =	shalt  }
0x41: {  	_ =	shalt  }
0x42: {  	_ =	shalt  }
0x43: {  	_ =	shalt  }
0x44: {  	_ =	shalt  }
0x45: {  	_ =	shalt  }
0x46: {  	_ =	shalt  }
0x47: {  	_ =	shalt  }
0x48: {  	_ =	shalt  }
0x49: {  	_ =	shalt  }
0x4a: {  	_ =	shalt  }
0x4b: {  	_ =	shalt  }
0x4c: {  	_ =	shalt  }
0x4d: {  	_ =	shalt  }
0x4e: {  	_ =	shalt  }
0x4f: {  	_ =	shalt  }
0x50: {  	_ =	shalt  }
0x51: {  	_ =	shalt  }
0x52: {  	_ =	shalt  }
0x53: {  	_ =	shalt  }
0x54: {  	_ =	shalt  }
0x55: {  	_ =	shalt  }
0x56: {  	_ =	shalt  }
0x57: {  	_ =	shalt  }
0x58: {  	_ =	shalt  }
0x59: {  	_ =	shalt  }
0x5a: {  	_ =	shalt  }
0x5b: {  	_ =	shalt  }
0x5c: {  	_ =	shalt  }
0x5d: {  	_ =	shalt  }
0x5e: {  	_ =	shalt  }
0x5f: {  	_ =	shalt  }
0x60: {  	_ =	shalt  }
0x61: {  	_ =	shalt  }
0x62: {  	_ =	shalt  }
0x63: {  	_ =	shalt  }
0x64: {  	_ =	shalt  }
0x65: {  	_ =	shalt  }
0x66: {  	_ =	shalt  }
0x67: {  	_ =	shalt  }
0x68: {  	_ =	shalt  }
0x69: {  	_ =	shalt  }
0x6a: {  	_ =	shalt  }
0x6b: {  	_ =	shalt  }
0x6c: {  	_ =	shalt  }
0x6d: {  	_ =	shalt  }
0x6e: {  	_ =	shalt  }
0x6f: {  	_ =	shalt  }
0x70: {  	_ =	shalt  }
0x71: {  	_ =	shalt  }
0x72: {  	_ =	shalt  }
0x73: {  	_ =	shalt  }
0x74: {  	_ =	shalt  }
0x75: {  	_ =	shalt  }
0x76: {  	_ =	shalt  }
0x77: {  	_ =	shalt  }
0x78: {  	_ =	shalt  }
0x79: {  	_ =	shalt  }
0x7a: {  	_ =	shalt  }
0x7b: {  	_ =	shalt  }
0x7c: {  	_ =	shalt  }
0x7d: {  	_ =	shalt  }
0x7e: {  	_ =	shalt  }
0x7f: {  	_ =	shalt  }
0x80: {  	_ =	shalt  }
0x81: {  	_ =	shalt  }
0x82: {  	_ =	shalt  }
0x83: {  	_ =	shalt  }
0x84: {  	_ =	shalt  }
0x85: {  	_ =	shalt  }
0x86: {  	_ =	shalt  }
0x87: {  	_ =	shalt  }
.Lfunc_end0:
.L_simem_size_0:
called_computation.2_lowered:
.L_overlay_start_0:
0x88: {  	s2 =	sld [smem:$0x3FD9]  }
0x89: {  	s3 =	sld [smem:$0x3FFE];
	_ =	sdelay $0x1  }
0x8a: {  	s1 =	srdreg.scid  }
0x8b: {  	s0 =	sand.u32 $0x1, s1  }
0x8c: {  	s17 =	sshll.u32 s0, $0xA;
	s2 =	sadd.s32 s3, s2  }
0x8d: {  	s2 =	sadd.s32 s2, s17  }
0x8e: {  	[smem:$0x3FB0] =	sst s2  }
0x8f: {  	_ = 	snop  }
0x90: {  	(tm) =	ssettm $0x1  }
0x91: {  	s18 =	sld [smem:$0x3FFB];
	_ =	sdelay $0x3  }
0x92: {  	_ =	strace s18  }
0x93: {  	s2 =	sld [smem:$0x3FFC];
	_ =	sdelay $0x3  }
0x94: {  	_ =	strace s2  }
0x95: {  	s2 =	sld [smem:$0x3FFD];
	_ =	sdelay $0x3  }
0x96: {  	_ =	strace s2  }
0x97: {  	_ =	strace $0x8FFFFFFF  }
0x98: {  	s19 =	sld [smem:$0x3FDB];
	_ =	sdelay $0x1  }
0x99: {  	s20 =	simm.s32 $_scs_section_size  }
0x9a: {  	s4 =	simm.s32 $_size__tile_overlayer_lowered;
	s5 =	simm.s32 $_tile_overlayer_lowered  }
0x9b: {  	s6 =	simm.s32 $0x1BFF;
	s21 =	sshll.u32 s5, $0x1;
	s3 =	sadd.s32 s20, s19  }
0x9c: {  	s22 =	simm.s32 $0x0;
	s4 =	sshll.u32 s4, $0x1;
	s5 =	sadd.s32 s21, s3  }
0x9d: {  	[timem:s22], [sflag:s6] =	dma.local [hbm:s5], s4  }
0x9e: {  	_ =	swait.ge [sflag:s6], s4  }
0x9f: {  	s4 =	ssub.s32 $0x0, s4;
	[sflag:s6] =	ssyncset.done $0x0  }
0xa0: {  	[sflag:s6] =	ssyncadd.s32 s4;
	_ =	sdelay $0x1  }
0xa1: {  	s23 =	simm.s32 $0x1B8B  }
0xa2: {  	_ =	swait.ge [sflag:s23], $0x1  }
0xa3: {  	[sflag:s23] =	ssyncset.done $0x0  }
0xa4: {  	[sflag:s23] =	ssyncadd.s32 $0xFFFFFFFF  }
0xa5: {  	s4 =	sld [smem:$0x0]  }
0xa6: {  	s5 =	sand.u32 $0xFFFFFFFE, s1  }
0xa7: {  	p0 =	sne.s32 s1, s5  }
0xa8: {  	s5 =	sshll.u32 @p0 s5, $0xE  }
0xa9: {  	s5 =	sadd.s32 @p0 $0x11B8D, s5;
	s6 =	sshll.u32 @p0 s4, $0x11  }
0xaa: {  	s5 =	sor.u32 @p0 s6, s5  }
0xab: {  	[sflag:s5] =	ssyncadd.remote.s32 @p0 $0x1;
	_ =	sdelay $0x1  }
0xac: {  	s5 =	simm.s32 @p0 $0x1B8D  }
0xad: {  	_ =	swait.eq @p0 [sflag:s5], $0x1  }
0xae: {  	[sflag:s5] =	ssyncadd.s32 @p0 $0xFFFFFFFF  }
0xaf: {  	s6 =	sshll.u32 @!p0 s1, $0xE  }
0xb0: {  	s6 =	sor.u32 @!p0 $0x4000, s6;
	s5 =	simm.s32 @!p0 $0x1B8D  }
0xb1: {  	s4 =	sshll.u32 @!p0 s4, $0x11;
	s6 =	sadd.s32 @!p0 $0x11B8D, s6;
	_ =	swait.eq @!p0 [sflag:s5], $0x1  }
0xb2: {  	s4 =	sor.u32 @!p0 s4, s6;
	[sflag:s5] =	ssyncadd.s32 @!p0 $0xFFFFFFFF  }
0xb3: {  	s25 =	simm.s32 $0x1B8E;
	s24 =	sld [smem:$0x3FFE];
	[sflag:s4] =	ssyncadd.remote.s32 @!p0 $0x1  }
0xb4: {  	s26 =	simm.s32 $execute0_lowered;
	[smem:$0x3FD2] =	sst s25  }
0xb5: {  	s5 =	sshll.u32 s26, $0x1;
	_ =	strace $0x80000049;
	[dreg:$0x1] =	wrdreg $0xFFFFFFFF  }
0xb6: {  	s28 =	simm.s32 $_size_execute0_lowered;
	s3 =	sadd.s32 s3, s5;
	[dreg:$0x0] =	wrdreg $0x0  }
0xb7: {  	s5 =	sshll.u32 s28, $0x1;
	[dreg:$0x2] =	wrdreg s3  }
0xb8: {  	[dreg:$0x3] =	wrdreg s5  }
0xb9: {  	[dreg:$0x4] =	wrdreg $0xC0  }
0xba: {  	_ =	task [dreg:s22], $0x5FFFF  }
0xbb: {  	[dreg:$0x1] =	wrdreg $0xFFFFFFFF  }
0xbc: {  	[dreg:$0x0] =	wrdreg $0x60  }
0xbd: {  	[dreg:$0x2] =	wrdreg s24  }
0xbe: {  	[dreg:$0x3] =	wrdreg $0x0  }
0xbf: {  	[dreg:$0x4] =	wrdreg $0x9  }
0xc0: {  	_ =	task.clear_ibuf [dreg:s22], $0x5FFFF;
	_ =	strace $0x90000049  }
0xc1: {  	s29 =	simm.s32 $0x9;
	_ =	strace $0x8000004B  }
0xc2: {  	_ =	swait.ge [sflag:s29], $0x1  }
0xc3: {  	[sflag:s29] =	ssyncadd.s32 $0xFFFFFFFF  }
0xc4: {  	_ =	strace $0x9000004B  }
0xc5: {  	_ =	sfence  }
0xc6: {  	s30 =	sld [smem:$0x0];
	_ =	sdelay $0x2  }
0xc7: {  	s31 =	sshll.u32 s1, $0xD;
	s1 =	sshrl.u32 s1, $0x2  }
0xc8: {  	s4 =	sand.u32 $0x4000, s31;
	s1 =	sadd.s32 s1, s30  }
0xc9: {  	s0 =	sor.u32 s4, s0;
	s1 =	sshll.u32 s1, $0x11  }
0xca: {  	s0 =	sor.u32 s1, s0  }
0xcb: {  	s0 =	sadd.s32 $0x8F2B, s0  }
0xcc: {  	[sflag:s0] =	ssyncadd.remote.s32 $0x1  }
0xcd: {  	_ =	sfence.sel $0xFFFF  }
0xce: {  	[dreg:$0x0] =	wrdreg $0xFFFFFFFF;
	(pc) =	sbr.abs _section_cstart, $3  }
0xcf: {  	[dreg:$0x1] =	wrdreg $0xFFFFFFFF  }
0xd0: {  	_ =	task.clear_ibuf [dreg:s22], $0x2FFFF;
	_ =	strace $0x9FFFFFFF  }
0xd1: {  	(tm) =	ssettm $0x7FFFFFFF  }
tec
execute0_lowered:
.L_overlay_start_1:
0x0: {  	(tag) =	ssettag $0x1  }
0x1: {  	s8 =	rddreg [dreg:$0x0]  }
0x2: {  	s1 =	rddreg [dreg:$0x1]  }
0x3: {  	s2 =	srdreg.scid;
	s0 =	rddreg [dreg:$0x2]  }
0x4: {  	s3 =	simm.s32 $0x0;
	s13 =	simm.s32 $0x50;
	s4 =	sand.u32 $0x1, s2  }
0x5: {  	s14 =	simm.s32 $0x15880;
	s2 =	stileid.u32;
	s5 =	smul.u32 $0x138800, s4  }
0x6: {  	[smem:$0x7FF] =	sst s3;
	s6 =	sshll.u32 s2, $0x1;
	s7 =	smul.u32 $0x13C00, s2  }
0x7: {  	_ =	strace $0x8000004A;
	s30 =	ssub.s32 $0x2, s4;
	p0 =	seq.s32 s2, $0xF  }
0x8: {  	s11 =	smul.u32 $0x4F000, s2;
	s15 =	sshll.u32 s2, $0x6;
	s6 =	sor.u32 s4, s6  }
0x9: {  	s10 =	sshrl.u32 s30, $0x1;
	s4 =	simm.s32 $0x41;
	s15 =	sor.u32 $0x1C01, s15  }
0xa: {  	s9 =	sshll.u32 s6, $0xA;
	s5 =	sadd.s32 s7, s5;
	s10 =	ssub.s32 s30, s10  }
0xb: {  	s4 =	simm.s32 @!p0 $0x4F;
	s31 =	sshrl.u32 s11, $0x2;
	p0 =	seq.s32 s6, $0x1F  }
0xc: {  	s11 =	simm.s32 $0x18080;
	s9 =	sadd.s32 s9, s8;
	s5 =	sshrl.u32 s5, $0x3  }
0xd: {  	s6 =	sadd.s32 s31, s1;
	s12 =	sadd.s32 s5, s8;
	s5 =	simm.s32 $0x10  }
0xe: {  	s7 =	sadd.s32 $0x584E00, s9;
	s8 =	sadd.s32 $0x58CA00, s8;
	s9 =	smax.u32 s10, $0x1  }
0xf: {  	v0 =	vimm.f32 $0.0e+00;
	v1 =	vimm.f32 $1.000000000e+00;
	s5 =	simm.s32 @!p0 $0x40;
	s10 =	sadd.s32 $0x58CC00, s12;
	s12 =	simm.s32 $0x1  }
.LBB2_1:
0x10: {  	[tilespmem:$0x18080] =	vst v0  }
0x11: {  	[tilespmem:$0x18090] =	vst v0  }
0x12: {  	[tilespmem:$0x180A0] =	vst v0  }
0x13: {  	[tilespmem:$0x180B0] =	vst v0  }
0x14: {  	[tilespmem:$0x180C0] =	vst v0  }
0x15: {  	[tilespmem:$0x180D0] =	vst v0  }
0x16: {  	[tilespmem:$0x180E0] =	vst v0  }
0x17: {  	[tilespmem:$0x180F0] =	vst v0  }
0x18: {  	[tilespmem:$0x18100] =	vst v0  }
0x19: {  	[tilespmem:$0x18110] =	vst v0  }
0x1a: {  	[tilespmem:$0x18120] =	vst v0  }
0x1b: {  	[tilespmem:$0x18130] =	vst v0  }
0x1c: {  	[tilespmem:$0x18140] =	vst v0  }
0x1d: {  	[tilespmem:$0x18150] =	vst v0  }
0x1e: {  	[tilespmem:$0x18160] =	vst v0  }
0x1f: {  	[tilespmem:$0x18170] =	vst v0  }
0x20: {  	[tilespmem:$0x18180] =	vst v0  }
0x21: {  	[tilespmem:$0x18190] =	vst v0  }
0x22: {  	[tilespmem:$0x181A0] =	vst v0  }
0x23: {  	[tilespmem:$0x181B0] =	vst v0  }
0x24: {  	[tilespmem:$0x181C0] =	vst v0  }
0x25: {  	[tilespmem:$0x181D0] =	vst v0  }
0x26: {  	[tilespmem:$0x181E0] =	vst v0  }
0x27: {  	[tilespmem:$0x181F0] =	vst v0  }
0x28: {  	[tilespmem:$0x18200] =	vst v0  }
0x29: {  	[tilespmem:$0x18210] =	vst v0  }
0x2a: {  	[tilespmem:$0x18220] =	vst v0  }
0x2b: {  	[tilespmem:$0x18230] =	vst v0  }
0x2c: {  	[tilespmem:$0x18240] =	vst v0  }
0x2d: {  	[tilespmem:$0x18250] =	vst v0  }
0x2e: {  	[tilespmem:$0x18260] =	vst v0  }
0x2f: {  	[tilespmem:$0x18270] =	vst v0  }
0x30: {  	[tilespmem:$0x18280] =	vst v0  }
0x31: {  	[tilespmem:$0x18290] =	vst v0  }
0x32: {  	[tilespmem:$0x182A0] =	vst v0  }
0x33: {  	[tilespmem:$0x182B0] =	vst v0  }
0x34: {  	[tilespmem:$0x182C0] =	vst v0  }
0x35: {  	[tilespmem:$0x182D0] =	vst v0  }
0x36: {  	[tilespmem:$0x182E0] =	vst v0  }
0x37: {  	[tilespmem:$0x182F0] =	vst v0  }
0x38: {  	[tilespmem:$0x18300] =	vst v0  }
0x39: {  	[tilespmem:$0x18310] =	vst v0  }
0x3a: {  	[tilespmem:$0x18320] =	vst v0  }
0x3b: {  	[tilespmem:$0x18330] =	vst v0  }
0x3c: {  	[tilespmem:$0x18340] =	vst v0  }
0x3d: {  	[tilespmem:$0x18350] =	vst v0  }
0x3e: {  	[tilespmem:$0x18360] =	vst v0  }
0x3f: {  	[tilespmem:$0x18370] =	vst v0  }
0x40: {  	[tilespmem:$0x18380] =	vst v0  }
0x41: {  	[tilespmem:$0x18390] =	vst v0  }
0x42: {  	[tilespmem:$0x183A0] =	vst v0  }
0x43: {  	[tilespmem:$0x183B0] =	vst v0  }
0x44: {  	[tilespmem:$0x183C0] =	vst v0  }
0x45: {  	[tilespmem:$0x183D0] =	vst v0  }
0x46: {  	[tilespmem:$0x183E0] =	vst v0  }
0x47: {  	[tilespmem:$0x183F0] =	vst v0  }
0x48: {  	[tilespmem:$0x18400] =	vst v0  }
0x49: {  	[tilespmem:$0x18410] =	vst v0  }
0x4a: {  	[tilespmem:$0x18420] =	vst v0  }
0x4b: {  	[tilespmem:$0x18430] =	vst v0  }
0x4c: {  	[tilespmem:$0x18440] =	vst v0  }
0x4d: {  	[tilespmem:$0x18450] =	vst v0  }
0x4e: {  	[tilespmem:$0x18460] =	vst v0  }
0x4f: {  	[tilespmem:$0x18470] =	vst v0;
	s16 =	simm.s32 $0x0;
	s17 =	simm.s32 $0x200  }
.LBB2_2:
0x50: {  	p1 =	sne.s32 s17, $0x9E00;
	[tilespmem:s16+$0x158F0] =	vst v1  }
0x51: {  	[tilespmem:s16+$0x15880] =	vst v1  }
0x52: {  	[tilespmem:s16+$0x15890] =	vst v1  }
.Ltmp0:
0x53: {  	[tilespmem:s16+$0x158A0] =	vst v1;
	(pc) =	sbr.rel @p1 .LBB2_2-.Ltmp0, $4  }
0x54: {  	[tilespmem:s16+$0x158B0] =	vst v1  }
0x55: {  	[tilespmem:s16+$0x158C0] =	vst v1  }
0x56: {  	[tilespmem:s16+$0x158D0] =	vst v1  }
0x57: {  	[tilespmem:s16+$0x158E0] =	vst v1;
	s16 =	sshra.s32 s17, $0x2;
	s17 =	sadd.s32 $0x200, s17  }
0x58: {  	[tilespmem:s16+$0x158F0] =	vst v1  }
0x59: {  	[tilespmem:s16+$0x15880] =	vst v1  }
0x5a: {  	[tilespmem:s16+$0x15890] =	vst v1  }
0x5b: {  	[tilespmem:s16+$0x158A0] =	vst v1  }
0x5c: {  	[tilespmem:s16+$0x158B0] =	vst v1  }
0x5d: {  	[tilespmem:s16+$0x158C0] =	vst v1;
	p1 =	sne.s32 s4, $0x1  }
.Ltmp1:
0x5e: {  	[tilespmem:s16+$0x158D0] =	vst v1;
	(pc) =	sbr.rel @!p1 .LBB2_5-.Ltmp1, $4  }
0x5f: {  	[tilespmem:s16+$0x158E0] =	vst v1  }
0x60: {  	[spmem:s6] =	stream.linear.scatter [tilespmem:s11], [sflag:$0x1], $0x400, $0x38;
	[tilespmem:$0x18480] =	vst v63  }
0x61: {  	_ =	swait.ge [sflag:s12], $0x400  }
0x62: {  	s16 =	sadd.s32 $0xFFFFFFFF, s4;
	s17 =	smov.u32 s6;
	[sflag:s12] =	ssyncset.done $0x0  }
.LBB2_4:
0x63: {  	p2 =	sne.s32 s16, $0x1;
	[sflag:s12] =	ssyncadd.s32 $0xFFFFFC00;
	s17 =	sadd.s32 $0x400, s17  }
.Ltmp2:
0x64: {  	s16 =	sadd.s32 $0xFFFFFFFF, s16;
	(pc) =	sbr.rel @p2 .LBB2_4-.Ltmp2, $4  }
0x65: {  	_ = 	snop  }
0x66: {  	[spmem:s17] =	stream.linear.scatter [tilespmem:s11], [sflag:$0x1], $0x400, $0x38;
	[tilespmem:$0x18480] =	vst v63  }
0x67: {  	_ =	swait.ge [sflag:s12], $0x400  }
0x68: {  	[sflag:s12] =	ssyncset.done $0x0  }
.LBB2_5:
0x69: {  	[sflag:s12] =	ssyncadd.s32 $0xFFFFFC00  }
0x6a: {  	s16 =	simm.s32 @p0 $0x0;
	s17 =	simm.s32 @p0 $0x13880;
	[bflag:$0x0] =	sbarrier.arrive $0xFFFF  }
0x6b: {  	[tilespmem:s17], [sflag:$0x1] =	stream.linear.gather @p0 [hbm4b:s8+s16], $0x800, $0x38;
	[tilespmem:$0x18480] =	vst v63  }
0x6c: {  	s16 =	simm.s32 @p0 $0x1  }
0x6d: {  	_ =	swait.ge @p0 [sflag:s16], $0x800  }
0x6e: {  	[sflag:s16] =	ssyncset.done @p0 $0x0  }
0x6f: {  	s17 =	simm.s32 @!p0 $0x13880;
	[sflag:s16] =	ssyncadd.s32 @p0 $0xFFFFF800;
	s16 =	simm.s32 @!p0 $0x0  }
0x70: {  	[tilespmem:s17], [sflag:$0x1] =	stream.linear.gather @!p0 [hbm4b:s7+s16], $0x2000, $0x38;
	[tilespmem:$0x18480] =	vst v63  }
0x71: {  	s16 =	simm.s32 @!p0 $0x1  }
0x72: {  	p2 =	sne.s32 s5, $0x1;
	_ =	swait.ge @!p0 [sflag:s16], $0x2000  }
.Ltmp3:
0x73: {  	[sflag:s16] =	ssyncset.done @!p0 $0x0;
	(pc) =	sbr.rel @!p2 .LBB2_7-.Ltmp3, $4  }
0x74: {  	[sflag:s16] =	ssyncadd.s32 @!p0 $0xFFFFE000;
	s16 =	simm.s32 $0x13880  }
0x75: {  	[spmem:s1] =	stream.indirect.scatter.add.f32 [tilespmem:s14], [sflag:$0x1], $0x80, s16, s13, $0xb8;
	[tilespmem:$0x18480] =	vst v63  }
0x76: {  	_ =	swait.ge [sflag:s12], $0x2800  }
0x77: {  	s17 =	sadd.s32 $0xFFFFFFFF, s5;
	[sflag:s12] =	ssyncset.done $0x0  }
.LBB2_6:
0x78: {  	p2 =	sne.s32 s17, $0x1;
	[sflag:s12] =	ssyncadd.s32 $0xFFFFD800;
	s16 =	sadd.s32 $0x80, s16  }
.Ltmp4:
0x79: {  	s17 =	sadd.s32 $0xFFFFFFFF, s17;
	(pc) =	sbr.rel @p2 .LBB2_6-.Ltmp4, $4  }
0x7a: {  	_ = 	snop  }
0x7b: {  	[spmem:s1] =	stream.indirect.scatter.add.f32 [tilespmem:s14], [sflag:$0x1], $0x80, s16, s13, $0xb8;
	[tilespmem:$0x18480] =	vst v63  }
0x7c: {  	_ =	swait.ge [sflag:s12], $0x2800  }
0x7d: {  	[sflag:s12] =	ssyncset.done $0x0  }
.LBB2_7:
.Ltmp5:
0x7e: {  	[sflag:s12] =	ssyncadd.s32 $0xFFFFD800;
	(pc) =	sbr.rel @!p1 .LBB2_9-.Ltmp5, $4  }
0x7f: {  	s16 =	sshrl.u32 s6, $0x3;
	[bflag:$0x0] =	sbarrier.arrive $0xFFFF  }
0x80: {  	[hbm:s10], [sflag:s15] =	dma.local [spmem:s16], $0x80  }
0x81: {  	s17 =	sadd.s32 $0x400, s6;
	_ =	swait.ge [sflag:s12], $0x80  }
0x82: {  	s18 =	smov.u32 s10;
	s16 =	sadd.s32 $0xFFFFFFFF, s4;
	[sflag:s12] =	ssyncset.done $0x0  }
.LBB2_8:
0x83: {  	s19 =	sshrl.u32 s17, $0x3  }
0x84: {  	[sflag:s12] =	ssyncadd.s32 $0xFFFFFF80;
	s18 =	sadd.s32 $0x80, s18;
	p1 =	sne.s32 s16, $0x1  }
0x85: {  	[hbm:s18], [sflag:s15] =	dma.local [spmem:s19], $0x80  }
.Ltmp6:
0x86: {  	_ = 	snop;
	(pc) =	sbr.rel @p1 .LBB2_8-.Ltmp6, $4  }
0x87: {  	_ = 	snop  }
0x88: {  	s16 =	sadd.s32 $0xFFFFFFFF, s16  }
0x89: {  	_ =	swait.ge [sflag:s12], $0x80  }
0x8a: {  	s17 =	sadd.s32 $0x400, s17;
	[sflag:s12] =	ssyncset.done $0x0  }
.LBB2_9:
0x8b: {  	s3 =	sadd.s32 $0x1, s3  }
0x8c: {  	p1 =	sne.s32 s3, s9  }
.Ltmp7:
0x8d: {  	_ = 	snop;
	(pc) =	sbr.rel @p1 .LBB2_1-.Ltmp7, $2  }
0x8e: {  	_ =	sdelay $0x2  }
0x8f: {  	[sflag:s12] =	ssyncadd.s32 $0xFFFFFF80  }
0x90: {  	_ =	sfence.sel $0x180000  }
0x91: {  	[bflag:$0x0] =	sbarrier.arrive $0xFFFF  }
0x92: {  	p0 =	sne.s32 s2, $0x0;
	_ =	strace $0x9000004A  }
0x93: {  	s0 =	sadd.s32 @!p0 $0x100000, s0;
	[bflag:$0x2] =	sbarrier.arrive $0xFFFF  }
0x94: {  	[sflag:s0] =	ssyncadd.tile.s32 @!p0 $0x1;
	_ =	shalt  }
.Lfunc_end2:
_tile_overlayer_lowered:
.L_overlay_start_2:
0x95: {  	(tag) =	ssettag $0x2  }
0x96: {  	s0 =	rddreg [dreg:$0x0];
	s2 =	stileid.u32  }
0x97: {  	s1 =	rddreg [dreg:$0x1];
	p0 =	sne.s32 s2, $0x0  }
0x98: {  	s3 =	rddreg [dreg:$0x2];
	[bflag:$0x3] =	sbarrier.arrive $0xFFFF;
	s2 =	simm.s32 @!p0 $0x1C01  }
0x99: {  	[timem:s3], [sflag:s2] =	dma.local @!p0 [hbm:s0], s1  }
0x9a: {  	s0 =	simm.s32 @!p0 $0x1  }
0x9b: {  	_ =	swait.ge @!p0 [sflag:s0], s1  }
0x9c: {  	s1 =	ssub.s32 @!p0 $0x0, s1;
	[sflag:s0] =	ssyncset.done @!p0 $0x0  }
0x9d: {  	[sflag:s0] =	ssyncadd.s32 @!p0 s1  }
0x9e: {  	[bflag:$0x3] =	sbarrier.arrive $0xFFFF  }
0x9f: {  	_ =	shalt  }

// kernel: kernel.21.cloned.1.call-start
scs
__scs_entry_jumppad:
0x0: {  	(pc) =	sbr.rel $0x88, $3  }
0x1: {  	(tag) =	ssettag $0x0;
	lr =	simm.s32 $0x1  }
0x2: {  	[smem:$0x3F89] =	sst lr;
	_ =	strace $0xD0000000  }
0x3: {  	_ = 	snop  }
0x4: {  	_ = 	snop  }
0x5: {  	_ = 	snop  }
0x6: {  	_ = 	snop  }
0x7: {  	_ = 	snop  }
__scs_overlays_trampoline_lowered:
0x8: {  	[smem:$0x3F98] =	sst s0  }
0x9: {  	[smem:$0x3F99] =	sst s1  }
0xa: {  	[smem:$0x3F9A] =	sst s2  }
0xb: {  	[smem:$0x3F9B] =	sst s3  }
0xc: {  	[smem:$0x3F9C] =	sst s4  }
0xd: {  	[smem:$0x3F9D] =	sst s5  }
0xe: {  	[smem:$0x3F9E] =	sst s6  }
0xf: {  	[smem:$0x3F9F] =	sst s7  }
0x10: {  	[smem:$0x3FA0] =	sst s8  }
0x11: {  	[smem:$0x3FA1] =	sst s9;
	s0 =	simm.s32 @!p0 $0x0  }
0x12: {  	s1 =	sld [smem:$0x3F87];
	s0 =	simm.s32 @p0 $0x1  }
0x13: {  	[smem:$0x3FA2] =	sst s0;
	s0 =	simm.s32 @!p1 $0x0  }
0x14: {  	s2 =	sld [smem:$0x3F86];
	s0 =	simm.s32 @p1 $0x1  }
0x15: {  	[smem:$0x3FA3] =	sst s0;
	s0 =	simm.s32 @!p2 $0x0  }
0x16: {  	s3 =	sld [smem:$0x3FDB];
	s0 =	simm.s32 @p2 $0x1  }
0x17: {  	s4 =	simm.s32 $0x1BF5;
	[smem:$0x3FA5] =	sst s0  }
0x18: {  	s0 =	sld [smem:$0x3F88];
	_ =	swait.ge [sflag:s4], $0x0  }
0x19: {  	s7 =	sld [smem:$0x3F89]  }
0x1a: {  	s8 =	sadd.s32 $0xFFFFE003, lr  }
0x1b: {  	s9 =	sadd.s32 $0xFFFFFEF7, lr;
	s5 =	simm.s32 $0xFFFFFFFF;
	p2 =	slt.u32 s8, $0xFFFFF086  }
0x1c: {  	p1 =	slt.u32 s9, $0xF7A;
	s5 =	simm.s32 @!p2 $0x0  }
0x1d: {  	s5 =	simm.s32 @p1 $0x1;
	p0 =	seq.s32 s7, s2  }
0x1e: {  	s7 =	smul.u32 @!p0 $0xF7A, s2;
	p2 =	seq.s32 @!p0 s5, $0x0  }
0x1f: {  	s9 =	smul.u32 $0xF7A, s1;
	s8 =	simm.s32 @!p0 $0x1BF5;
	p2 =	por !p2, p0  }
0x20: {  	[sflag:s8] =	ssyncset.s32 @!p0 $0xFFFFF086;
	s6 =	sadd.s32 @!p0 s3, s7;
	s7 =	simm.s32 @!p0 $0x108  }
0x21: {  	s3 =	sadd.s32 s3, s9;
	s6 =	sadd.s32 @!p0 $0x88, s6;
	s7 =	simm.s32 @p2 $0x1082  }
0x22: {  	[simem:s7], [sflag:s8] =	dma.local @!p0 [hbm:s6], $0xF7A  }
0x23: {  	s9 =	sor.u32 $0xD0000000, s2;
	s6 =	simm.s32 $0x108;
	_ =	swait.ge @!p0 [sflag:s8], $0x0  }
0x24: {  	s3 =	sadd.s32 $0x88, s3;
	s6 =	simm.s32 @!p1 $0x1082;
	[sflag:s4] =	ssyncset.s32 $0xFFFFF086  }
0x25: {  	[simem:s6], [sflag:s4] =	dma.local [hbm:s3], $0xF7A  }
0x26: {  	[smem:$0x3F89] =	sst s1;
	(tag) =	ssettag s2;
	_ =	strace s9  }
0x27: {  	s1 =	sld [smem:$0x3F99]  }
0x28: {  	s2 =	sld [smem:$0x3F9A]  }
0x29: {  	s4 =	sld [smem:$0x3F9C]  }
0x2a: {  	p0 =	seq.s32 s5, $0x0;
	s5 =	sld [smem:$0x3F9D]  }
0x2b: {  	s6 =	sld [smem:$0x3F9E]  }
0x2c: {  	s7 =	sld [smem:$0x3F9F]  }
0x2d: {  	s3 =	simm.s32 $0x108;
	s8 =	sld [smem:$0x3FA0]  }
0x2e: {  	s3 =	simm.s32 @!p0 $0x1082;
	s9 =	sld [smem:$0x3FA1]  }
0x2f: {  	lr =	sadd.s32 s0, s3;
	s0 =	sld [smem:$0x3F98]  }
0x30: {  	s3 =	sld [smem:$0x3F9B]  }
0x31: {  	[smem:$0x3FA4] =	sst s10  }
0x32: {  	s10 =	sld [smem:$0x3FA2];
	_ =	sdelay $0x3  }
0x33: {  	p0 =	seq.s32 s10, $0x1;
	s10 =	sld [smem:$0x3FA4];
	_ =	sdelay $0x3  }
0x34: {  	[smem:$0x3FA4] =	sst s10  }
0x35: {  	s10 =	sld [smem:$0x3FA3];
	_ =	sdelay $0x3  }
0x36: {  	p1 =	seq.s32 s10, $0x1;
	s10 =	sld [smem:$0x3FA4];
	_ =	sdelay $0x3  }
0x37: {  	[smem:$0x3FA4] =	sst s10  }
0x38: {  	s10 =	sld [smem:$0x3FA5]  }
0x39: {  	_ = 	snop;
	(pc) =	sbr.ind lr, $3  }
0x3a: {  	_ = 	snop  }
0x3b: {  	_ = 	snop  }
0x3c: {  	p2 =	seq.s32 s10, $0x1;
	s10 =	sld [smem:$0x3FA4]  }
0x3d: {  	_ =	shalt  }
0x3e: {  	_ =	shalt  }
0x3f: {  	_ =	shalt  }
0x40: {  	_ =	shalt  }
0x41: {  	_ =	shalt  }
0x42: {  	_ =	shalt  }
0x43: {  	_ =	shalt  }
0x44: {  	_ =	shalt  }
0x45: {  	_ =	shalt  }
0x46: {  	_ =	shalt  }
0x47: {  	_ =	shalt  }
0x48: {  	_ =	shalt  }
0x49: {  	_ =	shalt  }
0x4a: {  	_ =	shalt  }
0x4b: {  	_ =	shalt  }
0x4c: {  	_ =	shalt  }
0x4d: {  	_ =	shalt  }
0x4e: {  	_ =	shalt  }
0x4f: {  	_ =	shalt  }
0x50: {  	_ =	shalt  }
0x51: {  	_ =	shalt  }
0x52: {  	_ =	shalt  }
0x53: {  	_ =	shalt  }
0x54: {  	_ =	shalt  }
0x55: {  	_ =	shalt  }
0x56: {  	_ =	shalt  }
0x57: {  	_ =	shalt  }
0x58: {  	_ =	shalt  }
0x59: {  	_ =	shalt  }
0x5a: {  	_ =	shalt  }
0x5b: {  	_ =	shalt  }
0x5c: {  	_ =	shalt  }
0x5d: {  	_ =	shalt  }
0x5e: {  	_ =	shalt  }
0x5f: {  	_ =	shalt  }
0x60: {  	_ =	shalt  }
0x61: {  	_ =	shalt  }
0x62: {  	_ =	shalt  }
0x63: {  	_ =	shalt  }
0x64: {  	_ =	shalt  }
0x65: {  	_ =	shalt  }
0x66: {  	_ =	shalt  }
0x67: {  	_ =	shalt  }
0x68: {  	_ =	shalt  }
0x69: {  	_ =	shalt  }
0x6a: {  	_ =	shalt  }
0x6b: {  	_ =	shalt  }
0x6c: {  	_ =	shalt  }
0x6d: {  	_ =	shalt  }
0x6e: {  	_ =	shalt  }
0x6f: {  	_ =	shalt  }
0x70: {  	_ =	shalt  }
0x71: {  	_ =	shalt  }
0x72: {  	_ =	shalt  }
0x73: {  	_ =	shalt  }
0x74: {  	_ =	shalt  }
0x75: {  	_ =	shalt  }
0x76: {  	_ =	shalt  }
0x77: {  	_ =	shalt  }
0x78: {  	_ =	shalt  }
0x79: {  	_ =	shalt  }
0x7a: {  	_ =	shalt  }
0x7b: {  	_ =	shalt  }
0x7c: {  	_ =	shalt  }
0x7d: {  	_ =	shalt  }
0x7e: {  	_ =	shalt  }
0x7f: {  	_ =	shalt  }
0x80: {  	_ =	shalt  }
0x81: {  	_ =	shalt  }
0x82: {  	_ =	shalt  }
0x83: {  	_ =	shalt  }
0x84: {  	_ =	shalt  }
0x85: {  	_ =	shalt  }
0x86: {  	_ =	shalt  }
0x87: {  	_ =	shalt  }
.Lfunc_end0:
.L_simem_size_0:
called_computation.3_lowered:
.L_overlay_start_0:
0x88: {  	s2 =	sld [smem:$0x3FD9]  }
0x89: {  	s3 =	sld [smem:$0x3FFE];
	_ =	sdelay $0x1  }
0x8a: {  	s1 =	srdreg.scid  }
0x8b: {  	s0 =	sand.u32 $0x1, s1  }
0x8c: {  	s14 =	sshll.u32 s0, $0xA;
	s2 =	sadd.s32 s3, s2  }
0x8d: {  	s2 =	sadd.s32 s2, s14  }
0x8e: {  	[smem:$0x3FB0] =	sst s2  }
0x8f: {  	_ = 	snop  }
0x90: {  	s2 =	sld [smem:$0x3FD0];
	_ =	sdelay $0x2  }
0x91: {  	s15 =	simm.s32 $0xB;
	s4 =	simm.s32 $0x10  }
0x92: {  	[smem:s4], [sflag:s15] =	dma.local [hbm:s2], $0x1  }
0x93: {  	_ =	swait.eq [sflag:s15], $0x1  }
0x94: {  	[sflag:s15] =	ssyncset.done $0x0  }
0x95: {  	s16 =	sld [smem:$0x14];
	[sflag:s15] =	ssyncadd.s32 $0xFFFFFFFF  }
0x96: {  	s17 =	sld [smem:$0x15];
	(tm) =	ssettm $0x1  }
0x97: {  	s18 =	sld [smem:$0x3FFB];
	_ =	sdelay $0x3  }
0x98: {  	_ =	strace s18  }
0x99: {  	s4 =	sld [smem:$0x3FFC];
	_ =	sdelay $0x3  }
0x9a: {  	_ =	strace s4  }
0x9b: {  	s4 =	sld [smem:$0x3FFD];
	_ =	sdelay $0x3  }
0x9c: {  	_ =	strace s4  }
0x9d: {  	_ =	strace $0x8FFFFFFF  }
0x9e: {  	s19 =	sld [smem:$0x3FDB];
	_ =	sdelay $0x1  }
0x9f: {  	s5 =	simm.s32 $_scs_section_size  }
0xa0: {  	s6 =	simm.s32 $_size__tile_overlayer_lowered;
	s7 =	simm.s32 $_tile_overlayer_lowered  }
0xa1: {  	s22 =	simm.s32 $0x1BFF;
	s21 =	sshll.u32 s7, $0x1;
	s4 =	sadd.s32 s5, s19  }
0xa2: {  	s8 =	simm.s32 $0x0;
	s20 =	sshll.u32 s6, $0x1;
	s6 =	sadd.s32 s21, s4  }
0xa3: {  	[timem:s8], [sflag:s22] =	dma.local [hbm:s6], s20  }
0xa4: {  	_ =	swait.ge [sflag:s22], s20  }
0xa5: {  	s5 =	ssub.s32 $0x0, s20;
	[sflag:s22] =	ssyncset.done $0x0  }
0xa6: {  	[sflag:s22] =	ssyncadd.s32 s5;
	_ =	sdelay $0x1  }
0xa7: {  	s23 =	simm.s32 $0x1B8B  }
0xa8: {  	_ =	swait.ge [sflag:s23], $0x1  }
0xa9: {  	[sflag:s23] =	ssyncset.done $0x0  }
0xaa: {  	s25 =	simm.s32 $0x1B8E;
	s24 =	sld [smem:$0x3FFE];
	[sflag:s23] =	ssyncadd.s32 $0xFFFFFFFF  }
0xab: {  	s26 =	simm.s32 $execute0_lowered;
	[smem:$0x3FD2] =	sst s25  }
0xac: {  	s6 =	sshll.u32 s26, $0x1;
	_ =	strace $0x8000004F;
	[dreg:$0x1] =	wrdreg $0xFFFFFFFF  }
0xad: {  	s28 =	simm.s32 $_size_execute0_lowered;
	s4 =	sadd.s32 s4, s6;
	[dreg:$0x0] =	wrdreg $0x0  }
0xae: {  	s6 =	sshll.u32 s28, $0x1;
	[dreg:$0x2] =	wrdreg s4  }
0xaf: {  	[dreg:$0x3] =	wrdreg s6  }
0xb0: {  	[dreg:$0x4] =	wrdreg $0xC0  }
0xb1: {  	_ =	task [dreg:s8], $0x5FFFF  }
0xb2: {  	[dreg:$0x1] =	wrdreg $0xFFFFFFFF  }
0xb3: {  	[dreg:$0x0] =	wrdreg $0x60  }
0xb4: {  	[dreg:$0x2] =	wrdreg s24  }
0xb5: {  	[dreg:$0x3] =	wrdreg s16  }
0xb6: {  	[dreg:$0x4] =	wrdreg s17  }
0xb7: {  	[dreg:$0x5] =	wrdreg $0x9  }
0xb8: {  	_ =	task.clear_ibuf [dreg:s8], $0x6FFFF;
	_ =	strace $0x9000004F  }
0xb9: {  	s29 =	simm.s32 $0x9;
	_ =	strace $0x80000051  }
0xba: {  	_ =	swait.ge [sflag:s29], $0x1  }
0xbb: {  	[sflag:s29] =	ssyncadd.s32 $0xFFFFFFFF  }
0xbc: {  	_ =	strace $0x90000051  }
0xbd: {  	_ =	sfence  }
0xbe: {  	s30 =	sld [smem:$0x0];
	_ =	sdelay $0x2  }
0xbf: {  	s31 =	sshll.u32 s1, $0xD;
	s1 =	sshrl.u32 s1, $0x2  }
0xc0: {  	s3 =	sand.u32 $0x4000, s31;
	s1 =	sadd.s32 s1, s30  }
0xc1: {  	s0 =	sor.u32 s3, s0;
	s1 =	sshll.u32 s1, $0x11  }
0xc2: {  	s0 =	sor.u32 s1, s0  }
0xc3: {  	s0 =	sadd.s32 $0x8F2B, s0  }
0xc4: {  	[sflag:s0] =	ssyncadd.remote.s32 $0x1  }
0xc5: {  	_ =	sfence.sel $0xFFFF  }
0xc6: {  	[dreg:$0x0] =	wrdreg $0xFFFFFFFF;
	(pc) =	sbr.abs _section_cstart, $3  }
0xc7: {  	[dreg:$0x1] =	wrdreg $0xFFFFFFFF  }
0xc8: {  	_ =	task.clear_ibuf [dreg:s8], $0x2FFFF;
	_ =	strace $0x9FFFFFFF  }
0xc9: {  	(tm) =	ssettm $0x7FFFFFFF  }
tec
execute0_lowered:
.L_overlay_start_1:
0x0: {  	(tag) =	ssettag $0x1  }
0x1: {  	s0 =	rddreg [dreg:$0x0]  }
0x2: {  	s1 =	rddreg [dreg:$0x1]  }
0x3: {  	s7 =	rddreg [dreg:$0x2]  }
0x4: {  	s3 =	srdreg.scid;
	s4 =	stileid.u32  }
0x5: {  	s2 =	simm.s32 $0x0;
	s13 =	simm.s32 $0x2800;
	s28 =	simm.s32 $0x9800  }
0x6: {  	s29 =	simm.s32 $0xA000;
	s30 =	simm.s32 $0xA800;
	s31 =	simm.s32 $0xB000  }
0x7: {  	s12 =	simm.s32 $0xC800;
	s14 =	simm.s32 $0xF000;
	s15 =	simm.s32 $0xF800  }
0x8: {  	s16 =	simm.s32 $0x10000;
	s17 =	simm.s32 $0x10800;
	s18 =	simm.s32 $0x11000  }
0x9: {  	s19 =	simm.s32 $0x11800;
	s20 =	simm.s32 $0x12000;
	s6 =	sand.u32 $0x1, s3  }
0xa: {  	s22 =	sshll.u32 s4, $0x1;
	[smem:$0x7FF] =	sst s2;
	s4 =	sadd.s32 $0xA3000, s0  }
0xb: {  	s5 =	sadd.s32 $0x58CC00, s0;
	s8 =	sor.u32 s6, s22;
	_ =	strace $0x80000050  }
0xc: {  	s9 =	ssub.s32 $0x2, s6;
	s6 =	sadd.s32 $0xF1200, s0;
	s3 =	smul.u32 $0x138800, s8  }
0xd: {  	s22 =	simm.s32 $0x0;
	s10 =	sshrl.u32 s9, $0x1;
	s8 =	smul.u32 $0x271, s8  }
0xe: {  	s23 =	ssub.s32 s9, s10;
	s9 =	simm.s32 $0xE000;
	s10 =	simm.s32 $0xE800  }
0xf: {  	s11 =	sshrl.u32 s3, $0x3;
	s1 =	sadd.s32 s1, s8;
	s25 =	sadd.s32 s7, s8  }
0x10: {  	s0 =	smax.u32 s23, $0x1;
	s7 =	simm.s32 $0xD000;
	[dreg:$0x4] =	wrdreg s1  }
0x11: {  	v2 =	vlaneseq.u32;
	s8 =	simm.s32 $0xD800;
	s24 =	sadd.s32 s5, s11;
	[dreg:$0x5] =	wrdreg s25  }
0x12: {  	vm0 =	vmmov $0xffff;
	v1 =	vshrl.u32 v2, $0x3;
	[dreg:$0x7] =	wrdreg s0;
	s11 =	simm.s32 $0x1;
	s26 =	sadd.s32 $0x27000, s24  }
0x13: {  	v0 =	vand.u32 $0x7, v2;
	v2 =	vor.u32 $0x8, v2;
	v1 =	vmul.u32 $0x8, v1;
	s0 =	simm.s32 $0xB800;
	s1 =	simm.s32 $0xC000;
	[dreg:$0x6] =	wrdreg s26  }
.LBB2_1:
0x14: {  	[dreg:$0x8] =	wrdreg s22  }
0x15: {  	s21 =	rddreg [dreg:$0x4]  }
0x16: {  	[tilespmem:s2], [sflag:$0x1] =	stream.linear.gather [hbm4b:s21+s2], $0x1388, $0x38;
	[tilespmem:$0x12800] =	vst v63  }
0x17: {  	_ =	swait.ge [sflag:s11], $0x1388  }
0x18: {  	[sflag:s11] =	ssyncset.done $0x0  }
0x19: {  	s26 =	simm.s32 $0x1400;
	s25 =	rddreg [dreg:$0x5];
	[sflag:s11] =	ssyncadd.s32 $0xFFFFEC78  }
0x1a: {  	[tilespmem:s26], [sflag:$0x1] =	stream.linear.gather [hbm4b:s25+s2], $0x1388, $0x38;
	[tilespmem:$0x12800] =	vst v63  }
0x1b: {  	_ =	swait.ge [sflag:s11], $0x1388  }
0x1c: {  	[sflag:s11] =	ssyncset.done $0x0  }
0x1d: {  	s21 =	simm.s32 $0x0;
	[sflag:s11] =	ssyncadd.s32 $0xFFFFEC78  }
.LBB2_2:
0x1e: {  	s23 =	sshll.u32 s21, $0x7  }
0x1f: {  	v3 =	vld [tilespmem:s23+$0x0];
	_ =	sdelay $0x4  }
0x20: {  	v4 =	vshll.u32 v3, $0x1  }
0x21: {  	v3 =	vand.u32 $0x7, v3;
	v4 =	vand.u32 $0xFFFFFFF0, v4  }
0x22: {  	v3 =	vor.u32 v3, v4  }
0x23: {  	v4 =	vperm.xlane v3, v0;
	_ =	sdelay $0x1  }
0x24: {  	v3 =	vperm.xlane v3, v2;
	v4 =	vadd.s32 v1, v4;
	_ =	sdelay $0x1  }
0x25: {  	v3 =	vadd.s32 v1, v3;
	_ =	sdelay $0x1  }
0x26: {  	s22 =	simm.s32 $0x0  }
0x27: {  	[tilespmem:s13], [sflag:$0x1] =	stream.indirect_vreg.gather [hbm4b:s4+s22], $0x80, v4, vm0, $0xb8;
	[tilespmem:$0x12800] =	vst v63  }
0x28: {  	s24 =	simm.s32 $0x3000  }
0x29: {  	[tilespmem:s24], [sflag:$0x1] =	stream.indirect_vreg.gather [hbm4b:s4+s22], $0x80, v3, vm0, $0xb8;
	[tilespmem:$0x12800] =	vst v63  }
0x2a: {  	v3 =	vld [tilespmem:s23+$0x10];
	_ =	sdelay $0x4  }
0x2b: {  	v4 =	vshll.u32 v3, $0x1  }
0x2c: {  	v3 =	vand.u32 $0x7, v3;
	v4 =	vand.u32 $0xFFFFFFF0, v4  }
0x2d: {  	v3 =	vor.u32 v3, v4  }
0x2e: {  	v4 =	vperm.xlane v3, v0;
	_ =	sdelay $0x1  }
0x2f: {  	v3 =	vperm.xlane v3, v2;
	v4 =	vadd.s32 v1, v4;
	_ =	sdelay $0x1  }
0x30: {  	v3 =	vadd.s32 v1, v3;
	_ =	sdelay $0x1  }
0x31: {  	s26 =	simm.s32 $0x3800  }
0x32: {  	[tilespmem:s26], [sflag:$0x1] =	stream.indirect_vreg.gather [hbm4b:s4+s22], $0x80, v4, vm0, $0xb8;
	[tilespmem:$0x12800] =	vst v63  }
0x33: {  	s25 =	simm.s32 $0x4000  }
0x34: {  	[tilespmem:s25], [sflag:$0x1] =	stream.indirect_vreg.gather [hbm4b:s4+s22], $0x80, v3, vm0, $0xb8;
	[tilespmem:$0x12800] =	vst v63  }
0x35: {  	v3 =	vld [tilespmem:s23+$0x20];
	_ =	sdelay $0x4  }
0x36: {  	v4 =	vshll.u32 v3, $0x1  }
0x37: {  	v3 =	vand.u32 $0x7, v3;
	v4 =	vand.u32 $0xFFFFFFF0, v4  }
0x38: {  	v3 =	vor.u32 v3, v4  }
0x39: {  	v4 =	vperm.xlane v3, v0;
	_ =	sdelay $0x1  }
0x3a: {  	v3 =	vperm.xlane v3, v2;
	v4 =	vadd.s32 v1, v4;
	_ =	sdelay $0x1  }
0x3b: {  	v3 =	vadd.s32 v1, v3;
	_ =	sdelay $0x1  }
0x3c: {  	s26 =	simm.s32 $0x4800  }
0x3d: {  	[tilespmem:s26], [sflag:$0x1] =	stream.indirect_vreg.gather [hbm4b:s4+s22], $0x80, v4, vm0, $0xb8;
	[tilespmem:$0x12800] =	vst v63  }
0x3e: {  	s25 =	simm.s32 $0x5000  }
0x3f: {  	[tilespmem:s25], [sflag:$0x1] =	stream.indirect_vreg.gather [hbm4b:s4+s22], $0x80, v3, vm0, $0xb8;
	[tilespmem:$0x12800] =	vst v63  }
0x40: {  	v3 =	vld [tilespmem:s23+$0x30];
	_ =	sdelay $0x4  }
0x41: {  	v4 =	vshll.u32 v3, $0x1  }
0x42: {  	v3 =	vand.u32 $0x7, v3;
	v4 =	vand.u32 $0xFFFFFFF0, v4  }
0x43: {  	v3 =	vor.u32 v3, v4  }
0x44: {  	v4 =	vperm.xlane v3, v0;
	_ =	sdelay $0x1  }
0x45: {  	v3 =	vperm.xlane v3, v2;
	v4 =	vadd.s32 v1, v4;
	_ =	sdelay $0x1  }
0x46: {  	v3 =	vadd.s32 v1, v3;
	_ =	sdelay $0x1  }
0x47: {  	s26 =	simm.s32 $0x5800  }
0x48: {  	[tilespmem:s26], [sflag:$0x1] =	stream.indirect_vreg.gather [hbm4b:s4+s22], $0x80, v4, vm0, $0xb8;
	[tilespmem:$0x12800] =	vst v63  }
0x49: {  	s25 =	simm.s32 $0x6000  }
0x4a: {  	[tilespmem:s25], [sflag:$0x1] =	stream.indirect_vreg.gather [hbm4b:s4+s22], $0x80, v3, vm0, $0xb8;
	[tilespmem:$0x12800] =	vst v63  }
0x4b: {  	v3 =	vld [tilespmem:s23+$0x40];
	_ =	sdelay $0x4  }
0x4c: {  	v4 =	vshll.u32 v3, $0x1  }
0x4d: {  	v3 =	vand.u32 $0x7, v3;
	v4 =	vand.u32 $0xFFFFFFF0, v4  }
0x4e: {  	v3 =	vor.u32 v3, v4  }
0x4f: {  	v4 =	vperm.xlane v3, v0;
	_ =	sdelay $0x1  }
0x50: {  	v3 =	vperm.xlane v3, v2;
	v4 =	vadd.s32 v1, v4;
	_ =	sdelay $0x1  }
0x51: {  	v3 =	vadd.s32 v1, v3;
	_ =	sdelay $0x1  }
0x52: {  	s26 =	simm.s32 $0x6800  }
0x53: {  	[tilespmem:s26], [sflag:$0x1] =	stream.indirect_vreg.gather [hbm4b:s4+s22], $0x80, v4, vm0, $0xb8;
	[tilespmem:$0x12800] =	vst v63  }
0x54: {  	s25 =	simm.s32 $0x7000  }
0x55: {  	[tilespmem:s25], [sflag:$0x1] =	stream.indirect_vreg.gather [hbm4b:s4+s22], $0x80, v3, vm0, $0xb8;
	[tilespmem:$0x12800] =	vst v63  }
0x56: {  	v3 =	vld [tilespmem:s23+$0x50];
	_ =	sdelay $0x4  }
0x57: {  	v4 =	vshll.u32 v3, $0x1  }
0x58: {  	v3 =	vand.u32 $0x7, v3;
	v4 =	vand.u32 $0xFFFFFFF0, v4  }
0x59: {  	v3 =	vor.u32 v3, v4  }
0x5a: {  	v4 =	vperm.xlane v3, v0;
	_ =	sdelay $0x1  }
0x5b: {  	v3 =	vperm.xlane v3, v2;
	v4 =	vadd.s32 v1, v4;
	_ =	sdelay $0x1  }
0x5c: {  	v3 =	vadd.s32 v1, v3;
	_ =	sdelay $0x1  }
0x5d: {  	s26 =	simm.s32 $0x7800  }
0x5e: {  	[tilespmem:s26], [sflag:$0x1] =	stream.indirect_vreg.gather [hbm4b:s4+s22], $0x80, v4, vm0, $0xb8;
	[tilespmem:$0x12800] =	vst v63  }
0x5f: {  	s25 =	simm.s32 $0x8000  }
0x60: {  	[tilespmem:s25], [sflag:$0x1] =	stream.indirect_vreg.gather [hbm4b:s4+s22], $0x80, v3, vm0, $0xb8;
	[tilespmem:$0x12800] =	vst v63  }
0x61: {  	v3 =	vld [tilespmem:s23+$0x60];
	_ =	sdelay $0x4  }
0x62: {  	v4 =	vshll.u32 v3, $0x1  }
0x63: {  	v3 =	vand.u32 $0x7, v3;
	v4 =	vand.u32 $0xFFFFFFF0, v4  }
0x64: {  	v3 =	vor.u32 v3, v4  }
0x65: {  	v4 =	vperm.xlane v3, v0;
	_ =	sdelay $0x1  }
0x66: {  	v3 =	vperm.xlane v3, v2;
	v4 =	vadd.s32 v1, v4;
	_ =	sdelay $0x1  }
0x67: {  	v3 =	vadd.s32 v1, v3;
	_ =	sdelay $0x1  }
0x68: {  	s26 =	simm.s32 $0x8800  }
0x69: {  	[tilespmem:s26], [sflag:$0x1] =	stream.indirect_vreg.gather [hbm4b:s4+s22], $0x80, v4, vm0, $0xb8;
	[tilespmem:$0x12800] =	vst v63  }
0x6a: {  	s25 =	simm.s32 $0x9000  }
0x6b: {  	[tilespmem:s25], [sflag:$0x1] =	stream.indirect_vreg.gather [hbm4b:s4+s22], $0x80, v3, vm0, $0xb8;
	[tilespmem:$0x12800] =	vst v63  }
0x6c: {  	v3 =	vld [tilespmem:s23+$0x70];
	_ =	sdelay $0x4  }
0x6d: {  	v4 =	vshll.u32 v3, $0x1  }
0x6e: {  	v3 =	vand.u32 $0x7, v3;
	v4 =	vand.u32 $0xFFFFFFF0, v4  }
0x6f: {  	v3 =	vor.u32 v3, v4  }
0x70: {  	v4 =	vperm.xlane v3, v0;
	_ =	sdelay $0x1  }
0x71: {  	v3 =	vperm.xlane v3, v2;
	v4 =	vadd.s32 v1, v4;
	_ =	sdelay $0x1  }
0x72: {  	v3 =	vadd.s32 v1, v3;
	_ =	sdelay $0x2  }
0x73: {  	[tilespmem:s28], [sflag:$0x1] =	stream.indirect_vreg.gather [hbm4b:s4+s22], $0x80, v4, vm0, $0xb8;
	[tilespmem:$0x12800] =	vst v63  }
0x74: {  	_ = 	snop  }
0x75: {  	[tilespmem:s29], [sflag:$0x1] =	stream.indirect_vreg.gather [hbm4b:s4+s22], $0x80, v3, vm0, $0xb8;
	[tilespmem:$0x12800] =	vst v63  }
0x76: {  	_ =	swait.ge [sflag:s11], $0x8000  }
0x77: {  	[sflag:s11] =	ssyncset.done $0x0  }
0x78: {  	[sflag:s11] =	ssyncadd.s32 $0xFFFF8000  }
0x79: {  	v3 =	vld [tilespmem:s23+$0x1400];
	_ =	sdelay $0x4  }
0x7a: {  	v4 =	vshll.u32 v3, $0x1  }
0x7b: {  	v3 =	vand.u32 $0x7, v3;
	v4 =	vand.u32 $0xFFFFFFF0, v4  }
0x7c: {  	v3 =	vor.u32 v3, v4  }
0x7d: {  	v4 =	vperm.xlane v3, v0;
	_ =	sdelay $0x1  }
0x7e: {  	v3 =	vperm.xlane v3, v2;
	v4 =	vadd.s32 v1, v4;
	_ =	sdelay $0x1  }
0x7f: {  	v3 =	vadd.s32 v1, v3;
	_ =	sdelay $0x2  }
0x80: {  	[tilespmem:s30], [sflag:$0x1] =	stream.indirect_vreg.gather [hbm4b:s6+s22], $0x80, v4, vm0, $0xb8;
	[tilespmem:$0x12800] =	vst v63  }
0x81: {  	_ = 	snop  }
0x82: {  	[tilespmem:s31], [sflag:$0x1] =	stream.indirect_vreg.gather [hbm4b:s6+s22], $0x80, v3, vm0, $0xb8;
	[tilespmem:$0x12800] =	vst v63  }
0x83: {  	v3 =	vld [tilespmem:s23+$0x1410];
	_ =	sdelay $0x4  }
0x84: {  	v4 =	vshll.u32 v3, $0x1  }
0x85: {  	v3 =	vand.u32 $0x7, v3;
	v4 =	vand.u32 $0xFFFFFFF0, v4  }
0x86: {  	v3 =	vor.u32 v3, v4  }
0x87: {  	v4 =	vperm.xlane v3, v0;
	_ =	sdelay $0x1  }
0x88: {  	v3 =	vperm.xlane v3, v2;
	v4 =	vadd.s32 v1, v4;
	_ =	sdelay $0x1  }
0x89: {  	v3 =	vadd.s32 v1, v3;
	_ =	sdelay $0x2  }
0x8a: {  	[tilespmem:s0], [sflag:$0x1] =	stream.indirect_vreg.gather [hbm4b:s6+s22], $0x80, v4, vm0, $0xb8;
	[tilespmem:$0x12800] =	vst v63  }
0x8b: {  	_ = 	snop  }
0x8c: {  	[tilespmem:s1], [sflag:$0x1] =	stream.indirect_vreg.gather [hbm4b:s6+s22], $0x80, v3, vm0, $0xb8;
	[tilespmem:$0x12800] =	vst v63  }
0x8d: {  	v3 =	vld [tilespmem:s23+$0x1420];
	_ =	sdelay $0x4  }
0x8e: {  	v4 =	vshll.u32 v3, $0x1  }
0x8f: {  	v3 =	vand.u32 $0x7, v3;
	v4 =	vand.u32 $0xFFFFFFF0, v4  }
0x90: {  	v3 =	vor.u32 v3, v4  }
0x91: {  	v4 =	vperm.xlane v3, v0;
	_ =	sdelay $0x1  }
0x92: {  	v3 =	vperm.xlane v3, v2;
	v4 =	vadd.s32 v1, v4;
	_ =	sdelay $0x1  }
0x93: {  	v3 =	vadd.s32 v1, v3;
	_ =	sdelay $0x2  }
0x94: {  	[tilespmem:s12], [sflag:$0x1] =	stream.indirect_vreg.gather [hbm4b:s6+s22], $0x80, v4, vm0, $0xb8;
	[tilespmem:$0x12800] =	vst v63  }
0x95: {  	_ = 	snop  }
0x96: {  	[tilespmem:s7], [sflag:$0x1] =	stream.indirect_vreg.gather [hbm4b:s6+s22], $0x80, v3, vm0, $0xb8;
	[tilespmem:$0x12800] =	vst v63  }
0x97: {  	v3 =	vld [tilespmem:s23+$0x1430];
	_ =	sdelay $0x4  }
0x98: {  	v4 =	vshll.u32 v3, $0x1  }
0x99: {  	v3 =	vand.u32 $0x7, v3;
	v4 =	vand.u32 $0xFFFFFFF0, v4  }
0x9a: {  	v3 =	vor.u32 v3, v4  }
0x9b: {  	v4 =	vperm.xlane v3, v0;
	_ =	sdelay $0x1  }
0x9c: {  	v3 =	vperm.xlane v3, v2;
	v4 =	vadd.s32 v1, v4;
	_ =	sdelay $0x1  }
0x9d: {  	v3 =	vadd.s32 v1, v3;
	_ =	sdelay $0x2  }
0x9e: {  	[tilespmem:s8], [sflag:$0x1] =	stream.indirect_vreg.gather [hbm4b:s6+s22], $0x80, v4, vm0, $0xb8;
	[tilespmem:$0x12800] =	vst v63  }
0x9f: {  	_ = 	snop  }
0xa0: {  	[tilespmem:s9], [sflag:$0x1] =	stream.indirect_vreg.gather [hbm4b:s6+s22], $0x80, v3, vm0, $0xb8;
	[tilespmem:$0x12800] =	vst v63  }
0xa1: {  	v3 =	vld [tilespmem:s23+$0x1440];
	_ =	sdelay $0x4  }
0xa2: {  	v4 =	vshll.u32 v3, $0x1  }
0xa3: {  	v3 =	vand.u32 $0x7, v3;
	v4 =	vand.u32 $0xFFFFFFF0, v4  }
0xa4: {  	v3 =	vor.u32 v3, v4  }
0xa5: {  	v4 =	vperm.xlane v3, v0;
	_ =	sdelay $0x1  }
0xa6: {  	v3 =	vperm.xlane v3, v2;
	v4 =	vadd.s32 v1, v4;
	_ =	sdelay $0x1  }
0xa7: {  	v3 =	vadd.s32 v1, v3;
	_ =	sdelay $0x2  }
0xa8: {  	[tilespmem:s10], [sflag:$0x1] =	stream.indirect_vreg.gather [hbm4b:s6+s22], $0x80, v4, vm0, $0xb8;
	[tilespmem:$0x12800] =	vst v63  }
0xa9: {  	_ = 	snop  }
0xaa: {  	[tilespmem:s14], [sflag:$0x1] =	stream.indirect_vreg.gather [hbm4b:s6+s22], $0x80, v3, vm0, $0xb8;
	[tilespmem:$0x12800] =	vst v63  }
0xab: {  	v3 =	vld [tilespmem:s23+$0x1450];
	_ =	sdelay $0x4  }
0xac: {  	v4 =	vshll.u32 v3, $0x1  }
0xad: {  	v3 =	vand.u32 $0x7, v3;
	v4 =	vand.u32 $0xFFFFFFF0, v4  }
0xae: {  	v3 =	vor.u32 v3, v4  }
0xaf: {  	v4 =	vperm.xlane v3, v0;
	_ =	sdelay $0x1  }
0xb0: {  	v3 =	vperm.xlane v3, v2;
	v4 =	vadd.s32 v1, v4;
	_ =	sdelay $0x1  }
0xb1: {  	v3 =	vadd.s32 v1, v3;
	_ =	sdelay $0x2  }
0xb2: {  	[tilespmem:s15], [sflag:$0x1] =	stream.indirect_vreg.gather [hbm4b:s6+s22], $0x80, v4, vm0, $0xb8;
	[tilespmem:$0x12800] =	vst v63  }
0xb3: {  	_ = 	snop  }
0xb4: {  	[tilespmem:s16], [sflag:$0x1] =	stream.indirect_vreg.gather [hbm4b:s6+s22], $0x80, v3, vm0, $0xb8;
	[tilespmem:$0x12800] =	vst v63  }
0xb5: {  	v3 =	vld [tilespmem:s23+$0x1460];
	_ =	sdelay $0x4  }
0xb6: {  	v4 =	vshll.u32 v3, $0x1  }
0xb7: {  	v3 =	vand.u32 $0x7, v3;
	v4 =	vand.u32 $0xFFFFFFF0, v4  }
0xb8: {  	v3 =	vor.u32 v3, v4  }
0xb9: {  	v4 =	vperm.xlane v3, v0;
	_ =	sdelay $0x1  }
0xba: {  	v3 =	vperm.xlane v3, v2;
	v4 =	vadd.s32 v1, v4;
	_ =	sdelay $0x1  }
0xbb: {  	v3 =	vadd.s32 v1, v3;
	_ =	sdelay $0x2  }
0xbc: {  	[tilespmem:s17], [sflag:$0x1] =	stream.indirect_vreg.gather [hbm4b:s6+s22], $0x80, v4, vm0, $0xb8;
	[tilespmem:$0x12800] =	vst v63  }
0xbd: {  	_ = 	snop  }
0xbe: {  	[tilespmem:s18], [sflag:$0x1] =	stream.indirect_vreg.gather [hbm4b:s6+s22], $0x80, v3, vm0, $0xb8;
	[tilespmem:$0x12800] =	vst v63  }
0xbf: {  	v3 =	vld [tilespmem:s23+$0x1470];
	_ =	sdelay $0x4  }
0xc0: {  	v4 =	vshll.u32 v3, $0x1  }
0xc1: {  	v3 =	vand.u32 $0x7, v3;
	v4 =	vand.u32 $0xFFFFFFF0, v4  }
0xc2: {  	v3 =	vor.u32 v3, v4  }
0xc3: {  	v4 =	vperm.xlane v3, v0;
	_ =	sdelay $0x1  }
0xc4: {  	v3 =	vperm.xlane v3, v2;
	v4 =	vadd.s32 v1, v4;
	_ =	sdelay $0x1  }
0xc5: {  	v3 =	vadd.s32 v1, v3;
	_ =	sdelay $0x2  }
0xc6: {  	[tilespmem:s19], [sflag:$0x1] =	stream.indirect_vreg.gather [hbm4b:s6+s22], $0x80, v4, vm0, $0xb8;
	[tilespmem:$0x12800] =	vst v63  }
0xc7: {  	_ = 	snop  }
0xc8: {  	[tilespmem:s20], [sflag:$0x1] =	stream.indirect_vreg.gather [hbm4b:s6+s22], $0x80, v3, vm0, $0xb8;
	[tilespmem:$0x12800] =	vst v63  }
0xc9: {  	_ =	swait.ge [sflag:s11], $0x8000  }
0xca: {  	s26 =	sand.u32 $0x7800, s22;
	s22 =	sand.u32 $0x380, s22;
	[sflag:s11] =	ssyncset.done $0x0  }
0xcb: {  	s22 =	sor.u32 s22, s26;
	[sflag:s11] =	ssyncadd.s32 $0xFFFF8000  }
0xcc: {  	v10 =	vld [tilespmem:s22+$0xA800]  }
0xcd: {  	v11 =	vld [tilespmem:s22+$0xA810]  }
0xce: {  	v12 =	vld [tilespmem:s22+$0xA820]  }
0xcf: {  	v13 =	vld [tilespmem:s22+$0xA830]  }
0xd0: {  	v14 =	vld [tilespmem:s22+$0xA840]  }
0xd1: {  	v15 =	vld [tilespmem:s22+$0xA850]  }
0xd2: {  	v16 =	vld [tilespmem:s22+$0xA860]  }
0xd3: {  	v17 =	vld [tilespmem:s22+$0xA870]  }
0xd4: {  	v18 =	vld [tilespmem:s22+$0xAC00]  }
0xd5: {  	v9 =	vld [tilespmem:s22+$0xAC10]  }
0xd6: {  	v8 =	vld [tilespmem:s22+$0xAC20]  }
0xd7: {  	v7 =	vld [tilespmem:s22+$0xAC30]  }
0xd8: {  	v6 =	vld [tilespmem:s22+$0xAC40]  }
0xd9: {  	v5 =	vld [tilespmem:s22+$0xAC50]  }
0xda: {  	v4 =	vld [tilespmem:s22+$0xAC60]  }
0xdb: {  	v3 =	vld [tilespmem:s22+$0xAC70]  }
0xdc: {  	v19 =	vld [tilespmem:s22+$0x2800]  }
0xdd: {  	v20 =	vld [tilespmem:s22+$0x2810]  }
0xde: {  	v21 =	vld [tilespmem:s22+$0x2820]  }
0xdf: {  	v22 =	vld [tilespmem:s22+$0x2830]  }
0xe0: {  	v23 =	vld [tilespmem:s22+$0x2840]  }
0xe1: {  	v10 =	vadd.f32 v10, v19;
	v19 =	vld [tilespmem:s22+$0x2850]  }
0xe2: {  	v61 =	vld [tilespmem:s22+$0x2860];
	v11 =	vadd.f32 v11, v20  }
0xe3: {  	v62 =	vld [tilespmem:s22+$0x2870];
	v12 =	vadd.f32 v12, v21;
	v10 =	vmax.f32 v10, $0.0e+00  }
0xe4: {  	v63 =	vld [tilespmem:s22+$0x2C00];
	[tilespmem:s22+$0x2800] =	vst v10;
	v10 =	vmax.f32 v11, $0.0e+00;
	v11 =	vadd.f32 v13, v22  }
0xe5: {  	v14 =	vadd.f32 v14, v23;
	v13 =	vld [tilespmem:s22+$0x2C10];
	[tilespmem:s22+$0x2810] =	vst v10;
	v10 =	vmax.f32 v12, $0.0e+00  }
0xe6: {  	v12 =	vld [tilespmem:s22+$0x2C20];
	[tilespmem:s22+$0x2820] =	vst v10;
	v10 =	vmax.f32 v11, $0.0e+00;
	v11 =	vadd.f32 v15, v19  }
0xe7: {  	v14 =	vmax.f32 v14, $0.0e+00;
	v15 =	vadd.f32 v16, v61;
	[tilespmem:s22+$0x2830] =	vst v10;
	v10 =	vld [tilespmem:s22+$0x2C30]  }
0xe8: {  	[tilespmem:s22+$0x2840] =	vst v14;
	v16 =	vadd.f32 v17, v62;
	v14 =	vmax.f32 v11, $0.0e+00;
	v11 =	vld [tilespmem:s22+$0x2C40]  }
0xe9: {  	s24 =	simm.s32 $0x100;
	s23 =	simm.s32 $0x80;
	v17 =	vmax.f32 v15, $0.0e+00;
	v15 =	vadd.f32 v18, v63;
	[tilespmem:s22+$0x2850] =	vst v14;
	v14 =	vld [tilespmem:s22+$0x2C50]  }
.LBB2_3:
0xea: {  	s25 =	sand.u32 $0x7800, s24;
	s26 =	sand.u32 $0x380, s23;
	p0 =	sne.s32 s24, $0x7F00;
	[tilespmem:s22+$0x2860] =	vst v17;
	v16 =	vmax.f32 v16, $0.0e+00;
	v9 =	vadd.f32 v9, v13;
	v13 =	vld [tilespmem:s22+$0x2C60]  }
0xeb: {  	s25 =	sor.u32 s26, s25;
	[tilespmem:s22+$0x2870] =	vst v16;
	v15 =	vmax.f32 v15, $0.0e+00;
	v8 =	vadd.f32 v8, v12;
	v12 =	vld [tilespmem:s22+$0x2C70]  }
0xec: {  	v16 =	vld [tilespmem:s25+$0xA800];
	[tilespmem:s22+$0x2C00] =	vst v15;
	v9 =	vmax.f32 v9, $0.0e+00;
	v7 =	vadd.f32 v7, v10  }
0xed: {  	v10 =	vld [tilespmem:s25+$0xA810];
	[tilespmem:s22+$0x2C10] =	vst v9;
	v8 =	vmax.f32 v8, $0.0e+00;
	v6 =	vadd.f32 v6, v11  }
0xee: {  	v11 =	vld [tilespmem:s25+$0xA820];
	[tilespmem:s22+$0x2C20] =	vst v8;
	v7 =	vmax.f32 v7, $0.0e+00;
	v5 =	vadd.f32 v5, v14  }
0xef: {  	v14 =	vld [tilespmem:s25+$0xA830];
	[tilespmem:s22+$0x2C30] =	vst v7;
	v6 =	vmax.f32 v6, $0.0e+00;
	v4 =	vadd.f32 v4, v13  }
0xf0: {  	v13 =	vld [tilespmem:s25+$0xA840];
	[tilespmem:s22+$0x2C40] =	vst v6;
	v5 =	vmax.f32 v5, $0.0e+00;
	v3 =	vadd.f32 v3, v12  }
0xf1: {  	v12 =	vld [tilespmem:s25+$0xA850];
	[tilespmem:s22+$0x2C50] =	vst v5;
	v4 =	vmax.f32 v4, $0.0e+00  }
0xf2: {  	v15 =	vld [tilespmem:s25+$0xA860];
	[tilespmem:s22+$0x2C60] =	vst v4;
	v3 =	vmax.f32 v3, $0.0e+00  }
0xf3: {  	v17 =	vld [tilespmem:s25+$0xA870];
	[tilespmem:s22+$0x2C70] =	vst v3;
	s22 =	smov.u32 s25  }
0xf4: {  	v18 =	vld [tilespmem:s22+$0xAC00]  }
0xf5: {  	v9 =	vld [tilespmem:s22+$0xAC10]  }
0xf6: {  	v8 =	vld [tilespmem:s22+$0xAC20]  }
0xf7: {  	v7 =	vld [tilespmem:s22+$0xAC30]  }
0xf8: {  	v6 =	vld [tilespmem:s22+$0xAC40]  }
0xf9: {  	v5 =	vld [tilespmem:s22+$0xAC50]  }
0xfa: {  	v4 =	vld [tilespmem:s22+$0xAC60]  }
0xfb: {  	v3 =	vld [tilespmem:s22+$0xAC70]  }
0xfc: {  	v19 =	vld [tilespmem:s22+$0x2800]  }
0xfd: {  	v20 =	vld [tilespmem:s22+$0x2810]  }
0xfe: {  	v21 =	vld [tilespmem:s22+$0x2820]  }
0xff: {  	v22 =	vld [tilespmem:s22+$0x2830]  }
0x100: {  	v23 =	vld [tilespmem:s22+$0x2840]  }
0x101: {  	v16 =	vadd.f32 v16, v19;
	v19 =	vld [tilespmem:s22+$0x2850]  }
0x102: {  	v10 =	vadd.f32 v10, v20;
	v20 =	vld [tilespmem:s22+$0x2860]  }
0x103: {  	v16 =	vmax.f32 v16, $0.0e+00;
	v11 =	vadd.f32 v11, v21;
	v21 =	vld [tilespmem:s22+$0x2870]  }
0x104: {  	[tilespmem:s22+$0x2800] =	vst v16;
	v10 =	vmax.f32 v10, $0.0e+00;
	v14 =	vadd.f32 v14, v22;
	v22 =	vld [tilespmem:s22+$0x2C00]  }
.Ltmp0:
0x105: {  	[tilespmem:s22+$0x2810] =	vst v10;
	v10 =	vmax.f32 v11, $0.0e+00;
	v11 =	vadd.f32 v13, v23;
	v13 =	vld [tilespmem:s22+$0x2C10];
	(pc) =	sbr.rel @p0 .LBB2_3-.Ltmp0, $4  }
0x106: {  	[tilespmem:s22+$0x2820] =	vst v10;
	v10 =	vmax.f32 v14, $0.0e+00;
	v14 =	vadd.f32 v12, v19;
	v12 =	vld [tilespmem:s22+$0x2C20]  }
0x107: {  	[tilespmem:s22+$0x2830] =	vst v10;
	v11 =	vmax.f32 v11, $0.0e+00;
	v15 =	vadd.f32 v15, v20;
	v10 =	vld [tilespmem:s22+$0x2C30]  }
0x108: {  	[tilespmem:s22+$0x2840] =	vst v11;
	v14 =	vmax.f32 v14, $0.0e+00;
	v16 =	vadd.f32 v17, v21;
	v11 =	vld [tilespmem:s22+$0x2C40]  }
0x109: {  	s23 =	sadd.s32 $0x80, s23;
	s24 =	sadd.s32 $0x100, s24;
	[tilespmem:s22+$0x2850] =	vst v14;
	v17 =	vmax.f32 v15, $0.0e+00;
	v15 =	vadd.f32 v18, v22;
	v14 =	vld [tilespmem:s22+$0x2C50]  }
0x10a: {  	[tilespmem:s22+$0x2860] =	vst v17;
	v16 =	vmax.f32 v16, $0.0e+00;
	v9 =	vadd.f32 v9, v13;
	v62 =	vld [tilespmem:s22+$0x2C60]  }
0x10b: {  	v63 =	vld [tilespmem:s22+$0x2C70];
	[tilespmem:s22+$0x2870] =	vst v16;
	v15 =	vmax.f32 v15, $0.0e+00;
	v8 =	vadd.f32 v8, v12  }
0x10c: {  	[tilespmem:s22+$0x2C00] =	vst v15;
	v9 =	vmax.f32 v9, $0.0e+00;
	v7 =	vadd.f32 v7, v10  }
0x10d: {  	[tilespmem:s22+$0x2C10] =	vst v9;
	v8 =	vmax.f32 v8, $0.0e+00;
	v6 =	vadd.f32 v6, v11  }
0x10e: {  	[tilespmem:s22+$0x2C20] =	vst v8;
	v7 =	vmax.f32 v7, $0.0e+00;
	v5 =	vadd.f32 v5, v14  }
0x10f: {  	[tilespmem:s22+$0x2C30] =	vst v7;
	v6 =	vmax.f32 v6, $0.0e+00;
	v4 =	vadd.f32 v4, v62  }
0x110: {  	s23 =	sshll.u32 s21, $0xF;
	v3 =	vadd.f32 v3, v63;
	[tilespmem:s22+$0x2C40] =	vst v6;
	v5 =	vmax.f32 v5, $0.0e+00  }
0x111: {  	s21 =	sadd.s32 $0x1, s21;
	s23 =	sadd.s32 s3, s23;
	[tilespmem:s22+$0x2C50] =	vst v5;
	v4 =	vmax.f32 v4, $0.0e+00  }
0x112: {  	p0 =	sne.s32 s21, $0x27;
	s23 =	sshrl.u32 s23, $0x3;
	v3 =	vmax.f32 v3, $0.0e+00;
	[tilespmem:s22+$0x2C60] =	vst v4  }
.Ltmp1:
0x113: {  	s26 =	sadd.s32 s5, s23;
	[tilespmem:s22+$0x2C70] =	vst v3;
	(pc) =	sbr.rel @p0 .LBB2_2-.Ltmp1, $4  }
0x114: {  	[hbm4b:s26+s2] =	stream.linear.scatter [tilespmem:s13], [sflag:$0x1], $0x8000, $0x38;
	[tilespmem:$0x12800] =	vst v63  }
0x115: {  	_ =	swait.ge [sflag:s11], $0x8000  }
0x116: {  	[sflag:s11] =	ssyncset.done $0x0  }
0x117: {  	[sflag:s11] =	ssyncadd.s32 $0xFFFF8000  }
0x118: {  	v3 =	vld.msk [tilespmem:$0x1380], $0xff;
	_ =	sdelay $0x4  }
0x119: {  	v4 =	vshll.u32 v3, $0x1  }
0x11a: {  	v3 =	vand.u32 $0x7, v3;
	v4 =	vand.u32 $0xFFFFFFF0, v4  }
0x11b: {  	v3 =	vor.u32 v3, v4  }
0x11c: {  	v3 =	vperm.xlane v3, v0;
	_ =	sdelay $0x1  }
0x11d: {  	v3 =	vadd.s32 v1, v3;
	_ =	sdelay $0x3  }
0x11e: {  	s21 =	simm.s32 $0x0  }
0x11f: {  	[tilespmem:s13], [sflag:$0x1] =	stream.indirect_vreg.gather [hbm4b:s4+s21], $0x80, v3, vm0, $0xb8;
	[tilespmem:$0x12800] =	vst v63  }
0x120: {  	_ =	swait.ge [sflag:s11], $0x800  }
0x121: {  	[sflag:s11] =	ssyncset.done $0x0  }
0x122: {  	[sflag:s11] =	ssyncadd.s32 $0xFFFFF800  }
0x123: {  	v3 =	vld.msk [tilespmem:$0x2780], $0xff;
	_ =	sdelay $0x4  }
0x124: {  	v4 =	vshll.u32 v3, $0x1  }
0x125: {  	v3 =	vand.u32 $0x7, v3;
	v4 =	vand.u32 $0xFFFFFFF0, v4  }
0x126: {  	v3 =	vor.u32 v3, v4  }
0x127: {  	v3 =	vperm.xlane v3, v0;
	_ =	sdelay $0x1  }
0x128: {  	v3 =	vadd.s32 v1, v3;
	_ =	sdelay $0x4  }
0x129: {  	[tilespmem:s30], [sflag:$0x1] =	stream.indirect_vreg.gather [hbm4b:s6+s21], $0x80, v3, vm0, $0xb8;
	[tilespmem:$0x12800] =	vst v63  }
0x12a: {  	_ =	swait.ge [sflag:s11], $0x800  }
0x12b: {  	[sflag:s11] =	ssyncset.done $0x0  }
0x12c: {  	s21 =	simm.s32 $0x0;
	[sflag:s11] =	ssyncadd.s32 $0xFFFFF800  }
0x12d: {  	v9 =	vld [tilespmem:s21+$0xA800]  }
0x12e: {  	v10 =	vld [tilespmem:s21+$0xA810]  }
0x12f: {  	v11 =	vld [tilespmem:s21+$0xA820]  }
0x130: {  	v12 =	vld [tilespmem:s21+$0xA830]  }
0x131: {  	v13 =	vld [tilespmem:s21+$0xA840]  }
0x132: {  	v14 =	vld [tilespmem:s21+$0xA850]  }
0x133: {  	v15 =	vld [tilespmem:s21+$0xA860]  }
0x134: {  	v16 =	vld [tilespmem:s21+$0xA870]  }
0x135: {  	v17 =	vld [tilespmem:s21+$0xAC00]  }
0x136: {  	v18 =	vld [tilespmem:s21+$0xAC10]  }
0x137: {  	v8 =	vld [tilespmem:s21+$0xAC20]  }
0x138: {  	v7 =	vld [tilespmem:s21+$0xAC30]  }
0x139: {  	v6 =	vld [tilespmem:s21+$0xAC40]  }
0x13a: {  	v19 =	vld [tilespmem:s21+$0x2800]  }
0x13b: {  	v20 =	vld [tilespmem:s21+$0x2810]  }
0x13c: {  	v5 =	vld [tilespmem:s21+$0xAC50]  }
0x13d: {  	v21 =	vld [tilespmem:s21+$0x2820]  }
0x13e: {  	v22 =	vld [tilespmem:s21+$0x2830]  }
0x13f: {  	v4 =	vld [tilespmem:s21+$0xAC60];
	v9 =	vadd.f32 v9, v19  }
0x140: {  	v23 =	vld [tilespmem:s21+$0x2840];
	v10 =	vadd.f32 v10, v20  }
0x141: {  	v19 =	vld [tilespmem:s21+$0x2850];
	v9 =	vmax.f32 v9, $0.0e+00  }
0x142: {  	v3 =	vld [tilespmem:s21+$0xAC70];
	v10 =	vmax.f32 v10, $0.0e+00;
	[tilespmem:s21+$0x2800] =	vst v9;
	v9 =	vadd.f32 v11, v21  }
0x143: {  	v24 =	vld [tilespmem:s21+$0x2860];
	[tilespmem:s21+$0x2810] =	vst v10;
	v10 =	vadd.f32 v12, v22  }
0x144: {  	v61 =	vld [tilespmem:s21+$0x2870];
	v9 =	vmax.f32 v9, $0.0e+00  }
0x145: {  	v62 =	vld [tilespmem:s21+$0x2C00];
	v11 =	vmax.f32 v10, $0.0e+00;
	[tilespmem:s21+$0x2820] =	vst v9;
	v9 =	vadd.f32 v13, v23  }
0x146: {  	v63 =	vld [tilespmem:s21+$0x2C10];
	[tilespmem:s21+$0x2830] =	vst v11;
	v11 =	vadd.f32 v14, v19  }
0x147: {  	v10 =	vld [tilespmem:s21+$0x2C20];
	v12 =	vmax.f32 v9, $0.0e+00  }
0x148: {  	v9 =	vld [tilespmem:s21+$0x2C30];
	v13 =	vmax.f32 v11, $0.0e+00;
	[tilespmem:s21+$0x2840] =	vst v12;
	v12 =	vadd.f32 v15, v24  }
0x149: {  	v11 =	vld [tilespmem:s21+$0x2C40];
	[tilespmem:s21+$0x2850] =	vst v13;
	v13 =	vadd.f32 v16, v61  }
0x14a: {  	v15 =	vadd.f32 v17, v62;
	v14 =	vmax.f32 v12, $0.0e+00;
	v12 =	vld [tilespmem:s21+$0x2C50]  }
0x14b: {  	s22 =	simm.s32 $0x200;
	v16 =	vmax.f32 v13, $0.0e+00;
	v13 =	vld [tilespmem:s21+$0x2C60];
	[tilespmem:s21+$0x2860] =	vst v14;
	v14 =	vadd.f32 v18, v63  }
.LBB2_6:
0x14c: {  	s23 =	sshra.s32 s22, $0x2;
	p0 =	sne.s32 s22, $0xE00;
	[tilespmem:s21+$0x2870] =	vst v16;
	v15 =	vmax.f32 v15, $0.0e+00;
	v8 =	vadd.f32 v8, v10;
	v10 =	vld [tilespmem:s21+$0x2C70]  }
0x14d: {  	v16 =	vld [tilespmem:s23+$0xA800];
	[tilespmem:s21+$0x2C00] =	vst v15;
	v14 =	vmax.f32 v14, $0.0e+00;
	v7 =	vadd.f32 v7, v9  }
0x14e: {  	v9 =	vld [tilespmem:s23+$0xA810];
	[tilespmem:s21+$0x2C10] =	vst v14;
	v8 =	vmax.f32 v8, $0.0e+00;
	v6 =	vadd.f32 v6, v11  }
0x14f: {  	v11 =	vld [tilespmem:s23+$0xA820];
	[tilespmem:s21+$0x2C20] =	vst v8;
	v7 =	vmax.f32 v7, $0.0e+00;
	v5 =	vadd.f32 v5, v12  }
0x150: {  	v12 =	vld [tilespmem:s23+$0xA830];
	[tilespmem:s21+$0x2C30] =	vst v7;
	v6 =	vmax.f32 v6, $0.0e+00;
	v4 =	vadd.f32 v4, v13  }
0x151: {  	v13 =	vld [tilespmem:s23+$0xA840];
	[tilespmem:s21+$0x2C40] =	vst v6;
	v5 =	vmax.f32 v5, $0.0e+00;
	v3 =	vadd.f32 v3, v10  }
0x152: {  	v10 =	vld [tilespmem:s23+$0xA850];
	[tilespmem:s21+$0x2C50] =	vst v5;
	v4 =	vmax.f32 v4, $0.0e+00  }
0x153: {  	v14 =	vld [tilespmem:s23+$0xA860];
	[tilespmem:s21+$0x2C60] =	vst v4;
	v3 =	vmax.f32 v3, $0.0e+00  }
0x154: {  	v15 =	vld [tilespmem:s23+$0xA870];
	[tilespmem:s21+$0x2C70] =	vst v3;
	s21 =	smov.u32 s23  }
0x155: {  	v17 =	vld [tilespmem:s21+$0xAC00]  }
0x156: {  	v18 =	vld [tilespmem:s21+$0xAC10]  }
0x157: {  	v8 =	vld [tilespmem:s21+$0xAC20]  }
0x158: {  	v7 =	vld [tilespmem:s21+$0xAC30]  }
0x159: {  	v6 =	vld [tilespmem:s21+$0xAC40]  }
0x15a: {  	v5 =	vld [tilespmem:s21+$0xAC50]  }
0x15b: {  	v4 =	vld [tilespmem:s21+$0xAC60]  }
0x15c: {  	v3 =	vld [tilespmem:s21+$0xAC70]  }
0x15d: {  	v19 =	vld [tilespmem:s21+$0x2800]  }
0x15e: {  	v20 =	vld [tilespmem:s21+$0x2810]  }
0x15f: {  	v21 =	vld [tilespmem:s21+$0x2820]  }
0x160: {  	v22 =	vld [tilespmem:s21+$0x2830]  }
0x161: {  	v23 =	vld [tilespmem:s21+$0x2840]  }
0x162: {  	v16 =	vadd.f32 v16, v19;
	v19 =	vld [tilespmem:s21+$0x2850]  }
0x163: {  	v9 =	vadd.f32 v9, v20;
	v20 =	vld [tilespmem:s21+$0x2860]  }
0x164: {  	v16 =	vmax.f32 v16, $0.0e+00;
	v11 =	vadd.f32 v11, v21;
	v21 =	vld [tilespmem:s21+$0x2870]  }
0x165: {  	[tilespmem:s21+$0x2800] =	vst v16;
	v9 =	vmax.f32 v9, $0.0e+00;
	v12 =	vadd.f32 v12, v22;
	v16 =	vld [tilespmem:s21+$0x2C00]  }
0x166: {  	[tilespmem:s21+$0x2810] =	vst v9;
	v9 =	vmax.f32 v11, $0.0e+00;
	v11 =	vadd.f32 v13, v23;
	v13 =	vld [tilespmem:s21+$0x2C10]  }
.Ltmp2:
0x167: {  	[tilespmem:s21+$0x2820] =	vst v9;
	v9 =	vmax.f32 v12, $0.0e+00;
	v12 =	vadd.f32 v10, v19;
	v10 =	vld [tilespmem:s21+$0x2C20];
	(pc) =	sbr.rel @p0 .LBB2_6-.Ltmp2, $4  }
0x168: {  	[tilespmem:s21+$0x2830] =	vst v9;
	v11 =	vmax.f32 v11, $0.0e+00;
	v14 =	vadd.f32 v14, v20;
	v9 =	vld [tilespmem:s21+$0x2C30]  }
0x169: {  	[tilespmem:s21+$0x2840] =	vst v11;
	v12 =	vmax.f32 v12, $0.0e+00;
	v19 =	vadd.f32 v15, v21;
	v11 =	vld [tilespmem:s21+$0x2C40]  }
0x16a: {  	[tilespmem:s21+$0x2850] =	vst v12;
	v14 =	vmax.f32 v14, $0.0e+00;
	v15 =	vadd.f32 v17, v16;
	v12 =	vld [tilespmem:s21+$0x2C50]  }
0x16b: {  	s22 =	sadd.s32 $0x200, s22;
	[tilespmem:s21+$0x2860] =	vst v14;
	v16 =	vmax.f32 v19, $0.0e+00;
	v14 =	vadd.f32 v18, v13;
	v13 =	vld [tilespmem:s21+$0x2C60]  }
0x16c: {  	[tilespmem:s21+$0x2870] =	vst v16;
	v15 =	vmax.f32 v15, $0.0e+00;
	v8 =	vadd.f32 v8, v10;
	v63 =	vld [tilespmem:s21+$0x2C70]  }
0x16d: {  	[tilespmem:s21+$0x2C00] =	vst v15;
	v14 =	vmax.f32 v14, $0.0e+00;
	v7 =	vadd.f32 v7, v9  }
0x16e: {  	[tilespmem:s21+$0x2C10] =	vst v14;
	v8 =	vmax.f32 v8, $0.0e+00;
	v6 =	vadd.f32 v6, v11  }
0x16f: {  	[tilespmem:s21+$0x2C20] =	vst v8;
	v7 =	vmax.f32 v7, $0.0e+00;
	v5 =	vadd.f32 v5, v12  }
0x170: {  	[tilespmem:s21+$0x2C30] =	vst v7;
	v6 =	vmax.f32 v6, $0.0e+00;
	v4 =	vadd.f32 v4, v13  }
0x171: {  	[tilespmem:s21+$0x2C40] =	vst v6;
	v5 =	vmax.f32 v5, $0.0e+00;
	v3 =	vadd.f32 v3, v63  }
0x172: {  	[tilespmem:s21+$0x2C50] =	vst v5;
	v4 =	vmax.f32 v4, $0.0e+00  }
0x173: {  	[tilespmem:s21+$0x2C60] =	vst v4;
	v3 =	vmax.f32 v3, $0.0e+00  }
0x174: {  	s25 =	rddreg [dreg:$0x6];
	[tilespmem:s21+$0x2C70] =	vst v3  }
0x175: {  	[hbm4b:s25+s2] =	stream.linear.scatter [tilespmem:s13], [sflag:$0x1], $0x800, $0x38;
	[tilespmem:$0x12800] =	vst v63  }
0x176: {  	_ =	swait.ge [sflag:s11], $0x800  }
0x177: {  	s22 =	rddreg [dreg:$0x8]  }
0x178: {  	s26 =	rddreg [dreg:$0x7];
	s22 =	sadd.s32 $0x1, s22  }
0x179: {  	p0 =	sne.s32 s22, s26  }
.Ltmp3:
0x17a: {  	_ = 	snop;
	(pc) =	sbr.rel @p0 .LBB2_1-.Ltmp3, $3  }
0x17b: {  	_ =	sdelay $0x1  }
0x17c: {  	[sflag:s11] =	ssyncset.done $0x0  }
0x17d: {  	[sflag:s11] =	ssyncadd.s32 $0xFFFFF800  }
0x17e: {  	_ =	sfence.sel $0x180000  }
0x17f: {  	[bflag:$0x0] =	sbarrier.arrive $0xFFFF  }
0x180: {  	_ =	strace $0x90000050  }
0x181: {  	s0 =	stileid.u32;
	[bflag:$0x2] =	sbarrier.arrive $0xFFFF  }
0x182: {  	p0 =	sne.s32 s0, $0x0;
	s0 =	rddreg [dreg:$0x3]  }
0x183: {  	s0 =	sadd.s32 @!p0 $0x100000, s0  }
0x184: {  	[sflag:s0] =	ssyncadd.tile.s32 @!p0 $0x1;
	_ =	shalt  }
.Lfunc_end2:
_tile_overlayer_lowered:
.L_overlay_start_2:
0x185: {  	(tag) =	ssettag $0x2  }
0x186: {  	s0 =	rddreg [dreg:$0x0];
	s2 =	stileid.u32  }
0x187: {  	s1 =	rddreg [dreg:$0x1];
	p0 =	sne.s32 s2, $0x0  }
0x188: {  	s3 =	rddreg [dreg:$0x2];
	[bflag:$0x3] =	sbarrier.arrive $0xFFFF;
	s2 =	simm.s32 @!p0 $0x1C01  }
0x189: {  	[timem:s3], [sflag:s2] =	dma.local @!p0 [hbm:s0], s1  }
0x18a: {  	s0 =	simm.s32 @!p0 $0x1  }
0x18b: {  	_ =	swait.ge @!p0 [sflag:s0], s1  }
0x18c: {  	s1 =	ssub.s32 @!p0 $0x0, s1;
	[sflag:s0] =	ssyncset.done @!p0 $0x0  }
0x18d: {  	[sflag:s0] =	ssyncadd.s32 @!p0 s1  }
0x18e: {  	[bflag:$0x3] =	sbarrier.arrive $0xFFFF  }
0x18f: {  	_ =	shalt  }

// kernel: kernel.24.cloned.1.call-start
scs
__scs_entry_jumppad:
0x0: {  	(pc) =	sbr.rel $0x88, $3  }
0x1: {  	(tag) =	ssettag $0x0;
	lr =	simm.s32 $0x1  }
0x2: {  	[smem:$0x3F89] =	sst lr;
	_ =	strace $0xD0000000  }
0x3: {  	_ = 	snop  }
0x4: {  	_ = 	snop  }
0x5: {  	_ = 	snop  }
0x6: {  	_ = 	snop  }
0x7: {  	_ = 	snop  }
__scs_overlays_trampoline_lowered:
0x8: {  	[smem:$0x3F98] =	sst s0  }
0x9: {  	[smem:$0x3F99] =	sst s1  }
0xa: {  	[smem:$0x3F9A] =	sst s2  }
0xb: {  	[smem:$0x3F9B] =	sst s3  }
0xc: {  	[smem:$0x3F9C] =	sst s4  }
0xd: {  	[smem:$0x3F9D] =	sst s5  }
0xe: {  	[smem:$0x3F9E] =	sst s6  }
0xf: {  	[smem:$0x3F9F] =	sst s7  }
0x10: {  	[smem:$0x3FA0] =	sst s8  }
0x11: {  	[smem:$0x3FA1] =	sst s9;
	s0 =	simm.s32 @!p0 $0x0  }
0x12: {  	s1 =	sld [smem:$0x3F87];
	s0 =	simm.s32 @p0 $0x1  }
0x13: {  	[smem:$0x3FA2] =	sst s0;
	s0 =	simm.s32 @!p1 $0x0  }
0x14: {  	s2 =	sld [smem:$0x3F86];
	s0 =	simm.s32 @p1 $0x1  }
0x15: {  	[smem:$0x3FA3] =	sst s0;
	s0 =	simm.s32 @!p2 $0x0  }
0x16: {  	s3 =	sld [smem:$0x3FDB];
	s0 =	simm.s32 @p2 $0x1  }
0x17: {  	s4 =	simm.s32 $0x1BF5;
	[smem:$0x3FA5] =	sst s0  }
0x18: {  	s0 =	sld [smem:$0x3F88];
	_ =	swait.ge [sflag:s4], $0x0  }
0x19: {  	s7 =	sld [smem:$0x3F89]  }
0x1a: {  	s8 =	sadd.s32 $0xFFFFE003, lr  }
0x1b: {  	s9 =	sadd.s32 $0xFFFFFEF7, lr;
	s5 =	simm.s32 $0xFFFFFFFF;
	p2 =	slt.u32 s8, $0xFFFFF086  }
0x1c: {  	p1 =	slt.u32 s9, $0xF7A;
	s5 =	simm.s32 @!p2 $0x0  }
0x1d: {  	s5 =	simm.s32 @p1 $0x1;
	p0 =	seq.s32 s7, s2  }
0x1e: {  	s7 =	smul.u32 @!p0 $0xF7A, s2;
	p2 =	seq.s32 @!p0 s5, $0x0  }
0x1f: {  	s9 =	smul.u32 $0xF7A, s1;
	s8 =	simm.s32 @!p0 $0x1BF5;
	p2 =	por !p2, p0  }
0x20: {  	[sflag:s8] =	ssyncset.s32 @!p0 $0xFFFFF086;
	s6 =	sadd.s32 @!p0 s3, s7;
	s7 =	simm.s32 @!p0 $0x108  }
0x21: {  	s3 =	sadd.s32 s3, s9;
	s6 =	sadd.s32 @!p0 $0x88, s6;
	s7 =	simm.s32 @p2 $0x1082  }
0x22: {  	[simem:s7], [sflag:s8] =	dma.local @!p0 [hbm:s6], $0xF7A  }
0x23: {  	s9 =	sor.u32 $0xD0000000, s2;
	s6 =	simm.s32 $0x108;
	_ =	swait.ge @!p0 [sflag:s8], $0x0  }
0x24: {  	s3 =	sadd.s32 $0x88, s3;
	s6 =	simm.s32 @!p1 $0x1082;
	[sflag:s4] =	ssyncset.s32 $0xFFFFF086  }
0x25: {  	[simem:s6], [sflag:s4] =	dma.local [hbm:s3], $0xF7A  }
0x26: {  	[smem:$0x3F89] =	sst s1;
	(tag) =	ssettag s2;
	_ =	strace s9  }
0x27: {  	s1 =	sld [smem:$0x3F99]  }
0x28: {  	s2 =	sld [smem:$0x3F9A]  }
0x29: {  	s4 =	sld [smem:$0x3F9C]  }
0x2a: {  	p0 =	seq.s32 s5, $0x0;
	s5 =	sld [smem:$0x3F9D]  }
0x2b: {  	s6 =	sld [smem:$0x3F9E]  }
0x2c: {  	s7 =	sld [smem:$0x3F9F]  }
0x2d: {  	s3 =	simm.s32 $0x108;
	s8 =	sld [smem:$0x3FA0]  }
0x2e: {  	s3 =	simm.s32 @!p0 $0x1082;
	s9 =	sld [smem:$0x3FA1]  }
0x2f: {  	lr =	sadd.s32 s0, s3;
	s0 =	sld [smem:$0x3F98]  }
0x30: {  	s3 =	sld [smem:$0x3F9B]  }
0x31: {  	[smem:$0x3FA4] =	sst s10  }
0x32: {  	s10 =	sld [smem:$0x3FA2];
	_ =	sdelay $0x3  }
0x33: {  	p0 =	seq.s32 s10, $0x1;
	s10 =	sld [smem:$0x3FA4];
	_ =	sdelay $0x3  }
0x34: {  	[smem:$0x3FA4] =	sst s10  }
0x35: {  	s10 =	sld [smem:$0x3FA3];
	_ =	sdelay $0x3  }
0x36: {  	p1 =	seq.s32 s10, $0x1;
	s10 =	sld [smem:$0x3FA4];
	_ =	sdelay $0x3  }
0x37: {  	[smem:$0x3FA4] =	sst s10  }
0x38: {  	s10 =	sld [smem:$0x3FA5]  }
0x39: {  	_ = 	snop;
	(pc) =	sbr.ind lr, $3  }
0x3a: {  	_ = 	snop  }
0x3b: {  	_ = 	snop  }
0x3c: {  	p2 =	seq.s32 s10, $0x1;
	s10 =	sld [smem:$0x3FA4]  }
0x3d: {  	_ =	shalt  }
0x3e: {  	_ =	shalt  }
0x3f: {  	_ =	shalt  }
0x40: {  	_ =	shalt  }
0x41: {  	_ =	shalt  }
0x42: {  	_ =	shalt  }
0x43: {  	_ =	shalt  }
0x44: {  	_ =	shalt  }
0x45: {  	_ =	shalt  }
0x46: {  	_ =	shalt  }
0x47: {  	_ =	shalt  }
0x48: {  	_ =	shalt  }
0x49: {  	_ =	shalt  }
0x4a: {  	_ =	shalt  }
0x4b: {  	_ =	shalt  }
0x4c: {  	_ =	shalt  }
0x4d: {  	_ =	shalt  }
0x4e: {  	_ =	shalt  }
0x4f: {  	_ =	shalt  }
0x50: {  	_ =	shalt  }
0x51: {  	_ =	shalt  }
0x52: {  	_ =	shalt  }
0x53: {  	_ =	shalt  }
0x54: {  	_ =	shalt  }
0x55: {  	_ =	shalt  }
0x56: {  	_ =	shalt  }
0x57: {  	_ =	shalt  }
0x58: {  	_ =	shalt  }
0x59: {  	_ =	shalt  }
0x5a: {  	_ =	shalt  }
0x5b: {  	_ =	shalt  }
0x5c: {  	_ =	shalt  }
0x5d: {  	_ =	shalt  }
0x5e: {  	_ =	shalt  }
0x5f: {  	_ =	shalt  }
0x60: {  	_ =	shalt  }
0x61: {  	_ =	shalt  }
0x62: {  	_ =	shalt  }
0x63: {  	_ =	shalt  }
0x64: {  	_ =	shalt  }
0x65: {  	_ =	shalt  }
0x66: {  	_ =	shalt  }
0x67: {  	_ =	shalt  }
0x68: {  	_ =	shalt  }
0x69: {  	_ =	shalt  }
0x6a: {  	_ =	shalt  }
0x6b: {  	_ =	shalt  }
0x6c: {  	_ =	shalt  }
0x6d: {  	_ =	shalt  }
0x6e: {  	_ =	shalt  }
0x6f: {  	_ =	shalt  }
0x70: {  	_ =	shalt  }
0x71: {  	_ =	shalt  }
0x72: {  	_ =	shalt  }
0x73: {  	_ =	shalt  }
0x74: {  	_ =	shalt  }
0x75: {  	_ =	shalt  }
0x76: {  	_ =	shalt  }
0x77: {  	_ =	shalt  }
0x78: {  	_ =	shalt  }
0x79: {  	_ =	shalt  }
0x7a: {  	_ =	shalt  }
0x7b: {  	_ =	shalt  }
0x7c: {  	_ =	shalt  }
0x7d: {  	_ =	shalt  }
0x7e: {  	_ =	shalt  }
0x7f: {  	_ =	shalt  }
0x80: {  	_ =	shalt  }
0x81: {  	_ =	shalt  }
0x82: {  	_ =	shalt  }
0x83: {  	_ =	shalt  }
0x84: {  	_ =	shalt  }
0x85: {  	_ =	shalt  }
0x86: {  	_ =	shalt  }
0x87: {  	_ =	shalt  }
.Lfunc_end0:
.L_simem_size_0:
called_computation.4_lowered:
.L_overlay_start_0:
0x88: {  	s2 =	sld [smem:$0x3FD9]  }
0x89: {  	s3 =	sld [smem:$0x3FFE];
	_ =	sdelay $0x1  }
0x8a: {  	s1 =	srdreg.scid  }
0x8b: {  	s0 =	sand.u32 $0x1, s1  }
0x8c: {  	s16 =	sshll.u32 s0, $0xA;
	s2 =	sadd.s32 s3, s2  }
0x8d: {  	s2 =	sadd.s32 s2, s16  }
0x8e: {  	[smem:$0x3FB0] =	sst s2  }
0x8f: {  	_ = 	snop  }
0x90: {  	(tm) =	ssettm $0x1  }
0x91: {  	s17 =	sld [smem:$0x3FFB];
	_ =	sdelay $0x3  }
0x92: {  	_ =	strace s17  }
0x93: {  	s2 =	sld [smem:$0x3FFC];
	_ =	sdelay $0x3  }
0x94: {  	_ =	strace s2  }
0x95: {  	s2 =	sld [smem:$0x3FFD];
	_ =	sdelay $0x3  }
0x96: {  	_ =	strace s2  }
0x97: {  	_ =	strace $0x8FFFFFFF  }
0x98: {  	s18 =	sld [smem:$0x3FDB];
	_ =	sdelay $0x1  }
0x99: {  	s19 =	simm.s32 $_scs_section_size  }
0x9a: {  	s4 =	simm.s32 $_size__tile_overlayer_lowered;
	s5 =	simm.s32 $_tile_overlayer_lowered  }
0x9b: {  	s22 =	simm.s32 $0x1BFF;
	s21 =	sshll.u32 s5, $0x1;
	s2 =	sadd.s32 s19, s18  }
0x9c: {  	s6 =	simm.s32 $0x0;
	s20 =	sshll.u32 s4, $0x1;
	s4 =	sadd.s32 s21, s2  }
0x9d: {  	[timem:s6], [sflag:s22] =	dma.local [hbm:s4], s20  }
0x9e: {  	_ =	swait.ge [sflag:s22], s20  }
0x9f: {  	s3 =	ssub.s32 $0x0, s20;
	[sflag:s22] =	ssyncset.done $0x0  }
0xa0: {  	[sflag:s22] =	ssyncadd.s32 s3;
	_ =	sdelay $0x1  }
0xa1: {  	s23 =	simm.s32 $0x1B8B  }
0xa2: {  	_ =	swait.ge [sflag:s23], $0x1  }
0xa3: {  	[sflag:s23] =	ssyncset.done $0x0  }
0xa4: {  	s25 =	simm.s32 $0x1B8E;
	s24 =	sld [smem:$0x3FFE];
	[sflag:s23] =	ssyncadd.s32 $0xFFFFFFFF  }
0xa5: {  	s26 =	simm.s32 $execute0_lowered;
	[smem:$0x3FD2] =	sst s25  }
0xa6: {  	s4 =	sshll.u32 s26, $0x1;
	_ =	strace $0x80000052;
	[dreg:$0x1] =	wrdreg $0xFFFFFFFF  }
0xa7: {  	s28 =	simm.s32 $_size_execute0_lowered;
	s2 =	sadd.s32 s2, s4;
	[dreg:$0x0] =	wrdreg $0x0  }
0xa8: {  	s4 =	sshll.u32 s28, $0x1;
	[dreg:$0x2] =	wrdreg s2  }
0xa9: {  	[dreg:$0x3] =	wrdreg s4  }
0xaa: {  	[dreg:$0x4] =	wrdreg $0xC0  }
0xab: {  	_ =	task [dreg:s6], $0x5FFFF  }
0xac: {  	[dreg:$0x1] =	wrdreg $0xFFFFFFFF  }
0xad: {  	[dreg:$0x0] =	wrdreg $0x60  }
0xae: {  	[dreg:$0x2] =	wrdreg s24  }
0xaf: {  	[dreg:$0x3] =	wrdreg $0x0  }
0xb0: {  	[dreg:$0x4] =	wrdreg $0x9  }
0xb1: {  	_ =	task.clear_ibuf [dreg:s6], $0x5FFFF;
	_ =	strace $0x90000052  }
0xb2: {  	s29 =	simm.s32 $0x9;
	_ =	strace $0x80000054  }
0xb3: {  	_ =	swait.ge [sflag:s29], $0x1  }
0xb4: {  	[sflag:s29] =	ssyncadd.s32 $0xFFFFFFFF  }
0xb5: {  	_ =	strace $0x90000054  }
0xb6: {  	_ =	sfence  }
0xb7: {  	s30 =	sld [smem:$0x0];
	_ =	sdelay $0x2  }
0xb8: {  	s31 =	sshll.u32 s1, $0xD;
	s1 =	sshrl.u32 s1, $0x2  }
0xb9: {  	s3 =	sand.u32 $0x4000, s31;
	s1 =	sadd.s32 s1, s30  }
0xba: {  	s0 =	sor.u32 s3, s0;
	s1 =	sshll.u32 s1, $0x11  }
0xbb: {  	s0 =	sor.u32 s1, s0  }
0xbc: {  	s0 =	sadd.s32 $0x8F2B, s0  }
0xbd: {  	[sflag:s0] =	ssyncadd.remote.s32 $0x1  }
0xbe: {  	_ =	sfence.sel $0xFFFF  }
0xbf: {  	[dreg:$0x0] =	wrdreg $0xFFFFFFFF;
	(pc) =	sbr.abs _section_cstart, $3  }
0xc0: {  	[dreg:$0x1] =	wrdreg $0xFFFFFFFF  }
0xc1: {  	_ =	task.clear_ibuf [dreg:s6], $0x2FFFF;
	_ =	strace $0x9FFFFFFF  }
0xc2: {  	(tm) =	ssettm $0x7FFFFFFF  }
0xc3: {  	_ =	shalt  }
tec
execute0_lowered:
.L_overlay_start_1:
0x0: {  	(tag) =	ssettag $0x1  }
0x1: {  	s10 =	rddreg [dreg:$0x0]  }
0x2: {  	s2 =	rddreg [dreg:$0x1]  }
0x3: {  	s0 =	rddreg [dreg:$0x2];
	s1 =	stileid.u32  }
0x4: {  	s4 =	srdreg.scid;
	s3 =	simm.s32 $0x0;
	s15 =	simm.s32 $0x1  }
0x5: {  	s16 =	simm.s32 $0x400;
	s17 =	simm.s32 $0x800;
	s18 =	simm.s32 $0x17880  }
0x6: {  	s5 =	sand.u32 $0x1, s4;
	s6 =	smul.u32 $0x27000, s1;
	[smem:$0x7FF] =	sst s3  }
0x7: {  	s4 =	sadd.s32 $0xA6EC00, s10;
	s7 =	sshll.u32 s1, $0xB;
	s30 =	smul.u32 $0x4E000, s1  }
0x8: {  	p0 =	seq.s32 s1, $0xF;
	s14 =	smul.u32 $0x280000, s1;
	s12 =	sshll.u32 s5, $0xA  }
0x9: {  	_ =	strace $0x80000053;
	s8 =	ssub.s32 $0x2, s5;
	s9 =	sadd.s32 s7, s10  }
0xa: {  	s5 =	simm.s32 $0x50;
	s7 =	simm.s32 $0x50;
	s6 =	sor.u32 s12, s6  }
0xb: {  	s29 =	sshrl.u32 s8, $0x1;
	s5 =	simm.s32 @!p0 $0x4E;
	s31 =	sshrl.u32 s30, $0x2  }
0xc: {  	s7 =	simm.s32 @!p0 $0x80;
	s9 =	sadd.s32 $0x584E00, s9;
	s12 =	sor.u32 s12, s14  }
0xd: {  	s14 =	simm.s32 $0x1A080;
	s6 =	sshrl.u32 s6, $0x3;
	s11 =	ssub.s32 s8, s29  }
0xe: {  	s8 =	sadd.s32 s31, s2;
	s13 =	sadd.s32 s6, s10;
	s6 =	simm.s32 $0x50  }
0xf: {  	v0 =	vimm.f32 $0.0e+00;
	s10 =	sadd.s32 $0x58C600, s10;
	s11 =	smax.u32 s11, $0x1;
	s13 =	sadd.s32 $0xA3000, s13  }
.LBB2_1:
0x10: {  	[tilespmem:$0x1A080] =	vst v0  }
0x11: {  	[tilespmem:$0x1A090] =	vst v0  }
0x12: {  	[tilespmem:$0x1A0A0] =	vst v0  }
0x13: {  	[tilespmem:$0x1A0B0] =	vst v0  }
0x14: {  	[tilespmem:$0x1A0C0] =	vst v0  }
0x15: {  	[tilespmem:$0x1A0D0] =	vst v0  }
0x16: {  	[tilespmem:$0x1A0E0] =	vst v0  }
0x17: {  	[tilespmem:$0x1A0F0] =	vst v0  }
0x18: {  	[tilespmem:$0x1A100] =	vst v0  }
0x19: {  	[tilespmem:$0x1A110] =	vst v0  }
0x1a: {  	[tilespmem:$0x1A120] =	vst v0  }
0x1b: {  	[tilespmem:$0x1A130] =	vst v0  }
0x1c: {  	[tilespmem:$0x1A140] =	vst v0  }
0x1d: {  	[tilespmem:$0x1A150] =	vst v0  }
0x1e: {  	[tilespmem:$0x1A160] =	vst v0  }
0x1f: {  	[tilespmem:$0x1A170] =	vst v0  }
0x20: {  	[tilespmem:$0x1A180] =	vst v0  }
0x21: {  	[tilespmem:$0x1A190] =	vst v0  }
0x22: {  	[tilespmem:$0x1A1A0] =	vst v0  }
0x23: {  	[tilespmem:$0x1A1B0] =	vst v0  }
0x24: {  	[tilespmem:$0x1A1C0] =	vst v0  }
0x25: {  	[tilespmem:$0x1A1D0] =	vst v0  }
0x26: {  	[tilespmem:$0x1A1E0] =	vst v0  }
0x27: {  	[tilespmem:$0x1A1F0] =	vst v0  }
0x28: {  	[tilespmem:$0x1A200] =	vst v0  }
0x29: {  	[tilespmem:$0x1A210] =	vst v0  }
0x2a: {  	[tilespmem:$0x1A220] =	vst v0  }
0x2b: {  	[tilespmem:$0x1A230] =	vst v0  }
0x2c: {  	[tilespmem:$0x1A240] =	vst v0  }
0x2d: {  	[tilespmem:$0x1A250] =	vst v0  }
0x2e: {  	[tilespmem:$0x1A260] =	vst v0  }
0x2f: {  	[tilespmem:$0x1A270] =	vst v0  }
0x30: {  	[tilespmem:$0x1A280] =	vst v0  }
0x31: {  	[tilespmem:$0x1A290] =	vst v0  }
0x32: {  	[tilespmem:$0x1A2A0] =	vst v0  }
0x33: {  	[tilespmem:$0x1A2B0] =	vst v0  }
0x34: {  	[tilespmem:$0x1A2C0] =	vst v0  }
0x35: {  	[tilespmem:$0x1A2D0] =	vst v0  }
0x36: {  	[tilespmem:$0x1A2E0] =	vst v0  }
0x37: {  	[tilespmem:$0x1A2F0] =	vst v0  }
0x38: {  	[tilespmem:$0x1A300] =	vst v0  }
0x39: {  	[tilespmem:$0x1A310] =	vst v0  }
0x3a: {  	[tilespmem:$0x1A320] =	vst v0  }
0x3b: {  	[tilespmem:$0x1A330] =	vst v0  }
0x3c: {  	[tilespmem:$0x1A340] =	vst v0  }
0x3d: {  	[tilespmem:$0x1A350] =	vst v0  }
0x3e: {  	[tilespmem:$0x1A360] =	vst v0  }
0x3f: {  	[tilespmem:$0x1A370] =	vst v0  }
0x40: {  	[tilespmem:$0x1A380] =	vst v0  }
0x41: {  	[tilespmem:$0x1A390] =	vst v0  }
0x42: {  	[tilespmem:$0x1A3A0] =	vst v0  }
0x43: {  	[tilespmem:$0x1A3B0] =	vst v0  }
0x44: {  	[tilespmem:$0x1A3C0] =	vst v0  }
0x45: {  	[tilespmem:$0x1A3D0] =	vst v0  }
0x46: {  	[tilespmem:$0x1A3E0] =	vst v0  }
0x47: {  	[tilespmem:$0x1A3F0] =	vst v0  }
0x48: {  	[tilespmem:$0x1A400] =	vst v0  }
0x49: {  	[tilespmem:$0x1A410] =	vst v0  }
0x4a: {  	[tilespmem:$0x1A420] =	vst v0  }
0x4b: {  	[tilespmem:$0x1A430] =	vst v0  }
0x4c: {  	[tilespmem:$0x1A440] =	vst v0  }
0x4d: {  	[tilespmem:$0x1A450] =	vst v0;
	p1 =	sne.s32 s5, $0x1  }
.Ltmp0:
0x4e: {  	[tilespmem:$0x1A460] =	vst v0;
	(pc) =	sbr.rel @!p1 .LBB2_3-.Ltmp0, $4  }
0x4f: {  	[tilespmem:$0x1A470] =	vst v0  }
0x50: {  	[spmem:s8] =	stream.linear.scatter [tilespmem:s14], [sflag:$0x1], $0x400, $0x38;
	[tilespmem:$0x1A480] =	vst v63  }
0x51: {  	_ =	swait.ge [sflag:s15], $0x400  }
0x52: {  	s19 =	sadd.s32 $0xFFFFFFFF, s5;
	s20 =	smov.u32 s8;
	[sflag:s15] =	ssyncset.done $0x0  }
.LBB2_2:
0x53: {  	p2 =	sne.s32 s19, $0x1;
	[sflag:s15] =	ssyncadd.s32 $0xFFFFFC00;
	s20 =	sadd.s32 $0x400, s20  }
.Ltmp1:
0x54: {  	s19 =	sadd.s32 $0xFFFFFFFF, s19;
	(pc) =	sbr.rel @p2 .LBB2_2-.Ltmp1, $4  }
0x55: {  	_ = 	snop  }
0x56: {  	[spmem:s20] =	stream.linear.scatter [tilespmem:s14], [sflag:$0x1], $0x400, $0x38;
	[tilespmem:$0x1A480] =	vst v63  }
0x57: {  	_ =	swait.ge [sflag:s15], $0x400  }
0x58: {  	[sflag:s15] =	ssyncset.done $0x0  }
.LBB2_3:
0x59: {  	[sflag:s15] =	ssyncadd.s32 $0xFFFFFC00  }
0x5a: {  	s19 =	simm.s32 @p0 $0x0;
	s20 =	simm.s32 @p0 $0x13880;
	[bflag:$0x0] =	sbarrier.arrive $0xFFFF  }
0x5b: {  	[tilespmem:s20], [sflag:$0x1] =	stream.linear.gather @p0 [hbm4b:s10+s19], $0x2800, $0x38;
	[tilespmem:$0x1A480] =	vst v63  }
0x5c: {  	s19 =	simm.s32 @p0 $0x1  }
0x5d: {  	_ =	swait.ge @p0 [sflag:s19], $0x2800  }
0x5e: {  	p3 =	sne.s32 s7, $0x1;
	[sflag:s19] =	ssyncset.done @p0 $0x0  }
0x5f: {  	s20 =	simm.s32 @!p0 $0x13880;
	[sflag:s19] =	ssyncadd.s32 @p0 $0xFFFFD800;
	s19 =	simm.s32 @!p0 $0x0  }
0x60: {  	[tilespmem:s20], [sflag:$0x1] =	stream.linear.gather @!p0 [hbm4b:s9+s19], $0x4000, $0x38;
	[tilespmem:$0x1A480] =	vst v63  }
.Ltmp2:
0x61: {  	_ = 	snop;
	(pc) =	sbr.rel @!p3 .LBB2_4-.Ltmp2, $4  }
0x62: {  	s19 =	simm.s32 @!p0 $0x1  }
0x63: {  	_ =	swait.ge @!p0 [sflag:s19], $0x4000  }
0x64: {  	s23 =	sshrl.u32 s12, $0x3;
	p2 =	por $0x0, $0x0;
	[sflag:s19] =	ssyncset.done @!p0 $0x0  }
0x65: {  	s20 =	sadd.s32 $0xFFFFFFFF, s7;
	[sflag:s19] =	ssyncadd.s32 @!p0 $0xFFFFC000;
	s19 =	simm.s32 $0x13880  }
0x66: {  	s21 =	sadd.s32 s4, s23  }
0x67: {  	[tilespmem:s18], [sflag:$0x1] =	stream.strided.gather [hbm4b:s21+s16], $0x2800, s17, s16, $0x38;
	[tilespmem:$0x1A480] =	vst v63  }
0x68: {  	p3 =	sne.s32 s20, $0x1;
	_ =	swait.ge [sflag:s15], $0x2800  }
.Ltmp3:
0x69: {  	[sflag:s15] =	ssyncset.done $0x0;
	(pc) =	sbr.rel @!p3 .LBB2_6-.Ltmp3, $4  }
0x6a: {  	s22 =	sadd.s32 $0xFFFFFFFF, s20;
	[sflag:s15] =	ssyncadd.s32 $0xFFFFD800  }
0x6b: {  	[spmem:s2] =	stream.indirect.scatter.add.f32 [tilespmem:s18], [sflag:$0x1], $0x80, s19, s6, $0xb8;
	[tilespmem:$0x1A480] =	vst v63  }
0x6c: {  	p2 =	por $0x1, $0x1;
	s21 =	sadd.s32 $0x5000, s12;
	_ =	swait.ge [sflag:s15], $0x2800  }
0x6d: {  	s20 =	simm.s32 $0x13880;
	s23 =	sshrl.u32 s21, $0x3;
	[sflag:s15] =	ssyncset.done $0x0  }
.LBB2_7:
0x6e: {  	s23 =	sadd.s32 s4, s23;
	[sflag:s15] =	ssyncadd.s32 $0xFFFFD800;
	s20 =	sadd.s32 $0x80, s20  }
0x6f: {  	[tilespmem:s18], [sflag:$0x1] =	stream.strided.gather [hbm4b:s23+s16], $0x2800, s17, s16, $0x38;
	[tilespmem:$0x1A480] =	vst v63  }
0x70: {  	p3 =	sne.s32 s22, $0x1;
	s22 =	sadd.s32 $0xFFFFFFFF, s22;
	_ =	swait.ge [sflag:s15], $0x2800  }
.Ltmp4:
0x71: {  	[sflag:s15] =	ssyncset.done $0x0;
	(pc) =	sbr.rel @p3 .LBB2_7-.Ltmp4, $4  }
0x72: {  	[sflag:s15] =	ssyncadd.s32 $0xFFFFD800  }
0x73: {  	[spmem:s2] =	stream.indirect.scatter.add.f32 [tilespmem:s18], [sflag:$0x1], $0x80, s20, s6, $0xb8;
	[tilespmem:$0x1A480] =	vst v63  }
0x74: {  	s21 =	sadd.s32 $0x5000, s21;
	_ =	swait.ge [sflag:s15], $0x2800  }
0x75: {  	s23 =	sshrl.u32 s21, $0x3;
	[sflag:s15] =	ssyncset.done $0x0  }
.LBB2_8:
0x76: {  	s21 =	sadd.s32 s4, s23;
	[sflag:s15] =	ssyncadd.s32 @p2 $0xFFFFD800  }
0x77: {  	[tilespmem:s18], [sflag:$0x1] =	stream.strided.gather [hbm4b:s21+s16], $0x2800, s17, s16, $0x38;
	[tilespmem:$0x1A480] =	vst v63  }
0x78: {  	_ =	swait.ge [sflag:s15], $0x2800  }
0x79: {  	s20 =	sadd.s32 @p2 $0x80, s20;
	[sflag:s15] =	ssyncset.done $0x0  }
0x7a: {  	s19 =	smov.u32 @p2 s20;
	[sflag:s15] =	ssyncadd.s32 $0xFFFFD800  }
0x7b: {  	[spmem:s2] =	stream.indirect.scatter.add.f32 [tilespmem:s18], [sflag:$0x1], $0x80, s19, s6, $0xb8;
	[tilespmem:$0x1A480] =	vst v63  }
0x7c: {  	_ =	swait.ge [sflag:s15], $0x2800  }
.Ltmp5:
0x7d: {  	[sflag:s15] =	ssyncset.done $0x0;
	(pc) =	sbr.rel @!p1 .LBB2_10-.Ltmp5, $4  }
0x7e: {  	s30 =	sshll.u32 s1, $0x6;
	s31 =	sshrl.u32 s8, $0x3;
	[sflag:s15] =	ssyncadd.s32 $0xFFFFD800  }
0x7f: {  	s22 =	smov.u32 s13;
	s19 =	sor.u32 $0x1C01, s30;
	[bflag:$0x0] =	sbarrier.arrive $0xFFFF  }
0x80: {  	[hbm:s13], [sflag:s19] =	dma.local [spmem:s31], $0x80  }
0x81: {  	s20 =	sadd.s32 $0xFFFFFFFF, s5;
	s21 =	sadd.s32 $0x400, s8;
	_ =	swait.ge [sflag:s15], $0x80  }
.LBB2_9:
0x82: {  	[sflag:s15] =	ssyncset.done $0x0;
	s22 =	sadd.s32 $0x100, s22;
	p1 =	sne.s32 s20, $0x1  }
.Ltmp6:
0x83: {  	s23 =	sshrl.u32 s21, $0x3;
	[sflag:s15] =	ssyncadd.s32 $0xFFFFFF80;
	(pc) =	sbr.rel @p1 .LBB2_9-.Ltmp6, $3  }
0x84: {  	[hbm:s22], [sflag:s19] =	dma.local [spmem:s23], $0x80  }
0x85: {  	s20 =	sadd.s32 $0xFFFFFFFF, s20;
	_ =	sdelay $0x1  }
0x86: {  	s21 =	sadd.s32 $0x400, s21;
	_ =	swait.ge [sflag:s15], $0x80  }
.LBB2_10:
0x87: {  	s3 =	sadd.s32 $0x1, s3  }
0x88: {  	p1 =	sne.s32 s3, s11  }
.Ltmp7:
0x89: {  	_ = 	snop;
	(pc) =	sbr.rel @p1 .LBB2_1-.Ltmp7, $4  }
.Ltmp8:
0x8a: {  	_ = 	snop;
	(pc) =	sbr.rel @!p1 .LBB2_11-.Ltmp8, $4  }
0x8b: {  	_ = 	snop  }
0x8c: {  	[sflag:s15] =	ssyncset.done $0x0  }
0x8d: {  	[sflag:s15] =	ssyncadd.s32 $0xFFFFFF80  }
0x8e: {  	_ = 	snop  }
.LBB2_4:
.Ltmp9:
0x8f: {  	(pc) =	sbr.rel .LBB2_8-.Ltmp9, $2  }
0x90: {  	_ =	sdelay $0x2  }
0x91: {  	s20 =	simm.s32 $0x13880  }
.LBB2_6:
.Ltmp10:
0x92: {  	(pc) =	sbr.rel .LBB2_8-.Ltmp10, $2  }
0x93: {  	_ =	sdelay $0x2  }
0x94: {  	s20 =	simm.s32 $0x13880  }
.LBB2_11:
0x95: {  	_ =	sfence.sel $0x180000  }
0x96: {  	[bflag:$0x0] =	sbarrier.arrive $0xFFFF  }
0x97: {  	p0 =	sne.s32 s1, $0x0;
	_ =	strace $0x90000053  }
0x98: {  	s0 =	sadd.s32 @!p0 $0x100000, s0;
	[bflag:$0x2] =	sbarrier.arrive $0xFFFF  }
0x99: {  	[sflag:s0] =	ssyncadd.tile.s32 @!p0 $0x1;
	_ =	shalt  }
.Lfunc_end2:
_tile_overlayer_lowered:
.L_overlay_start_2:
0x9a: {  	(tag) =	ssettag $0x2  }
0x9b: {  	s0 =	rddreg [dreg:$0x0];
	s2 =	stileid.u32  }
0x9c: {  	s1 =	rddreg [dreg:$0x1];
	p0 =	sne.s32 s2, $0x0  }
0x9d: {  	s3 =	rddreg [dreg:$0x2];
	[bflag:$0x3] =	sbarrier.arrive $0xFFFF;
	s2 =	simm.s32 @!p0 $0x1C01  }
0x9e: {  	[timem:s3], [sflag:s2] =	dma.local @!p0 [hbm:s0], s1  }
0x9f: {  	s0 =	simm.s32 @!p0 $0x1  }
0xa0: {  	_ =	swait.ge @!p0 [sflag:s0], s1  }
0xa1: {  	s1 =	ssub.s32 @!p0 $0x0, s1;
	[sflag:s0] =	ssyncset.done @!p0 $0x0  }
0xa2: {  	[sflag:s0] =	ssyncadd.s32 @!p0 s1  }
0xa3: {  	[bflag:$0x3] =	sbarrier.arrive $0xFFFF  }
0xa4: {  	_ =	shalt  }

</sc_bundles>
